<compile_context>
chip_gen: v7x
topology: tpu7x:2x2x1
jax: 0.10.2.dev20260603
libtpu: 0.0.44.dev20260713+nightly
codegen_flags: <defaults>
</compile_context>

<pallas_src>
import jax
import jax.numpy as jnp
from jax import lax
from jax.experimental import pallas as pl
from jax.experimental.pallas import tpu as pltpu
from jax.experimental.pallas import tpu_sc as plsc

N_NODES = 10000
N_EDGES = 320000
D_FEAT = 128
NS = 16
NC = 2
NW = NS * NC
K = 128
NCHUNK = 80
E_PAD = NW * NCHUNK * K
EPT = NCHUNK * K
NBUF = 2
SUPER = 40
NSUPER = NCHUNK // SUPER
NGRP = SUPER // NBUF
NW_OUT = 10
ROWS_PT = N_NODES // NW_OUT


def _sc_body(ego, rowi, coli, vals, out,
             colb, rowb, valb, gbuf, acc, gsem, ssem):
    core = lax.axis_index("c")
    tid = lax.axis_index("s")
    wid = core * NS + tid

    def zrow(r, carry):
        for j in range(D_FEAT // 16):
            gbuf[r, pl.ds(j * 16, 16)] = jnp.zeros((16,), jnp.float32)
        return carry

    lax.fori_loop(0, NBUF * K, zrow, 0)

    @pl.when(tid < NW_OUT)
    def _zero():
        for off, nr in ((0, 256), (256, 256), (512, 256), (768, 232)):
            pltpu.sync_copy(gbuf.at[pl.ds(0, nr)],
                            acc.at[pl.ds(tid * ROWS_PT + off, nr)])

    plsc.subcore_barrier()

    def _drain_scatter(j):
        pltpu.make_async_copy(
            gbuf.at[pl.ds(j * K, K)], acc.at[rowb.at[0]], ssem.at[j]).wait()

    def superstep(s, carry):
        pltpu.sync_copy(coli.at[wid, pl.ds(s * SUPER, SUPER)], colb)
        pltpu.sync_copy(rowi.at[wid, pl.ds(s * SUPER, SUPER)], rowb)
        pltpu.sync_copy(vals.at[wid, pl.ds(s * SUPER, SUPER)], valb)

        def group(g, c1):
            @pl.when(jnp.logical_or(s > 0, g > 0))
            def _drain_prev():
                for j in range(NBUF):
                    _drain_scatter(j)

            gathers = []
            for j in range(NBUF):
                gathers.append(pltpu.async_copy(
                    ego.at[colb.at[g * NBUF + j]],
                    gbuf.at[pl.ds(j * K, K)], gsem.at[j]))
            for j in range(NBUF):
                gathers[j].wait()

                def scale(gg, c2, j=j):
                    v16 = valb[g * NBUF + j, pl.ds(gg * 16, 16)]
                    for i2 in range(16):
                        v = v16[i2]
                        e = j * K + gg * 16 + i2
                        for q in range(D_FEAT // 16):
                            gbuf[e, pl.ds(q * 16, 16)] = (
                                gbuf[e, pl.ds(q * 16, 16)] * v)
                    return c2

                lax.fori_loop(0, K // 16, scale, 0)
                pltpu.async_copy(
                    gbuf.at[pl.ds(j * K, K)],
                    acc.at[rowb.at[g * NBUF + j]], ssem.at[j], add=True)
            return c1

        lax.fori_loop(0, NGRP, group, 0)
        return carry

    lax.fori_loop(0, NSUPER, superstep, 0)
    for j in range(NBUF):
        _drain_scatter(j)

    plsc.subcore_barrier()

    @pl.when(tid < NW_OUT)
    def _writeout():
        pltpu.sync_copy(acc.at[pl.ds(tid * ROWS_PT, ROWS_PT)],
                        out.at[core, pl.ds(tid * ROWS_PT, ROWS_PT)])


def _combine_body(p_ref, o_ref):
    o_ref[...] = p_ref[0] + p_ref[1]


@jax.jit
def kernel(ego_embeddings, edge_index, adj_values):
    pad = E_PAD - N_EDGES
    spread = (jnp.arange(pad, dtype=jnp.int32) * 8) % N_NODES
    rowi = jnp.concatenate(
        [edge_index[0], spread]).reshape(NW, NCHUNK, K)
    coli = jnp.concatenate(
        [edge_index[1], spread]).reshape(NW, NCHUNK, K)
    vals = jnp.concatenate(
        [adj_values, jnp.zeros((pad,), jnp.float32)]).reshape(NW, NCHUNK, K)

    mesh = plsc.VectorSubcoreMesh(core_axis_name="c", subcore_axis_name="s")
    partials = pl.kernel(
        _sc_body,
        out_type=jax.ShapeDtypeStruct((NC, N_NODES, D_FEAT), jnp.float32),
        mesh=mesh,
        scratch_types=[
            pltpu.VMEM((SUPER, K), jnp.int32),
            pltpu.VMEM((SUPER, K), jnp.int32),
            pltpu.VMEM((SUPER, K), jnp.float32),
            pltpu.VMEM((NBUF * K, D_FEAT), jnp.float32),
            pltpu.VMEM_SHARED((N_NODES, D_FEAT), jnp.float32),
            pltpu.SemaphoreType.DMA((NBUF,)),
            pltpu.SemaphoreType.DMA((NBUF,)),
        ],
    )(ego_embeddings, rowi, coli, vals)

    rows_blk = 2000
    return pl.pallas_call(
        _combine_body,
        grid=(N_NODES // rows_blk,),
        in_specs=[pl.BlockSpec((NC, rows_blk, D_FEAT), lambda i: (0, i, 0))],
        out_specs=pl.BlockSpec((rows_blk, D_FEAT), lambda i: (i, 0)),
        out_shape=jax.ShapeDtypeStruct((N_NODES, D_FEAT), jnp.float32),
    )(partials)

# --- scband reference (transcript-rebuilt; emitter-appended) ---
"""Pipeline reference for scband-graph-conv-43207370998362 (READ-ONLY COPY).

The authoritative reference and input builder live on the scoring server;
editing this copy changes nothing except your own understanding.
"""

import jax, jax.numpy as jnp
import numpy as np

N_NODES = 10000
N_EDGES = 320000
D_FEAT = 128


def setup_inputs(seed: int = 0) -> dict:
    key = jax.random.key(seed)
    k1, k2, k3 = jax.random.split(key, 3)
    ego_embeddings = jax.random.normal(k1, (N_NODES, D_FEAT), dtype=jnp.float32)
    # COO structure of the (normalized) adjacency matrix held by the layer.
    edge_index = jax.random.randint(k2, (2, N_EDGES), 0, N_NODES, dtype=jnp.int32)
    # Normalized adjacency values (e.g. D^-1/2 A D^-1/2 entries) -- positive floats.
    adj_values = jax.random.uniform(k3, (N_EDGES,), dtype=jnp.float32)
    return {
        "ego_embeddings": ego_embeddings,
        "edge_index": edge_index,
        "adj_values": adj_values,
    }


def reference(ego_embeddings, edge_index, adj_values):
    # Faithful translation of tf.sparse.sparse_dense_matmul(adj_mat, ego_embeddings)
    # with adj_mat stored in COO form: out[r] += vals * ego[c] for each edge (r, c).
    row = edge_index[0]
    col = edge_index[1]
    gathered = jnp.take(ego_embeddings, col, axis=0)          # gather  [E, D]
    messages = adj_values[:, None] * gathered                  # scale by adj entry
    out = jax.ops.segment_sum(messages, row, num_segments=N_NODES)  # scatter-add
    return out

if __name__ == "__main__":
    import jax
    _d = setup_inputs()
    print(jax.jit(kernel)(*tuple(_d.values())))

</pallas_src>

<mosaic_0001>
#map = affine_map<(d0, d1) -> (0, 0)>
#map1 = affine_map<(d0, d1) -> (0, 0, 0)>
module attributes {stable_mosaic.version = 14 : i64} {
  func.func @_sc_body(%arg0: i32, %arg1: i32, %arg2: memref<10000x128xf32, #tpu.memory_space<hbm>>, %arg3: memref<32x80x128xi32, #tpu.memory_space<hbm>>, %arg4: memref<32x80x128xi32, #tpu.memory_space<hbm>>, %arg5: memref<32x80x128xf32, #tpu.memory_space<hbm>>, %arg6: memref<2x10000x128xf32, #tpu.memory_space<hbm>>, %arg7: memref<40x128xi32, #tpu.memory_space<vmem>>, %arg8: memref<40x128xi32, #tpu.memory_space<vmem>>, %arg9: memref<40x128xf32, #tpu.memory_space<vmem>>, %arg10: memref<256x128xf32, #tpu.memory_space<vmem>>, %arg11: memref<10000x128xf32, #tpu.memory_space<vmem_shared>>, %arg12: memref<2x!tpu.dma_semaphore, #tpu.memory_space<semaphore_mem>>, %arg13: memref<2x!tpu.dma_semaphore, #tpu.memory_space<semaphore_mem>>) attributes {dimension_semantics = [#tpu.dimension_semantics<core_parallel>, #tpu.dimension_semantics<subcore_parallel>], iteration_bounds = array<i64: 2, 16>, scalar_prefetch = 0 : i64, scratch_operands = 7 : i64, tpu.core_type = #tpu.core_type<sc_vector_subcore>, window_params = [{transform_indices = #map}, {transform_indices = #map1}, {transform_indices = #map1}, {transform_indices = #map1}, {transform_indices = #map1}]} {
    %mul3A = arith.constant 16 : i32
    %mul3A_0 = arith.muli %arg0, %mul3A : i32
    %add3A = arith.addi %mul3A_0, %arg1 : i32
    %scan3A = arith.constant 0 : i32
    %scan3A_1 = arith.constant 0 : i32
    %scan3A_2 = arith.constant 256 : i32
    %scan3A_3 = arith.addi %scan3A_1, %scan3A_2 : i32
    %scan3A_4 = arith.constant 1 : i32
    scf.for %scan3A_45 = %scan3A_1 to %scan3A_3 step %scan3A_4  : i32 {
      %broadcast_in_dim3A = arith.constant 0.000000e+00 : f32
      %broadcast_in_dim3A_46 = vector.broadcast %broadcast_in_dim3A : f32 to vector<16xf32>
      %swap3A = arith.index_cast %scan3A_45 : i32 to index
      %swap3A_47 = arith.constant 0 : index
      %swap3A_48 = tpu.vector_load %arg10[%swap3A, %swap3A_47] {strides = array<i32>} : memref<256x128xf32, #tpu.memory_space<vmem>>, vector<1x16xf32>,
      %swap3A_49 = vector.shape_cast %swap3A_48 : vector<1x16xf32> to vector<16xf32>
      %swap3A_50 = vector.shape_cast %broadcast_in_dim3A_46 : vector<16xf32> to vector<1x16xf32>
      tpu.vector_store %arg10[%swap3A, %swap3A_47], %swap3A_50 {strides = array<i32>} : memref<256x128xf32, #tpu.memory_space<vmem>>, vector<1x16xf32>,
      %broadcast_in_dim3A_51 = arith.constant 0.000000e+00 : f32
      %broadcast_in_dim3A_52 = vector.broadcast %broadcast_in_dim3A_51 : f32 to vector<16xf32>
      %swap3A_53 = arith.index_cast %scan3A_45 : i32 to index
      %swap3A_54 = arith.constant 16 : index
      %swap3A_55 = tpu.vector_load %arg10[%swap3A_53, %swap3A_54] {strides = array<i32>} : memref<256x128xf32, #tpu.memory_space<vmem>>, vector<1x16xf32>,
      %swap3A_56 = vector.shape_cast %swap3A_55 : vector<1x16xf32> to vector<16xf32>
      %swap3A_57 = vector.shape_cast %broadcast_in_dim3A_52 : vector<16xf32> to vector<1x16xf32>
      tpu.vector_store %arg10[%swap3A_53, %swap3A_54], %swap3A_57 {strides = array<i32>} : memref<256x128xf32, #tpu.memory_space<vmem>>, vector<1x16xf32>,
      %broadcast_in_dim3A_58 = arith.constant 0.000000e+00 : f32
      %broadcast_in_dim3A_59 = vector.broadcast %broadcast_in_dim3A_58 : f32 to vector<16xf32>
      %swap3A_60 = arith.index_cast %scan3A_45 : i32 to index
      %swap3A_61 = arith.constant 32 : index
      %swap3A_62 = tpu.vector_load %arg10[%swap3A_60, %swap3A_61] {strides = array<i32>} : memref<256x128xf32, #tpu.memory_space<vmem>>, vector<1x16xf32>,
      %swap3A_63 = vector.shape_cast %swap3A_62 : vector<1x16xf32> to vector<16xf32>
      %swap3A_64 = vector.shape_cast %broadcast_in_dim3A_59 : vector<16xf32> to vector<1x16xf32>
      tpu.vector_store %arg10[%swap3A_60, %swap3A_61], %swap3A_64 {strides = array<i32>} : memref<256x128xf32, #tpu.memory_space<vmem>>, vector<1x16xf32>,
      %broadcast_in_dim3A_65 = arith.constant 0.000000e+00 : f32
      %broadcast_in_dim3A_66 = vector.broadcast %broadcast_in_dim3A_65 : f32 to vector<16xf32>
      %swap3A_67 = arith.index_cast %scan3A_45 : i32 to index
      %swap3A_68 = arith.constant 48 : index
      %swap3A_69 = tpu.vector_load %arg10[%swap3A_67, %swap3A_68] {strides = array<i32>} : memref<256x128xf32, #tpu.memory_space<vmem>>, vector<1x16xf32>,
      %swap3A_70 = vector.shape_cast %swap3A_69 : vector<1x16xf32> to vector<16xf32>
      %swap3A_71 = vector.shape_cast %broadcast_in_dim3A_66 : vector<16xf32> to vector<1x16xf32>
      tpu.vector_store %arg10[%swap3A_67, %swap3A_68], %swap3A_71 {strides = array<i32>} : memref<256x128xf32, #tpu.memory_space<vmem>>, vector<1x16xf32>,
      %broadcast_in_dim3A_72 = arith.constant 0.000000e+00 : f32
      %broadcast_in_dim3A_73 = vector.broadcast %broadcast_in_dim3A_72 : f32 to vector<16xf32>
      %swap3A_74 = arith.index_cast %scan3A_45 : i32 to index
      %swap3A_75 = arith.constant 64 : index
      %swap3A_76 = tpu.vector_load %arg10[%swap3A_74, %swap3A_75] {strides = array<i32>} : memref<256x128xf32, #tpu.memory_space<vmem>>, vector<1x16xf32>,
      %swap3A_77 = vector.shape_cast %swap3A_76 : vector<1x16xf32> to vector<16xf32>
      %swap3A_78 = vector.shape_cast %broadcast_in_dim3A_73 : vector<16xf32> to vector<1x16xf32>
      tpu.vector_store %arg10[%swap3A_74, %swap3A_75], %swap3A_78 {strides = array<i32>} : memref<256x128xf32, #tpu.memory_space<vmem>>, vector<1x16xf32>,
      %broadcast_in_dim3A_79 = arith.constant 0.000000e+00 : f32
      %broadcast_in_dim3A_80 = vector.broadcast %broadcast_in_dim3A_79 : f32 to vector<16xf32>
      %swap3A_81 = arith.index_cast %scan3A_45 : i32 to index
      %swap3A_82 = arith.constant 80 : index
      %swap3A_83 = tpu.vector_load %arg10[%swap3A_81, %swap3A_82] {strides = array<i32>} : memref<256x128xf32, #tpu.memory_space<vmem>>, vector<1x16xf32>,
      %swap3A_84 = vector.shape_cast %swap3A_83 : vector<1x16xf32> to vector<16xf32>
      %swap3A_85 = vector.shape_cast %broadcast_in_dim3A_80 : vector<16xf32> to vector<1x16xf32>
      tpu.vector_store %arg10[%swap3A_81, %swap3A_82], %swap3A_85 {strides = array<i32>} : memref<256x128xf32, #tpu.memory_space<vmem>>, vector<1x16xf32>,
      %broadcast_in_dim3A_86 = arith.constant 0.000000e+00 : f32
      %broadcast_in_dim3A_87 = vector.broadcast %broadcast_in_dim3A_86 : f32 to vector<16xf32>
      %swap3A_88 = arith.index_cast %scan3A_45 : i32 to index
      %swap3A_89 = arith.constant 96 : index
      %swap3A_90 = tpu.vector_load %arg10[%swap3A_88, %swap3A_89] {strides = array<i32>} : memref<256x128xf32, #tpu.memory_space<vmem>>, vector<1x16xf32>,
      %swap3A_91 = vector.shape_cast %swap3A_90 : vector<1x16xf32> to vector<16xf32>
      %swap3A_92 = vector.shape_cast %broadcast_in_dim3A_87 : vector<16xf32> to vector<1x16xf32>
      tpu.vector_store %arg10[%swap3A_88, %swap3A_89], %swap3A_92 {strides = array<i32>} : memref<256x128xf32, #tpu.memory_space<vmem>>, vector<1x16xf32>,
      %broadcast_in_dim3A_93 = arith.constant 0.000000e+00 : f32
      %broadcast_in_dim3A_94 = vector.broadcast %broadcast_in_dim3A_93 : f32 to vector<16xf32>
      %swap3A_95 = arith.index_cast %scan3A_45 : i32 to index
      %swap3A_96 = arith.constant 112 : index
      %swap3A_97 = tpu.vector_load %arg10[%swap3A_95, %swap3A_96] {strides = array<i32>} : memref<256x128xf32, #tpu.memory_space<vmem>>, vector<1x16xf32>,
      %swap3A_98 = vector.shape_cast %swap3A_97 : vector<1x16xf32> to vector<16xf32>
      %swap3A_99 = vector.shape_cast %broadcast_in_dim3A_94 : vector<16xf32> to vector<1x16xf32>
      tpu.vector_store %arg10[%swap3A_95, %swap3A_96], %swap3A_99 {strides = array<i32>} : memref<256x128xf32, #tpu.memory_space<vmem>>, vector<1x16xf32>,
    }
    %scan3A_5 = arith.constant 256 : i32
    %lt3A = arith.constant 10 : i32
    %lt3A_6 = arith.cmpi slt, %arg1, %lt3A : i32
    %convert_element_type3A = arith.extui %lt3A_6 : i1 to i32
    %cond3A = arith.constant 0 : i32
    %cond3A_7 = arith.cmpi ne, %convert_element_type3A, %cond3A : i32
    scf.if %cond3A_7 {
      %mul3A_45 = arith.constant 1000 : i32
      %mul3A_46 = arith.muli %arg1, %mul3A_45 : i32
      %add3A_47 = arith.constant 0 : i32
      %add3A_48 = arith.addi %mul3A_46, %add3A_47 : i32
      "tpu.region"() ({
        %run_scoped3A = tpu.sem_alloc : memref<!tpu.dma_semaphore, #tpu.memory_space<semaphore_mem>>
        %dma_start3A = arith.constant 0 : i32
        %dma_start3A_61 = arith.constant 0 : i32
        %dma_start3A_62 = tpu.memref_slice %arg10[%dma_start3A, %dma_start3A_61] : memref<256x128xf32, #tpu.memory_space<vmem>> -> memref<256x128xf32, #tpu.memory_space<vmem>>
        %dma_start3A_63 = arith.constant 0 : i32
        %dma_start3A_64 = tpu.memref_slice %arg11[%add3A_48, %dma_start3A_63] : memref<10000x128xf32, #tpu.memory_space<vmem_shared>> -> memref<256x128xf32, #tpu.memory_space<vmem_shared>>
        %dma_start3A_65 = arith.constant 0 : i32
        %dma_start3A_66 = tpu.memref_slice %arg11[%add3A_48, %dma_start3A_65] : memref<10000x128xf32, #tpu.memory_space<vmem_shared>> -> memref<256x128xf32, #tpu.memory_space<vmem_shared>>
        %dma_start3A_67 = arith.constant 0 : i32
        %dma_start3A_68 = arith.constant 0 : i32
        %dma_start3A_69 = tpu.memref_slice %arg10[%dma_start3A_67, %dma_start3A_68] : memref<256x128xf32, #tpu.memory_space<vmem>> -> memref<256x128xf32, #tpu.memory_space<vmem>>
        tpu.enqueue_dma source(%dma_start3A_69 : memref<256x128xf32, #tpu.memory_space<vmem>>) target(%dma_start3A_66 : memref<256x128xf32, #tpu.memory_space<vmem_shared>>) target_semaphore(%run_scoped3A : memref<!tpu.dma_semaphore, #tpu.memory_space<semaphore_mem>>)
        %dma_wait3A_70 = arith.constant 0 : i32
        %dma_wait3A_71 = arith.constant 0 : i32
        %dma_wait3A_72 = tpu.memref_slice %arg10[%dma_wait3A_70, %dma_wait3A_71] : memref<256x128xf32, #tpu.memory_space<vmem>> -> memref<256x128xf32, #tpu.memory_space<vmem>>
        %dma_wait3A_73 = arith.constant 0 : i32
        %dma_wait3A_74 = tpu.memref_slice %arg11[%add3A_48, %dma_wait3A_73] : memref<10000x128xf32, #tpu.memory_space<vmem_shared>> -> memref<256x128xf32, #tpu.memory_space<vmem_shared>>
        %dma_wait3A_75 = arith.constant 0 : i32
        %dma_wait3A_76 = tpu.memref_slice %arg11[%add3A_48, %dma_wait3A_75] : memref<10000x128xf32, #tpu.memory_space<vmem_shared>> -> memref<256x128xf32, #tpu.memory_space<vmem_shared>>
        %dma_wait3A_77 = arith.constant 0 : i32
        %dma_wait3A_78 = arith.constant 0 : i32
        %dma_wait3A_79 = tpu.memref_slice %arg10[%dma_wait3A_77, %dma_wait3A_78] : memref<256x128xf32, #tpu.memory_space<vmem>> -> memref<256x128xf32, #tpu.memory_space<vmem>>
        tpu.wait_dma2 semaphore(%run_scoped3A : memref<!tpu.dma_semaphore, #tpu.memory_space<semaphore_mem>>) src(%dma_wait3A_79 : memref<256x128xf32, #tpu.memory_space<vmem>>) dst(%dma_wait3A_76 : memref<256x128xf32, #tpu.memory_space<vmem_shared>>)
        tpu.yield
      }) : () -> ()
      %mul3A_49 = arith.constant 1000 : i32
      %mul3A_50 = arith.muli %arg1, %mul3A_49 : i32
      %add3A_51 = arith.constant 256 : i32
      %add3A_52 = arith.addi %mul3A_50, %add3A_51 : i32
      "tpu.region"() ({
        %run_scoped3A = tpu.sem_alloc : memref<!tpu.dma_semaphore, #tpu.memory_space<semaphore_mem>>
        %dma_start3A = arith.constant 0 : i32
        %dma_start3A_61 = arith.constant 0 : i32
        %dma_start3A_62 = tpu.memref_slice %arg10[%dma_start3A, %dma_start3A_61] : memref<256x128xf32, #tpu.memory_space<vmem>> -> memref<256x128xf32, #tpu.memory_space<vmem>>
        %dma_start3A_63 = arith.constant 0 : i32
        %dma_start3A_64 = tpu.memref_slice %arg11[%add3A_52, %dma_start3A_63] : memref<10000x128xf32, #tpu.memory_space<vmem_shared>> -> memref<256x128xf32, #tpu.memory_space<vmem_shared>>
        %dma_start3A_65 = arith.constant 0 : i32
        %dma_start3A_66 = tpu.memref_slice %arg11[%add3A_52, %dma_start3A_65] : memref<10000x128xf32, #tpu.memory_space<vmem_shared>> -> memref<256x128xf32, #tpu.memory_space<vmem_shared>>
        %dma_start3A_67 = arith.constant 0 : i32
        %dma_start3A_68 = arith.constant 0 : i32
        %dma_start3A_69 = tpu.memref_slice %arg10[%dma_start3A_67, %dma_start3A_68] : memref<256x128xf32, #tpu.memory_space<vmem>> -> memref<256x128xf32, #tpu.memory_space<vmem>>
        tpu.enqueue_dma source(%dma_start3A_69 : memref<256x128xf32, #tpu.memory_space<vmem>>) target(%dma_start3A_66 : memref<256x128xf32, #tpu.memory_space<vmem_shared>>) target_semaphore(%run_scoped3A : memref<!tpu.dma_semaphore, #tpu.memory_space<semaphore_mem>>)
        %dma_wait3A_70 = arith.constant 0 : i32
        %dma_wait3A_71 = arith.constant 0 : i32
        %dma_wait3A_72 = tpu.memref_slice %arg10[%dma_wait3A_70, %dma_wait3A_71] : memref<256x128xf32, #tpu.memory_space<vmem>> -> memref<256x128xf32, #tpu.memory_space<vmem>>
        %dma_wait3A_73 = arith.constant 0 : i32
        %dma_wait3A_74 = tpu.memref_slice %arg11[%add3A_52, %dma_wait3A_73] : memref<10000x128xf32, #tpu.memory_space<vmem_shared>> -> memref<256x128xf32, #tpu.memory_space<vmem_shared>>
        %dma_wait3A_75 = arith.constant 0 : i32
        %dma_wait3A_76 = tpu.memref_slice %arg11[%add3A_52, %dma_wait3A_75] : memref<10000x128xf32, #tpu.memory_space<vmem_shared>> -> memref<256x128xf32, #tpu.memory_space<vmem_shared>>
        %dma_wait3A_77 = arith.constant 0 : i32
        %dma_wait3A_78 = arith.constant 0 : i32
        %dma_wait3A_79 = tpu.memref_slice %arg10[%dma_wait3A_77, %dma_wait3A_78] : memref<256x128xf32, #tpu.memory_space<vmem>> -> memref<256x128xf32, #tpu.memory_space<vmem>>
        tpu.wait_dma2 semaphore(%run_scoped3A : memref<!tpu.dma_semaphore, #tpu.memory_space<semaphore_mem>>) src(%dma_wait3A_79 : memref<256x128xf32, #tpu.memory_space<vmem>>) dst(%dma_wait3A_76 : memref<256x128xf32, #tpu.memory_space<vmem_shared>>)
        tpu.yield
      }) : () -> ()
      %mul3A_53 = arith.constant 1000 : i32
      %mul3A_54 = arith.muli %arg1, %mul3A_53 : i32
      %add3A_55 = arith.constant 512 : i32
      %add3A_56 = arith.addi %mul3A_54, %add3A_55 : i32
      "tpu.region"() ({
        %run_scoped3A = tpu.sem_alloc : memref<!tpu.dma_semaphore, #tpu.memory_space<semaphore_mem>>
        %dma_start3A = arith.constant 0 : i32
        %dma_start3A_61 = arith.constant 0 : i32
        %dma_start3A_62 = tpu.memref_slice %arg10[%dma_start3A, %dma_start3A_61] : memref<256x128xf32, #tpu.memory_space<vmem>> -> memref<256x128xf32, #tpu.memory_space<vmem>>
        %dma_start3A_63 = arith.constant 0 : i32
        %dma_start3A_64 = tpu.memref_slice %arg11[%add3A_56, %dma_start3A_63] : memref<10000x128xf32, #tpu.memory_space<vmem_shared>> -> memref<256x128xf32, #tpu.memory_space<vmem_shared>>
        %dma_start3A_65 = arith.constant 0 : i32
        %dma_start3A_66 = tpu.memref_slice %arg11[%add3A_56, %dma_start3A_65] : memref<10000x128xf32, #tpu.memory_space<vmem_shared>> -> memref<256x128xf32, #tpu.memory_space<vmem_shared>>
        %dma_start3A_67 = arith.constant 0 : i32
        %dma_start3A_68 = arith.constant 0 : i32
        %dma_start3A_69 = tpu.memref_slice %arg10[%dma_start3A_67, %dma_start3A_68] : memref<256x128xf32, #tpu.memory_space<vmem>> -> memref<256x128xf32, #tpu.memory_space<vmem>>
        tpu.enqueue_dma source(%dma_start3A_69 : memref<256x128xf32, #tpu.memory_space<vmem>>) target(%dma_start3A_66 : memref<256x128xf32, #tpu.memory_space<vmem_shared>>) target_semaphore(%run_scoped3A : memref<!tpu.dma_semaphore, #tpu.memory_space<semaphore_mem>>)
        %dma_wait3A_70 = arith.constant 0 : i32
        %dma_wait3A_71 = arith.constant 0 : i32
        %dma_wait3A_72 = tpu.memref_slice %arg10[%dma_wait3A_70, %dma_wait3A_71] : memref<256x128xf32, #tpu.memory_space<vmem>> -> memref<256x128xf32, #tpu.memory_space<vmem>>
        %dma_wait3A_73 = arith.constant 0 : i32
        %dma_wait3A_74 = tpu.memref_slice %arg11[%add3A_56, %dma_wait3A_73] : memref<10000x128xf32, #tpu.memory_space<vmem_shared>> -> memref<256x128xf32, #tpu.memory_space<vmem_shared>>
        %dma_wait3A_75 = arith.constant 0 : i32
        %dma_wait3A_76 = tpu.memref_slice %arg11[%add3A_56, %dma_wait3A_75] : memref<10000x128xf32, #tpu.memory_space<vmem_shared>> -> memref<256x128xf32, #tpu.memory_space<vmem_shared>>
        %dma_wait3A_77 = arith.constant 0 : i32
        %dma_wait3A_78 = arith.constant 0 : i32
        %dma_wait3A_79 = tpu.memref_slice %arg10[%dma_wait3A_77, %dma_wait3A_78] : memref<256x128xf32, #tpu.memory_space<vmem>> -> memref<256x128xf32, #tpu.memory_space<vmem>>
        tpu.wait_dma2 semaphore(%run_scoped3A : memref<!tpu.dma_semaphore, #tpu.memory_space<semaphore_mem>>) src(%dma_wait3A_79 : memref<256x128xf32, #tpu.memory_space<vmem>>) dst(%dma_wait3A_76 : memref<256x128xf32, #tpu.memory_space<vmem_shared>>)
        tpu.yield
      }) : () -> ()
      %mul3A_57 = arith.constant 1000 : i32
      %mul3A_58 = arith.muli %arg1, %mul3A_57 : i32
      %add3A_59 = arith.constant 768 : i32
      %add3A_60 = arith.addi %mul3A_58, %add3A_59 : i32
      "tpu.region"() ({
        %run_scoped3A = tpu.sem_alloc : memref<!tpu.dma_semaphore, #tpu.memory_space<semaphore_mem>>
        %dma_start3A = arith.constant 0 : i32
        %dma_start3A_61 = arith.constant 0 : i32
        %dma_start3A_62 = tpu.memref_slice %arg10[%dma_start3A, %dma_start3A_61] : memref<256x128xf32, #tpu.memory_space<vmem>> -> memref<232x128xf32, #tpu.memory_space<vmem>>
        %dma_start3A_63 = arith.constant 0 : i32
        %dma_start3A_64 = tpu.memref_slice %arg11[%add3A_60, %dma_start3A_63] : memref<10000x128xf32, #tpu.memory_space<vmem_shared>> -> memref<232x128xf32, #tpu.memory_space<vmem_shared>>
        %dma_start3A_65 = arith.constant 0 : i32
        %dma_start3A_66 = tpu.memref_slice %arg11[%add3A_60, %dma_start3A_65] : memref<10000x128xf32, #tpu.memory_space<vmem_shared>> -> memref<232x128xf32, #tpu.memory_space<vmem_shared>>
        %dma_start3A_67 = arith.constant 0 : i32
        %dma_start3A_68 = arith.constant 0 : i32
        %dma_start3A_69 = tpu.memref_slice %arg10[%dma_start3A_67, %dma_start3A_68] : memref<256x128xf32, #tpu.memory_space<vmem>> -> memref<232x128xf32, #tpu.memory_space<vmem>>
        tpu.enqueue_dma source(%dma_start3A_69 : memref<232x128xf32, #tpu.memory_space<vmem>>) target(%dma_start3A_66 : memref<232x128xf32, #tpu.memory_space<vmem_shared>>) target_semaphore(%run_scoped3A : memref<!tpu.dma_semaphore, #tpu.memory_space<semaphore_mem>>)
        %dma_wait3A_70 = arith.constant 0 : i32
        %dma_wait3A_71 = arith.constant 0 : i32
        %dma_wait3A_72 = tpu.memref_slice %arg10[%dma_wait3A_70, %dma_wait3A_71] : memref<256x128xf32, #tpu.memory_space<vmem>> -> memref<232x128xf32, #tpu.memory_space<vmem>>
        %dma_wait3A_73 = arith.constant 0 : i32
        %dma_wait3A_74 = tpu.memref_slice %arg11[%add3A_60, %dma_wait3A_73] : memref<10000x128xf32, #tpu.memory_space<vmem_shared>> -> memref<232x128xf32, #tpu.memory_space<vmem_shared>>
        %dma_wait3A_75 = arith.constant 0 : i32
        %dma_wait3A_76 = tpu.memref_slice %arg11[%add3A_60, %dma_wait3A_75] : memref<10000x128xf32, #tpu.memory_space<vmem_shared>> -> memref<232x128xf32, #tpu.memory_space<vmem_shared>>
        %dma_wait3A_77 = arith.constant 0 : i32
        %dma_wait3A_78 = arith.constant 0 : i32
        %dma_wait3A_79 = tpu.memref_slice %arg10[%dma_wait3A_77, %dma_wait3A_78] : memref<256x128xf32, #tpu.memory_space<vmem>> -> memref<232x128xf32, #tpu.memory_space<vmem>>
        tpu.wait_dma2 semaphore(%run_scoped3A : memref<!tpu.dma_semaphore, #tpu.memory_space<semaphore_mem>>) src(%dma_wait3A_79 : memref<232x128xf32, #tpu.memory_space<vmem>>) dst(%dma_wait3A_76 : memref<232x128xf32, #tpu.memory_space<vmem_shared>>)
        tpu.yield
      }) : () -> ()
    } else {
    }
    %barrier3A = arith.constant 0 : index
    tpu.barrier barrier_id(%barrier3A)
    %scan3A_8 = arith.constant 0 : i32
    %scan3A_9 = arith.constant 0 : i32
    %scan3A_10 = arith.constant 2 : i32
    %scan3A_11 = arith.addi %scan3A_9, %scan3A_10 : i32
    %scan3A_12 = arith.constant 1 : i32
    scf.for %scan3A_45 = %scan3A_9 to %scan3A_11 step %scan3A_12  : i32 {
      %mul3A_46 = arith.constant 40 : i32
      %mul3A_47 = arith.muli %scan3A_45, %mul3A_46 : i32
      "tpu.region"() ({
        %run_scoped3A = tpu.sem_alloc : memref<!tpu.dma_semaphore, #tpu.memory_space<semaphore_mem>>
        %dma_start3A = arith.constant 0 : i32
        %dma_start3A_58 = tpu.memref_slice %arg4[%add3A, %mul3A_47, %dma_start3A] : memref<32x80x128xi32, #tpu.memory_space<hbm>> -> memref<1x40x128xi32, #tpu.memory_space<hbm>>
        %dma_start3A_59 = tpu.memref_squeeze %dma_start3A_58 : memref<1x40x128xi32, #tpu.memory_space<hbm>> -> memref<40x128xi32, #tpu.memory_space<hbm>>
        %dma_start3A_60 = arith.constant 0 : i32
        %dma_start3A_61 = tpu.memref_slice %arg4[%add3A, %mul3A_47, %dma_start3A_60] : memref<32x80x128xi32, #tpu.memory_space<hbm>> -> memref<1x40x128xi32, #tpu.memory_space<hbm>>
        %dma_start3A_62 = tpu.memref_squeeze %dma_start3A_61 : memref<1x40x128xi32, #tpu.memory_space<hbm>> -> memref<40x128xi32, #tpu.memory_space<hbm>>
        tpu.enqueue_dma source(%dma_start3A_62 : memref<40x128xi32, #tpu.memory_space<hbm>>) target(%arg7 : memref<40x128xi32, #tpu.memory_space<vmem>>) target_semaphore(%run_scoped3A : memref<!tpu.dma_semaphore, #tpu.memory_space<semaphore_mem>>)
        %dma_wait3A_63 = arith.constant 0 : i32
        %dma_wait3A_64 = tpu.memref_slice %arg4[%add3A, %mul3A_47, %dma_wait3A_63] : memref<32x80x128xi32, #tpu.memory_space<hbm>> -> memref<1x40x128xi32, #tpu.memory_space<hbm>>
        %dma_wait3A_65 = tpu.memref_squeeze %dma_wait3A_64 : memref<1x40x128xi32, #tpu.memory_space<hbm>> -> memref<40x128xi32, #tpu.memory_space<hbm>>
        %dma_wait3A_66 = arith.constant 0 : i32
        %dma_wait3A_67 = tpu.memref_slice %arg4[%add3A, %mul3A_47, %dma_wait3A_66] : memref<32x80x128xi32, #tpu.memory_space<hbm>> -> memref<1x40x128xi32, #tpu.memory_space<hbm>>
        %dma_wait3A_68 = tpu.memref_squeeze %dma_wait3A_67 : memref<1x40x128xi32, #tpu.memory_space<hbm>> -> memref<40x128xi32, #tpu.memory_space<hbm>>
        tpu.wait_dma2 semaphore(%run_scoped3A : memref<!tpu.dma_semaphore, #tpu.memory_space<semaphore_mem>>) src(%dma_wait3A_68 : memref<40x128xi32, #tpu.memory_space<hbm>>) dst(%arg7 : memref<40x128xi32, #tpu.memory_space<vmem>>)
        tpu.yield
      }) : () -> ()
      %mul3A_48 = arith.constant 40 : i32
      %mul3A_49 = arith.muli %scan3A_45, %mul3A_48 : i32
      "tpu.region"() ({
        %run_scoped3A = tpu.sem_alloc : memref<!tpu.dma_semaphore, #tpu.memory_space<semaphore_mem>>
        %dma_start3A = arith.constant 0 : i32
        %dma_start3A_58 = tpu.memref_slice %arg3[%add3A, %mul3A_49, %dma_start3A] : memref<32x80x128xi32, #tpu.memory_space<hbm>> -> memref<1x40x128xi32, #tpu.memory_space<hbm>>
        %dma_start3A_59 = tpu.memref_squeeze %dma_start3A_58 : memref<1x40x128xi32, #tpu.memory_space<hbm>> -> memref<40x128xi32, #tpu.memory_space<hbm>>
        %dma_start3A_60 = arith.constant 0 : i32
        %dma_start3A_61 = tpu.memref_slice %arg3[%add3A, %mul3A_49, %dma_start3A_60] : memref<32x80x128xi32, #tpu.memory_space<hbm>> -> memref<1x40x128xi32, #tpu.memory_space<hbm>>
        %dma_start3A_62 = tpu.memref_squeeze %dma_start3A_61 : memref<1x40x128xi32, #tpu.memory_space<hbm>> -> memref<40x128xi32, #tpu.memory_space<hbm>>
        tpu.enqueue_dma source(%dma_start3A_62 : memref<40x128xi32, #tpu.memory_space<hbm>>) target(%arg8 : memref<40x128xi32, #tpu.memory_space<vmem>>) target_semaphore(%run_scoped3A : memref<!tpu.dma_semaphore, #tpu.memory_space<semaphore_mem>>)
        %dma_wait3A_63 = arith.constant 0 : i32
        %dma_wait3A_64 = tpu.memref_slice %arg3[%add3A, %mul3A_49, %dma_wait3A_63] : memref<32x80x128xi32, #tpu.memory_space<hbm>> -> memref<1x40x128xi32, #tpu.memory_space<hbm>>
        %dma_wait3A_65 = tpu.memref_squeeze %dma_wait3A_64 : memref<1x40x128xi32, #tpu.memory_space<hbm>> -> memref<40x128xi32, #tpu.memory_space<hbm>>
        %dma_wait3A_66 = arith.constant 0 : i32
        %dma_wait3A_67 = tpu.memref_slice %arg3[%add3A, %mul3A_49, %dma_wait3A_66] : memref<32x80x128xi32, #tpu.memory_space<hbm>> -> memref<1x40x128xi32, #tpu.memory_space<hbm>>
        %dma_wait3A_68 = tpu.memref_squeeze %dma_wait3A_67 : memref<1x40x128xi32, #tpu.memory_space<hbm>> -> memref<40x128xi32, #tpu.memory_space<hbm>>
        tpu.wait_dma2 semaphore(%run_scoped3A : memref<!tpu.dma_semaphore, #tpu.memory_space<semaphore_mem>>) src(%dma_wait3A_68 : memref<40x128xi32, #tpu.memory_space<hbm>>) dst(%arg8 : memref<40x128xi32, #tpu.memory_space<vmem>>)
        tpu.yield
      }) : () -> ()
      %mul3A_50 = arith.constant 40 : i32
      %mul3A_51 = arith.muli %scan3A_45, %mul3A_50 : i32
      "tpu.region"() ({
        %run_scoped3A = tpu.sem_alloc : memref<!tpu.dma_semaphore, #tpu.memory_space<semaphore_mem>>
        %dma_start3A = arith.constant 0 : i32
        %dma_start3A_58 = tpu.memref_slice %arg5[%add3A, %mul3A_51, %dma_start3A] : memref<32x80x128xf32, #tpu.memory_space<hbm>> -> memref<1x40x128xf32, #tpu.memory_space<hbm>>
        %dma_start3A_59 = tpu.memref_squeeze %dma_start3A_58 : memref<1x40x128xf32, #tpu.memory_space<hbm>> -> memref<40x128xf32, #tpu.memory_space<hbm>>
        %dma_start3A_60 = arith.constant 0 : i32
        %dma_start3A_61 = tpu.memref_slice %arg5[%add3A, %mul3A_51, %dma_start3A_60] : memref<32x80x128xf32, #tpu.memory_space<hbm>> -> memref<1x40x128xf32, #tpu.memory_space<hbm>>
        %dma_start3A_62 = tpu.memref_squeeze %dma_start3A_61 : memref<1x40x128xf32, #tpu.memory_space<hbm>> -> memref<40x128xf32, #tpu.memory_space<hbm>>
        tpu.enqueue_dma source(%dma_start3A_62 : memref<40x128xf32, #tpu.memory_space<hbm>>) target(%arg9 : memref<40x128xf32, #tpu.memory_space<vmem>>) target_semaphore(%run_scoped3A : memref<!tpu.dma_semaphore, #tpu.memory_space<semaphore_mem>>)
        %dma_wait3A_63 = arith.constant 0 : i32
        %dma_wait3A_64 = tpu.memref_slice %arg5[%add3A, %mul3A_51, %dma_wait3A_63] : memref<32x80x128xf32, #tpu.memory_space<hbm>> -> memref<1x40x128xf32, #tpu.memory_space<hbm>>
        %dma_wait3A_65 = tpu.memref_squeeze %dma_wait3A_64 : memref<1x40x128xf32, #tpu.memory_space<hbm>> -> memref<40x128xf32, #tpu.memory_space<hbm>>
        %dma_wait3A_66 = arith.constant 0 : i32
        %dma_wait3A_67 = tpu.memref_slice %arg5[%add3A, %mul3A_51, %dma_wait3A_66] : memref<32x80x128xf32, #tpu.memory_space<hbm>> -> memref<1x40x128xf32, #tpu.memory_space<hbm>>
        %dma_wait3A_68 = tpu.memref_squeeze %dma_wait3A_67 : memref<1x40x128xf32, #tpu.memory_space<hbm>> -> memref<40x128xf32, #tpu.memory_space<hbm>>
        tpu.wait_dma2 semaphore(%run_scoped3A : memref<!tpu.dma_semaphore, #tpu.memory_space<semaphore_mem>>) src(%dma_wait3A_68 : memref<40x128xf32, #tpu.memory_space<hbm>>) dst(%arg9 : memref<40x128xf32, #tpu.memory_space<vmem>>)
        tpu.yield
      }) : () -> ()
      %scan3A_52 = arith.constant 0 : i32
      %scan3A_53 = arith.constant 0 : i32
      %scan3A_54 = arith.constant 20 : i32
      %scan3A_55 = arith.addi %scan3A_53, %scan3A_54 : i32
      %scan3A_56 = arith.constant 1 : i32
      scf.for %scan3A_58 = %scan3A_53 to %scan3A_55 step %scan3A_56  : i32 {
        %gt3A = arith.constant 0 : i32
        %gt3A_59 = arith.cmpi sgt, %scan3A_45, %gt3A : i32
        %gt3A_60 = arith.constant 0 : i32
        %gt3A_61 = arith.cmpi sgt, %scan3A_58, %gt3A_60 : i32
        %or3A = arith.ori %gt3A_59, %gt3A_61 : i1
        %convert_element_type3A_62 = arith.extui %or3A : i1 to i32
        %cond3A_63 = arith.constant 0 : i32
        %cond3A_64 = arith.cmpi ne, %convert_element_type3A_62, %cond3A_63 : i32
        scf.if %cond3A_64 {
          %dma_wait3A_164 = arith.constant 0 : i32
          %dma_wait3A_165 = arith.constant 0 : i32
          %dma_wait3A_166 = arith.constant 0 : i32
          %dma_wait3A_167 = arith.constant 0 : i32
          %dma_wait3A_168 = tpu.memref_slice %arg10[%dma_wait3A_166, %dma_wait3A_167] : memref<256x128xf32, #tpu.memory_space<vmem>> -> memref<128x128xf32, #tpu.memory_space<vmem>>
          %dma_wait3A_169 = arith.constant 0 : i32
          %dma_wait3A_170 = tpu.memref_slice %arg8[%dma_wait3A_164, %dma_wait3A_169] : memref<40x128xi32, #tpu.memory_space<vmem>> -> memref<1x128xi32, #tpu.memory_space<vmem>>
          %dma_wait3A_171 = tpu.memref_squeeze %dma_wait3A_170 : memref<1x128xi32, #tpu.memory_space<vmem>> -> memref<128xi32, #tpu.memory_space<vmem>>
          %dma_wait3A_172 = arith.constant 0 : i32
          %dma_wait3A_173 = arith.constant 0 : i32
          %dma_wait3A_174 = tpu.memref_slice %arg11[%dma_wait3A_172, %dma_wait3A_173] : memref<10000x128xf32, #tpu.memory_space<vmem_shared>> -> memref<10000x128xf32, #tpu.memory_space<vmem_shared>>
          %dma_wait3A_175 = tpu.memref_slice %arg13[%dma_wait3A_165] : memref<2x!tpu.dma_semaphore, #tpu.memory_space<semaphore_mem>> -> memref<1x!tpu.dma_semaphore, #tpu.memory_space<semaphore_mem>>
          %dma_wait3A_176 = tpu.memref_squeeze %dma_wait3A_175 : memref<1x!tpu.dma_semaphore, #tpu.memory_space<semaphore_mem>> -> memref<!tpu.dma_semaphore, #tpu.memory_space<semaphore_mem>>
          tpu.wait_indirect_dma semaphore(%dma_wait3A_176 : memref<!tpu.dma_semaphore, #tpu.memory_space<semaphore_mem>>) src(%dma_wait3A_168 : memref<128x128xf32, #tpu.memory_space<vmem>>) dst(%dma_wait3A_174 : memref<10000x128xf32, #tpu.memory_space<vmem_shared>>)
          %dma_wait3A_177 = arith.constant 0 : i32
          %dma_wait3A_178 = arith.constant 1 : i32
          %dma_wait3A_179 = arith.constant 128 : i32
          %dma_wait3A_180 = arith.constant 0 : i32
          %dma_wait3A_181 = tpu.memref_slice %arg10[%dma_wait3A_179, %dma_wait3A_180] : memref<256x128xf32, #tpu.memory_space<vmem>> -> memref<128x128xf32, #tpu.memory_space<vmem>>
          %dma_wait3A_182 = arith.constant 0 : i32
          %dma_wait3A_183 = tpu.memref_slice %arg8[%dma_wait3A_177, %dma_wait3A_182] : memref<40x128xi32, #tpu.memory_space<vmem>> -> memref<1x128xi32, #tpu.memory_space<vmem>>
          %dma_wait3A_184 = tpu.memref_squeeze %dma_wait3A_183 : memref<1x128xi32, #tpu.memory_space<vmem>> -> memref<128xi32, #tpu.memory_space<vmem>>
          %dma_wait3A_185 = arith.constant 0 : i32
          %dma_wait3A_186 = arith.constant 0 : i32
          %dma_wait3A_187 = tpu.memref_slice %arg11[%dma_wait3A_185, %dma_wait3A_186] : memref<10000x128xf32, #tpu.memory_space<vmem_shared>> -> memref<10000x128xf32, #tpu.memory_space<vmem_shared>>
          %dma_wait3A_188 = tpu.memref_slice %arg13[%dma_wait3A_178] : memref<2x!tpu.dma_semaphore, #tpu.memory_space<semaphore_mem>> -> memref<1x!tpu.dma_semaphore, #tpu.memory_space<semaphore_mem>>
          %dma_wait3A_189 = tpu.memref_squeeze %dma_wait3A_188 : memref<1x!tpu.dma_semaphore, #tpu.memory_space<semaphore_mem>> -> memref<!tpu.dma_semaphore, #tpu.memory_space<semaphore_mem>>
          tpu.wait_indirect_dma semaphore(%dma_wait3A_189 : memref<!tpu.dma_semaphore, #tpu.memory_space<semaphore_mem>>) src(%dma_wait3A_181 : memref<128x128xf32, #tpu.memory_space<vmem>>) dst(%dma_wait3A_187 : memref<10000x128xf32, #tpu.memory_space<vmem_shared>>)
        } else {
        }
        %mul3A_65 = arith.constant 2 : i32
        %mul3A_66 = arith.muli %scan3A_58, %mul3A_65 : i32
        %add3A_67 = arith.constant 0 : i32
        %add3A_68 = arith.addi %mul3A_66, %add3A_67 : i32
        %dma_start3A = arith.constant 0 : i32
        %dma_start3A_69 = arith.constant 0 : i32
        %dma_start3A_70 = arith.constant 0 : i32
        %dma_start3A_71 = tpu.memref_slice %arg10[%dma_start3A_69, %dma_start3A_70] : memref<256x128xf32, #tpu.memory_space<vmem>> -> memref<128x128xf32, #tpu.memory_space<vmem>>
        %dma_start3A_72 = arith.constant 0 : i32
        %dma_start3A_73 = tpu.memref_slice %arg7[%add3A_68, %dma_start3A_72] : memref<40x128xi32, #tpu.memory_space<vmem>> -> memref<1x128xi32, #tpu.memory_space<vmem>>
        %dma_start3A_74 = tpu.memref_squeeze %dma_start3A_73 : memref<1x128xi32, #tpu.memory_space<vmem>> -> memref<128xi32, #tpu.memory_space<vmem>>
        %dma_start3A_75 = arith.constant 0 : i32
        %dma_start3A_76 = arith.constant 0 : i32
        %dma_start3A_77 = tpu.memref_slice %arg2[%dma_start3A_75, %dma_start3A_76] : memref<10000x128xf32, #tpu.memory_space<hbm>> -> memref<10000x128xf32, #tpu.memory_space<hbm>>
        %dma_start3A_78 = tpu.memref_slice %arg12[%dma_start3A] : memref<2x!tpu.dma_semaphore, #tpu.memory_space<semaphore_mem>> -> memref<1x!tpu.dma_semaphore, #tpu.memory_space<semaphore_mem>>
        %dma_start3A_79 = tpu.memref_squeeze %dma_start3A_78 : memref<1x!tpu.dma_semaphore, #tpu.memory_space<semaphore_mem>> -> memref<!tpu.dma_semaphore, #tpu.memory_space<semaphore_mem>>
        tpu.enqueue_indirect_dma source(%dma_start3A_77 : memref<10000x128xf32, #tpu.memory_space<hbm>>) target(%dma_start3A_71 : memref<128x128xf32, #tpu.memory_space<vmem>>) offsets(%dma_start3A_74 : memref<128xi32, #tpu.memory_space<vmem>>) semaphore(%dma_start3A_79 : memref<!tpu.dma_semaphore, #tpu.memory_space<semaphore_mem>>)
        %mul3A_80 = arith.constant 2 : i32
        %mul3A_81 = arith.muli %scan3A_58, %mul3A_80 : i32
        %add3A_82 = arith.constant 1 : i32
        %add3A_83 = arith.addi %mul3A_81, %add3A_82 : i32
        %dma_start3A_84 = arith.constant 1 : i32
        %dma_start3A_85 = arith.constant 128 : i32
        %dma_start3A_86 = arith.constant 0 : i32
        %dma_start3A_87 = tpu.memref_slice %arg10[%dma_start3A_85, %dma_start3A_86] : memref<256x128xf32, #tpu.memory_space<vmem>> -> memref<128x128xf32, #tpu.memory_space<vmem>>
        %dma_start3A_88 = arith.constant 0 : i32
        %dma_start3A_89 = tpu.memref_slice %arg7[%add3A_83, %dma_start3A_88] : memref<40x128xi32, #tpu.memory_space<vmem>> -> memref<1x128xi32, #tpu.memory_space<vmem>>
        %dma_start3A_90 = tpu.memref_squeeze %dma_start3A_89 : memref<1x128xi32, #tpu.memory_space<vmem>> -> memref<128xi32, #tpu.memory_space<vmem>>
        %dma_start3A_91 = arith.constant 0 : i32
        %dma_start3A_92 = arith.constant 0 : i32
        %dma_start3A_93 = tpu.memref_slice %arg2[%dma_start3A_91, %dma_start3A_92] : memref<10000x128xf32, #tpu.memory_space<hbm>> -> memref<10000x128xf32, #tpu.memory_space<hbm>>
        %dma_start3A_94 = tpu.memref_slice %arg12[%dma_start3A_84] : memref<2x!tpu.dma_semaphore, #tpu.memory_space<semaphore_mem>> -> memref<1x!tpu.dma_semaphore, #tpu.memory_space<semaphore_mem>>
        %dma_start3A_95 = tpu.memref_squeeze %dma_start3A_94 : memref<1x!tpu.dma_semaphore, #tpu.memory_space<semaphore_mem>> -> memref<!tpu.dma_semaphore, #tpu.memory_space<semaphore_mem>>
        tpu.enqueue_indirect_dma source(%dma_start3A_93 : memref<10000x128xf32, #tpu.memory_space<hbm>>) target(%dma_start3A_87 : memref<128x128xf32, #tpu.memory_space<vmem>>) offsets(%dma_start3A_90 : memref<128xi32, #tpu.memory_space<vmem>>) semaphore(%dma_start3A_95 : memref<!tpu.dma_semaphore, #tpu.memory_space<semaphore_mem>>)
        %dma_wait3A_96 = arith.constant 0 : i32
        %dma_wait3A_97 = arith.constant 0 : i32
        %dma_wait3A_98 = arith.constant 0 : i32
        %dma_wait3A_99 = tpu.memref_slice %arg10[%dma_wait3A_97, %dma_wait3A_98] : memref<256x128xf32, #tpu.memory_space<vmem>> -> memref<128x128xf32, #tpu.memory_space<vmem>>
        %dma_wait3A_100 = arith.constant 0 : i32
        %dma_wait3A_101 = tpu.memref_slice %arg7[%add3A_68, %dma_wait3A_100] : memref<40x128xi32, #tpu.memory_space<vmem>> -> memref<1x128xi32, #tpu.memory_space<vmem>>
        %dma_wait3A_102 = tpu.memref_squeeze %dma_wait3A_101 : memref<1x128xi32, #tpu.memory_space<vmem>> -> memref<128xi32, #tpu.memory_space<vmem>>
        %dma_wait3A_103 = arith.constant 0 : i32
        %dma_wait3A_104 = arith.constant 0 : i32
        %dma_wait3A_105 = tpu.memref_slice %arg2[%dma_wait3A_103, %dma_wait3A_104] : memref<10000x128xf32, #tpu.memory_space<hbm>> -> memref<10000x128xf32, #tpu.memory_space<hbm>>
        %dma_wait3A_106 = tpu.memref_slice %arg12[%dma_wait3A_96] : memref<2x!tpu.dma_semaphore, #tpu.memory_space<semaphore_mem>> -> memref<1x!tpu.dma_semaphore, #tpu.memory_space<semaphore_mem>>
        %dma_wait3A_107 = tpu.memref_squeeze %dma_wait3A_106 : memref<1x!tpu.dma_semaphore, #tpu.memory_space<semaphore_mem>> -> memref<!tpu.dma_semaphore, #tpu.memory_space<semaphore_mem>>
        tpu.wait_indirect_dma semaphore(%dma_wait3A_107 : memref<!tpu.dma_semaphore, #tpu.memory_space<semaphore_mem>>) src(%dma_wait3A_105 : memref<10000x128xf32, #tpu.memory_space<hbm>>) dst(%dma_wait3A_99 : memref<128x128xf32, #tpu.memory_space<vmem>>)
        %scan3A_108 = arith.constant 0 : i32
        %scan3A_109 = arith.constant 0 : i32
        %scan3A_110 = arith.constant 8 : i32
        %scan3A_111 = arith.addi %scan3A_109, %scan3A_110 : i32
        %scan3A_112 = arith.constant 1 : i32
        scf.for %scan3A_164 = %scan3A_109 to %scan3A_111 step %scan3A_112  : i32 {
          %mul3A_165 = arith.constant 2 : i32
          %mul3A_166 = arith.muli %scan3A_58, %mul3A_165 : i32
          %add3A_167 = arith.constant 0 : i32
          %add3A_168 = arith.addi %mul3A_166, %add3A_167 : i32
          %mul3A_169 = arith.constant 16 : i32
          %mul3A_170 = arith.muli %scan3A_164, %mul3A_169 : i32
          %get3A = arith.index_cast %add3A_168 : i32 to index
          %get3A_171 = arith.index_cast %mul3A_170 : i32 to index
          %get3A_172 = tpu.vector_load %arg9[%get3A, %get3A_171] {strides = array<i32>} : memref<40x128xf32, #tpu.memory_space<vmem>>, vector<1x16xf32>,
          %get3A_173 = vector.shape_cast %get3A_172 : vector<1x16xf32> to vector<16xf32>
          %slice3A = vector.extract_strided_slice %get3A_173 {offsets = [0], sizes = [1], strides = [1]} : vector<16xf32> to vector<1xf32>
          %squeeze3A = vector.extract %slice3A[0] : f32 from vector<1xf32>
          %mul3A_174 = arith.constant 16 : i32
          %mul3A_175 = arith.muli %scan3A_164, %mul3A_174 : i32
          %add3A_176 = arith.constant 0 : i32
          %add3A_177 = arith.addi %add3A_176, %mul3A_175 : i32
          %add3A_178 = arith.constant 0 : i32
          %add3A_179 = arith.addi %add3A_177, %add3A_178 : i32
          %get3A_180 = arith.index_cast %add3A_179 : i32 to index
          %get3A_181 = arith.constant 0 : index
          %get3A_182 = tpu.vector_load %arg10[%get3A_180, %get3A_181] {strides = array<i32>} : memref<256x128xf32, #tpu.memory_space<vmem>>, vector<1x16xf32>,
          %get3A_183 = vector.shape_cast %get3A_182 : vector<1x16xf32> to vector<16xf32>
          %mul3A_184 = vector.broadcast %squeeze3A : f32 to vector<16xf32>
          %mul3A_185 = arith.mulf %get3A_183, %mul3A_184 : vector<16xf32>
          %swap3A = arith.index_cast %add3A_179 : i32 to index
          %swap3A_186 = arith.constant 0 : index
          %swap3A_187 = tpu.vector_load %arg10[%swap3A, %swap3A_186] {strides = array<i32>} : memref<256x128xf32, #tpu.memory_space<vmem>>, vector<1x16xf32>,
          %swap3A_188 = vector.shape_cast %swap3A_187 : vector<1x16xf32> to vector<16xf32>
          %swap3A_189 = vector.shape_cast %mul3A_185 : vector<16xf32> to vector<1x16xf32>
          tpu.vector_store %arg10[%swap3A, %swap3A_186], %swap3A_189 {strides = array<i32>} : memref<256x128xf32, #tpu.memory_space<vmem>>, vector<1x16xf32>,
          %get3A_190 = arith.index_cast %add3A_179 : i32 to index
          %get3A_191 = arith.constant 16 : index
          %get3A_192 = tpu.vector_load %arg10[%get3A_190, %get3A_191] {strides = array<i32>} : memref<256x128xf32, #tpu.memory_space<vmem>>, vector<1x16xf32>,
          %get3A_193 = vector.shape_cast %get3A_192 : vector<1x16xf32> to vector<16xf32>
          %mul3A_194 = vector.broadcast %squeeze3A : f32 to vector<16xf32>
          %mul3A_195 = arith.mulf %get3A_193, %mul3A_194 : vector<16xf32>
          %swap3A_196 = arith.index_cast %add3A_179 : i32 to index
          %swap3A_197 = arith.constant 16 : index
          %swap3A_198 = tpu.vector_load %arg10[%swap3A_196, %swap3A_197] {strides = array<i32>} : memref<256x128xf32, #tpu.memory_space<vmem>>, vector<1x16xf32>,
          %swap3A_199 = vector.shape_cast %swap3A_198 : vector<1x16xf32> to vector<16xf32>
          %swap3A_200 = vector.shape_cast %mul3A_195 : vector<16xf32> to vector<1x16xf32>
          tpu.vector_store %arg10[%swap3A_196, %swap3A_197], %swap3A_200 {strides = array<i32>} : memref<256x128xf32, #tpu.memory_space<vmem>>, vector<1x16xf32>,
          %get3A_201 = arith.index_cast %add3A_179 : i32 to index
          %get3A_202 = arith.constant 32 : index
          %get3A_203 = tpu.vector_load %arg10[%get3A_201, %get3A_202] {strides = array<i32>} : memref<256x128xf32, #tpu.memory_space<vmem>>, vector<1x16xf32>,
          %get3A_204 = vector.shape_cast %get3A_203 : vector<1x16xf32> to vector<16xf32>
          %mul3A_205 = vector.broadcast %squeeze3A : f32 to vector<16xf32>
          %mul3A_206 = arith.mulf %get3A_204, %mul3A_205 : vector<16xf32>
          %swap3A_207 = arith.index_cast %add3A_179 : i32 to index
          %swap3A_208 = arith.constant 32 : index
          %swap3A_209 = tpu.vector_load %arg10[%swap3A_207, %swap3A_208] {strides = array<i32>} : memref<256x128xf32, #tpu.memory_space<vmem>>, vector<1x16xf32>,
          %swap3A_210 = vector.shape_cast %swap3A_209 : vector<1x16xf32> to vector<16xf32>
          %swap3A_211 = vector.shape_cast %mul3A_206 : vector<16xf32> to vector<1x16xf32>
          tpu.vector_store %arg10[%swap3A_207, %swap3A_208], %swap3A_211 {strides = array<i32>} : memref<256x128xf32, #tpu.memory_space<vmem>>, vector<1x16xf32>,
          %get3A_212 = arith.index_cast %add3A_179 : i32 to index
          %get3A_213 = arith.constant 48 : index
          %get3A_214 = tpu.vector_load %arg10[%get3A_212, %get3A_213] {strides = array<i32>} : memref<256x128xf32, #tpu.memory_space<vmem>>, vector<1x16xf32>,
          %get3A_215 = vector.shape_cast %get3A_214 : vector<1x16xf32> to vector<16xf32>
          %mul3A_216 = vector.broadcast %squeeze3A : f32 to vector<16xf32>
          %mul3A_217 = arith.mulf %get3A_215, %mul3A_216 : vector<16xf32>
          %swap3A_218 = arith.index_cast %add3A_179 : i32 to index
          %swap3A_219 = arith.constant 48 : index
          %swap3A_220 = tpu.vector_load %arg10[%swap3A_218, %swap3A_219] {strides = array<i32>} : memref<256x128xf32, #tpu.memory_space<vmem>>, vector<1x16xf32>,
          %swap3A_221 = vector.shape_cast %swap3A_220 : vector<1x16xf32> to vector<16xf32>
          %swap3A_222 = vector.shape_cast %mul3A_217 : vector<16xf32> to vector<1x16xf32>
          tpu.vector_store %arg10[%swap3A_218, %swap3A_219], %swap3A_222 {strides = array<i32>} : memref<256x128xf32, #tpu.memory_space<vmem>>, vector<1x16xf32>,
          %get3A_223 = arith.index_cast %add3A_179 : i32 to index
          %get3A_224 = arith.constant 64 : index
          %get3A_225 = tpu.vector_load %arg10[%get3A_223, %get3A_224] {strides = array<i32>} : memref<256x128xf32, #tpu.memory_space<vmem>>, vector<1x16xf32>,
          %get3A_226 = vector.shape_cast %get3A_225 : vector<1x16xf32> to vector<16xf32>
          %mul3A_227 = vector.broadcast %squeeze3A : f32 to vector<16xf32>
          %mul3A_228 = arith.mulf %get3A_226, %mul3A_227 : vector<16xf32>
          %swap3A_229 = arith.index_cast %add3A_179 : i32 to index
          %swap3A_230 = arith.constant 64 : index
          %swap3A_231 = tpu.vector_load %arg10[%swap3A_229, %swap3A_230] {strides = array<i32>} : memref<256x128xf32, #tpu.memory_space<vmem>>, vector<1x16xf32>,
          %swap3A_232 = vector.shape_cast %swap3A_231 : vector<1x16xf32> to vector<16xf32>
          %swap3A_233 = vector.shape_cast %mul3A_228 : vector<16xf32> to vector<1x16xf32>
          tpu.vector_store %arg10[%swap3A_229, %swap3A_230], %swap3A_233 {strides = array<i32>} : memref<256x128xf32, #tpu.memory_space<vmem>>, vector<1x16xf32>,
          %get3A_234 = arith.index_cast %add3A_179 : i32 to index
          %get3A_235 = arith.constant 80 : index
          %get3A_236 = tpu.vector_load %arg10[%get3A_234, %get3A_235] {strides = array<i32>} : memref<256x128xf32, #tpu.memory_space<vmem>>, vector<1x16xf32>,
          %get3A_237 = vector.shape_cast %get3A_236 : vector<1x16xf32> to vector<16xf32>
          %mul3A_238 = vector.broadcast %squeeze3A : f32 to vector<16xf32>
          %mul3A_239 = arith.mulf %get3A_237, %mul3A_238 : vector<16xf32>
          %swap3A_240 = arith.index_cast %add3A_179 : i32 to index
          %swap3A_241 = arith.constant 80 : index
          %swap3A_242 = tpu.vector_load %arg10[%swap3A_240, %swap3A_241] {strides = array<i32>} : memref<256x128xf32, #tpu.memory_space<vmem>>, vector<1x16xf32>,
          %swap3A_243 = vector.shape_cast %swap3A_242 : vector<1x16xf32> to vector<16xf32>
          %swap3A_244 = vector.shape_cast %mul3A_239 : vector<16xf32> to vector<1x16xf32>
          tpu.vector_store %arg10[%swap3A_240, %swap3A_241], %swap3A_244 {strides = array<i32>} : memref<256x128xf32, #tpu.memory_space<vmem>>, vector<1x16xf32>,
          %get3A_245 = arith.index_cast %add3A_179 : i32 to index
          %get3A_246 = arith.constant 96 : index
          %get3A_247 = tpu.vector_load %arg10[%get3A_245, %get3A_246] {strides = array<i32>} : memref<256x128xf32, #tpu.memory_space<vmem>>, vector<1x16xf32>,
          %get3A_248 = vector.shape_cast %get3A_247 : vector<1x16xf32> to vector<16xf32>
          %mul3A_249 = vector.broadcast %squeeze3A : f32 to vector<16xf32>
          %mul3A_250 = arith.mulf %get3A_248, %mul3A_249 : vector<16xf32>
          %swap3A_251 = arith.index_cast %add3A_179 : i32 to index
          %swap3A_252 = arith.constant 96 : index
          %swap3A_253 = tpu.vector_load %arg10[%swap3A_251, %swap3A_252] {strides = array<i32>} : memref<256x128xf32, #tpu.memory_space<vmem>>, vector<1x16xf32>,
          %swap3A_254 = vector.shape_cast %swap3A_253 : vector<1x16xf32> to vector<16xf32>
          %swap3A_255 = vector.shape_cast %mul3A_250 : vector<16xf32> to vector<1x16xf32>
          tpu.vector_store %arg10[%swap3A_251, %swap3A_252], %swap3A_255 {strides = array<i32>} : memref<256x128xf32, #tpu.memory_space<vmem>>, vector<1x16xf32>,
          %get3A_256 = arith.index_cast %add3A_179 : i32 to index
          %get3A_257 = arith.constant 112 : index
          %get3A_258 = tpu.vector_load %arg10[%get3A_256, %get3A_257] {strides = array<i32>} : memref<256x128xf32, #tpu.memory_space<vmem>>, vector<1x16xf32>,
          %get3A_259 = vector.shape_cast %get3A_258 : vector<1x16xf32> to vector<16xf32>
          %mul3A_260 = vector.broadcast %squeeze3A : f32 to vector<16xf32>
          %mul3A_261 = arith.mulf %get3A_259, %mul3A_260 : vector<16xf32>
          %swap3A_262 = arith.index_cast %add3A_179 : i32 to index
          %swap3A_263 = arith.constant 112 : index
          %swap3A_264 = tpu.vector_load %arg10[%swap3A_262, %swap3A_263] {strides = array<i32>} : memref<256x128xf32, #tpu.memory_space<vmem>>, vector<1x16xf32>,
          %swap3A_265 = vector.shape_cast %swap3A_264 : vector<1x16xf32> to vector<16xf32>
          %swap3A_266 = vector.shape_cast %mul3A_261 : vector<16xf32> to vector<1x16xf32>
          tpu.vector_store %arg10[%swap3A_262, %swap3A_263], %swap3A_266 {strides = array<i32>} : memref<256x128xf32, #tpu.memory_space<vmem>>, vector<1x16xf32>,
          %slice3A_267 = vector.extract_strided_slice %get3A_173 {offsets = [1], sizes = [1], strides = [1]} : vector<16xf32> to vector<1xf32>
          %squeeze3A_268 = vector.extract %slice3A_267[0] : f32 from vector<1xf32>
          %mul3A_269 = arith.constant 16 : i32
          %mul3A_270 = arith.muli %scan3A_164, %mul3A_269 : i32
          %add3A_271 = arith.constant 0 : i32
          %add3A_272 = arith.addi %add3A_271, %mul3A_270 : i32
          %add3A_273 = arith.constant 1 : i32
          %add3A_274 = arith.addi %add3A_272, %add3A_273 : i32
          %get3A_275 = arith.index_cast %add3A_274 : i32 to index
          %get3A_276 = arith.constant 0 : index
          %get3A_277 = tpu.vector_load %arg10[%get3A_275, %get3A_276] {strides = array<i32>} : memref<256x128xf32, #tpu.memory_space<vmem>>, vector<1x16xf32>,
          %get3A_278 = vector.shape_cast %get3A_277 : vector<1x16xf32> to vector<16xf32>
          %mul3A_279 = vector.broadcast %squeeze3A_268 : f32 to vector<16xf32>
          %mul3A_280 = arith.mulf %get3A_278, %mul3A_279 : vector<16xf32>
          %swap3A_281 = arith.index_cast %add3A_274 : i32 to index
          %swap3A_282 = arith.constant 0 : index
          %swap3A_283 = tpu.vector_load %arg10[%swap3A_281, %swap3A_282] {strides = array<i32>} : memref<256x128xf32, #tpu.memory_space<vmem>>, vector<1x16xf32>,
          %swap3A_284 = vector.shape_cast %swap3A_283 : vector<1x16xf32> to vector<16xf32>
          %swap3A_285 = vector.shape_cast %mul3A_280 : vector<16xf32> to vector<1x16xf32>
          tpu.vector_store %arg10[%swap3A_281, %swap3A_282], %swap3A_285 {strides = array<i32>} : memref<256x128xf32, #tpu.memory_space<vmem>>, vector<1x16xf32>,
          %get3A_286 = arith.index_cast %add3A_274 : i32 to index
          %get3A_287 = arith.constant 16 : index
          %get3A_288 = tpu.vector_load %arg10[%get3A_286, %get3A_287] {strides = array<i32>} : memref<256x128xf32, #tpu.memory_space<vmem>>, vector<1x16xf32>,
          %get3A_289 = vector.shape_cast %get3A_288 : vector<1x16xf32> to vector<16xf32>
          %mul3A_290 = vector.broadcast %squeeze3A_268 : f32 to vector<16xf32>
          %mul3A_291 = arith.mulf %get3A_289, %mul3A_290 : vector<16xf32>
          %swap3A_292 = arith.index_cast %add3A_274 : i32 to index
          %swap3A_293 = arith.constant 16 : index
          %swap3A_294 = tpu.vector_load %arg10[%swap3A_292, %swap3A_293] {strides = array<i32>} : memref<256x128xf32, #tpu.memory_space<vmem>>, vector<1x16xf32>,
          %swap3A_295 = vector.shape_cast %swap3A_294 : vector<1x16xf32> to vector<16xf32>
          %swap3A_296 = vector.shape_cast %mul3A_291 : vector<16xf32> to vector<1x16xf32>
          tpu.vector_store %arg10[%swap3A_292, %swap3A_293], %swap3A_296 {strides = array<i32>} : memref<256x128xf32, #tpu.memory_space<vmem>>, vector<1x16xf32>,
          %get3A_297 = arith.index_cast %add3A_274 : i32 to index
          %get3A_298 = arith.constant 32 : index
          %get3A_299 = tpu.vector_load %arg10[%get3A_297, %get3A_298] {strides = array<i32>} : memref<256x128xf32, #tpu.memory_space<vmem>>, vector<1x16xf32>,
          %get3A_300 = vector.shape_cast %get3A_299 : vector<1x16xf32> to vector<16xf32>
          %mul3A_301 = vector.broadcast %squeeze3A_268 : f32 to vector<16xf32>
          %mul3A_302 = arith.mulf %get3A_300, %mul3A_301 : vector<16xf32>
          %swap3A_303 = arith.index_cast %add3A_274 : i32 to index
          %swap3A_304 = arith.constant 32 : index
          %swap3A_305 = tpu.vector_load %arg10[%swap3A_303, %swap3A_304] {strides = array<i32>} : memref<256x128xf32, #tpu.memory_space<vmem>>, vector<1x16xf32>,
          %swap3A_306 = vector.shape_cast %swap3A_305 : vector<1x16xf32> to vector<16xf32>
          %swap3A_307 = vector.shape_cast %mul3A_302 : vector<16xf32> to vector<1x16xf32>
          tpu.vector_store %arg10[%swap3A_303, %swap3A_304], %swap3A_307 {strides = array<i32>} : memref<256x128xf32, #tpu.memory_space<vmem>>, vector<1x16xf32>,
          %get3A_308 = arith.index_cast %add3A_274 : i32 to index
          %get3A_309 = arith.constant 48 : index
          %get3A_310 = tpu.vector_load %arg10[%get3A_308, %get3A_309] {strides = array<i32>} : memref<256x128xf32, #tpu.memory_space<vmem>>, vector<1x16xf32>,
          %get3A_311 = vector.shape_cast %get3A_310 : vector<1x16xf32> to vector<16xf32>
          %mul3A_312 = vector.broadcast %squeeze3A_268 : f32 to vector<16xf32>
          %mul3A_313 = arith.mulf %get3A_311, %mul3A_312 : vector<16xf32>
          %swap3A_314 = arith.index_cast %add3A_274 : i32 to index
          %swap3A_315 = arith.constant 48 : index
          %swap3A_316 = tpu.vector_load %arg10[%swap3A_314, %swap3A_315] {strides = array<i32>} : memref<256x128xf32, #tpu.memory_space<vmem>>, vector<1x16xf32>,
          %swap3A_317 = vector.shape_cast %swap3A_316 : vector<1x16xf32> to vector<16xf32>
          %swap3A_318 = vector.shape_cast %mul3A_313 : vector<16xf32> to vector<1x16xf32>
          tpu.vector_store %arg10[%swap3A_314, %swap3A_315], %swap3A_318 {strides = array<i32>} : memref<256x128xf32, #tpu.memory_space<vmem>>, vector<1x16xf32>,
          %get3A_319 = arith.index_cast %add3A_274 : i32 to index
          %get3A_320 = arith.constant 64 : index
          %get3A_321 = tpu.vector_load %arg10[%get3A_319, %get3A_320] {strides = array<i32>} : memref<256x128xf32, #tpu.memory_space<vmem>>, vector<1x16xf32>,
          %get3A_322 = vector.shape_cast %get3A_321 : vector<1x16xf32> to vector<16xf32>
          %mul3A_323 = vector.broadcast %squeeze3A_268 : f32 to vector<16xf32>
          %mul3A_324 = arith.mulf %get3A_322, %mul3A_323 : vector<16xf32>
          %swap3A_325 = arith.index_cast %add3A_274 : i32 to index
          %swap3A_326 = arith.constant 64 : index
          %swap3A_327 = tpu.vector_load %arg10[%swap3A_325, %swap3A_326] {strides = array<i32>} : memref<256x128xf32, #tpu.memory_space<vmem>>, vector<1x16xf32>,
          %swap3A_328 = vector.shape_cast %swap3A_327 : vector<1x16xf32> to vector<16xf32>
          %swap3A_329 = vector.shape_cast %mul3A_324 : vector<16xf32> to vector<1x16xf32>
          tpu.vector_store %arg10[%swap3A_325, %swap3A_326], %swap3A_329 {strides = array<i32>} : memref<256x128xf32, #tpu.memory_space<vmem>>, vector<1x16xf32>,
          %get3A_330 = arith.index_cast %add3A_274 : i32 to index
          %get3A_331 = arith.constant 80 : index
          %get3A_332 = tpu.vector_load %arg10[%get3A_330, %get3A_331] {strides = array<i32>} : memref<256x128xf32, #tpu.memory_space<vmem>>, vector<1x16xf32>,
          %get3A_333 = vector.shape_cast %get3A_332 : vector<1x16xf32> to vector<16xf32>
          %mul3A_334 = vector.broadcast %squeeze3A_268 : f32 to vector<16xf32>
          %mul3A_335 = arith.mulf %get3A_333, %mul3A_334 : vector<16xf32>
          %swap3A_336 = arith.index_cast %add3A_274 : i32 to index
          %swap3A_337 = arith.constant 80 : index
          %swap3A_338 = tpu.vector_load %arg10[%swap3A_336, %swap3A_337] {strides = array<i32>} : memref<256x128xf32, #tpu.memory_space<vmem>>, vector<1x16xf32>,
          %swap3A_339 = vector.shape_cast %swap3A_338 : vector<1x16xf32> to vector<16xf32>
          %swap3A_340 = vector.shape_cast %mul3A_335 : vector<16xf32> to vector<1x16xf32>
          tpu.vector_store %arg10[%swap3A_336, %swap3A_337], %swap3A_340 {strides = array<i32>} : memref<256x128xf32, #tpu.memory_space<vmem>>, vector<1x16xf32>,
          %get3A_341 = arith.index_cast %add3A_274 : i32 to index
          %get3A_342 = arith.constant 96 : index
          %get3A_343 = tpu.vector_load %arg10[%get3A_341, %get3A_342] {strides = array<i32>} : memref<256x128xf32, #tpu.memory_space<vmem>>, vector<1x16xf32>,
          %get3A_344 = vector.shape_cast %get3A_343 : vector<1x16xf32> to vector<16xf32>
          %mul3A_345 = vector.broadcast %squeeze3A_268 : f32 to vector<16xf32>
          %mul3A_346 = arith.mulf %get3A_344, %mul3A_345 : vector<16xf32>
          %swap3A_347 = arith.index_cast %add3A_274 : i32 to index
          %swap3A_348 = arith.constant 96 : index
          %swap3A_349 = tpu.vector_load %arg10[%swap3A_347, %swap3A_348] {strides = array<i32>} : memref<256x128xf32, #tpu.memory_space<vmem>>, vector<1x16xf32>,
          %swap3A_350 = vector.shape_cast %swap3A_349 : vector<1x16xf32> to vector<16xf32>
          %swap3A_351 = vector.shape_cast %mul3A_346 : vector<16xf32> to vector<1x16xf32>
          tpu.vector_store %arg10[%swap3A_347, %swap3A_348], %swap3A_351 {strides = array<i32>} : memref<256x128xf32, #tpu.memory_space<vmem>>, vector<1x16xf32>,
          %get3A_352 = arith.index_cast %add3A_274 : i32 to index
          %get3A_353 = arith.constant 112 : index
          %get3A_354 = tpu.vector_load %arg10[%get3A_352, %get3A_353] {strides = array<i32>} : memref<256x128xf32, #tpu.memory_space<vmem>>, vector<1x16xf32>,
          %get3A_355 = vector.shape_cast %get3A_354 : vector<1x16xf32> to vector<16xf32>
          %mul3A_356 = vector.broadcast %squeeze3A_268 : f32 to vector<16xf32>
          %mul3A_357 = arith.mulf %get3A_355, %mul3A_356 : vector<16xf32>
          %swap3A_358 = arith.index_cast %add3A_274 : i32 to index
          %swap3A_359 = arith.constant 112 : index
          %swap3A_360 = tpu.vector_load %arg10[%swap3A_358, %swap3A_359] {strides = array<i32>} : memref<256x128xf32, #tpu.memory_space<vmem>>, vector<1x16xf32>,
          %swap3A_361 = vector.shape_cast %swap3A_360 : vector<1x16xf32> to vector<16xf32>
          %swap3A_362 = vector.shape_cast %mul3A_357 : vector<16xf32> to vector<1x16xf32>
          tpu.vector_store %arg10[%swap3A_358, %swap3A_359], %swap3A_362 {strides = array<i32>} : memref<256x128xf32, #tpu.memory_space<vmem>>, vector<1x16xf32>,
          %slice3A_363 = vector.extract_strided_slice %get3A_173 {offsets = [2], sizes = [1], strides = [1]} : vector<16xf32> to vector<1xf32>
          %squeeze3A_364 = vector.extract %slice3A_363[0] : f32 from vector<1xf32>
          %mul3A_365 = arith.constant 16 : i32
          %mul3A_366 = arith.muli %scan3A_164, %mul3A_365 : i32
          %add3A_367 = arith.constant 0 : i32
          %add3A_368 = arith.addi %add3A_367, %mul3A_366 : i32
          %add3A_369 = arith.constant 2 : i32
          %add3A_370 = arith.addi %add3A_368, %add3A_369 : i32
          %get3A_371 = arith.index_cast %add3A_370 : i32 to index
          %get3A_372 = arith.constant 0 : index
          %get3A_373 = tpu.vector_load %arg10[%get3A_371, %get3A_372] {strides = array<i32>} : memref<256x128xf32, #tpu.memory_space<vmem>>, vector<1x16xf32>,
          %get3A_374 = vector.shape_cast %get3A_373 : vector<1x16xf32> to vector<16xf32>
          %mul3A_375 = vector.broadcast %squeeze3A_364 : f32 to vector<16xf32>
          %mul3A_376 = arith.mulf %get3A_374, %mul3A_375 : vector<16xf32>
          %swap3A_377 = arith.index_cast %add3A_370 : i32 to index
          %swap3A_378 = arith.constant 0 : index
          %swap3A_379 = tpu.vector_load %arg10[%swap3A_377, %swap3A_378] {strides = array<i32>} : memref<256x128xf32, #tpu.memory_space<vmem>>, vector<1x16xf32>,
          %swap3A_380 = vector.shape_cast %swap3A_379 : vector<1x16xf32> to vector<16xf32>
          %swap3A_381 = vector.shape_cast %mul3A_376 : vector<16xf32> to vector<1x16xf32>
          tpu.vector_store %arg10[%swap3A_377, %swap3A_378], %swap3A_381 {strides = array<i32>} : memref<256x128xf32, #tpu.memory_space<vmem>>, vector<1x16xf32>,
          %get3A_382 = arith.index_cast %add3A_370 : i32 to index
          %get3A_383 = arith.constant 16 : index
          %get3A_384 = tpu.vector_load %arg10[%get3A_382, %get3A_383] {strides = array<i32>} : memref<256x128xf32, #tpu.memory_space<vmem>>, vector<1x16xf32>,
          %get3A_385 = vector.shape_cast %get3A_384 : vector<1x16xf32> to vector<16xf32>
          %mul3A_386 = vector.broadcast %squeeze3A_364 : f32 to vector<16xf32>
          %mul3A_387 = arith.mulf %get3A_385, %mul3A_386 : vector<16xf32>
          %swap3A_388 = arith.index_cast %add3A_370 : i32 to index
          %swap3A_389 = arith.constant 16 : index
          %swap3A_390 = tpu.vector_load %arg10[%swap3A_388, %swap3A_389] {strides = array<i32>} : memref<256x128xf32, #tpu.memory_space<vmem>>, vector<1x16xf32>,
          %swap3A_391 = vector.shape_cast %swap3A_390 : vector<1x16xf32> to vector<16xf32>
          %swap3A_392 = vector.shape_cast %mul3A_387 : vector<16xf32> to vector<1x16xf32>
          tpu.vector_store %arg10[%swap3A_388, %swap3A_389], %swap3A_392 {strides = array<i32>} : memref<256x128xf32, #tpu.memory_space<vmem>>, vector<1x16xf32>,
          %get3A_393 = arith.index_cast %add3A_370 : i32 to index
          %get3A_394 = arith.constant 32 : index
          %get3A_395 = tpu.vector_load %arg10[%get3A_393, %get3A_394] {strides = array<i32>} : memref<256x128xf32, #tpu.memory_space<vmem>>, vector<1x16xf32>,
          %get3A_396 = vector.shape_cast %get3A_395 : vector<1x16xf32> to vector<16xf32>
          %mul3A_397 = vector.broadcast %squeeze3A_364 : f32 to vector<16xf32>
          %mul3A_398 = arith.mulf %get3A_396, %mul3A_397 : vector<16xf32>
          %swap3A_399 = arith.index_cast %add3A_370 : i32 to index
          %swap3A_400 = arith.constant 32 : index
          %swap3A_401 = tpu.vector_load %arg10[%swap3A_399, %swap3A_400] {strides = array<i32>} : memref<256x128xf32, #tpu.memory_space<vmem>>, vector<1x16xf32>,
          %swap3A_402 = vector.shape_cast %swap3A_401 : vector<1x16xf32> to vector<16xf32>
          %swap3A_403 = vector.shape_cast %mul3A_398 : vector<16xf32> to vector<1x16xf32>
          tpu.vector_store %arg10[%swap3A_399, %swap3A_400], %swap3A_403 {strides = array<i32>} : memref<256x128xf32, #tpu.memory_space<vmem>>, vector<1x16xf32>,
          %get3A_404 = arith.index_cast %add3A_370 : i32 to index
          %get3A_405 = arith.constant 48 : index
          %get3A_406 = tpu.vector_load %arg10[%get3A_404, %get3A_405] {strides = array<i32>} : memref<256x128xf32, #tpu.memory_space<vmem>>, vector<1x16xf32>,
          %get3A_407 = vector.shape_cast %get3A_406 : vector<1x16xf32> to vector<16xf32>
          %mul3A_408 = vector.broadcast %squeeze3A_364 : f32 to vector<16xf32>
          %mul3A_409 = arith.mulf %get3A_407, %mul3A_408 : vector<16xf32>
          %swap3A_410 = arith.index_cast %add3A_370 : i32 to index
          %swap3A_411 = arith.constant 48 : index
          %swap3A_412 = tpu.vector_load %arg10[%swap3A_410, %swap3A_411] {strides = array<i32>} : memref<256x128xf32, #tpu.memory_space<vmem>>, vector<1x16xf32>,
          %swap3A_413 = vector.shape_cast %swap3A_412 : vector<1x16xf32> to vector<16xf32>
          %swap3A_414 = vector.shape_cast %mul3A_409 : vector<16xf32> to vector<1x16xf32>
          tpu.vector_store %arg10[%swap3A_410, %swap3A_411], %swap3A_414 {strides = array<i32>} : memref<256x128xf32, #tpu.memory_space<vmem>>, vector<1x16xf32>,
          %get3A_415 = arith.index_cast %add3A_370 : i32 to index
          %get3A_416 = arith.constant 64 : index
          %get3A_417 = tpu.vector_load %arg10[%get3A_415, %get3A_416] {strides = array<i32>} : memref<256x128xf32, #tpu.memory_space<vmem>>, vector<1x16xf32>,
          %get3A_418 = vector.shape_cast %get3A_417 : vector<1x16xf32> to vector<16xf32>
          %mul3A_419 = vector.broadcast %squeeze3A_364 : f32 to vector<16xf32>
          %mul3A_420 = arith.mulf %get3A_418, %mul3A_419 : vector<16xf32>
          %swap3A_421 = arith.index_cast %add3A_370 : i32 to index
          %swap3A_422 = arith.constant 64 : index
          %swap3A_423 = tpu.vector_load %arg10[%swap3A_421, %swap3A_422] {strides = array<i32>} : memref<256x128xf32, #tpu.memory_space<vmem>>, vector<1x16xf32>,
          %swap3A_424 = vector.shape_cast %swap3A_423 : vector<1x16xf32> to vector<16xf32>
          %swap3A_425 = vector.shape_cast %mul3A_420 : vector<16xf32> to vector<1x16xf32>
          tpu.vector_store %arg10[%swap3A_421, %swap3A_422], %swap3A_425 {strides = array<i32>} : memref<256x128xf32, #tpu.memory_space<vmem>>, vector<1x16xf32>,
          %get3A_426 = arith.index_cast %add3A_370 : i32 to index
          %get3A_427 = arith.constant 80 : index
          %get3A_428 = tpu.vector_load %arg10[%get3A_426, %get3A_427] {strides = array<i32>} : memref<256x128xf32, #tpu.memory_space<vmem>>, vector<1x16xf32>,
          %get3A_429 = vector.shape_cast %get3A_428 : vector<1x16xf32> to vector<16xf32>
          %mul3A_430 = vector.broadcast %squeeze3A_364 : f32 to vector<16xf32>
          %mul3A_431 = arith.mulf %get3A_429, %mul3A_430 : vector<16xf32>
          %swap3A_432 = arith.index_cast %add3A_370 : i32 to index
          %swap3A_433 = arith.constant 80 : index
          %swap3A_434 = tpu.vector_load %arg10[%swap3A_432, %swap3A_433] {strides = array<i32>} : memref<256x128xf32, #tpu.memory_space<vmem>>, vector<1x16xf32>,
          %swap3A_435 = vector.shape_cast %swap3A_434 : vector<1x16xf32> to vector<16xf32>
          %swap3A_436 = vector.shape_cast %mul3A_431 : vector<16xf32> to vector<1x16xf32>
          tpu.vector_store %arg10[%swap3A_432, %swap3A_433], %swap3A_436 {strides = array<i32>} : memref<256x128xf32, #tpu.memory_space<vmem>>, vector<1x16xf32>,
          %get3A_437 = arith.index_cast %add3A_370 : i32 to index
          %get3A_438 = arith.constant 96 : index
          %get3A_439 = tpu.vector_load %arg10[%get3A_437, %get3A_438] {strides = array<i32>} : memref<256x128xf32, #tpu.memory_space<vmem>>, vector<1x16xf32>,
          %get3A_440 = vector.shape_cast %get3A_439 : vector<1x16xf32> to vector<16xf32>
          %mul3A_441 = vector.broadcast %squeeze3A_364 : f32 to vector<16xf32>
          %mul3A_442 = arith.mulf %get3A_440, %mul3A_441 : vector<16xf32>
          %swap3A_443 = arith.index_cast %add3A_370 : i32 to index
          %swap3A_444 = arith.constant 96 : index
          %swap3A_445 = tpu.vector_load %arg10[%swap3A_443, %swap3A_444] {strides = array<i32>} : memref<256x128xf32, #tpu.memory_space<vmem>>, vector<1x16xf32>,
          %swap3A_446 = vector.shape_cast %swap3A_445 : vector<1x16xf32> to vector<16xf32>
          %swap3A_447 = vector.shape_cast %mul3A_442 : vector<16xf32> to vector<1x16xf32>
          tpu.vector_store %arg10[%swap3A_443, %swap3A_444], %swap3A_447 {strides = array<i32>} : memref<256x128xf32, #tpu.memory_space<vmem>>, vector<1x16xf32>,
          %get3A_448 = arith.index_cast %add3A_370 : i32 to index
          %get3A_449 = arith.constant 112 : index
          %get3A_450 = tpu.vector_load %arg10[%get3A_448, %get3A_449] {strides = array<i32>} : memref<256x128xf32, #tpu.memory_space<vmem>>, vector<1x16xf32>,
          %get3A_451 = vector.shape_cast %get3A_450 : vector<1x16xf32> to vector<16xf32>
          %mul3A_452 = vector.broadcast %squeeze3A_364 : f32 to vector<16xf32>
          %mul3A_453 = arith.mulf %get3A_451, %mul3A_452 : vector<16xf32>
          %swap3A_454 = arith.index_cast %add3A_370 : i32 to index
          %swap3A_455 = arith.constant 112 : index
          %swap3A_456 = tpu.vector_load %arg10[%swap3A_454, %swap3A_455] {strides = array<i32>} : memref<256x128xf32, #tpu.memory_space<vmem>>, vector<1x16xf32>,
          %swap3A_457 = vector.shape_cast %swap3A_456 : vector<1x16xf32> to vector<16xf32>
          %swap3A_458 = vector.shape_cast %mul3A_453 : vector<16xf32> to vector<1x16xf32>
          tpu.vector_store %arg10[%swap3A_454, %swap3A_455], %swap3A_458 {strides = array<i32>} : memref<256x128xf32, #tpu.memory_space<vmem>>, vector<1x16xf32>,
          %slice3A_459 = vector.extract_strided_slice %get3A_173 {offsets = [3], sizes = [1], strides = [1]} : vector<16xf32> to vector<1xf32>
          %squeeze3A_460 = vector.extract %slice3A_459[0] : f32 from vector<1xf32>
          %mul3A_461 = arith.constant 16 : i32
          %mul3A_462 = arith.muli %scan3A_164, %mul3A_461 : i32
          %add3A_463 = arith.constant 0 : i32
          %add3A_464 = arith.addi %add3A_463, %mul3A_462 : i32
          %add3A_465 = arith.constant 3 : i32
          %add3A_466 = arith.addi %add3A_464, %add3A_465 : i32
          %get3A_467 = arith.index_cast %add3A_466 : i32 to index
          %get3A_468 = arith.constant 0 : index
          %get3A_469 = tpu.vector_load %arg10[%get3A_467, %get3A_468] {strides = array<i32>} : memref<256x128xf32, #tpu.memory_space<vmem>>, vector<1x16xf32>,
          %get3A_470 = vector.shape_cast %get3A_469 : vector<1x16xf32> to vector<16xf32>
          %mul3A_471 = vector.broadcast %squeeze3A_460 : f32 to vector<16xf32>
          %mul3A_472 = arith.mulf %get3A_470, %mul3A_471 : vector<16xf32>
          %swap3A_473 = arith.index_cast %add3A_466 : i32 to index
          %swap3A_474 = arith.constant 0 : index
          %swap3A_475 = tpu.vector_load %arg10[%swap3A_473, %swap3A_474] {strides = array<i32>} : memref<256x128xf32, #tpu.memory_space<vmem>>, vector<1x16xf32>,
          %swap3A_476 = vector.shape_cast %swap3A_475 : vector<1x16xf32> to vector<16xf32>
          %swap3A_477 = vector.shape_cast %mul3A_472 : vector<16xf32> to vector<1x16xf32>
          tpu.vector_store %arg10[%swap3A_473, %swap3A_474], %swap3A_477 {strides = array<i32>} : memref<256x128xf32, #tpu.memory_space<vmem>>, vector<1x16xf32>,
          %get3A_478 = arith.index_cast %add3A_466 : i32 to index
          %get3A_479 = arith.constant 16 : index
          %get3A_480 = tpu.vector_load %arg10[%get3A_478, %get3A_479] {strides = array<i32>} : memref<256x128xf32, #tpu.memory_space<vmem>>, vector<1x16xf32>,
          %get3A_481 = vector.shape_cast %get3A_480 : vector<1x16xf32> to vector<16xf32>
          %mul3A_482 = vector.broadcast %squeeze3A_460 : f32 to vector<16xf32>
          %mul3A_483 = arith.mulf %get3A_481, %mul3A_482 : vector<16xf32>
          %swap3A_484 = arith.index_cast %add3A_466 : i32 to index
          %swap3A_485 = arith.constant 16 : index
          %swap3A_486 = tpu.vector_load %arg10[%swap3A_484, %swap3A_485] {strides = array<i32>} : memref<256x128xf32, #tpu.memory_space<vmem>>, vector<1x16xf32>,
          %swap3A_487 = vector.shape_cast %swap3A_486 : vector<1x16xf32> to vector<16xf32>
          %swap3A_488 = vector.shape_cast %mul3A_483 : vector<16xf32> to vector<1x16xf32>
          tpu.vector_store %arg10[%swap3A_484, %swap3A_485], %swap3A_488 {strides = array<i32>} : memref<256x128xf32, #tpu.memory_space<vmem>>, vector<1x16xf32>,
          %get3A_489 = arith.index_cast %add3A_466 : i32 to index
          %get3A_490 = arith.constant 32 : index
          %get3A_491 = tpu.vector_load %arg10[%get3A_489, %get3A_490] {strides = array<i32>} : memref<256x128xf32, #tpu.memory_space<vmem>>, vector<1x16xf32>,
          %get3A_492 = vector.shape_cast %get3A_491 : vector<1x16xf32> to vector<16xf32>
          %mul3A_493 = vector.broadcast %squeeze3A_460 : f32 to vector<16xf32>
          %mul3A_494 = arith.mulf %get3A_492, %mul3A_493 : vector<16xf32>
          %swap3A_495 = arith.index_cast %add3A_466 : i32 to index
          %swap3A_496 = arith.constant 32 : index
          %swap3A_497 = tpu.vector_load %arg10[%swap3A_495, %swap3A_496] {strides = array<i32>} : memref<256x128xf32, #tpu.memory_space<vmem>>, vector<1x16xf32>,
          %swap3A_498 = vector.shape_cast %swap3A_497 : vector<1x16xf32> to vector<16xf32>
          %swap3A_499 = vector.shape_cast %mul3A_494 : vector<16xf32> to vector<1x16xf32>
          tpu.vector_store %arg10[%swap3A_495, %swap3A_496], %swap3A_499 {strides = array<i32>} : memref<256x128xf32, #tpu.memory_space<vmem>>, vector<1x16xf32>,
          %get3A_500 = arith.index_cast %add3A_466 : i32 to index
          %get3A_501 = arith.constant 48 : index
          %get3A_502 = tpu.vector_load %arg10[%get3A_500, %get3A_501] {strides = array<i32>} : memref<256x128xf32, #tpu.memory_space<vmem>>, vector<1x16xf32>,
          %get3A_503 = vector.shape_cast %get3A_502 : vector<1x16xf32> to vector<16xf32>
          %mul3A_504 = vector.broadcast %squeeze3A_460 : f32 to vector<16xf32>
          %mul3A_505 = arith.mulf %get3A_503, %mul3A_504 : vector<16xf32>
          %swap3A_506 = arith.index_cast %add3A_466 : i32 to index
          %swap3A_507 = arith.constant 48 : index
          %swap3A_508 = tpu.vector_load %arg10[%swap3A_506, %swap3A_507] {strides = array<i32>} : memref<256x128xf32, #tpu.memory_space<vmem>>, vector<1x16xf32>,
          %swap3A_509 = vector.shape_cast %swap3A_508 : vector<1x16xf32> to vector<16xf32>
          %swap3A_510 = vector.shape_cast %mul3A_505 : vector<16xf32> to vector<1x16xf32>
          tpu.vector_store %arg10[%swap3A_506, %swap3A_507], %swap3A_510 {strides = array<i32>} : memref<256x128xf32, #tpu.memory_space<vmem>>, vector<1x16xf32>,
          %get3A_511 = arith.index_cast %add3A_466 : i32 to index
          %get3A_512 = arith.constant 64 : index
          %get3A_513 = tpu.vector_load %arg10[%get3A_511, %get3A_512] {strides = array<i32>} : memref<256x128xf32, #tpu.memory_space<vmem>>, vector<1x16xf32>,
          %get3A_514 = vector.shape_cast %get3A_513 : vector<1x16xf32> to vector<16xf32>
          %mul3A_515 = vector.broadcast %squeeze3A_460 : f32 to vector<16xf32>
          %mul3A_516 = arith.mulf %get3A_514, %mul3A_515 : vector<16xf32>
          %swap3A_517 = arith.index_cast %add3A_466 : i32 to index
          %swap3A_518 = arith.constant 64 : index
          %swap3A_519 = tpu.vector_load %arg10[%swap3A_517, %swap3A_518] {strides = array<i32>} : memref<256x128xf32, #tpu.memory_space<vmem>>, vector<1x16xf32>,
          %swap3A_520 = vector.shape_cast %swap3A_519 : vector<1x16xf32> to vector<16xf32>
          %swap3A_521 = vector.shape_cast %mul3A_516 : vector<16xf32> to vector<1x16xf32>
          tpu.vector_store %arg10[%swap3A_517, %swap3A_518], %swap3A_521 {strides = array<i32>} : memref<256x128xf32, #tpu.memory_space<vmem>>, vector<1x16xf32>,
          %get3A_522 = arith.index_cast %add3A_466 : i32 to index
          %get3A_523 = arith.constant 80 : index
          %get3A_524 = tpu.vector_load %arg10[%get3A_522, %get3A_523] {strides = array<i32>} : memref<256x128xf32, #tpu.memory_space<vmem>>, vector<1x16xf32>,
          %get3A_525 = vector.shape_cast %get3A_524 : vector<1x16xf32> to vector<16xf32>
          %mul3A_526 = vector.broadcast %squeeze3A_460 : f32 to vector<16xf32>
          %mul3A_527 = arith.mulf %get3A_525, %mul3A_526 : vector<16xf32>
          %swap3A_528 = arith.index_cast %add3A_466 : i32 to index
          %swap3A_529 = arith.constant 80 : index
          %swap3A_530 = tpu.vector_load %arg10[%swap3A_528, %swap3A_529] {strides = array<i32>} : memref<256x128xf32, #tpu.memory_space<vmem>>, vector<1x16xf32>,
          %swap3A_531 = vector.shape_cast %swap3A_530 : vector<1x16xf32> to vector<16xf32>
          %swap3A_532 = vector.shape_cast %mul3A_527 : vector<16xf32> to vector<1x16xf32>
          tpu.vector_store %arg10[%swap3A_528, %swap3A_529], %swap3A_532 {strides = array<i32>} : memref<256x128xf32, #tpu.memory_space<vmem>>, vector<1x16xf32>,
          %get3A_533 = arith.index_cast %add3A_466 : i32 to index
          %get3A_534 = arith.constant 96 : index
          %get3A_535 = tpu.vector_load %arg10[%get3A_533, %get3A_534] {strides = array<i32>} : memref<256x128xf32, #tpu.memory_space<vmem>>, vector<1x16xf32>,
          %get3A_536 = vector.shape_cast %get3A_535 : vector<1x16xf32> to vector<16xf32>
          %mul3A_537 = vector.broadcast %squeeze3A_460 : f32 to vector<16xf32>
          %mul3A_538 = arith.mulf %get3A_536, %mul3A_537 : vector<16xf32>
          %swap3A_539 = arith.index_cast %add3A_466 : i32 to index
          %swap3A_540 = arith.constant 96 : index
          %swap3A_541 = tpu.vector_load %arg10[%swap3A_539, %swap3A_540] {strides = array<i32>} : memref<256x128xf32, #tpu.memory_space<vmem>>, vector<1x16xf32>,
          %swap3A_542 = vector.shape_cast %swap3A_541 : vector<1x16xf32> to vector<16xf32>
          %swap3A_543 = vector.shape_cast %mul3A_538 : vector<16xf32> to vector<1x16xf32>
          tpu.vector_store %arg10[%swap3A_539, %swap3A_540], %swap3A_543 {strides = array<i32>} : memref<256x128xf32, #tpu.memory_space<vmem>>, vector<1x16xf32>,
          %get3A_544 = arith.index_cast %add3A_466 : i32 to index
          %get3A_545 = arith.constant 112 : index
          %get3A_546 = tpu.vector_load %arg10[%get3A_544, %get3A_545] {strides = array<i32>} : memref<256x128xf32, #tpu.memory_space<vmem>>, vector<1x16xf32>,
          %get3A_547 = vector.shape_cast %get3A_546 : vector<1x16xf32> to vector<16xf32>
          %mul3A_548 = vector.broadcast %squeeze3A_460 : f32 to vector<16xf32>
          %mul3A_549 = arith.mulf %get3A_547, %mul3A_548 : vector<16xf32>
          %swap3A_550 = arith.index_cast %add3A_466 : i32 to index
          %swap3A_551 = arith.constant 112 : index
          %swap3A_552 = tpu.vector_load %arg10[%swap3A_550, %swap3A_551] {strides = array<i32>} : memref<256x128xf32, #tpu.memory_space<vmem>>, vector<1x16xf32>,
          %swap3A_553 = vector.shape_cast %swap3A_552 : vector<1x16xf32> to vector<16xf32>
          %swap3A_554 = vector.shape_cast %mul3A_549 : vector<16xf32> to vector<1x16xf32>
          tpu.vector_store %arg10[%swap3A_550, %swap3A_551], %swap3A_554 {strides = array<i32>} : memref<256x128xf32, #tpu.memory_space<vmem>>, vector<1x16xf32>,
          %slice3A_555 = vector.extract_strided_slice %get3A_173 {offsets = [4], sizes = [1], strides = [1]} : vector<16xf32> to vector<1xf32>
          %squeeze3A_556 = vector.extract %slice3A_555[0] : f32 from vector<1xf32>
          %mul3A_557 = arith.constant 16 : i32
          %mul3A_558 = arith.muli %scan3A_164, %mul3A_557 : i32
          %add3A_559 = arith.constant 0 : i32
          %add3A_560 = arith.addi %add3A_559, %mul3A_558 : i32
          %add3A_561 = arith.constant 4 : i32
          %add3A_562 = arith.addi %add3A_560, %add3A_561 : i32
          %get3A_563 = arith.index_cast %add3A_562 : i32 to index
          %get3A_564 = arith.constant 0 : index
          %get3A_565 = tpu.vector_load %arg10[%get3A_563, %get3A_564] {strides = array<i32>} : memref<256x128xf32, #tpu.memory_space<vmem>>, vector<1x16xf32>,
          %get3A_566 = vector.shape_cast %get3A_565 : vector<1x16xf32> to vector<16xf32>
          %mul3A_567 = vector.broadcast %squeeze3A_556 : f32 to vector<16xf32>
          %mul3A_568 = arith.mulf %get3A_566, %mul3A_567 : vector<16xf32>
          %swap3A_569 = arith.index_cast %add3A_562 : i32 to index
          %swap3A_570 = arith.constant 0 : index
          %swap3A_571 = tpu.vector_load %arg10[%swap3A_569, %swap3A_570] {strides = array<i32>} : memref<256x128xf32, #tpu.memory_space<vmem>>, vector<1x16xf32>,
          %swap3A_572 = vector.shape_cast %swap3A_571 : vector<1x16xf32> to vector<16xf32>
          %swap3A_573 = vector.shape_cast %mul3A_568 : vector<16xf32> to vector<1x16xf32>
          tpu.vector_store %arg10[%swap3A_569, %swap3A_570], %swap3A_573 {strides = array<i32>} : memref<256x128xf32, #tpu.memory_space<vmem>>, vector<1x16xf32>,
          %get3A_574 = arith.index_cast %add3A_562 : i32 to index
          %get3A_575 = arith.constant 16 : index
          %get3A_576 = tpu.vector_load %arg10[%get3A_574, %get3A_575] {strides = array<i32>} : memref<256x128xf32, #tpu.memory_space<vmem>>, vector<1x16xf32>,
          %get3A_577 = vector.shape_cast %get3A_576 : vector<1x16xf32> to vector<16xf32>
          %mul3A_578 = vector.broadcast %squeeze3A_556 : f32 to vector<16xf32>
          %mul3A_579 = arith.mulf %get3A_577, %mul3A_578 : vector<16xf32>
          %swap3A_580 = arith.index_cast %add3A_562 : i32 to index
          %swap3A_581 = arith.constant 16 : index
          %swap3A_582 = tpu.vector_load %arg10[%swap3A_580, %swap3A_581] {strides = array<i32>} : memref<256x128xf32, #tpu.memory_space<vmem>>, vector<1x16xf32>,
          %swap3A_583 = vector.shape_cast %swap3A_582 : vector<1x16xf32> to vector<16xf32>
          %swap3A_584 = vector.shape_cast %mul3A_579 : vector<16xf32> to vector<1x16xf32>
          tpu.vector_store %arg10[%swap3A_580, %swap3A_581], %swap3A_584 {strides = array<i32>} : memref<256x128xf32, #tpu.memory_space<vmem>>, vector<1x16xf32>,
          %get3A_585 = arith.index_cast %add3A_562 : i32 to index
          %get3A_586 = arith.constant 32 : index
          %get3A_587 = tpu.vector_load %arg10[%get3A_585, %get3A_586] {strides = array<i32>} : memref<256x128xf32, #tpu.memory_space<vmem>>, vector<1x16xf32>,
          %get3A_588 = vector.shape_cast %get3A_587 : vector<1x16xf32> to vector<16xf32>
          %mul3A_589 = vector.broadcast %squeeze3A_556 : f32 to vector<16xf32>
          %mul3A_590 = arith.mulf %get3A_588, %mul3A_589 : vector<16xf32>
          %swap3A_591 = arith.index_cast %add3A_562 : i32 to index
          %swap3A_592 = arith.constant 32 : index
          %swap3A_593 = tpu.vector_load %arg10[%swap3A_591, %swap3A_592] {strides = array<i32>} : memref<256x128xf32, #tpu.memory_space<vmem>>, vector<1x16xf32>,
          %swap3A_594 = vector.shape_cast %swap3A_593 : vector<1x16xf32> to vector<16xf32>
          %swap3A_595 = vector.shape_cast %mul3A_590 : vector<16xf32> to vector<1x16xf32>
          tpu.vector_store %arg10[%swap3A_591, %swap3A_592], %swap3A_595 {strides = array<i32>} : memref<256x128xf32, #tpu.memory_space<vmem>>, vector<1x16xf32>,
          %get3A_596 = arith.index_cast %add3A_562 : i32 to index
          %get3A_597 = arith.constant 48 : index
          %get3A_598 = tpu.vector_load %arg10[%get3A_596, %get3A_597] {strides = array<i32>} : memref<256x128xf32, #tpu.memory_space<vmem>>, vector<1x16xf32>,
          %get3A_599 = vector.shape_cast %get3A_598 : vector<1x16xf32> to vector<16xf32>
          %mul3A_600 = vector.broadcast %squeeze3A_556 : f32 to vector<16xf32>
          %mul3A_601 = arith.mulf %get3A_599, %mul3A_600 : vector<16xf32>
          %swap3A_602 = arith.index_cast %add3A_562 : i32 to index
          %swap3A_603 = arith.constant 48 : index
          %swap3A_604 = tpu.vector_load %arg10[%swap3A_602, %swap3A_603] {strides = array<i32>} : memref<256x128xf32, #tpu.memory_space<vmem>>, vector<1x16xf32>,
          %swap3A_605 = vector.shape_cast %swap3A_604 : vector<1x16xf32> to vector<16xf32>
          %swap3A_606 = vector.shape_cast %mul3A_601 : vector<16xf32> to vector<1x16xf32>
          tpu.vector_store %arg10[%swap3A_602, %swap3A_603], %swap3A_606 {strides = array<i32>} : memref<256x128xf32, #tpu.memory_space<vmem>>, vector<1x16xf32>,
          %get3A_607 = arith.index_cast %add3A_562 : i32 to index
          %get3A_608 = arith.constant 64 : index
          %get3A_609 = tpu.vector_load %arg10[%get3A_607, %get3A_608] {strides = array<i32>} : memref<256x128xf32, #tpu.memory_space<vmem>>, vector<1x16xf32>,
          %get3A_610 = vector.shape_cast %get3A_609 : vector<1x16xf32> to vector<16xf32>
          %mul3A_611 = vector.broadcast %squeeze3A_556 : f32 to vector<16xf32>
          %mul3A_612 = arith.mulf %get3A_610, %mul3A_611 : vector<16xf32>
          %swap3A_613 = arith.index_cast %add3A_562 : i32 to index
          %swap3A_614 = arith.constant 64 : index
          %swap3A_615 = tpu.vector_load %arg10[%swap3A_613, %swap3A_614] {strides = array<i32>} : memref<256x128xf32, #tpu.memory_space<vmem>>, vector<1x16xf32>,
          %swap3A_616 = vector.shape_cast %swap3A_615 : vector<1x16xf32> to vector<16xf32>
          %swap3A_617 = vector.shape_cast %mul3A_612 : vector<16xf32> to vector<1x16xf32>
          tpu.vector_store %arg10[%swap3A_613, %swap3A_614], %swap3A_617 {strides = array<i32>} : memref<256x128xf32, #tpu.memory_space<vmem>>, vector<1x16xf32>,
          %get3A_618 = arith.index_cast %add3A_562 : i32 to index
          %get3A_619 = arith.constant 80 : index
          %get3A_620 = tpu.vector_load %arg10[%get3A_618, %get3A_619] {strides = array<i32>} : memref<256x128xf32, #tpu.memory_space<vmem>>, vector<1x16xf32>,
          %get3A_621 = vector.shape_cast %get3A_620 : vector<1x16xf32> to vector<16xf32>
          %mul3A_622 = vector.broadcast %squeeze3A_556 : f32 to vector<16xf32>
          %mul3A_623 = arith.mulf %get3A_621, %mul3A_622 : vector<16xf32>
          %swap3A_624 = arith.index_cast %add3A_562 : i32 to index
          %swap3A_625 = arith.constant 80 : index
          %swap3A_626 = tpu.vector_load %arg10[%swap3A_624, %swap3A_625] {strides = array<i32>} : memref<256x128xf32, #tpu.memory_space<vmem>>, vector<1x16xf32>,
          %swap3A_627 = vector.shape_cast %swap3A_626 : vector<1x16xf32> to vector<16xf32>
          %swap3A_628 = vector.shape_cast %mul3A_623 : vector<16xf32> to vector<1x16xf32>
          tpu.vector_store %arg10[%swap3A_624, %swap3A_625], %swap3A_628 {strides = array<i32>} : memref<256x128xf32, #tpu.memory_space<vmem>>, vector<1x16xf32>,
          %get3A_629 = arith.index_cast %add3A_562 : i32 to index
          %get3A_630 = arith.constant 96 : index
          %get3A_631 = tpu.vector_load %arg10[%get3A_629, %get3A_630] {strides = array<i32>} : memref<256x128xf32, #tpu.memory_space<vmem>>, vector<1x16xf32>,
          %get3A_632 = vector.shape_cast %get3A_631 : vector<1x16xf32> to vector<16xf32>
          %mul3A_633 = vector.broadcast %squeeze3A_556 : f32 to vector<16xf32>
          %mul3A_634 = arith.mulf %get3A_632, %mul3A_633 : vector<16xf32>
          %swap3A_635 = arith.index_cast %add3A_562 : i32 to index
          %swap3A_636 = arith.constant 96 : index
          %swap3A_637 = tpu.vector_load %arg10[%swap3A_635, %swap3A_636] {strides = array<i32>} : memref<256x128xf32, #tpu.memory_space<vmem>>, vector<1x16xf32>,
          %swap3A_638 = vector.shape_cast %swap3A_637 : vector<1x16xf32> to vector<16xf32>
          %swap3A_639 = vector.shape_cast %mul3A_634 : vector<16xf32> to vector<1x16xf32>
          tpu.vector_store %arg10[%swap3A_635, %swap3A_636], %swap3A_639 {strides = array<i32>} : memref<256x128xf32, #tpu.memory_space<vmem>>, vector<1x16xf32>,
          %get3A_640 = arith.index_cast %add3A_562 : i32 to index
          %get3A_641 = arith.constant 112 : index
          %get3A_642 = tpu.vector_load %arg10[%get3A_640, %get3A_641] {strides = array<i32>} : memref<256x128xf32, #tpu.memory_space<vmem>>, vector<1x16xf32>,
          %get3A_643 = vector.shape_cast %get3A_642 : vector<1x16xf32> to vector<16xf32>
          %mul3A_644 = vector.broadcast %squeeze3A_556 : f32 to vector<16xf32>
          %mul3A_645 = arith.mulf %get3A_643, %mul3A_644 : vector<16xf32>
          %swap3A_646 = arith.index_cast %add3A_562 : i32 to index
          %swap3A_647 = arith.constant 112 : index
          %swap3A_648 = tpu.vector_load %arg10[%swap3A_646, %swap3A_647] {strides = array<i32>} : memref<256x128xf32, #tpu.memory_space<vmem>>, vector<1x16xf32>,
          %swap3A_649 = vector.shape_cast %swap3A_648 : vector<1x16xf32> to vector<16xf32>
          %swap3A_650 = vector.shape_cast %mul3A_645 : vector<16xf32> to vector<1x16xf32>
          tpu.vector_store %arg10[%swap3A_646, %swap3A_647], %swap3A_650 {strides = array<i32>} : memref<256x128xf32, #tpu.memory_space<vmem>>, vector<1x16xf32>,
          %slice3A_651 = vector.extract_strided_slice %get3A_173 {offsets = [5], sizes = [1], strides = [1]} : vector<16xf32> to vector<1xf32>
          %squeeze3A_652 = vector.extract %slice3A_651[0] : f32 from vector<1xf32>
          %mul3A_653 = arith.constant 16 : i32
          %mul3A_654 = arith.muli %scan3A_164, %mul3A_653 : i32
          %add3A_655 = arith.constant 0 : i32
          %add3A_656 = arith.addi %add3A_655, %mul3A_654 : i32
          %add3A_657 = arith.constant 5 : i32
          %add3A_658 = arith.addi %add3A_656, %add3A_657 : i32
          %get3A_659 = arith.index_cast %add3A_658 : i32 to index
          %get3A_660 = arith.constant 0 : index
          %get3A_661 = tpu.vector_load %arg10[%get3A_659, %get3A_660] {strides = array<i32>} : memref<256x128xf32, #tpu.memory_space<vmem>>, vector<1x16xf32>,
          %get3A_662 = vector.shape_cast %get3A_661 : vector<1x16xf32> to vector<16xf32>
          %mul3A_663 = vector.broadcast %squeeze3A_652 : f32 to vector<16xf32>
          %mul3A_664 = arith.mulf %get3A_662, %mul3A_663 : vector<16xf32>
          %swap3A_665 = arith.index_cast %add3A_658 : i32 to index
          %swap3A_666 = arith.constant 0 : index
          %swap3A_667 = tpu.vector_load %arg10[%swap3A_665, %swap3A_666] {strides = array<i32>} : memref<256x128xf32, #tpu.memory_space<vmem>>, vector<1x16xf32>,
          %swap3A_668 = vector.shape_cast %swap3A_667 : vector<1x16xf32> to vector<16xf32>
          %swap3A_669 = vector.shape_cast %mul3A_664 : vector<16xf32> to vector<1x16xf32>
          tpu.vector_store %arg10[%swap3A_665, %swap3A_666], %swap3A_669 {strides = array<i32>} : memref<256x128xf32, #tpu.memory_space<vmem>>, vector<1x16xf32>,
          %get3A_670 = arith.index_cast %add3A_658 : i32 to index
          %get3A_671 = arith.constant 16 : index
          %get3A_672 = tpu.vector_load %arg10[%get3A_670, %get3A_671] {strides = array<i32>} : memref<256x128xf32, #tpu.memory_space<vmem>>, vector<1x16xf32>,
          %get3A_673 = vector.shape_cast %get3A_672 : vector<1x16xf32> to vector<16xf32>
          %mul3A_674 = vector.broadcast %squeeze3A_652 : f32 to vector<16xf32>
          %mul3A_675 = arith.mulf %get3A_673, %mul3A_674 : vector<16xf32>
          %swap3A_676 = arith.index_cast %add3A_658 : i32 to index
          %swap3A_677 = arith.constant 16 : index
          %swap3A_678 = tpu.vector_load %arg10[%swap3A_676, %swap3A_677] {strides = array<i32>} : memref<256x128xf32, #tpu.memory_space<vmem>>, vector<1x16xf32>,
          %swap3A_679 = vector.shape_cast %swap3A_678 : vector<1x16xf32> to vector<16xf32>
          %swap3A_680 = vector.shape_cast %mul3A_675 : vector<16xf32> to vector<1x16xf32>
          tpu.vector_store %arg10[%swap3A_676, %swap3A_677], %swap3A_680 {strides = array<i32>} : memref<256x128xf32, #tpu.memory_space<vmem>>, vector<1x16xf32>,
          %get3A_681 = arith.index_cast %add3A_658 : i32 to index
          %get3A_682 = arith.constant 32 : index
          %get3A_683 = tpu.vector_load %arg10[%get3A_681, %get3A_682] {strides = array<i32>} : memref<256x128xf32, #tpu.memory_space<vmem>>, vector<1x16xf32>,
          %get3A_684 = vector.shape_cast %get3A_683 : vector<1x16xf32> to vector<16xf32>
          %mul3A_685 = vector.broadcast %squeeze3A_652 : f32 to vector<16xf32>
          %mul3A_686 = arith.mulf %get3A_684, %mul3A_685 : vector<16xf32>
          %swap3A_687 = arith.index_cast %add3A_658 : i32 to index
          %swap3A_688 = arith.constant 32 : index
          %swap3A_689 = tpu.vector_load %arg10[%swap3A_687, %swap3A_688] {strides = array<i32>} : memref<256x128xf32, #tpu.memory_space<vmem>>, vector<1x16xf32>,
          %swap3A_690 = vector.shape_cast %swap3A_689 : vector<1x16xf32> to vector<16xf32>
          %swap3A_691 = vector.shape_cast %mul3A_686 : vector<16xf32> to vector<1x16xf32>
          tpu.vector_store %arg10[%swap3A_687, %swap3A_688], %swap3A_691 {strides = array<i32>} : memref<256x128xf32, #tpu.memory_space<vmem>>, vector<1x16xf32>,
          %get3A_692 = arith.index_cast %add3A_658 : i32 to index
          %get3A_693 = arith.constant 48 : index
          %get3A_694 = tpu.vector_load %arg10[%get3A_692, %get3A_693] {strides = array<i32>} : memref<256x128xf32, #tpu.memory_space<vmem>>, vector<1x16xf32>,
          %get3A_695 = vector.shape_cast %get3A_694 : vector<1x16xf32> to vector<16xf32>
          %mul3A_696 = vector.broadcast %squeeze3A_652 : f32 to vector<16xf32>
          %mul3A_697 = arith.mulf %get3A_695, %mul3A_696 : vector<16xf32>
          %swap3A_698 = arith.index_cast %add3A_658 : i32 to index
          %swap3A_699 = arith.constant 48 : index
          %swap3A_700 = tpu.vector_load %arg10[%swap3A_698, %swap3A_699] {strides = array<i32>} : memref<256x128xf32, #tpu.memory_space<vmem>>, vector<1x16xf32>,
          %swap3A_701 = vector.shape_cast %swap3A_700 : vector<1x16xf32> to vector<16xf32>
          %swap3A_702 = vector.shape_cast %mul3A_697 : vector<16xf32> to vector<1x16xf32>
          tpu.vector_store %arg10[%swap3A_698, %swap3A_699], %swap3A_702 {strides = array<i32>} : memref<256x128xf32, #tpu.memory_space<vmem>>, vector<1x16xf32>,
          %get3A_703 = arith.index_cast %add3A_658 : i32 to index
          %get3A_704 = arith.constant 64 : index
          %get3A_705 = tpu.vector_load %arg10[%get3A_703, %get3A_704] {strides = array<i32>} : memref<256x128xf32, #tpu.memory_space<vmem>>, vector<1x16xf32>,
          %get3A_706 = vector.shape_cast %get3A_705 : vector<1x16xf32> to vector<16xf32>
          %mul3A_707 = vector.broadcast %squeeze3A_652 : f32 to vector<16xf32>
          %mul3A_708 = arith.mulf %get3A_706, %mul3A_707 : vector<16xf32>
          %swap3A_709 = arith.index_cast %add3A_658 : i32 to index
          %swap3A_710 = arith.constant 64 : index
          %swap3A_711 = tpu.vector_load %arg10[%swap3A_709, %swap3A_710] {strides = array<i32>} : memref<256x128xf32, #tpu.memory_space<vmem>>, vector<1x16xf32>,
          %swap3A_712 = vector.shape_cast %swap3A_711 : vector<1x16xf32> to vector<16xf32>
          %swap3A_713 = vector.shape_cast %mul3A_708 : vector<16xf32> to vector<1x16xf32>
          tpu.vector_store %arg10[%swap3A_709, %swap3A_710], %swap3A_713 {strides = array<i32>} : memref<256x128xf32, #tpu.memory_space<vmem>>, vector<1x16xf32>,
          %get3A_714 = arith.index_cast %add3A_658 : i32 to index
          %get3A_715 = arith.constant 80 : index
          %get3A_716 = tpu.vector_load %arg10[%get3A_714, %get3A_715] {strides = array<i32>} : memref<256x128xf32, #tpu.memory_space<vmem>>, vector<1x16xf32>,
          %get3A_717 = vector.shape_cast %get3A_716 : vector<1x16xf32> to vector<16xf32>
          %mul3A_718 = vector.broadcast %squeeze3A_652 : f32 to vector<16xf32>
          %mul3A_719 = arith.mulf %get3A_717, %mul3A_718 : vector<16xf32>
          %swap3A_720 = arith.index_cast %add3A_658 : i32 to index
          %swap3A_721 = arith.constant 80 : index
          %swap3A_722 = tpu.vector_load %arg10[%swap3A_720, %swap3A_721] {strides = array<i32>} : memref<256x128xf32, #tpu.memory_space<vmem>>, vector<1x16xf32>,
          %swap3A_723 = vector.shape_cast %swap3A_722 : vector<1x16xf32> to vector<16xf32>
          %swap3A_724 = vector.shape_cast %mul3A_719 : vector<16xf32> to vector<1x16xf32>
          tpu.vector_store %arg10[%swap3A_720, %swap3A_721], %swap3A_724 {strides = array<i32>} : memref<256x128xf32, #tpu.memory_space<vmem>>, vector<1x16xf32>,
          %get3A_725 = arith.index_cast %add3A_658 : i32 to index
          %get3A_726 = arith.constant 96 : index
          %get3A_727 = tpu.vector_load %arg10[%get3A_725, %get3A_726] {strides = array<i32>} : memref<256x128xf32, #tpu.memory_space<vmem>>, vector<1x16xf32>,
          %get3A_728 = vector.shape_cast %get3A_727 : vector<1x16xf32> to vector<16xf32>
          %mul3A_729 = vector.broadcast %squeeze3A_652 : f32 to vector<16xf32>
          %mul3A_730 = arith.mulf %get3A_728, %mul3A_729 : vector<16xf32>
          %swap3A_731 = arith.index_cast %add3A_658 : i32 to index
          %swap3A_732 = arith.constant 96 : index
          %swap3A_733 = tpu.vector_load %arg10[%swap3A_731, %swap3A_732] {strides = array<i32>} : memref<256x128xf32, #tpu.memory_space<vmem>>, vector<1x16xf32>,
          %swap3A_734 = vector.shape_cast %swap3A_733 : vector<1x16xf32> to vector<16xf32>
          %swap3A_735 = vector.shape_cast %mul3A_730 : vector<16xf32> to vector<1x16xf32>
          tpu.vector_store %arg10[%swap3A_731, %swap3A_732], %swap3A_735 {strides = array<i32>} : memref<256x128xf32, #tpu.memory_space<vmem>>, vector<1x16xf32>,
          %get3A_736 = arith.index_cast %add3A_658 : i32 to index
          %get3A_737 = arith.constant 112 : index
          %get3A_738 = tpu.vector_load %arg10[%get3A_736, %get3A_737] {strides = array<i32>} : memref<256x128xf32, #tpu.memory_space<vmem>>, vector<1x16xf32>,
          %get3A_739 = vector.shape_cast %get3A_738 : vector<1x16xf32> to vector<16xf32>
          %mul3A_740 = vector.broadcast %squeeze3A_652 : f32 to vector<16xf32>
          %mul3A_741 = arith.mulf %get3A_739, %mul3A_740 : vector<16xf32>
          %swap3A_742 = arith.index_cast %add3A_658 : i32 to index
          %swap3A_743 = arith.constant 112 : index
          %swap3A_744 = tpu.vector_load %arg10[%swap3A_742, %swap3A_743] {strides = array<i32>} : memref<256x128xf32, #tpu.memory_space<vmem>>, vector<1x16xf32>,
          %swap3A_745 = vector.shape_cast %swap3A_744 : vector<1x16xf32> to vector<16xf32>
          %swap3A_746 = vector.shape_cast %mul3A_741 : vector<16xf32> to vector<1x16xf32>
          tpu.vector_store %arg10[%swap3A_742, %swap3A_743], %swap3A_746 {strides = array<i32>} : memref<256x128xf32, #tpu.memory_space<vmem>>, vector<1x16xf32>,
          %slice3A_747 = vector.extract_strided_slice %get3A_173 {offsets = [6], sizes = [1], strides = [1]} : vector<16xf32> to vector<1xf32>
          %squeeze3A_748 = vector.extract %slice3A_747[0] : f32 from vector<1xf32>
          %mul3A_749 = arith.constant 16 : i32
          %mul3A_750 = arith.muli %scan3A_164, %mul3A_749 : i32
          %add3A_751 = arith.constant 0 : i32
          %add3A_752 = arith.addi %add3A_751, %mul3A_750 : i32
          %add3A_753 = arith.constant 6 : i32
          %add3A_754 = arith.addi %add3A_752, %add3A_753 : i32
          %get3A_755 = arith.index_cast %add3A_754 : i32 to index
          %get3A_756 = arith.constant 0 : index
          %get3A_757 = tpu.vector_load %arg10[%get3A_755, %get3A_756] {strides = array<i32>} : memref<256x128xf32, #tpu.memory_space<vmem>>, vector<1x16xf32>,
          %get3A_758 = vector.shape_cast %get3A_757 : vector<1x16xf32> to vector<16xf32>
          %mul3A_759 = vector.broadcast %squeeze3A_748 : f32 to vector<16xf32>
          %mul3A_760 = arith.mulf %get3A_758, %mul3A_759 : vector<16xf32>
          %swap3A_761 = arith.index_cast %add3A_754 : i32 to index
          %swap3A_762 = arith.constant 0 : index
          %swap3A_763 = tpu.vector_load %arg10[%swap3A_761, %swap3A_762] {strides = array<i32>} : memref<256x128xf32, #tpu.memory_space<vmem>>, vector<1x16xf32>,
          %swap3A_764 = vector.shape_cast %swap3A_763 : vector<1x16xf32> to vector<16xf32>
          %swap3A_765 = vector.shape_cast %mul3A_760 : vector<16xf32> to vector<1x16xf32>
          tpu.vector_store %arg10[%swap3A_761, %swap3A_762], %swap3A_765 {strides = array<i32>} : memref<256x128xf32, #tpu.memory_space<vmem>>, vector<1x16xf32>,
          %get3A_766 = arith.index_cast %add3A_754 : i32 to index
          %get3A_767 = arith.constant 16 : index
          %get3A_768 = tpu.vector_load %arg10[%get3A_766, %get3A_767] {strides = array<i32>} : memref<256x128xf32, #tpu.memory_space<vmem>>, vector<1x16xf32>,
          %get3A_769 = vector.shape_cast %get3A_768 : vector<1x16xf32> to vector<16xf32>
          %mul3A_770 = vector.broadcast %squeeze3A_748 : f32 to vector<16xf32>
          %mul3A_771 = arith.mulf %get3A_769, %mul3A_770 : vector<16xf32>
          %swap3A_772 = arith.index_cast %add3A_754 : i32 to index
          %swap3A_773 = arith.constant 16 : index
          %swap3A_774 = tpu.vector_load %arg10[%swap3A_772, %swap3A_773] {strides = array<i32>} : memref<256x128xf32, #tpu.memory_space<vmem>>, vector<1x16xf32>,
          %swap3A_775 = vector.shape_cast %swap3A_774 : vector<1x16xf32> to vector<16xf32>
          %swap3A_776 = vector.shape_cast %mul3A_771 : vector<16xf32> to vector<1x16xf32>
          tpu.vector_store %arg10[%swap3A_772, %swap3A_773], %swap3A_776 {strides = array<i32>} : memref<256x128xf32, #tpu.memory_space<vmem>>, vector<1x16xf32>,
          %get3A_777 = arith.index_cast %add3A_754 : i32 to index
          %get3A_778 = arith.constant 32 : index
          %get3A_779 = tpu.vector_load %arg10[%get3A_777, %get3A_778] {strides = array<i32>} : memref<256x128xf32, #tpu.memory_space<vmem>>, vector<1x16xf32>,
          %get3A_780 = vector.shape_cast %get3A_779 : vector<1x16xf32> to vector<16xf32>
          %mul3A_781 = vector.broadcast %squeeze3A_748 : f32 to vector<16xf32>
          %mul3A_782 = arith.mulf %get3A_780, %mul3A_781 : vector<16xf32>
          %swap3A_783 = arith.index_cast %add3A_754 : i32 to index
          %swap3A_784 = arith.constant 32 : index
          %swap3A_785 = tpu.vector_load %arg10[%swap3A_783, %swap3A_784] {strides = array<i32>} : memref<256x128xf32, #tpu.memory_space<vmem>>, vector<1x16xf32>,
          %swap3A_786 = vector.shape_cast %swap3A_785 : vector<1x16xf32> to vector<16xf32>
          %swap3A_787 = vector.shape_cast %mul3A_782 : vector<16xf32> to vector<1x16xf32>
          tpu.vector_store %arg10[%swap3A_783, %swap3A_784], %swap3A_787 {strides = array<i32>} : memref<256x128xf32, #tpu.memory_space<vmem>>, vector<1x16xf32>,
          %get3A_788 = arith.index_cast %add3A_754 : i32 to index
          %get3A_789 = arith.constant 48 : index
          %get3A_790 = tpu.vector_load %arg10[%get3A_788, %get3A_789] {strides = array<i32>} : memref<256x128xf32, #tpu.memory_space<vmem>>, vector<1x16xf32>,
          %get3A_791 = vector.shape_cast %get3A_790 : vector<1x16xf32> to vector<16xf32>
          %mul3A_792 = vector.broadcast %squeeze3A_748 : f32 to vector<16xf32>
          %mul3A_793 = arith.mulf %get3A_791, %mul3A_792 : vector<16xf32>
          %swap3A_794 = arith.index_cast %add3A_754 : i32 to index
          %swap3A_795 = arith.constant 48 : index
          %swap3A_796 = tpu.vector_load %arg10[%swap3A_794, %swap3A_795] {strides = array<i32>} : memref<256x128xf32, #tpu.memory_space<vmem>>, vector<1x16xf32>,
          %swap3A_797 = vector.shape_cast %swap3A_796 : vector<1x16xf32> to vector<16xf32>
          %swap3A_798 = vector.shape_cast %mul3A_793 : vector<16xf32> to vector<1x16xf32>
          tpu.vector_store %arg10[%swap3A_794, %swap3A_795], %swap3A_798 {strides = array<i32>} : memref<256x128xf32, #tpu.memory_space<vmem>>, vector<1x16xf32>,
          %get3A_799 = arith.index_cast %add3A_754 : i32 to index
          %get3A_800 = arith.constant 64 : index
          %get3A_801 = tpu.vector_load %arg10[%get3A_799, %get3A_800] {strides = array<i32>} : memref<256x128xf32, #tpu.memory_space<vmem>>, vector<1x16xf32>,
          %get3A_802 = vector.shape_cast %get3A_801 : vector<1x16xf32> to vector<16xf32>
          %mul3A_803 = vector.broadcast %squeeze3A_748 : f32 to vector<16xf32>
          %mul3A_804 = arith.mulf %get3A_802, %mul3A_803 : vector<16xf32>
          %swap3A_805 = arith.index_cast %add3A_754 : i32 to index
          %swap3A_806 = arith.constant 64 : index
          %swap3A_807 = tpu.vector_load %arg10[%swap3A_805, %swap3A_806] {strides = array<i32>} : memref<256x128xf32, #tpu.memory_space<vmem>>, vector<1x16xf32>,
          %swap3A_808 = vector.shape_cast %swap3A_807 : vector<1x16xf32> to vector<16xf32>
          %swap3A_809 = vector.shape_cast %mul3A_804 : vector<16xf32> to vector<1x16xf32>
          tpu.vector_store %arg10[%swap3A_805, %swap3A_806], %swap3A_809 {strides = array<i32>} : memref<256x128xf32, #tpu.memory_space<vmem>>, vector<1x16xf32>,
          %get3A_810 = arith.index_cast %add3A_754 : i32 to index
          %get3A_811 = arith.constant 80 : index
          %get3A_812 = tpu.vector_load %arg10[%get3A_810, %get3A_811] {strides = array<i32>} : memref<256x128xf32, #tpu.memory_space<vmem>>, vector<1x16xf32>,
          %get3A_813 = vector.shape_cast %get3A_812 : vector<1x16xf32> to vector<16xf32>
          %mul3A_814 = vector.broadcast %squeeze3A_748 : f32 to vector<16xf32>
          %mul3A_815 = arith.mulf %get3A_813, %mul3A_814 : vector<16xf32>
          %swap3A_816 = arith.index_cast %add3A_754 : i32 to index
          %swap3A_817 = arith.constant 80 : index
          %swap3A_818 = tpu.vector_load %arg10[%swap3A_816, %swap3A_817] {strides = array<i32>} : memref<256x128xf32, #tpu.memory_space<vmem>>, vector<1x16xf32>,
          %swap3A_819 = vector.shape_cast %swap3A_818 : vector<1x16xf32> to vector<16xf32>
          %swap3A_820 = vector.shape_cast %mul3A_815 : vector<16xf32> to vector<1x16xf32>
          tpu.vector_store %arg10[%swap3A_816, %swap3A_817], %swap3A_820 {strides = array<i32>} : memref<256x128xf32, #tpu.memory_space<vmem>>, vector<1x16xf32>,
          %get3A_821 = arith.index_cast %add3A_754 : i32 to index
          %get3A_822 = arith.constant 96 : index
          %get3A_823 = tpu.vector_load %arg10[%get3A_821, %get3A_822] {strides = array<i32>} : memref<256x128xf32, #tpu.memory_space<vmem>>, vector<1x16xf32>,
          %get3A_824 = vector.shape_cast %get3A_823 : vector<1x16xf32> to vector<16xf32>
          %mul3A_825 = vector.broadcast %squeeze3A_748 : f32 to vector<16xf32>
          %mul3A_826 = arith.mulf %get3A_824, %mul3A_825 : vector<16xf32>
          %swap3A_827 = arith.index_cast %add3A_754 : i32 to index
          %swap3A_828 = arith.constant 96 : index
          %swap3A_829 = tpu.vector_load %arg10[%swap3A_827, %swap3A_828] {strides = array<i32>} : memref<256x128xf32, #tpu.memory_space<vmem>>, vector<1x16xf32>,
          %swap3A_830 = vector.shape_cast %swap3A_829 : vector<1x16xf32> to vector<16xf32>
          %swap3A_831 = vector.shape_cast %mul3A_826 : vector<16xf32> to vector<1x16xf32>
          tpu.vector_store %arg10[%swap3A_827, %swap3A_828], %swap3A_831 {strides = array<i32>} : memref<256x128xf32, #tpu.memory_space<vmem>>, vector<1x16xf32>,
          %get3A_832 = arith.index_cast %add3A_754 : i32 to index
          %get3A_833 = arith.constant 112 : index
          %get3A_834 = tpu.vector_load %arg10[%get3A_832, %get3A_833] {strides = array<i32>} : memref<256x128xf32, #tpu.memory_space<vmem>>, vector<1x16xf32>,
          %get3A_835 = vector.shape_cast %get3A_834 : vector<1x16xf32> to vector<16xf32>
          %mul3A_836 = vector.broadcast %squeeze3A_748 : f32 to vector<16xf32>
          %mul3A_837 = arith.mulf %get3A_835, %mul3A_836 : vector<16xf32>
          %swap3A_838 = arith.index_cast %add3A_754 : i32 to index
          %swap3A_839 = arith.constant 112 : index
          %swap3A_840 = tpu.vector_load %arg10[%swap3A_838, %swap3A_839] {strides = array<i32>} : memref<256x128xf32, #tpu.memory_space<vmem>>, vector<1x16xf32>,
          %swap3A_841 = vector.shape_cast %swap3A_840 : vector<1x16xf32> to vector<16xf32>
          %swap3A_842 = vector.shape_cast %mul3A_837 : vector<16xf32> to vector<1x16xf32>
          tpu.vector_store %arg10[%swap3A_838, %swap3A_839], %swap3A_842 {strides = array<i32>} : memref<256x128xf32, #tpu.memory_space<vmem>>, vector<1x16xf32>,
          %slice3A_843 = vector.extract_strided_slice %get3A_173 {offsets = [7], sizes = [1], strides = [1]} : vector<16xf32> to vector<1xf32>
          %squeeze3A_844 = vector.extract %slice3A_843[0] : f32 from vector<1xf32>
          %mul3A_845 = arith.constant 16 : i32
          %mul3A_846 = arith.muli %scan3A_164, %mul3A_845 : i32
          %add3A_847 = arith.constant 0 : i32
          %add3A_848 = arith.addi %add3A_847, %mul3A_846 : i32
          %add3A_849 = arith.constant 7 : i32
          %add3A_850 = arith.addi %add3A_848, %add3A_849 : i32
          %get3A_851 = arith.index_cast %add3A_850 : i32 to index
          %get3A_852 = arith.constant 0 : index
          %get3A_853 = tpu.vector_load %arg10[%get3A_851, %get3A_852] {strides = array<i32>} : memref<256x128xf32, #tpu.memory_space<vmem>>, vector<1x16xf32>,
          %get3A_854 = vector.shape_cast %get3A_853 : vector<1x16xf32> to vector<16xf32>
          %mul3A_855 = vector.broadcast %squeeze3A_844 : f32 to vector<16xf32>
          %mul3A_856 = arith.mulf %get3A_854, %mul3A_855 : vector<16xf32>
          %swap3A_857 = arith.index_cast %add3A_850 : i32 to index
          %swap3A_858 = arith.constant 0 : index
          %swap3A_859 = tpu.vector_load %arg10[%swap3A_857, %swap3A_858] {strides = array<i32>} : memref<256x128xf32, #tpu.memory_space<vmem>>, vector<1x16xf32>,
          %swap3A_860 = vector.shape_cast %swap3A_859 : vector<1x16xf32> to vector<16xf32>
          %swap3A_861 = vector.shape_cast %mul3A_856 : vector<16xf32> to vector<1x16xf32>
          tpu.vector_store %arg10[%swap3A_857, %swap3A_858], %swap3A_861 {strides = array<i32>} : memref<256x128xf32, #tpu.memory_space<vmem>>, vector<1x16xf32>,
          %get3A_862 = arith.index_cast %add3A_850 : i32 to index
          %get3A_863 = arith.constant 16 : index
          %get3A_864 = tpu.vector_load %arg10[%get3A_862, %get3A_863] {strides = array<i32>} : memref<256x128xf32, #tpu.memory_space<vmem>>, vector<1x16xf32>,
          %get3A_865 = vector.shape_cast %get3A_864 : vector<1x16xf32> to vector<16xf32>
          %mul3A_866 = vector.broadcast %squeeze3A_844 : f32 to vector<16xf32>
          %mul3A_867 = arith.mulf %get3A_865, %mul3A_866 : vector<16xf32>
          %swap3A_868 = arith.index_cast %add3A_850 : i32 to index
          %swap3A_869 = arith.constant 16 : index
          %swap3A_870 = tpu.vector_load %arg10[%swap3A_868, %swap3A_869] {strides = array<i32>} : memref<256x128xf32, #tpu.memory_space<vmem>>, vector<1x16xf32>,
          %swap3A_871 = vector.shape_cast %swap3A_870 : vector<1x16xf32> to vector<16xf32>
          %swap3A_872 = vector.shape_cast %mul3A_867 : vector<16xf32> to vector<1x16xf32>
          tpu.vector_store %arg10[%swap3A_868, %swap3A_869], %swap3A_872 {strides = array<i32>} : memref<256x128xf32, #tpu.memory_space<vmem>>, vector<1x16xf32>,
          %get3A_873 = arith.index_cast %add3A_850 : i32 to index
          %get3A_874 = arith.constant 32 : index
          %get3A_875 = tpu.vector_load %arg10[%get3A_873, %get3A_874] {strides = array<i32>} : memref<256x128xf32, #tpu.memory_space<vmem>>, vector<1x16xf32>,
          %get3A_876 = vector.shape_cast %get3A_875 : vector<1x16xf32> to vector<16xf32>
          %mul3A_877 = vector.broadcast %squeeze3A_844 : f32 to vector<16xf32>
          %mul3A_878 = arith.mulf %get3A_876, %mul3A_877 : vector<16xf32>
          %swap3A_879 = arith.index_cast %add3A_850 : i32 to index
          %swap3A_880 = arith.constant 32 : index
          %swap3A_881 = tpu.vector_load %arg10[%swap3A_879, %swap3A_880] {strides = array<i32>} : memref<256x128xf32, #tpu.memory_space<vmem>>, vector<1x16xf32>,
          %swap3A_882 = vector.shape_cast %swap3A_881 : vector<1x16xf32> to vector<16xf32>
          %swap3A_883 = vector.shape_cast %mul3A_878 : vector<16xf32> to vector<1x16xf32>
          tpu.vector_store %arg10[%swap3A_879, %swap3A_880], %swap3A_883 {strides = array<i32>} : memref<256x128xf32, #tpu.memory_space<vmem>>, vector<1x16xf32>,
          %get3A_884 = arith.index_cast %add3A_850 : i32 to index
          %get3A_885 = arith.constant 48 : index
          %get3A_886 = tpu.vector_load %arg10[%get3A_884, %get3A_885] {strides = array<i32>} : memref<256x128xf32, #tpu.memory_space<vmem>>, vector<1x16xf32>,
          %get3A_887 = vector.shape_cast %get3A_886 : vector<1x16xf32> to vector<16xf32>
          %mul3A_888 = vector.broadcast %squeeze3A_844 : f32 to vector<16xf32>
          %mul3A_889 = arith.mulf %get3A_887, %mul3A_888 : vector<16xf32>
          %swap3A_890 = arith.index_cast %add3A_850 : i32 to index
          %swap3A_891 = arith.constant 48 : index
          %swap3A_892 = tpu.vector_load %arg10[%swap3A_890, %swap3A_891] {strides = array<i32>} : memref<256x128xf32, #tpu.memory_space<vmem>>, vector<1x16xf32>,
          %swap3A_893 = vector.shape_cast %swap3A_892 : vector<1x16xf32> to vector<16xf32>
          %swap3A_894 = vector.shape_cast %mul3A_889 : vector<16xf32> to vector<1x16xf32>
          tpu.vector_store %arg10[%swap3A_890, %swap3A_891], %swap3A_894 {strides = array<i32>} : memref<256x128xf32, #tpu.memory_space<vmem>>, vector<1x16xf32>,
          %get3A_895 = arith.index_cast %add3A_850 : i32 to index
          %get3A_896 = arith.constant 64 : index
          %get3A_897 = tpu.vector_load %arg10[%get3A_895, %get3A_896] {strides = array<i32>} : memref<256x128xf32, #tpu.memory_space<vmem>>, vector<1x16xf32>,
          %get3A_898 = vector.shape_cast %get3A_897 : vector<1x16xf32> to vector<16xf32>
          %mul3A_899 = vector.broadcast %squeeze3A_844 : f32 to vector<16xf32>
          %mul3A_900 = arith.mulf %get3A_898, %mul3A_899 : vector<16xf32>
          %swap3A_901 = arith.index_cast %add3A_850 : i32 to index
          %swap3A_902 = arith.constant 64 : index
          %swap3A_903 = tpu.vector_load %arg10[%swap3A_901, %swap3A_902] {strides = array<i32>} : memref<256x128xf32, #tpu.memory_space<vmem>>, vector<1x16xf32>,
          %swap3A_904 = vector.shape_cast %swap3A_903 : vector<1x16xf32> to vector<16xf32>
          %swap3A_905 = vector.shape_cast %mul3A_900 : vector<16xf32> to vector<1x16xf32>
          tpu.vector_store %arg10[%swap3A_901, %swap3A_902], %swap3A_905 {strides = array<i32>} : memref<256x128xf32, #tpu.memory_space<vmem>>, vector<1x16xf32>,
          %get3A_906 = arith.index_cast %add3A_850 : i32 to index
          %get3A_907 = arith.constant 80 : index
          %get3A_908 = tpu.vector_load %arg10[%get3A_906, %get3A_907] {strides = array<i32>} : memref<256x128xf32, #tpu.memory_space<vmem>>, vector<1x16xf32>,
          %get3A_909 = vector.shape_cast %get3A_908 : vector<1x16xf32> to vector<16xf32>
          %mul3A_910 = vector.broadcast %squeeze3A_844 : f32 to vector<16xf32>
          %mul3A_911 = arith.mulf %get3A_909, %mul3A_910 : vector<16xf32>
          %swap3A_912 = arith.index_cast %add3A_850 : i32 to index
          %swap3A_913 = arith.constant 80 : index
          %swap3A_914 = tpu.vector_load %arg10[%swap3A_912, %swap3A_913] {strides = array<i32>} : memref<256x128xf32, #tpu.memory_space<vmem>>, vector<1x16xf32>,
          %swap3A_915 = vector.shape_cast %swap3A_914 : vector<1x16xf32> to vector<16xf32>
          %swap3A_916 = vector.shape_cast %mul3A_911 : vector<16xf32> to vector<1x16xf32>
          tpu.vector_store %arg10[%swap3A_912, %swap3A_913], %swap3A_916 {strides = array<i32>} : memref<256x128xf32, #tpu.memory_space<vmem>>, vector<1x16xf32>,
          %get3A_917 = arith.index_cast %add3A_850 : i32 to index
          %get3A_918 = arith.constant 96 : index
          %get3A_919 = tpu.vector_load %arg10[%get3A_917, %get3A_918] {strides = array<i32>} : memref<256x128xf32, #tpu.memory_space<vmem>>, vector<1x16xf32>,
          %get3A_920 = vector.shape_cast %get3A_919 : vector<1x16xf32> to vector<16xf32>
          %mul3A_921 = vector.broadcast %squeeze3A_844 : f32 to vector<16xf32>
          %mul3A_922 = arith.mulf %get3A_920, %mul3A_921 : vector<16xf32>
          %swap3A_923 = arith.index_cast %add3A_850 : i32 to index
          %swap3A_924 = arith.constant 96 : index
          %swap3A_925 = tpu.vector_load %arg10[%swap3A_923, %swap3A_924] {strides = array<i32>} : memref<256x128xf32, #tpu.memory_space<vmem>>, vector<1x16xf32>,
          %swap3A_926 = vector.shape_cast %swap3A_925 : vector<1x16xf32> to vector<16xf32>
          %swap3A_927 = vector.shape_cast %mul3A_922 : vector<16xf32> to vector<1x16xf32>
          tpu.vector_store %arg10[%swap3A_923, %swap3A_924], %swap3A_927 {strides = array<i32>} : memref<256x128xf32, #tpu.memory_space<vmem>>, vector<1x16xf32>,
          %get3A_928 = arith.index_cast %add3A_850 : i32 to index
          %get3A_929 = arith.constant 112 : index
          %get3A_930 = tpu.vector_load %arg10[%get3A_928, %get3A_929] {strides = array<i32>} : memref<256x128xf32, #tpu.memory_space<vmem>>, vector<1x16xf32>,
          %get3A_931 = vector.shape_cast %get3A_930 : vector<1x16xf32> to vector<16xf32>
          %mul3A_932 = vector.broadcast %squeeze3A_844 : f32 to vector<16xf32>
          %mul3A_933 = arith.mulf %get3A_931, %mul3A_932 : vector<16xf32>
          %swap3A_934 = arith.index_cast %add3A_850 : i32 to index
          %swap3A_935 = arith.constant 112 : index
          %swap3A_936 = tpu.vector_load %arg10[%swap3A_934, %swap3A_935] {strides = array<i32>} : memref<256x128xf32, #tpu.memory_space<vmem>>, vector<1x16xf32>,
          %swap3A_937 = vector.shape_cast %swap3A_936 : vector<1x16xf32> to vector<16xf32>
          %swap3A_938 = vector.shape_cast %mul3A_933 : vector<16xf32> to vector<1x16xf32>
          tpu.vector_store %arg10[%swap3A_934, %swap3A_935], %swap3A_938 {strides = array<i32>} : memref<256x128xf32, #tpu.memory_space<vmem>>, vector<1x16xf32>,
          %slice3A_939 = vector.extract_strided_slice %get3A_173 {offsets = [8], sizes = [1], strides = [1]} : vector<16xf32> to vector<1xf32>
          %squeeze3A_940 = vector.extract %slice3A_939[0] : f32 from vector<1xf32>
          %mul3A_941 = arith.constant 16 : i32
          %mul3A_942 = arith.muli %scan3A_164, %mul3A_941 : i32
          %add3A_943 = arith.constant 0 : i32
          %add3A_944 = arith.addi %add3A_943, %mul3A_942 : i32
          %add3A_945 = arith.constant 8 : i32
          %add3A_946 = arith.addi %add3A_944, %add3A_945 : i32
          %get3A_947 = arith.index_cast %add3A_946 : i32 to index
          %get3A_948 = arith.constant 0 : index
          %get3A_949 = tpu.vector_load %arg10[%get3A_947, %get3A_948] {strides = array<i32>} : memref<256x128xf32, #tpu.memory_space<vmem>>, vector<1x16xf32>,
          %get3A_950 = vector.shape_cast %get3A_949 : vector<1x16xf32> to vector<16xf32>
          %mul3A_951 = vector.broadcast %squeeze3A_940 : f32 to vector<16xf32>
          %mul3A_952 = arith.mulf %get3A_950, %mul3A_951 : vector<16xf32>
          %swap3A_953 = arith.index_cast %add3A_946 : i32 to index
          %swap3A_954 = arith.constant 0 : index
          %swap3A_955 = tpu.vector_load %arg10[%swap3A_953, %swap3A_954] {strides = array<i32>} : memref<256x128xf32, #tpu.memory_space<vmem>>, vector<1x16xf32>,
          %swap3A_956 = vector.shape_cast %swap3A_955 : vector<1x16xf32> to vector<16xf32>
          %swap3A_957 = vector.shape_cast %mul3A_952 : vector<16xf32> to vector<1x16xf32>
          tpu.vector_store %arg10[%swap3A_953, %swap3A_954], %swap3A_957 {strides = array<i32>} : memref<256x128xf32, #tpu.memory_space<vmem>>, vector<1x16xf32>,
          %get3A_958 = arith.index_cast %add3A_946 : i32 to index
          %get3A_959 = arith.constant 16 : index
          %get3A_960 = tpu.vector_load %arg10[%get3A_958, %get3A_959] {strides = array<i32>} : memref<256x128xf32, #tpu.memory_space<vmem>>, vector<1x16xf32>,
          %get3A_961 = vector.shape_cast %get3A_960 : vector<1x16xf32> to vector<16xf32>
          %mul3A_962 = vector.broadcast %squeeze3A_940 : f32 to vector<16xf32>
          %mul3A_963 = arith.mulf %get3A_961, %mul3A_962 : vector<16xf32>
          %swap3A_964 = arith.index_cast %add3A_946 : i32 to index
          %swap3A_965 = arith.constant 16 : index
          %swap3A_966 = tpu.vector_load %arg10[%swap3A_964, %swap3A_965] {strides = array<i32>} : memref<256x128xf32, #tpu.memory_space<vmem>>, vector<1x16xf32>,
          %swap3A_967 = vector.shape_cast %swap3A_966 : vector<1x16xf32> to vector<16xf32>
          %swap3A_968 = vector.shape_cast %mul3A_963 : vector<16xf32> to vector<1x16xf32>
          tpu.vector_store %arg10[%swap3A_964, %swap3A_965], %swap3A_968 {strides = array<i32>} : memref<256x128xf32, #tpu.memory_space<vmem>>, vector<1x16xf32>,
          %get3A_969 = arith.index_cast %add3A_946 : i32 to index
          %get3A_970 = arith.constant 32 : index
          %get3A_971 = tpu.vector_load %arg10[%get3A_969, %get3A_970] {strides = array<i32>} : memref<256x128xf32, #tpu.memory_space<vmem>>, vector<1x16xf32>,
          %get3A_972 = vector.shape_cast %get3A_971 : vector<1x16xf32> to vector<16xf32>
          %mul3A_973 = vector.broadcast %squeeze3A_940 : f32 to vector<16xf32>
          %mul3A_974 = arith.mulf %get3A_972, %mul3A_973 : vector<16xf32>
          %swap3A_975 = arith.index_cast %add3A_946 : i32 to index
          %swap3A_976 = arith.constant 32 : index
          %swap3A_977 = tpu.vector_load %arg10[%swap3A_975, %swap3A_976] {strides = array<i32>} : memref<256x128xf32, #tpu.memory_space<vmem>>, vector<1x16xf32>,
          %swap3A_978 = vector.shape_cast %swap3A_977 : vector<1x16xf32> to vector<16xf32>
          %swap3A_979 = vector.shape_cast %mul3A_974 : vector<16xf32> to vector<1x16xf32>
          tpu.vector_store %arg10[%swap3A_975, %swap3A_976], %swap3A_979 {strides = array<i32>} : memref<256x128xf32, #tpu.memory_space<vmem>>, vector<1x16xf32>,
          %get3A_980 = arith.index_cast %add3A_946 : i32 to index
          %get3A_981 = arith.constant 48 : index
          %get3A_982 = tpu.vector_load %arg10[%get3A_980, %get3A_981] {strides = array<i32>} : memref<256x128xf32, #tpu.memory_space<vmem>>, vector<1x16xf32>,
          %get3A_983 = vector.shape_cast %get3A_982 : vector<1x16xf32> to vector<16xf32>
          %mul3A_984 = vector.broadcast %squeeze3A_940 : f32 to vector<16xf32>
          %mul3A_985 = arith.mulf %get3A_983, %mul3A_984 : vector<16xf32>
          %swap3A_986 = arith.index_cast %add3A_946 : i32 to index
          %swap3A_987 = arith.constant 48 : index
          %swap3A_988 = tpu.vector_load %arg10[%swap3A_986, %swap3A_987] {strides = array<i32>} : memref<256x128xf32, #tpu.memory_space<vmem>>, vector<1x16xf32>,
          %swap3A_989 = vector.shape_cast %swap3A_988 : vector<1x16xf32> to vector<16xf32>
          %swap3A_990 = vector.shape_cast %mul3A_985 : vector<16xf32> to vector<1x16xf32>
          tpu.vector_store %arg10[%swap3A_986, %swap3A_987], %swap3A_990 {strides = array<i32>} : memref<256x128xf32, #tpu.memory_space<vmem>>, vector<1x16xf32>,
          %get3A_991 = arith.index_cast %add3A_946 : i32 to index
          %get3A_992 = arith.constant 64 : index
          %get3A_993 = tpu.vector_load %arg10[%get3A_991, %get3A_992] {strides = array<i32>} : memref<256x128xf32, #tpu.memory_space<vmem>>, vector<1x16xf32>,
          %get3A_994 = vector.shape_cast %get3A_993 : vector<1x16xf32> to vector<16xf32>
          %mul3A_995 = vector.broadcast %squeeze3A_940 : f32 to vector<16xf32>
          %mul3A_996 = arith.mulf %get3A_994, %mul3A_995 : vector<16xf32>
          %swap3A_997 = arith.index_cast %add3A_946 : i32 to index
          %swap3A_998 = arith.constant 64 : index
          %swap3A_999 = tpu.vector_load %arg10[%swap3A_997, %swap3A_998] {strides = array<i32>} : memref<256x128xf32, #tpu.memory_space<vmem>>, vector<1x16xf32>,
          %swap3A_1000 = vector.shape_cast %swap3A_999 : vector<1x16xf32> to vector<16xf32>
          %swap3A_1001 = vector.shape_cast %mul3A_996 : vector<16xf32> to vector<1x16xf32>
          tpu.vector_store %arg10[%swap3A_997, %swap3A_998], %swap3A_1001 {strides = array<i32>} : memref<256x128xf32, #tpu.memory_space<vmem>>, vector<1x16xf32>,
          %get3A_1002 = arith.index_cast %add3A_946 : i32 to index
          %get3A_1003 = arith.constant 80 : index
          %get3A_1004 = tpu.vector_load %arg10[%get3A_1002, %get3A_1003] {strides = array<i32>} : memref<256x128xf32, #tpu.memory_space<vmem>>, vector<1x16xf32>,
          %get3A_1005 = vector.shape_cast %get3A_1004 : vector<1x16xf32> to vector<16xf32>
          %mul3A_1006 = vector.broadcast %squeeze3A_940 : f32 to vector<16xf32>
          %mul3A_1007 = arith.mulf %get3A_1005, %mul3A_1006 : vector<16xf32>
          %swap3A_1008 = arith.index_cast %add3A_946 : i32 to index
          %swap3A_1009 = arith.constant 80 : index
          %swap3A_1010 = tpu.vector_load %arg10[%swap3A_1008, %swap3A_1009] {strides = array<i32>} : memref<256x128xf32, #tpu.memory_space<vmem>>, vector<1x16xf32>,
          %swap3A_1011 = vector.shape_cast %swap3A_1010 : vector<1x16xf32> to vector<16xf32>
          %swap3A_1012 = vector.shape_cast %mul3A_1007 : vector<16xf32> to vector<1x16xf32>
          tpu.vector_store %arg10[%swap3A_1008, %swap3A_1009], %swap3A_1012 {strides = array<i32>} : memref<256x128xf32, #tpu.memory_space<vmem>>, vector<1x16xf32>,
          %get3A_1013 = arith.index_cast %add3A_946 : i32 to index
          %get3A_1014 = arith.constant 96 : index
          %get3A_1015 = tpu.vector_load %arg10[%get3A_1013, %get3A_1014] {strides = array<i32>} : memref<256x128xf32, #tpu.memory_space<vmem>>, vector<1x16xf32>,
          %get3A_1016 = vector.shape_cast %get3A_1015 : vector<1x16xf32> to vector<16xf32>
          %mul3A_1017 = vector.broadcast %squeeze3A_940 : f32 to vector<16xf32>
          %mul3A_1018 = arith.mulf %get3A_1016, %mul3A_1017 : vector<16xf32>
          %swap3A_1019 = arith.index_cast %add3A_946 : i32 to index
          %swap3A_1020 = arith.constant 96 : index
          %swap3A_1021 = tpu.vector_load %arg10[%swap3A_1019, %swap3A_1020] {strides = array<i32>} : memref<256x128xf32, #tpu.memory_space<vmem>>, vector<1x16xf32>,
          %swap3A_1022 = vector.shape_cast %swap3A_1021 : vector<1x16xf32> to vector<16xf32>
          %swap3A_1023 = vector.shape_cast %mul3A_1018 : vector<16xf32> to vector<1x16xf32>
          tpu.vector_store %arg10[%swap3A_1019, %swap3A_1020], %swap3A_1023 {strides = array<i32>} : memref<256x128xf32, #tpu.memory_space<vmem>>, vector<1x16xf32>,
          %get3A_1024 = arith.index_cast %add3A_946 : i32 to index
          %get3A_1025 = arith.constant 112 : index
          %get3A_1026 = tpu.vector_load %arg10[%get3A_1024, %get3A_1025] {strides = array<i32>} : memref<256x128xf32, #tpu.memory_space<vmem>>, vector<1x16xf32>,
          %get3A_1027 = vector.shape_cast %get3A_1026 : vector<1x16xf32> to vector<16xf32>
          %mul3A_1028 = vector.broadcast %squeeze3A_940 : f32 to vector<16xf32>
          %mul3A_1029 = arith.mulf %get3A_1027, %mul3A_1028 : vector<16xf32>
          %swap3A_1030 = arith.index_cast %add3A_946 : i32 to index
          %swap3A_1031 = arith.constant 112 : index
          %swap3A_1032 = tpu.vector_load %arg10[%swap3A_1030, %swap3A_1031] {strides = array<i32>} : memref<256x128xf32, #tpu.memory_space<vmem>>, vector<1x16xf32>,
          %swap3A_1033 = vector.shape_cast %swap3A_1032 : vector<1x16xf32> to vector<16xf32>
          %swap3A_1034 = vector.shape_cast %mul3A_1029 : vector<16xf32> to vector<1x16xf32>
          tpu.vector_store %arg10[%swap3A_1030, %swap3A_1031], %swap3A_1034 {strides = array<i32>} : memref<256x128xf32, #tpu.memory_space<vmem>>, vector<1x16xf32>,
          %slice3A_1035 = vector.extract_strided_slice %get3A_173 {offsets = [9], sizes = [1], strides = [1]} : vector<16xf32> to vector<1xf32>
          %squeeze3A_1036 = vector.extract %slice3A_1035[0] : f32 from vector<1xf32>
          %mul3A_1037 = arith.constant 16 : i32
          %mul3A_1038 = arith.muli %scan3A_164, %mul3A_1037 : i32
          %add3A_1039 = arith.constant 0 : i32
          %add3A_1040 = arith.addi %add3A_1039, %mul3A_1038 : i32
          %add3A_1041 = arith.constant 9 : i32
          %add3A_1042 = arith.addi %add3A_1040, %add3A_1041 : i32
          %get3A_1043 = arith.index_cast %add3A_1042 : i32 to index
          %get3A_1044 = arith.constant 0 : index
          %get3A_1045 = tpu.vector_load %arg10[%get3A_1043, %get3A_1044] {strides = array<i32>} : memref<256x128xf32, #tpu.memory_space<vmem>>, vector<1x16xf32>,
          %get3A_1046 = vector.shape_cast %get3A_1045 : vector<1x16xf32> to vector<16xf32>
          %mul3A_1047 = vector.broadcast %squeeze3A_1036 : f32 to vector<16xf32>
          %mul3A_1048 = arith.mulf %get3A_1046, %mul3A_1047 : vector<16xf32>
          %swap3A_1049 = arith.index_cast %add3A_1042 : i32 to index
          %swap3A_1050 = arith.constant 0 : index
          %swap3A_1051 = tpu.vector_load %arg10[%swap3A_1049, %swap3A_1050] {strides = array<i32>} : memref<256x128xf32, #tpu.memory_space<vmem>>, vector<1x16xf32>,
          %swap3A_1052 = vector.shape_cast %swap3A_1051 : vector<1x16xf32> to vector<16xf32>
          %swap3A_1053 = vector.shape_cast %mul3A_1048 : vector<16xf32> to vector<1x16xf32>
          tpu.vector_store %arg10[%swap3A_1049, %swap3A_1050], %swap3A_1053 {strides = array<i32>} : memref<256x128xf32, #tpu.memory_space<vmem>>, vector<1x16xf32>,
          %get3A_1054 = arith.index_cast %add3A_1042 : i32 to index
          %get3A_1055 = arith.constant 16 : index
          %get3A_1056 = tpu.vector_load %arg10[%get3A_1054, %get3A_1055] {strides = array<i32>} : memref<256x128xf32, #tpu.memory_space<vmem>>, vector<1x16xf32>,
          %get3A_1057 = vector.shape_cast %get3A_1056 : vector<1x16xf32> to vector<16xf32>
          %mul3A_1058 = vector.broadcast %squeeze3A_1036 : f32 to vector<16xf32>
          %mul3A_1059 = arith.mulf %get3A_1057, %mul3A_1058 : vector<16xf32>
          %swap3A_1060 = arith.index_cast %add3A_1042 : i32 to index
          %swap3A_1061 = arith.constant 16 : index
          %swap3A_1062 = tpu.vector_load %arg10[%swap3A_1060, %swap3A_1061] {strides = array<i32>} : memref<256x128xf32, #tpu.memory_space<vmem>>, vector<1x16xf32>,
          %swap3A_1063 = vector.shape_cast %swap3A_1062 : vector<1x16xf32> to vector<16xf32>
          %swap3A_1064 = vector.shape_cast %mul3A_1059 : vector<16xf32> to vector<1x16xf32>
          tpu.vector_store %arg10[%swap3A_1060, %swap3A_1061], %swap3A_1064 {strides = array<i32>} : memref<256x128xf32, #tpu.memory_space<vmem>>, vector<1x16xf32>,
          %get3A_1065 = arith.index_cast %add3A_1042 : i32 to index
          %get3A_1066 = arith.constant 32 : index
          %get3A_1067 = tpu.vector_load %arg10[%get3A_1065, %get3A_1066] {strides = array<i32>} : memref<256x128xf32, #tpu.memory_space<vmem>>, vector<1x16xf32>,
          %get3A_1068 = vector.shape_cast %get3A_1067 : vector<1x16xf32> to vector<16xf32>
          %mul3A_1069 = vector.broadcast %squeeze3A_1036 : f32 to vector<16xf32>
          %mul3A_1070 = arith.mulf %get3A_1068, %mul3A_1069 : vector<16xf32>
          %swap3A_1071 = arith.index_cast %add3A_1042 : i32 to index
          %swap3A_1072 = arith.constant 32 : index
          %swap3A_1073 = tpu.vector_load %arg10[%swap3A_1071, %swap3A_1072] {strides = array<i32>} : memref<256x128xf32, #tpu.memory_space<vmem>>, vector<1x16xf32>,
          %swap3A_1074 = vector.shape_cast %swap3A_1073 : vector<1x16xf32> to vector<16xf32>
          %swap3A_1075 = vector.shape_cast %mul3A_1070 : vector<16xf32> to vector<1x16xf32>
          tpu.vector_store %arg10[%swap3A_1071, %swap3A_1072], %swap3A_1075 {strides = array<i32>} : memref<256x128xf32, #tpu.memory_space<vmem>>, vector<1x16xf32>,
          %get3A_1076 = arith.index_cast %add3A_1042 : i32 to index
          %get3A_1077 = arith.constant 48 : index
          %get3A_1078 = tpu.vector_load %arg10[%get3A_1076, %get3A_1077] {strides = array<i32>} : memref<256x128xf32, #tpu.memory_space<vmem>>, vector<1x16xf32>,
          %get3A_1079 = vector.shape_cast %get3A_1078 : vector<1x16xf32> to vector<16xf32>
          %mul3A_1080 = vector.broadcast %squeeze3A_1036 : f32 to vector<16xf32>
          %mul3A_1081 = arith.mulf %get3A_1079, %mul3A_1080 : vector<16xf32>
          %swap3A_1082 = arith.index_cast %add3A_1042 : i32 to index
          %swap3A_1083 = arith.constant 48 : index
          %swap3A_1084 = tpu.vector_load %arg10[%swap3A_1082, %swap3A_1083] {strides = array<i32>} : memref<256x128xf32, #tpu.memory_space<vmem>>, vector<1x16xf32>,
          %swap3A_1085 = vector.shape_cast %swap3A_1084 : vector<1x16xf32> to vector<16xf32>
          %swap3A_1086 = vector.shape_cast %mul3A_1081 : vector<16xf32> to vector<1x16xf32>
          tpu.vector_store %arg10[%swap3A_1082, %swap3A_1083], %swap3A_1086 {strides = array<i32>} : memref<256x128xf32, #tpu.memory_space<vmem>>, vector<1x16xf32>,
          %get3A_1087 = arith.index_cast %add3A_1042 : i32 to index
          %get3A_1088 = arith.constant 64 : index
          %get3A_1089 = tpu.vector_load %arg10[%get3A_1087, %get3A_1088] {strides = array<i32>} : memref<256x128xf32, #tpu.memory_space<vmem>>, vector<1x16xf32>,
          %get3A_1090 = vector.shape_cast %get3A_1089 : vector<1x16xf32> to vector<16xf32>
          %mul3A_1091 = vector.broadcast %squeeze3A_1036 : f32 to vector<16xf32>
          %mul3A_1092 = arith.mulf %get3A_1090, %mul3A_1091 : vector<16xf32>
          %swap3A_1093 = arith.index_cast %add3A_1042 : i32 to index
          %swap3A_1094 = arith.constant 64 : index
          %swap3A_1095 = tpu.vector_load %arg10[%swap3A_1093, %swap3A_1094] {strides = array<i32>} : memref<256x128xf32, #tpu.memory_space<vmem>>, vector<1x16xf32>,
          %swap3A_1096 = vector.shape_cast %swap3A_1095 : vector<1x16xf32> to vector<16xf32>
          %swap3A_1097 = vector.shape_cast %mul3A_1092 : vector<16xf32> to vector<1x16xf32>
          tpu.vector_store %arg10[%swap3A_1093, %swap3A_1094], %swap3A_1097 {strides = array<i32>} : memref<256x128xf32, #tpu.memory_space<vmem>>, vector<1x16xf32>,
          %get3A_1098 = arith.index_cast %add3A_1042 : i32 to index
          %get3A_1099 = arith.constant 80 : index
          %get3A_1100 = tpu.vector_load %arg10[%get3A_1098, %get3A_1099] {strides = array<i32>} : memref<256x128xf32, #tpu.memory_space<vmem>>, vector<1x16xf32>,
          %get3A_1101 = vector.shape_cast %get3A_1100 : vector<1x16xf32> to vector<16xf32>
          %mul3A_1102 = vector.broadcast %squeeze3A_1036 : f32 to vector<16xf32>
          %mul3A_1103 = arith.mulf %get3A_1101, %mul3A_1102 : vector<16xf32>
          %swap3A_1104 = arith.index_cast %add3A_1042 : i32 to index
          %swap3A_1105 = arith.constant 80 : index
          %swap3A_1106 = tpu.vector_load %arg10[%swap3A_1104, %swap3A_1105] {strides = array<i32>} : memref<256x128xf32, #tpu.memory_space<vmem>>, vector<1x16xf32>,
          %swap3A_1107 = vector.shape_cast %swap3A_1106 : vector<1x16xf32> to vector<16xf32>
          %swap3A_1108 = vector.shape_cast %mul3A_1103 : vector<16xf32> to vector<1x16xf32>
          tpu.vector_store %arg10[%swap3A_1104, %swap3A_1105], %swap3A_1108 {strides = array<i32>} : memref<256x128xf32, #tpu.memory_space<vmem>>, vector<1x16xf32>,
          %get3A_1109 = arith.index_cast %add3A_1042 : i32 to index
          %get3A_1110 = arith.constant 96 : index
          %get3A_1111 = tpu.vector_load %arg10[%get3A_1109, %get3A_1110] {strides = array<i32>} : memref<256x128xf32, #tpu.memory_space<vmem>>, vector<1x16xf32>,
          %get3A_1112 = vector.shape_cast %get3A_1111 : vector<1x16xf32> to vector<16xf32>
          %mul3A_1113 = vector.broadcast %squeeze3A_1036 : f32 to vector<16xf32>
          %mul3A_1114 = arith.mulf %get3A_1112, %mul3A_1113 : vector<16xf32>
          %swap3A_1115 = arith.index_cast %add3A_1042 : i32 to index
          %swap3A_1116 = arith.constant 96 : index
          %swap3A_1117 = tpu.vector_load %arg10[%swap3A_1115, %swap3A_1116] {strides = array<i32>} : memref<256x128xf32, #tpu.memory_space<vmem>>, vector<1x16xf32>,
          %swap3A_1118 = vector.shape_cast %swap3A_1117 : vector<1x16xf32> to vector<16xf32>
          %swap3A_1119 = vector.shape_cast %mul3A_1114 : vector<16xf32> to vector<1x16xf32>
          tpu.vector_store %arg10[%swap3A_1115, %swap3A_1116], %swap3A_1119 {strides = array<i32>} : memref<256x128xf32, #tpu.memory_space<vmem>>, vector<1x16xf32>,
          %get3A_1120 = arith.index_cast %add3A_1042 : i32 to index
          %get3A_1121 = arith.constant 112 : index
          %get3A_1122 = tpu.vector_load %arg10[%get3A_1120, %get3A_1121] {strides = array<i32>} : memref<256x128xf32, #tpu.memory_space<vmem>>, vector<1x16xf32>,
          %get3A_1123 = vector.shape_cast %get3A_1122 : vector<1x16xf32> to vector<16xf32>
          %mul3A_1124 = vector.broadcast %squeeze3A_1036 : f32 to vector<16xf32>
          %mul3A_1125 = arith.mulf %get3A_1123, %mul3A_1124 : vector<16xf32>
          %swap3A_1126 = arith.index_cast %add3A_1042 : i32 to index
          %swap3A_1127 = arith.constant 112 : index
          %swap3A_1128 = tpu.vector_load %arg10[%swap3A_1126, %swap3A_1127] {strides = array<i32>} : memref<256x128xf32, #tpu.memory_space<vmem>>, vector<1x16xf32>,
          %swap3A_1129 = vector.shape_cast %swap3A_1128 : vector<1x16xf32> to vector<16xf32>
          %swap3A_1130 = vector.shape_cast %mul3A_1125 : vector<16xf32> to vector<1x16xf32>
          tpu.vector_store %arg10[%swap3A_1126, %swap3A_1127], %swap3A_1130 {strides = array<i32>} : memref<256x128xf32, #tpu.memory_space<vmem>>, vector<1x16xf32>,
          %slice3A_1131 = vector.extract_strided_slice %get3A_173 {offsets = [10], sizes = [1], strides = [1]} : vector<16xf32> to vector<1xf32>
          %squeeze3A_1132 = vector.extract %slice3A_1131[0] : f32 from vector<1xf32>
          %mul3A_1133 = arith.constant 16 : i32
          %mul3A_1134 = arith.muli %scan3A_164, %mul3A_1133 : i32
          %add3A_1135 = arith.constant 0 : i32
          %add3A_1136 = arith.addi %add3A_1135, %mul3A_1134 : i32
          %add3A_1137 = arith.constant 10 : i32
          %add3A_1138 = arith.addi %add3A_1136, %add3A_1137 : i32
          %get3A_1139 = arith.index_cast %add3A_1138 : i32 to index
          %get3A_1140 = arith.constant 0 : index
          %get3A_1141 = tpu.vector_load %arg10[%get3A_1139, %get3A_1140] {strides = array<i32>} : memref<256x128xf32, #tpu.memory_space<vmem>>, vector<1x16xf32>,
          %get3A_1142 = vector.shape_cast %get3A_1141 : vector<1x16xf32> to vector<16xf32>
          %mul3A_1143 = vector.broadcast %squeeze3A_1132 : f32 to vector<16xf32>
          %mul3A_1144 = arith.mulf %get3A_1142, %mul3A_1143 : vector<16xf32>
          %swap3A_1145 = arith.index_cast %add3A_1138 : i32 to index
          %swap3A_1146 = arith.constant 0 : index
          %swap3A_1147 = tpu.vector_load %arg10[%swap3A_1145, %swap3A_1146] {strides = array<i32>} : memref<256x128xf32, #tpu.memory_space<vmem>>, vector<1x16xf32>,
          %swap3A_1148 = vector.shape_cast %swap3A_1147 : vector<1x16xf32> to vector<16xf32>
          %swap3A_1149 = vector.shape_cast %mul3A_1144 : vector<16xf32> to vector<1x16xf32>
          tpu.vector_store %arg10[%swap3A_1145, %swap3A_1146], %swap3A_1149 {strides = array<i32>} : memref<256x128xf32, #tpu.memory_space<vmem>>, vector<1x16xf32>,
          %get3A_1150 = arith.index_cast %add3A_1138 : i32 to index
          %get3A_1151 = arith.constant 16 : index
          %get3A_1152 = tpu.vector_load %arg10[%get3A_1150, %get3A_1151] {strides = array<i32>} : memref<256x128xf32, #tpu.memory_space<vmem>>, vector<1x16xf32>,
          %get3A_1153 = vector.shape_cast %get3A_1152 : vector<1x16xf32> to vector<16xf32>
          %mul3A_1154 = vector.broadcast %squeeze3A_1132 : f32 to vector<16xf32>
          %mul3A_1155 = arith.mulf %get3A_1153, %mul3A_1154 : vector<16xf32>
          %swap3A_1156 = arith.index_cast %add3A_1138 : i32 to index
          %swap3A_1157 = arith.constant 16 : index
          %swap3A_1158 = tpu.vector_load %arg10[%swap3A_1156, %swap3A_1157] {strides = array<i32>} : memref<256x128xf32, #tpu.memory_space<vmem>>, vector<1x16xf32>,
          %swap3A_1159 = vector.shape_cast %swap3A_1158 : vector<1x16xf32> to vector<16xf32>
          %swap3A_1160 = vector.shape_cast %mul3A_1155 : vector<16xf32> to vector<1x16xf32>
          tpu.vector_store %arg10[%swap3A_1156, %swap3A_1157], %swap3A_1160 {strides = array<i32>} : memref<256x128xf32, #tpu.memory_space<vmem>>, vector<1x16xf32>,
          %get3A_1161 = arith.index_cast %add3A_1138 : i32 to index
          %get3A_1162 = arith.constant 32 : index
          %get3A_1163 = tpu.vector_load %arg10[%get3A_1161, %get3A_1162] {strides = array<i32>} : memref<256x128xf32, #tpu.memory_space<vmem>>, vector<1x16xf32>,
          %get3A_1164 = vector.shape_cast %get3A_1163 : vector<1x16xf32> to vector<16xf32>
          %mul3A_1165 = vector.broadcast %squeeze3A_1132 : f32 to vector<16xf32>
          %mul3A_1166 = arith.mulf %get3A_1164, %mul3A_1165 : vector<16xf32>
          %swap3A_1167 = arith.index_cast %add3A_1138 : i32 to index
          %swap3A_1168 = arith.constant 32 : index
          %swap3A_1169 = tpu.vector_load %arg10[%swap3A_1167, %swap3A_1168] {strides = array<i32>} : memref<256x128xf32, #tpu.memory_space<vmem>>, vector<1x16xf32>,
          %swap3A_1170 = vector.shape_cast %swap3A_1169 : vector<1x16xf32> to vector<16xf32>
          %swap3A_1171 = vector.shape_cast %mul3A_1166 : vector<16xf32> to vector<1x16xf32>
          tpu.vector_store %arg10[%swap3A_1167, %swap3A_1168], %swap3A_1171 {strides = array<i32>} : memref<256x128xf32, #tpu.memory_space<vmem>>, vector<1x16xf32>,
          %get3A_1172 = arith.index_cast %add3A_1138 : i32 to index
          %get3A_1173 = arith.constant 48 : index
          %get3A_1174 = tpu.vector_load %arg10[%get3A_1172, %get3A_1173] {strides = array<i32>} : memref<256x128xf32, #tpu.memory_space<vmem>>, vector<1x16xf32>,
          %get3A_1175 = vector.shape_cast %get3A_1174 : vector<1x16xf32> to vector<16xf32>
          %mul3A_1176 = vector.broadcast %squeeze3A_1132 : f32 to vector<16xf32>
          %mul3A_1177 = arith.mulf %get3A_1175, %mul3A_1176 : vector<16xf32>
          %swap3A_1178 = arith.index_cast %add3A_1138 : i32 to index
          %swap3A_1179 = arith.constant 48 : index
          %swap3A_1180 = tpu.vector_load %arg10[%swap3A_1178, %swap3A_1179] {strides = array<i32>} : memref<256x128xf32, #tpu.memory_space<vmem>>, vector<1x16xf32>,
          %swap3A_1181 = vector.shape_cast %swap3A_1180 : vector<1x16xf32> to vector<16xf32>
          %swap3A_1182 = vector.shape_cast %mul3A_1177 : vector<16xf32> to vector<1x16xf32>
          tpu.vector_store %arg10[%swap3A_1178, %swap3A_1179], %swap3A_1182 {strides = array<i32>} : memref<256x128xf32, #tpu.memory_space<vmem>>, vector<1x16xf32>,
          %get3A_1183 = arith.index_cast %add3A_1138 : i32 to index
          %get3A_1184 = arith.constant 64 : index
          %get3A_1185 = tpu.vector_load %arg10[%get3A_1183, %get3A_1184] {strides = array<i32>} : memref<256x128xf32, #tpu.memory_space<vmem>>, vector<1x16xf32>,
          %get3A_1186 = vector.shape_cast %get3A_1185 : vector<1x16xf32> to vector<16xf32>
          %mul3A_1187 = vector.broadcast %squeeze3A_1132 : f32 to vector<16xf32>
          %mul3A_1188 = arith.mulf %get3A_1186, %mul3A_1187 : vector<16xf32>
          %swap3A_1189 = arith.index_cast %add3A_1138 : i32 to index
          %swap3A_1190 = arith.constant 64 : index
          %swap3A_1191 = tpu.vector_load %arg10[%swap3A_1189, %swap3A_1190] {strides = array<i32>} : memref<256x128xf32, #tpu.memory_space<vmem>>, vector<1x16xf32>,
          %swap3A_1192 = vector.shape_cast %swap3A_1191 : vector<1x16xf32> to vector<16xf32>
          %swap3A_1193 = vector.shape_cast %mul3A_1188 : vector<16xf32> to vector<1x16xf32>
          tpu.vector_store %arg10[%swap3A_1189, %swap3A_1190], %swap3A_1193 {strides = array<i32>} : memref<256x128xf32, #tpu.memory_space<vmem>>, vector<1x16xf32>,
          %get3A_1194 = arith.index_cast %add3A_1138 : i32 to index
          %get3A_1195 = arith.constant 80 : index
          %get3A_1196 = tpu.vector_load %arg10[%get3A_1194, %get3A_1195] {strides = array<i32>} : memref<256x128xf32, #tpu.memory_space<vmem>>, vector<1x16xf32>,
          %get3A_1197 = vector.shape_cast %get3A_1196 : vector<1x16xf32> to vector<16xf32>
          %mul3A_1198 = vector.broadcast %squeeze3A_1132 : f32 to vector<16xf32>
          %mul3A_1199 = arith.mulf %get3A_1197, %mul3A_1198 : vector<16xf32>
          %swap3A_1200 = arith.index_cast %add3A_1138 : i32 to index
          %swap3A_1201 = arith.constant 80 : index
          %swap3A_1202 = tpu.vector_load %arg10[%swap3A_1200, %swap3A_1201] {strides = array<i32>} : memref<256x128xf32, #tpu.memory_space<vmem>>, vector<1x16xf32>,
          %swap3A_1203 = vector.shape_cast %swap3A_1202 : vector<1x16xf32> to vector<16xf32>
          %swap3A_1204 = vector.shape_cast %mul3A_1199 : vector<16xf32> to vector<1x16xf32>
          tpu.vector_store %arg10[%swap3A_1200, %swap3A_1201], %swap3A_1204 {strides = array<i32>} : memref<256x128xf32, #tpu.memory_space<vmem>>, vector<1x16xf32>,
          %get3A_1205 = arith.index_cast %add3A_1138 : i32 to index
          %get3A_1206 = arith.constant 96 : index
          %get3A_1207 = tpu.vector_load %arg10[%get3A_1205, %get3A_1206] {strides = array<i32>} : memref<256x128xf32, #tpu.memory_space<vmem>>, vector<1x16xf32>,
          %get3A_1208 = vector.shape_cast %get3A_1207 : vector<1x16xf32> to vector<16xf32>
          %mul3A_1209 = vector.broadcast %squeeze3A_1132 : f32 to vector<16xf32>
          %mul3A_1210 = arith.mulf %get3A_1208, %mul3A_1209 : vector<16xf32>
          %swap3A_1211 = arith.index_cast %add3A_1138 : i32 to index
          %swap3A_1212 = arith.constant 96 : index
          %swap3A_1213 = tpu.vector_load %arg10[%swap3A_1211, %swap3A_1212] {strides = array<i32>} : memref<256x128xf32, #tpu.memory_space<vmem>>, vector<1x16xf32>,
          %swap3A_1214 = vector.shape_cast %swap3A_1213 : vector<1x16xf32> to vector<16xf32>
          %swap3A_1215 = vector.shape_cast %mul3A_1210 : vector<16xf32> to vector<1x16xf32>
          tpu.vector_store %arg10[%swap3A_1211, %swap3A_1212], %swap3A_1215 {strides = array<i32>} : memref<256x128xf32, #tpu.memory_space<vmem>>, vector<1x16xf32>,
          %get3A_1216 = arith.index_cast %add3A_1138 : i32 to index
          %get3A_1217 = arith.constant 112 : index
          %get3A_1218 = tpu.vector_load %arg10[%get3A_1216, %get3A_1217] {strides = array<i32>} : memref<256x128xf32, #tpu.memory_space<vmem>>, vector<1x16xf32>,
          %get3A_1219 = vector.shape_cast %get3A_1218 : vector<1x16xf32> to vector<16xf32>
          %mul3A_1220 = vector.broadcast %squeeze3A_1132 : f32 to vector<16xf32>
          %mul3A_1221 = arith.mulf %get3A_1219, %mul3A_1220 : vector<16xf32>
          %swap3A_1222 = arith.index_cast %add3A_1138 : i32 to index
          %swap3A_1223 = arith.constant 112 : index
          %swap3A_1224 = tpu.vector_load %arg10[%swap3A_1222, %swap3A_1223] {strides = array<i32>} : memref<256x128xf32, #tpu.memory_space<vmem>>, vector<1x16xf32>,
          %swap3A_1225 = vector.shape_cast %swap3A_1224 : vector<1x16xf32> to vector<16xf32>
          %swap3A_1226 = vector.shape_cast %mul3A_1221 : vector<16xf32> to vector<1x16xf32>
          tpu.vector_store %arg10[%swap3A_1222, %swap3A_1223], %swap3A_1226 {strides = array<i32>} : memref<256x128xf32, #tpu.memory_space<vmem>>, vector<1x16xf32>,
          %slice3A_1227 = vector.extract_strided_slice %get3A_173 {offsets = [11], sizes = [1], strides = [1]} : vector<16xf32> to vector<1xf32>
          %squeeze3A_1228 = vector.extract %slice3A_1227[0] : f32 from vector<1xf32>
          %mul3A_1229 = arith.constant 16 : i32
          %mul3A_1230 = arith.muli %scan3A_164, %mul3A_1229 : i32
          %add3A_1231 = arith.constant 0 : i32
          %add3A_1232 = arith.addi %add3A_1231, %mul3A_1230 : i32
          %add3A_1233 = arith.constant 11 : i32
          %add3A_1234 = arith.addi %add3A_1232, %add3A_1233 : i32
          %get3A_1235 = arith.index_cast %add3A_1234 : i32 to index
          %get3A_1236 = arith.constant 0 : index
          %get3A_1237 = tpu.vector_load %arg10[%get3A_1235, %get3A_1236] {strides = array<i32>} : memref<256x128xf32, #tpu.memory_space<vmem>>, vector<1x16xf32>,
          %get3A_1238 = vector.shape_cast %get3A_1237 : vector<1x16xf32> to vector<16xf32>
          %mul3A_1239 = vector.broadcast %squeeze3A_1228 : f32 to vector<16xf32>
          %mul3A_1240 = arith.mulf %get3A_1238, %mul3A_1239 : vector<16xf32>
          %swap3A_1241 = arith.index_cast %add3A_1234 : i32 to index
          %swap3A_1242 = arith.constant 0 : index
          %swap3A_1243 = tpu.vector_load %arg10[%swap3A_1241, %swap3A_1242] {strides = array<i32>} : memref<256x128xf32, #tpu.memory_space<vmem>>, vector<1x16xf32>,
          %swap3A_1244 = vector.shape_cast %swap3A_1243 : vector<1x16xf32> to vector<16xf32>
          %swap3A_1245 = vector.shape_cast %mul3A_1240 : vector<16xf32> to vector<1x16xf32>
          tpu.vector_store %arg10[%swap3A_1241, %swap3A_1242], %swap3A_1245 {strides = array<i32>} : memref<256x128xf32, #tpu.memory_space<vmem>>, vector<1x16xf32>,
          %get3A_1246 = arith.index_cast %add3A_1234 : i32 to index
          %get3A_1247 = arith.constant 16 : index
          %get3A_1248 = tpu.vector_load %arg10[%get3A_1246, %get3A_1247] {strides = array<i32>} : memref<256x128xf32, #tpu.memory_space<vmem>>, vector<1x16xf32>,
          %get3A_1249 = vector.shape_cast %get3A_1248 : vector<1x16xf32> to vector<16xf32>
          %mul3A_1250 = vector.broadcast %squeeze3A_1228 : f32 to vector<16xf32>
          %mul3A_1251 = arith.mulf %get3A_1249, %mul3A_1250 : vector<16xf32>
          %swap3A_1252 = arith.index_cast %add3A_1234 : i32 to index
          %swap3A_1253 = arith.constant 16 : index
          %swap3A_1254 = tpu.vector_load %arg10[%swap3A_1252, %swap3A_1253] {strides = array<i32>} : memref<256x128xf32, #tpu.memory_space<vmem>>, vector<1x16xf32>,
          %swap3A_1255 = vector.shape_cast %swap3A_1254 : vector<1x16xf32> to vector<16xf32>
          %swap3A_1256 = vector.shape_cast %mul3A_1251 : vector<16xf32> to vector<1x16xf32>
          tpu.vector_store %arg10[%swap3A_1252, %swap3A_1253], %swap3A_1256 {strides = array<i32>} : memref<256x128xf32, #tpu.memory_space<vmem>>, vector<1x16xf32>,
          %get3A_1257 = arith.index_cast %add3A_1234 : i32 to index
          %get3A_1258 = arith.constant 32 : index
          %get3A_1259 = tpu.vector_load %arg10[%get3A_1257, %get3A_1258] {strides = array<i32>} : memref<256x128xf32, #tpu.memory_space<vmem>>, vector<1x16xf32>,
          %get3A_1260 = vector.shape_cast %get3A_1259 : vector<1x16xf32> to vector<16xf32>
          %mul3A_1261 = vector.broadcast %squeeze3A_1228 : f32 to vector<16xf32>
          %mul3A_1262 = arith.mulf %get3A_1260, %mul3A_1261 : vector<16xf32>
          %swap3A_1263 = arith.index_cast %add3A_1234 : i32 to index
          %swap3A_1264 = arith.constant 32 : index
          %swap3A_1265 = tpu.vector_load %arg10[%swap3A_1263, %swap3A_1264] {strides = array<i32>} : memref<256x128xf32, #tpu.memory_space<vmem>>, vector<1x16xf32>,
          %swap3A_1266 = vector.shape_cast %swap3A_1265 : vector<1x16xf32> to vector<16xf32>
          %swap3A_1267 = vector.shape_cast %mul3A_1262 : vector<16xf32> to vector<1x16xf32>
          tpu.vector_store %arg10[%swap3A_1263, %swap3A_1264], %swap3A_1267 {strides = array<i32>} : memref<256x128xf32, #tpu.memory_space<vmem>>, vector<1x16xf32>,
          %get3A_1268 = arith.index_cast %add3A_1234 : i32 to index
          %get3A_1269 = arith.constant 48 : index
          %get3A_1270 = tpu.vector_load %arg10[%get3A_1268, %get3A_1269] {strides = array<i32>} : memref<256x128xf32, #tpu.memory_space<vmem>>, vector<1x16xf32>,
          %get3A_1271 = vector.shape_cast %get3A_1270 : vector<1x16xf32> to vector<16xf32>
          %mul3A_1272 = vector.broadcast %squeeze3A_1228 : f32 to vector<16xf32>
          %mul3A_1273 = arith.mulf %get3A_1271, %mul3A_1272 : vector<16xf32>
          %swap3A_1274 = arith.index_cast %add3A_1234 : i32 to index
          %swap3A_1275 = arith.constant 48 : index
          %swap3A_1276 = tpu.vector_load %arg10[%swap3A_1274, %swap3A_1275] {strides = array<i32>} : memref<256x128xf32, #tpu.memory_space<vmem>>, vector<1x16xf32>,
          %swap3A_1277 = vector.shape_cast %swap3A_1276 : vector<1x16xf32> to vector<16xf32>
          %swap3A_1278 = vector.shape_cast %mul3A_1273 : vector<16xf32> to vector<1x16xf32>
          tpu.vector_store %arg10[%swap3A_1274, %swap3A_1275], %swap3A_1278 {strides = array<i32>} : memref<256x128xf32, #tpu.memory_space<vmem>>, vector<1x16xf32>,
          %get3A_1279 = arith.index_cast %add3A_1234 : i32 to index
          %get3A_1280 = arith.constant 64 : index
          %get3A_1281 = tpu.vector_load %arg10[%get3A_1279, %get3A_1280] {strides = array<i32>} : memref<256x128xf32, #tpu.memory_space<vmem>>, vector<1x16xf32>,
          %get3A_1282 = vector.shape_cast %get3A_1281 : vector<1x16xf32> to vector<16xf32>
          %mul3A_1283 = vector.broadcast %squeeze3A_1228 : f32 to vector<16xf32>
          %mul3A_1284 = arith.mulf %get3A_1282, %mul3A_1283 : vector<16xf32>
          %swap3A_1285 = arith.index_cast %add3A_1234 : i32 to index
          %swap3A_1286 = arith.constant 64 : index
          %swap3A_1287 = tpu.vector_load %arg10[%swap3A_1285, %swap3A_1286] {strides = array<i32>} : memref<256x128xf32, #tpu.memory_space<vmem>>, vector<1x16xf32>,
          %swap3A_1288 = vector.shape_cast %swap3A_1287 : vector<1x16xf32> to vector<16xf32>
          %swap3A_1289 = vector.shape_cast %mul3A_1284 : vector<16xf32> to vector<1x16xf32>
          tpu.vector_store %arg10[%swap3A_1285, %swap3A_1286], %swap3A_1289 {strides = array<i32>} : memref<256x128xf32, #tpu.memory_space<vmem>>, vector<1x16xf32>,
          %get3A_1290 = arith.index_cast %add3A_1234 : i32 to index
          %get3A_1291 = arith.constant 80 : index
          %get3A_1292 = tpu.vector_load %arg10[%get3A_1290, %get3A_1291] {strides = array<i32>} : memref<256x128xf32, #tpu.memory_space<vmem>>, vector<1x16xf32>,
          %get3A_1293 = vector.shape_cast %get3A_1292 : vector<1x16xf32> to vector<16xf32>
          %mul3A_1294 = vector.broadcast %squeeze3A_1228 : f32 to vector<16xf32>
          %mul3A_1295 = arith.mulf %get3A_1293, %mul3A_1294 : vector<16xf32>
          %swap3A_1296 = arith.index_cast %add3A_1234 : i32 to index
          %swap3A_1297 = arith.constant 80 : index
          %swap3A_1298 = tpu.vector_load %arg10[%swap3A_1296, %swap3A_1297] {strides = array<i32>} : memref<256x128xf32, #tpu.memory_space<vmem>>, vector<1x16xf32>,
          %swap3A_1299 = vector.shape_cast %swap3A_1298 : vector<1x16xf32> to vector<16xf32>
          %swap3A_1300 = vector.shape_cast %mul3A_1295 : vector<16xf32> to vector<1x16xf32>
          tpu.vector_store %arg10[%swap3A_1296, %swap3A_1297], %swap3A_1300 {strides = array<i32>} : memref<256x128xf32, #tpu.memory_space<vmem>>, vector<1x16xf32>,
          %get3A_1301 = arith.index_cast %add3A_1234 : i32 to index
          %get3A_1302 = arith.constant 96 : index
          %get3A_1303 = tpu.vector_load %arg10[%get3A_1301, %get3A_1302] {strides = array<i32>} : memref<256x128xf32, #tpu.memory_space<vmem>>, vector<1x16xf32>,
          %get3A_1304 = vector.shape_cast %get3A_1303 : vector<1x16xf32> to vector<16xf32>
          %mul3A_1305 = vector.broadcast %squeeze3A_1228 : f32 to vector<16xf32>
          %mul3A_1306 = arith.mulf %get3A_1304, %mul3A_1305 : vector<16xf32>
          %swap3A_1307 = arith.index_cast %add3A_1234 : i32 to index
          %swap3A_1308 = arith.constant 96 : index
          %swap3A_1309 = tpu.vector_load %arg10[%swap3A_1307, %swap3A_1308] {strides = array<i32>} : memref<256x128xf32, #tpu.memory_space<vmem>>, vector<1x16xf32>,
          %swap3A_1310 = vector.shape_cast %swap3A_1309 : vector<1x16xf32> to vector<16xf32>
          %swap3A_1311 = vector.shape_cast %mul3A_1306 : vector<16xf32> to vector<1x16xf32>
          tpu.vector_store %arg10[%swap3A_1307, %swap3A_1308], %swap3A_1311 {strides = array<i32>} : memref<256x128xf32, #tpu.memory_space<vmem>>, vector<1x16xf32>,
          %get3A_1312 = arith.index_cast %add3A_1234 : i32 to index
          %get3A_1313 = arith.constant 112 : index
          %get3A_1314 = tpu.vector_load %arg10[%get3A_1312, %get3A_1313] {strides = array<i32>} : memref<256x128xf32, #tpu.memory_space<vmem>>, vector<1x16xf32>,
          %get3A_1315 = vector.shape_cast %get3A_1314 : vector<1x16xf32> to vector<16xf32>
          %mul3A_1316 = vector.broadcast %squeeze3A_1228 : f32 to vector<16xf32>
          %mul3A_1317 = arith.mulf %get3A_1315, %mul3A_1316 : vector<16xf32>
          %swap3A_1318 = arith.index_cast %add3A_1234 : i32 to index
          %swap3A_1319 = arith.constant 112 : index
          %swap3A_1320 = tpu.vector_load %arg10[%swap3A_1318, %swap3A_1319] {strides = array<i32>} : memref<256x128xf32, #tpu.memory_space<vmem>>, vector<1x16xf32>,
          %swap3A_1321 = vector.shape_cast %swap3A_1320 : vector<1x16xf32> to vector<16xf32>
          %swap3A_1322 = vector.shape_cast %mul3A_1317 : vector<16xf32> to vector<1x16xf32>
          tpu.vector_store %arg10[%swap3A_1318, %swap3A_1319], %swap3A_1322 {strides = array<i32>} : memref<256x128xf32, #tpu.memory_space<vmem>>, vector<1x16xf32>,
          %slice3A_1323 = vector.extract_strided_slice %get3A_173 {offsets = [12], sizes = [1], strides = [1]} : vector<16xf32> to vector<1xf32>
          %squeeze3A_1324 = vector.extract %slice3A_1323[0] : f32 from vector<1xf32>
          %mul3A_1325 = arith.constant 16 : i32
          %mul3A_1326 = arith.muli %scan3A_164, %mul3A_1325 : i32
          %add3A_1327 = arith.constant 0 : i32
          %add3A_1328 = arith.addi %add3A_1327, %mul3A_1326 : i32
          %add3A_1329 = arith.constant 12 : i32
          %add3A_1330 = arith.addi %add3A_1328, %add3A_1329 : i32
          %get3A_1331 = arith.index_cast %add3A_1330 : i32 to index
          %get3A_1332 = arith.constant 0 : index
          %get3A_1333 = tpu.vector_load %arg10[%get3A_1331, %get3A_1332] {strides = array<i32>} : memref<256x128xf32, #tpu.memory_space<vmem>>, vector<1x16xf32>,
          %get3A_1334 = vector.shape_cast %get3A_1333 : vector<1x16xf32> to vector<16xf32>
          %mul3A_1335 = vector.broadcast %squeeze3A_1324 : f32 to vector<16xf32>
          %mul3A_1336 = arith.mulf %get3A_1334, %mul3A_1335 : vector<16xf32>
          %swap3A_1337 = arith.index_cast %add3A_1330 : i32 to index
          %swap3A_1338 = arith.constant 0 : index
          %swap3A_1339 = tpu.vector_load %arg10[%swap3A_1337, %swap3A_1338] {strides = array<i32>} : memref<256x128xf32, #tpu.memory_space<vmem>>, vector<1x16xf32>,
          %swap3A_1340 = vector.shape_cast %swap3A_1339 : vector<1x16xf32> to vector<16xf32>
          %swap3A_1341 = vector.shape_cast %mul3A_1336 : vector<16xf32> to vector<1x16xf32>
          tpu.vector_store %arg10[%swap3A_1337, %swap3A_1338], %swap3A_1341 {strides = array<i32>} : memref<256x128xf32, #tpu.memory_space<vmem>>, vector<1x16xf32>,
          %get3A_1342 = arith.index_cast %add3A_1330 : i32 to index
          %get3A_1343 = arith.constant 16 : index
          %get3A_1344 = tpu.vector_load %arg10[%get3A_1342, %get3A_1343] {strides = array<i32>} : memref<256x128xf32, #tpu.memory_space<vmem>>, vector<1x16xf32>,
          %get3A_1345 = vector.shape_cast %get3A_1344 : vector<1x16xf32> to vector<16xf32>
          %mul3A_1346 = vector.broadcast %squeeze3A_1324 : f32 to vector<16xf32>
          %mul3A_1347 = arith.mulf %get3A_1345, %mul3A_1346 : vector<16xf32>
          %swap3A_1348 = arith.index_cast %add3A_1330 : i32 to index
          %swap3A_1349 = arith.constant 16 : index
          %swap3A_1350 = tpu.vector_load %arg10[%swap3A_1348, %swap3A_1349] {strides = array<i32>} : memref<256x128xf32, #tpu.memory_space<vmem>>, vector<1x16xf32>,
          %swap3A_1351 = vector.shape_cast %swap3A_1350 : vector<1x16xf32> to vector<16xf32>
          %swap3A_1352 = vector.shape_cast %mul3A_1347 : vector<16xf32> to vector<1x16xf32>
          tpu.vector_store %arg10[%swap3A_1348, %swap3A_1349], %swap3A_1352 {strides = array<i32>} : memref<256x128xf32, #tpu.memory_space<vmem>>, vector<1x16xf32>,
          %get3A_1353 = arith.index_cast %add3A_1330 : i32 to index
          %get3A_1354 = arith.constant 32 : index
          %get3A_1355 = tpu.vector_load %arg10[%get3A_1353, %get3A_1354] {strides = array<i32>} : memref<256x128xf32, #tpu.memory_space<vmem>>, vector<1x16xf32>,
          %get3A_1356 = vector.shape_cast %get3A_1355 : vector<1x16xf32> to vector<16xf32>
          %mul3A_1357 = vector.broadcast %squeeze3A_1324 : f32 to vector<16xf32>
          %mul3A_1358 = arith.mulf %get3A_1356, %mul3A_1357 : vector<16xf32>
          %swap3A_1359 = arith.index_cast %add3A_1330 : i32 to index
          %swap3A_1360 = arith.constant 32 : index
          %swap3A_1361 = tpu.vector_load %arg10[%swap3A_1359, %swap3A_1360] {strides = array<i32>} : memref<256x128xf32, #tpu.memory_space<vmem>>, vector<1x16xf32>,
          %swap3A_1362 = vector.shape_cast %swap3A_1361 : vector<1x16xf32> to vector<16xf32>
          %swap3A_1363 = vector.shape_cast %mul3A_1358 : vector<16xf32> to vector<1x16xf32>
          tpu.vector_store %arg10[%swap3A_1359, %swap3A_1360], %swap3A_1363 {strides = array<i32>} : memref<256x128xf32, #tpu.memory_space<vmem>>, vector<1x16xf32>,
          %get3A_1364 = arith.index_cast %add3A_1330 : i32 to index
          %get3A_1365 = arith.constant 48 : index
          %get3A_1366 = tpu.vector_load %arg10[%get3A_1364, %get3A_1365] {strides = array<i32>} : memref<256x128xf32, #tpu.memory_space<vmem>>, vector<1x16xf32>,
          %get3A_1367 = vector.shape_cast %get3A_1366 : vector<1x16xf32> to vector<16xf32>
          %mul3A_1368 = vector.broadcast %squeeze3A_1324 : f32 to vector<16xf32>
          %mul3A_1369 = arith.mulf %get3A_1367, %mul3A_1368 : vector<16xf32>
          %swap3A_1370 = arith.index_cast %add3A_1330 : i32 to index
          %swap3A_1371 = arith.constant 48 : index
          %swap3A_1372 = tpu.vector_load %arg10[%swap3A_1370, %swap3A_1371] {strides = array<i32>} : memref<256x128xf32, #tpu.memory_space<vmem>>, vector<1x16xf32>,
          %swap3A_1373 = vector.shape_cast %swap3A_1372 : vector<1x16xf32> to vector<16xf32>
          %swap3A_1374 = vector.shape_cast %mul3A_1369 : vector<16xf32> to vector<1x16xf32>
          tpu.vector_store %arg10[%swap3A_1370, %swap3A_1371], %swap3A_1374 {strides = array<i32>} : memref<256x128xf32, #tpu.memory_space<vmem>>, vector<1x16xf32>,
          %get3A_1375 = arith.index_cast %add3A_1330 : i32 to index
          %get3A_1376 = arith.constant 64 : index
          %get3A_1377 = tpu.vector_load %arg10[%get3A_1375, %get3A_1376] {strides = array<i32>} : memref<256x128xf32, #tpu.memory_space<vmem>>, vector<1x16xf32>,
          %get3A_1378 = vector.shape_cast %get3A_1377 : vector<1x16xf32> to vector<16xf32>
          %mul3A_1379 = vector.broadcast %squeeze3A_1324 : f32 to vector<16xf32>
          %mul3A_1380 = arith.mulf %get3A_1378, %mul3A_1379 : vector<16xf32>
          %swap3A_1381 = arith.index_cast %add3A_1330 : i32 to index
          %swap3A_1382 = arith.constant 64 : index
          %swap3A_1383 = tpu.vector_load %arg10[%swap3A_1381, %swap3A_1382] {strides = array<i32>} : memref<256x128xf32, #tpu.memory_space<vmem>>, vector<1x16xf32>,
          %swap3A_1384 = vector.shape_cast %swap3A_1383 : vector<1x16xf32> to vector<16xf32>
          %swap3A_1385 = vector.shape_cast %mul3A_1380 : vector<16xf32> to vector<1x16xf32>
          tpu.vector_store %arg10[%swap3A_1381, %swap3A_1382], %swap3A_1385 {strides = array<i32>} : memref<256x128xf32, #tpu.memory_space<vmem>>, vector<1x16xf32>,
          %get3A_1386 = arith.index_cast %add3A_1330 : i32 to index
          %get3A_1387 = arith.constant 80 : index
          %get3A_1388 = tpu.vector_load %arg10[%get3A_1386, %get3A_1387] {strides = array<i32>} : memref<256x128xf32, #tpu.memory_space<vmem>>, vector<1x16xf32>,
          %get3A_1389 = vector.shape_cast %get3A_1388 : vector<1x16xf32> to vector<16xf32>
          %mul3A_1390 = vector.broadcast %squeeze3A_1324 : f32 to vector<16xf32>
          %mul3A_1391 = arith.mulf %get3A_1389, %mul3A_1390 : vector<16xf32>
          %swap3A_1392 = arith.index_cast %add3A_1330 : i32 to index
          %swap3A_1393 = arith.constant 80 : index
          %swap3A_1394 = tpu.vector_load %arg10[%swap3A_1392, %swap3A_1393] {strides = array<i32>} : memref<256x128xf32, #tpu.memory_space<vmem>>, vector<1x16xf32>,
          %swap3A_1395 = vector.shape_cast %swap3A_1394 : vector<1x16xf32> to vector<16xf32>
          %swap3A_1396 = vector.shape_cast %mul3A_1391 : vector<16xf32> to vector<1x16xf32>
          tpu.vector_store %arg10[%swap3A_1392, %swap3A_1393], %swap3A_1396 {strides = array<i32>} : memref<256x128xf32, #tpu.memory_space<vmem>>, vector<1x16xf32>,
          %get3A_1397 = arith.index_cast %add3A_1330 : i32 to index
          %get3A_1398 = arith.constant 96 : index
          %get3A_1399 = tpu.vector_load %arg10[%get3A_1397, %get3A_1398] {strides = array<i32>} : memref<256x128xf32, #tpu.memory_space<vmem>>, vector<1x16xf32>,
          %get3A_1400 = vector.shape_cast %get3A_1399 : vector<1x16xf32> to vector<16xf32>
          %mul3A_1401 = vector.broadcast %squeeze3A_1324 : f32 to vector<16xf32>
          %mul3A_1402 = arith.mulf %get3A_1400, %mul3A_1401 : vector<16xf32>
          %swap3A_1403 = arith.index_cast %add3A_1330 : i32 to index
          %swap3A_1404 = arith.constant 96 : index
          %swap3A_1405 = tpu.vector_load %arg10[%swap3A_1403, %swap3A_1404] {strides = array<i32>} : memref<256x128xf32, #tpu.memory_space<vmem>>, vector<1x16xf32>,
          %swap3A_1406 = vector.shape_cast %swap3A_1405 : vector<1x16xf32> to vector<16xf32>
          %swap3A_1407 = vector.shape_cast %mul3A_1402 : vector<16xf32> to vector<1x16xf32>
          tpu.vector_store %arg10[%swap3A_1403, %swap3A_1404], %swap3A_1407 {strides = array<i32>} : memref<256x128xf32, #tpu.memory_space<vmem>>, vector<1x16xf32>,
          %get3A_1408 = arith.index_cast %add3A_1330 : i32 to index
          %get3A_1409 = arith.constant 112 : index
          %get3A_1410 = tpu.vector_load %arg10[%get3A_1408, %get3A_1409] {strides = array<i32>} : memref<256x128xf32, #tpu.memory_space<vmem>>, vector<1x16xf32>,
          %get3A_1411 = vector.shape_cast %get3A_1410 : vector<1x16xf32> to vector<16xf32>
          %mul3A_1412 = vector.broadcast %squeeze3A_1324 : f32 to vector<16xf32>
          %mul3A_1413 = arith.mulf %get3A_1411, %mul3A_1412 : vector<16xf32>
          %swap3A_1414 = arith.index_cast %add3A_1330 : i32 to index
          %swap3A_1415 = arith.constant 112 : index
          %swap3A_1416 = tpu.vector_load %arg10[%swap3A_1414, %swap3A_1415] {strides = array<i32>} : memref<256x128xf32, #tpu.memory_space<vmem>>, vector<1x16xf32>,
          %swap3A_1417 = vector.shape_cast %swap3A_1416 : vector<1x16xf32> to vector<16xf32>
          %swap3A_1418 = vector.shape_cast %mul3A_1413 : vector<16xf32> to vector<1x16xf32>
          tpu.vector_store %arg10[%swap3A_1414, %swap3A_1415], %swap3A_1418 {strides = array<i32>} : memref<256x128xf32, #tpu.memory_space<vmem>>, vector<1x16xf32>,
          %slice3A_1419 = vector.extract_strided_slice %get3A_173 {offsets = [13], sizes = [1], strides = [1]} : vector<16xf32> to vector<1xf32>
          %squeeze3A_1420 = vector.extract %slice3A_1419[0] : f32 from vector<1xf32>
          %mul3A_1421 = arith.constant 16 : i32
          %mul3A_1422 = arith.muli %scan3A_164, %mul3A_1421 : i32
          %add3A_1423 = arith.constant 0 : i32
          %add3A_1424 = arith.addi %add3A_1423, %mul3A_1422 : i32
          %add3A_1425 = arith.constant 13 : i32
          %add3A_1426 = arith.addi %add3A_1424, %add3A_1425 : i32
          %get3A_1427 = arith.index_cast %add3A_1426 : i32 to index
          %get3A_1428 = arith.constant 0 : index
          %get3A_1429 = tpu.vector_load %arg10[%get3A_1427, %get3A_1428] {strides = array<i32>} : memref<256x128xf32, #tpu.memory_space<vmem>>, vector<1x16xf32>,
          %get3A_1430 = vector.shape_cast %get3A_1429 : vector<1x16xf32> to vector<16xf32>
          %mul3A_1431 = vector.broadcast %squeeze3A_1420 : f32 to vector<16xf32>
          %mul3A_1432 = arith.mulf %get3A_1430, %mul3A_1431 : vector<16xf32>
          %swap3A_1433 = arith.index_cast %add3A_1426 : i32 to index
          %swap3A_1434 = arith.constant 0 : index
          %swap3A_1435 = tpu.vector_load %arg10[%swap3A_1433, %swap3A_1434] {strides = array<i32>} : memref<256x128xf32, #tpu.memory_space<vmem>>, vector<1x16xf32>,
          %swap3A_1436 = vector.shape_cast %swap3A_1435 : vector<1x16xf32> to vector<16xf32>
          %swap3A_1437 = vector.shape_cast %mul3A_1432 : vector<16xf32> to vector<1x16xf32>
          tpu.vector_store %arg10[%swap3A_1433, %swap3A_1434], %swap3A_1437 {strides = array<i32>} : memref<256x128xf32, #tpu.memory_space<vmem>>, vector<1x16xf32>,
          %get3A_1438 = arith.index_cast %add3A_1426 : i32 to index
          %get3A_1439 = arith.constant 16 : index
          %get3A_1440 = tpu.vector_load %arg10[%get3A_1438, %get3A_1439] {strides = array<i32>} : memref<256x128xf32, #tpu.memory_space<vmem>>, vector<1x16xf32>,
          %get3A_1441 = vector.shape_cast %get3A_1440 : vector<1x16xf32> to vector<16xf32>
          %mul3A_1442 = vector.broadcast %squeeze3A_1420 : f32 to vector<16xf32>
          %mul3A_1443 = arith.mulf %get3A_1441, %mul3A_1442 : vector<16xf32>
          %swap3A_1444 = arith.index_cast %add3A_1426 : i32 to index
          %swap3A_1445 = arith.constant 16 : index
          %swap3A_1446 = tpu.vector_load %arg10[%swap3A_1444, %swap3A_1445] {strides = array<i32>} : memref<256x128xf32, #tpu.memory_space<vmem>>, vector<1x16xf32>,
          %swap3A_1447 = vector.shape_cast %swap3A_1446 : vector<1x16xf32> to vector<16xf32>
          %swap3A_1448 = vector.shape_cast %mul3A_1443 : vector<16xf32> to vector<1x16xf32>
          tpu.vector_store %arg10[%swap3A_1444, %swap3A_1445], %swap3A_1448 {strides = array<i32>} : memref<256x128xf32, #tpu.memory_space<vmem>>, vector<1x16xf32>,
          %get3A_1449 = arith.index_cast %add3A_1426 : i32 to index
          %get3A_1450 = arith.constant 32 : index
          %get3A_1451 = tpu.vector_load %arg10[%get3A_1449, %get3A_1450] {strides = array<i32>} : memref<256x128xf32, #tpu.memory_space<vmem>>, vector<1x16xf32>,
          %get3A_1452 = vector.shape_cast %get3A_1451 : vector<1x16xf32> to vector<16xf32>
          %mul3A_1453 = vector.broadcast %squeeze3A_1420 : f32 to vector<16xf32>
          %mul3A_1454 = arith.mulf %get3A_1452, %mul3A_1453 : vector<16xf32>
          %swap3A_1455 = arith.index_cast %add3A_1426 : i32 to index
          %swap3A_1456 = arith.constant 32 : index
          %swap3A_1457 = tpu.vector_load %arg10[%swap3A_1455, %swap3A_1456] {strides = array<i32>} : memref<256x128xf32, #tpu.memory_space<vmem>>, vector<1x16xf32>,
          %swap3A_1458 = vector.shape_cast %swap3A_1457 : vector<1x16xf32> to vector<16xf32>
          %swap3A_1459 = vector.shape_cast %mul3A_1454 : vector<16xf32> to vector<1x16xf32>
          tpu.vector_store %arg10[%swap3A_1455, %swap3A_1456], %swap3A_1459 {strides = array<i32>} : memref<256x128xf32, #tpu.memory_space<vmem>>, vector<1x16xf32>,
          %get3A_1460 = arith.index_cast %add3A_1426 : i32 to index
          %get3A_1461 = arith.constant 48 : index
          %get3A_1462 = tpu.vector_load %arg10[%get3A_1460, %get3A_1461] {strides = array<i32>} : memref<256x128xf32, #tpu.memory_space<vmem>>, vector<1x16xf32>,
          %get3A_1463 = vector.shape_cast %get3A_1462 : vector<1x16xf32> to vector<16xf32>
          %mul3A_1464 = vector.broadcast %squeeze3A_1420 : f32 to vector<16xf32>
          %mul3A_1465 = arith.mulf %get3A_1463, %mul3A_1464 : vector<16xf32>
          %swap3A_1466 = arith.index_cast %add3A_1426 : i32 to index
          %swap3A_1467 = arith.constant 48 : index
          %swap3A_1468 = tpu.vector_load %arg10[%swap3A_1466, %swap3A_1467] {strides = array<i32>} : memref<256x128xf32, #tpu.memory_space<vmem>>, vector<1x16xf32>,
          %swap3A_1469 = vector.shape_cast %swap3A_1468 : vector<1x16xf32> to vector<16xf32>
          %swap3A_1470 = vector.shape_cast %mul3A_1465 : vector<16xf32> to vector<1x16xf32>
          tpu.vector_store %arg10[%swap3A_1466, %swap3A_1467], %swap3A_1470 {strides = array<i32>} : memref<256x128xf32, #tpu.memory_space<vmem>>, vector<1x16xf32>,
          %get3A_1471 = arith.index_cast %add3A_1426 : i32 to index
          %get3A_1472 = arith.constant 64 : index
          %get3A_1473 = tpu.vector_load %arg10[%get3A_1471, %get3A_1472] {strides = array<i32>} : memref<256x128xf32, #tpu.memory_space<vmem>>, vector<1x16xf32>,
          %get3A_1474 = vector.shape_cast %get3A_1473 : vector<1x16xf32> to vector<16xf32>
          %mul3A_1475 = vector.broadcast %squeeze3A_1420 : f32 to vector<16xf32>
          %mul3A_1476 = arith.mulf %get3A_1474, %mul3A_1475 : vector<16xf32>
          %swap3A_1477 = arith.index_cast %add3A_1426 : i32 to index
          %swap3A_1478 = arith.constant 64 : index
          %swap3A_1479 = tpu.vector_load %arg10[%swap3A_1477, %swap3A_1478] {strides = array<i32>} : memref<256x128xf32, #tpu.memory_space<vmem>>, vector<1x16xf32>,
          %swap3A_1480 = vector.shape_cast %swap3A_1479 : vector<1x16xf32> to vector<16xf32>
          %swap3A_1481 = vector.shape_cast %mul3A_1476 : vector<16xf32> to vector<1x16xf32>
          tpu.vector_store %arg10[%swap3A_1477, %swap3A_1478], %swap3A_1481 {strides = array<i32>} : memref<256x128xf32, #tpu.memory_space<vmem>>, vector<1x16xf32>,
          %get3A_1482 = arith.index_cast %add3A_1426 : i32 to index
          %get3A_1483 = arith.constant 80 : index
          %get3A_1484 = tpu.vector_load %arg10[%get3A_1482, %get3A_1483] {strides = array<i32>} : memref<256x128xf32, #tpu.memory_space<vmem>>, vector<1x16xf32>,
          %get3A_1485 = vector.shape_cast %get3A_1484 : vector<1x16xf32> to vector<16xf32>
          %mul3A_1486 = vector.broadcast %squeeze3A_1420 : f32 to vector<16xf32>
          %mul3A_1487 = arith.mulf %get3A_1485, %mul3A_1486 : vector<16xf32>
          %swap3A_1488 = arith.index_cast %add3A_1426 : i32 to index
          %swap3A_1489 = arith.constant 80 : index
          %swap3A_1490 = tpu.vector_load %arg10[%swap3A_1488, %swap3A_1489] {strides = array<i32>} : memref<256x128xf32, #tpu.memory_space<vmem>>, vector<1x16xf32>,
          %swap3A_1491 = vector.shape_cast %swap3A_1490 : vector<1x16xf32> to vector<16xf32>
          %swap3A_1492 = vector.shape_cast %mul3A_1487 : vector<16xf32> to vector<1x16xf32>
          tpu.vector_store %arg10[%swap3A_1488, %swap3A_1489], %swap3A_1492 {strides = array<i32>} : memref<256x128xf32, #tpu.memory_space<vmem>>, vector<1x16xf32>,
          %get3A_1493 = arith.index_cast %add3A_1426 : i32 to index
          %get3A_1494 = arith.constant 96 : index
          %get3A_1495 = tpu.vector_load %arg10[%get3A_1493, %get3A_1494] {strides = array<i32>} : memref<256x128xf32, #tpu.memory_space<vmem>>, vector<1x16xf32>,
          %get3A_1496 = vector.shape_cast %get3A_1495 : vector<1x16xf32> to vector<16xf32>
          %mul3A_1497 = vector.broadcast %squeeze3A_1420 : f32 to vector<16xf32>
          %mul3A_1498 = arith.mulf %get3A_1496, %mul3A_1497 : vector<16xf32>
          %swap3A_1499 = arith.index_cast %add3A_1426 : i32 to index
          %swap3A_1500 = arith.constant 96 : index
          %swap3A_1501 = tpu.vector_load %arg10[%swap3A_1499, %swap3A_1500] {strides = array<i32>} : memref<256x128xf32, #tpu.memory_space<vmem>>, vector<1x16xf32>,
          %swap3A_1502 = vector.shape_cast %swap3A_1501 : vector<1x16xf32> to vector<16xf32>
          %swap3A_1503 = vector.shape_cast %mul3A_1498 : vector<16xf32> to vector<1x16xf32>
          tpu.vector_store %arg10[%swap3A_1499, %swap3A_1500], %swap3A_1503 {strides = array<i32>} : memref<256x128xf32, #tpu.memory_space<vmem>>, vector<1x16xf32>,
          %get3A_1504 = arith.index_cast %add3A_1426 : i32 to index
          %get3A_1505 = arith.constant 112 : index
          %get3A_1506 = tpu.vector_load %arg10[%get3A_1504, %get3A_1505] {strides = array<i32>} : memref<256x128xf32, #tpu.memory_space<vmem>>, vector<1x16xf32>,
          %get3A_1507 = vector.shape_cast %get3A_1506 : vector<1x16xf32> to vector<16xf32>
          %mul3A_1508 = vector.broadcast %squeeze3A_1420 : f32 to vector<16xf32>
          %mul3A_1509 = arith.mulf %get3A_1507, %mul3A_1508 : vector<16xf32>
          %swap3A_1510 = arith.index_cast %add3A_1426 : i32 to index
          %swap3A_1511 = arith.constant 112 : index
          %swap3A_1512 = tpu.vector_load %arg10[%swap3A_1510, %swap3A_1511] {strides = array<i32>} : memref<256x128xf32, #tpu.memory_space<vmem>>, vector<1x16xf32>,
          %swap3A_1513 = vector.shape_cast %swap3A_1512 : vector<1x16xf32> to vector<16xf32>
          %swap3A_1514 = vector.shape_cast %mul3A_1509 : vector<16xf32> to vector<1x16xf32>
          tpu.vector_store %arg10[%swap3A_1510, %swap3A_1511], %swap3A_1514 {strides = array<i32>} : memref<256x128xf32, #tpu.memory_space<vmem>>, vector<1x16xf32>,
          %slice3A_1515 = vector.extract_strided_slice %get3A_173 {offsets = [14], sizes = [1], strides = [1]} : vector<16xf32> to vector<1xf32>
          %squeeze3A_1516 = vector.extract %slice3A_1515[0] : f32 from vector<1xf32>
          %mul3A_1517 = arith.constant 16 : i32
          %mul3A_1518 = arith.muli %scan3A_164, %mul3A_1517 : i32
          %add3A_1519 = arith.constant 0 : i32
          %add3A_1520 = arith.addi %add3A_1519, %mul3A_1518 : i32
          %add3A_1521 = arith.constant 14 : i32
          %add3A_1522 = arith.addi %add3A_1520, %add3A_1521 : i32
          %get3A_1523 = arith.index_cast %add3A_1522 : i32 to index
          %get3A_1524 = arith.constant 0 : index
          %get3A_1525 = tpu.vector_load %arg10[%get3A_1523, %get3A_1524] {strides = array<i32>} : memref<256x128xf32, #tpu.memory_space<vmem>>, vector<1x16xf32>,
          %get3A_1526 = vector.shape_cast %get3A_1525 : vector<1x16xf32> to vector<16xf32>
          %mul3A_1527 = vector.broadcast %squeeze3A_1516 : f32 to vector<16xf32>
          %mul3A_1528 = arith.mulf %get3A_1526, %mul3A_1527 : vector<16xf32>
          %swap3A_1529 = arith.index_cast %add3A_1522 : i32 to index
          %swap3A_1530 = arith.constant 0 : index
          %swap3A_1531 = tpu.vector_load %arg10[%swap3A_1529, %swap3A_1530] {strides = array<i32>} : memref<256x128xf32, #tpu.memory_space<vmem>>, vector<1x16xf32>,
          %swap3A_1532 = vector.shape_cast %swap3A_1531 : vector<1x16xf32> to vector<16xf32>
          %swap3A_1533 = vector.shape_cast %mul3A_1528 : vector<16xf32> to vector<1x16xf32>
          tpu.vector_store %arg10[%swap3A_1529, %swap3A_1530], %swap3A_1533 {strides = array<i32>} : memref<256x128xf32, #tpu.memory_space<vmem>>, vector<1x16xf32>,
          %get3A_1534 = arith.index_cast %add3A_1522 : i32 to index
          %get3A_1535 = arith.constant 16 : index
          %get3A_1536 = tpu.vector_load %arg10[%get3A_1534, %get3A_1535] {strides = array<i32>} : memref<256x128xf32, #tpu.memory_space<vmem>>, vector<1x16xf32>,
          %get3A_1537 = vector.shape_cast %get3A_1536 : vector<1x16xf32> to vector<16xf32>
          %mul3A_1538 = vector.broadcast %squeeze3A_1516 : f32 to vector<16xf32>
          %mul3A_1539 = arith.mulf %get3A_1537, %mul3A_1538 : vector<16xf32>
          %swap3A_1540 = arith.index_cast %add3A_1522 : i32 to index
          %swap3A_1541 = arith.constant 16 : index
          %swap3A_1542 = tpu.vector_load %arg10[%swap3A_1540, %swap3A_1541] {strides = array<i32>} : memref<256x128xf32, #tpu.memory_space<vmem>>, vector<1x16xf32>,
          %swap3A_1543 = vector.shape_cast %swap3A_1542 : vector<1x16xf32> to vector<16xf32>
          %swap3A_1544 = vector.shape_cast %mul3A_1539 : vector<16xf32> to vector<1x16xf32>
          tpu.vector_store %arg10[%swap3A_1540, %swap3A_1541], %swap3A_1544 {strides = array<i32>} : memref<256x128xf32, #tpu.memory_space<vmem>>, vector<1x16xf32>,
          %get3A_1545 = arith.index_cast %add3A_1522 : i32 to index
          %get3A_1546 = arith.constant 32 : index
          %get3A_1547 = tpu.vector_load %arg10[%get3A_1545, %get3A_1546] {strides = array<i32>} : memref<256x128xf32, #tpu.memory_space<vmem>>, vector<1x16xf32>,
          %get3A_1548 = vector.shape_cast %get3A_1547 : vector<1x16xf32> to vector<16xf32>
          %mul3A_1549 = vector.broadcast %squeeze3A_1516 : f32 to vector<16xf32>
          %mul3A_1550 = arith.mulf %get3A_1548, %mul3A_1549 : vector<16xf32>
          %swap3A_1551 = arith.index_cast %add3A_1522 : i32 to index
          %swap3A_1552 = arith.constant 32 : index
          %swap3A_1553 = tpu.vector_load %arg10[%swap3A_1551, %swap3A_1552] {strides = array<i32>} : memref<256x128xf32, #tpu.memory_space<vmem>>, vector<1x16xf32>,
          %swap3A_1554 = vector.shape_cast %swap3A_1553 : vector<1x16xf32> to vector<16xf32>
          %swap3A_1555 = vector.shape_cast %mul3A_1550 : vector<16xf32> to vector<1x16xf32>
          tpu.vector_store %arg10[%swap3A_1551, %swap3A_1552], %swap3A_1555 {strides = array<i32>} : memref<256x128xf32, #tpu.memory_space<vmem>>, vector<1x16xf32>,
          %get3A_1556 = arith.index_cast %add3A_1522 : i32 to index
          %get3A_1557 = arith.constant 48 : index
          %get3A_1558 = tpu.vector_load %arg10[%get3A_1556, %get3A_1557] {strides = array<i32>} : memref<256x128xf32, #tpu.memory_space<vmem>>, vector<1x16xf32>,
          %get3A_1559 = vector.shape_cast %get3A_1558 : vector<1x16xf32> to vector<16xf32>
          %mul3A_1560 = vector.broadcast %squeeze3A_1516 : f32 to vector<16xf32>
          %mul3A_1561 = arith.mulf %get3A_1559, %mul3A_1560 : vector<16xf32>
          %swap3A_1562 = arith.index_cast %add3A_1522 : i32 to index
          %swap3A_1563 = arith.constant 48 : index
          %swap3A_1564 = tpu.vector_load %arg10[%swap3A_1562, %swap3A_1563] {strides = array<i32>} : memref<256x128xf32, #tpu.memory_space<vmem>>, vector<1x16xf32>,
          %swap3A_1565 = vector.shape_cast %swap3A_1564 : vector<1x16xf32> to vector<16xf32>
          %swap3A_1566 = vector.shape_cast %mul3A_1561 : vector<16xf32> to vector<1x16xf32>
          tpu.vector_store %arg10[%swap3A_1562, %swap3A_1563], %swap3A_1566 {strides = array<i32>} : memref<256x128xf32, #tpu.memory_space<vmem>>, vector<1x16xf32>,
          %get3A_1567 = arith.index_cast %add3A_1522 : i32 to index
          %get3A_1568 = arith.constant 64 : index
          %get3A_1569 = tpu.vector_load %arg10[%get3A_1567, %get3A_1568] {strides = array<i32>} : memref<256x128xf32, #tpu.memory_space<vmem>>, vector<1x16xf32>,
          %get3A_1570 = vector.shape_cast %get3A_1569 : vector<1x16xf32> to vector<16xf32>
          %mul3A_1571 = vector.broadcast %squeeze3A_1516 : f32 to vector<16xf32>
          %mul3A_1572 = arith.mulf %get3A_1570, %mul3A_1571 : vector<16xf32>
          %swap3A_1573 = arith.index_cast %add3A_1522 : i32 to index
          %swap3A_1574 = arith.constant 64 : index
          %swap3A_1575 = tpu.vector_load %arg10[%swap3A_1573, %swap3A_1574] {strides = array<i32>} : memref<256x128xf32, #tpu.memory_space<vmem>>, vector<1x16xf32>,
          %swap3A_1576 = vector.shape_cast %swap3A_1575 : vector<1x16xf32> to vector<16xf32>
          %swap3A_1577 = vector.shape_cast %mul3A_1572 : vector<16xf32> to vector<1x16xf32>
          tpu.vector_store %arg10[%swap3A_1573, %swap3A_1574], %swap3A_1577 {strides = array<i32>} : memref<256x128xf32, #tpu.memory_space<vmem>>, vector<1x16xf32>,
          %get3A_1578 = arith.index_cast %add3A_1522 : i32 to index
          %get3A_1579 = arith.constant 80 : index
          %get3A_1580 = tpu.vector_load %arg10[%get3A_1578, %get3A_1579] {strides = array<i32>} : memref<256x128xf32, #tpu.memory_space<vmem>>, vector<1x16xf32>,
          %get3A_1581 = vector.shape_cast %get3A_1580 : vector<1x16xf32> to vector<16xf32>
          %mul3A_1582 = vector.broadcast %squeeze3A_1516 : f32 to vector<16xf32>
          %mul3A_1583 = arith.mulf %get3A_1581, %mul3A_1582 : vector<16xf32>
          %swap3A_1584 = arith.index_cast %add3A_1522 : i32 to index
          %swap3A_1585 = arith.constant 80 : index
          %swap3A_1586 = tpu.vector_load %arg10[%swap3A_1584, %swap3A_1585] {strides = array<i32>} : memref<256x128xf32, #tpu.memory_space<vmem>>, vector<1x16xf32>,
          %swap3A_1587 = vector.shape_cast %swap3A_1586 : vector<1x16xf32> to vector<16xf32>
          %swap3A_1588 = vector.shape_cast %mul3A_1583 : vector<16xf32> to vector<1x16xf32>
          tpu.vector_store %arg10[%swap3A_1584, %swap3A_1585], %swap3A_1588 {strides = array<i32>} : memref<256x128xf32, #tpu.memory_space<vmem>>, vector<1x16xf32>,
          %get3A_1589 = arith.index_cast %add3A_1522 : i32 to index
          %get3A_1590 = arith.constant 96 : index
          %get3A_1591 = tpu.vector_load %arg10[%get3A_1589, %get3A_1590] {strides = array<i32>} : memref<256x128xf32, #tpu.memory_space<vmem>>, vector<1x16xf32>,
          %get3A_1592 = vector.shape_cast %get3A_1591 : vector<1x16xf32> to vector<16xf32>
          %mul3A_1593 = vector.broadcast %squeeze3A_1516 : f32 to vector<16xf32>
          %mul3A_1594 = arith.mulf %get3A_1592, %mul3A_1593 : vector<16xf32>
          %swap3A_1595 = arith.index_cast %add3A_1522 : i32 to index
          %swap3A_1596 = arith.constant 96 : index
          %swap3A_1597 = tpu.vector_load %arg10[%swap3A_1595, %swap3A_1596] {strides = array<i32>} : memref<256x128xf32, #tpu.memory_space<vmem>>, vector<1x16xf32>,
          %swap3A_1598 = vector.shape_cast %swap3A_1597 : vector<1x16xf32> to vector<16xf32>
          %swap3A_1599 = vector.shape_cast %mul3A_1594 : vector<16xf32> to vector<1x16xf32>
          tpu.vector_store %arg10[%swap3A_1595, %swap3A_1596], %swap3A_1599 {strides = array<i32>} : memref<256x128xf32, #tpu.memory_space<vmem>>, vector<1x16xf32>,
          %get3A_1600 = arith.index_cast %add3A_1522 : i32 to index
          %get3A_1601 = arith.constant 112 : index
          %get3A_1602 = tpu.vector_load %arg10[%get3A_1600, %get3A_1601] {strides = array<i32>} : memref<256x128xf32, #tpu.memory_space<vmem>>, vector<1x16xf32>,
          %get3A_1603 = vector.shape_cast %get3A_1602 : vector<1x16xf32> to vector<16xf32>
          %mul3A_1604 = vector.broadcast %squeeze3A_1516 : f32 to vector<16xf32>
          %mul3A_1605 = arith.mulf %get3A_1603, %mul3A_1604 : vector<16xf32>
          %swap3A_1606 = arith.index_cast %add3A_1522 : i32 to index
          %swap3A_1607 = arith.constant 112 : index
          %swap3A_1608 = tpu.vector_load %arg10[%swap3A_1606, %swap3A_1607] {strides = array<i32>} : memref<256x128xf32, #tpu.memory_space<vmem>>, vector<1x16xf32>,
          %swap3A_1609 = vector.shape_cast %swap3A_1608 : vector<1x16xf32> to vector<16xf32>
          %swap3A_1610 = vector.shape_cast %mul3A_1605 : vector<16xf32> to vector<1x16xf32>
          tpu.vector_store %arg10[%swap3A_1606, %swap3A_1607], %swap3A_1610 {strides = array<i32>} : memref<256x128xf32, #tpu.memory_space<vmem>>, vector<1x16xf32>,
          %slice3A_1611 = vector.extract_strided_slice %get3A_173 {offsets = [15], sizes = [1], strides = [1]} : vector<16xf32> to vector<1xf32>
          %squeeze3A_1612 = vector.extract %slice3A_1611[0] : f32 from vector<1xf32>
          %mul3A_1613 = arith.constant 16 : i32
          %mul3A_1614 = arith.muli %scan3A_164, %mul3A_1613 : i32
          %add3A_1615 = arith.constant 0 : i32
          %add3A_1616 = arith.addi %add3A_1615, %mul3A_1614 : i32
          %add3A_1617 = arith.constant 15 : i32
          %add3A_1618 = arith.addi %add3A_1616, %add3A_1617 : i32
          %get3A_1619 = arith.index_cast %add3A_1618 : i32 to index
          %get3A_1620 = arith.constant 0 : index
          %get3A_1621 = tpu.vector_load %arg10[%get3A_1619, %get3A_1620] {strides = array<i32>} : memref<256x128xf32, #tpu.memory_space<vmem>>, vector<1x16xf32>,
          %get3A_1622 = vector.shape_cast %get3A_1621 : vector<1x16xf32> to vector<16xf32>
          %mul3A_1623 = vector.broadcast %squeeze3A_1612 : f32 to vector<16xf32>
          %mul3A_1624 = arith.mulf %get3A_1622, %mul3A_1623 : vector<16xf32>
          %swap3A_1625 = arith.index_cast %add3A_1618 : i32 to index
          %swap3A_1626 = arith.constant 0 : index
          %swap3A_1627 = tpu.vector_load %arg10[%swap3A_1625, %swap3A_1626] {strides = array<i32>} : memref<256x128xf32, #tpu.memory_space<vmem>>, vector<1x16xf32>,
          %swap3A_1628 = vector.shape_cast %swap3A_1627 : vector<1x16xf32> to vector<16xf32>
          %swap3A_1629 = vector.shape_cast %mul3A_1624 : vector<16xf32> to vector<1x16xf32>
          tpu.vector_store %arg10[%swap3A_1625, %swap3A_1626], %swap3A_1629 {strides = array<i32>} : memref<256x128xf32, #tpu.memory_space<vmem>>, vector<1x16xf32>,
          %get3A_1630 = arith.index_cast %add3A_1618 : i32 to index
          %get3A_1631 = arith.constant 16 : index
          %get3A_1632 = tpu.vector_load %arg10[%get3A_1630, %get3A_1631] {strides = array<i32>} : memref<256x128xf32, #tpu.memory_space<vmem>>, vector<1x16xf32>,
          %get3A_1633 = vector.shape_cast %get3A_1632 : vector<1x16xf32> to vector<16xf32>
          %mul3A_1634 = vector.broadcast %squeeze3A_1612 : f32 to vector<16xf32>
          %mul3A_1635 = arith.mulf %get3A_1633, %mul3A_1634 : vector<16xf32>
          %swap3A_1636 = arith.index_cast %add3A_1618 : i32 to index
          %swap3A_1637 = arith.constant 16 : index
          %swap3A_1638 = tpu.vector_load %arg10[%swap3A_1636, %swap3A_1637] {strides = array<i32>} : memref<256x128xf32, #tpu.memory_space<vmem>>, vector<1x16xf32>,
          %swap3A_1639 = vector.shape_cast %swap3A_1638 : vector<1x16xf32> to vector<16xf32>
          %swap3A_1640 = vector.shape_cast %mul3A_1635 : vector<16xf32> to vector<1x16xf32>
          tpu.vector_store %arg10[%swap3A_1636, %swap3A_1637], %swap3A_1640 {strides = array<i32>} : memref<256x128xf32, #tpu.memory_space<vmem>>, vector<1x16xf32>,
          %get3A_1641 = arith.index_cast %add3A_1618 : i32 to index
          %get3A_1642 = arith.constant 32 : index
          %get3A_1643 = tpu.vector_load %arg10[%get3A_1641, %get3A_1642] {strides = array<i32>} : memref<256x128xf32, #tpu.memory_space<vmem>>, vector<1x16xf32>,
          %get3A_1644 = vector.shape_cast %get3A_1643 : vector<1x16xf32> to vector<16xf32>
          %mul3A_1645 = vector.broadcast %squeeze3A_1612 : f32 to vector<16xf32>
          %mul3A_1646 = arith.mulf %get3A_1644, %mul3A_1645 : vector<16xf32>
          %swap3A_1647 = arith.index_cast %add3A_1618 : i32 to index
          %swap3A_1648 = arith.constant 32 : index
          %swap3A_1649 = tpu.vector_load %arg10[%swap3A_1647, %swap3A_1648] {strides = array<i32>} : memref<256x128xf32, #tpu.memory_space<vmem>>, vector<1x16xf32>,
          %swap3A_1650 = vector.shape_cast %swap3A_1649 : vector<1x16xf32> to vector<16xf32>
          %swap3A_1651 = vector.shape_cast %mul3A_1646 : vector<16xf32> to vector<1x16xf32>
          tpu.vector_store %arg10[%swap3A_1647, %swap3A_1648], %swap3A_1651 {strides = array<i32>} : memref<256x128xf32, #tpu.memory_space<vmem>>, vector<1x16xf32>,
          %get3A_1652 = arith.index_cast %add3A_1618 : i32 to index
          %get3A_1653 = arith.constant 48 : index
          %get3A_1654 = tpu.vector_load %arg10[%get3A_1652, %get3A_1653] {strides = array<i32>} : memref<256x128xf32, #tpu.memory_space<vmem>>, vector<1x16xf32>,
          %get3A_1655 = vector.shape_cast %get3A_1654 : vector<1x16xf32> to vector<16xf32>
          %mul3A_1656 = vector.broadcast %squeeze3A_1612 : f32 to vector<16xf32>
          %mul3A_1657 = arith.mulf %get3A_1655, %mul3A_1656 : vector<16xf32>
          %swap3A_1658 = arith.index_cast %add3A_1618 : i32 to index
          %swap3A_1659 = arith.constant 48 : index
          %swap3A_1660 = tpu.vector_load %arg10[%swap3A_1658, %swap3A_1659] {strides = array<i32>} : memref<256x128xf32, #tpu.memory_space<vmem>>, vector<1x16xf32>,
          %swap3A_1661 = vector.shape_cast %swap3A_1660 : vector<1x16xf32> to vector<16xf32>
          %swap3A_1662 = vector.shape_cast %mul3A_1657 : vector<16xf32> to vector<1x16xf32>
          tpu.vector_store %arg10[%swap3A_1658, %swap3A_1659], %swap3A_1662 {strides = array<i32>} : memref<256x128xf32, #tpu.memory_space<vmem>>, vector<1x16xf32>,
          %get3A_1663 = arith.index_cast %add3A_1618 : i32 to index
          %get3A_1664 = arith.constant 64 : index
          %get3A_1665 = tpu.vector_load %arg10[%get3A_1663, %get3A_1664] {strides = array<i32>} : memref<256x128xf32, #tpu.memory_space<vmem>>, vector<1x16xf32>,
          %get3A_1666 = vector.shape_cast %get3A_1665 : vector<1x16xf32> to vector<16xf32>
          %mul3A_1667 = vector.broadcast %squeeze3A_1612 : f32 to vector<16xf32>
          %mul3A_1668 = arith.mulf %get3A_1666, %mul3A_1667 : vector<16xf32>
          %swap3A_1669 = arith.index_cast %add3A_1618 : i32 to index
          %swap3A_1670 = arith.constant 64 : index
          %swap3A_1671 = tpu.vector_load %arg10[%swap3A_1669, %swap3A_1670] {strides = array<i32>} : memref<256x128xf32, #tpu.memory_space<vmem>>, vector<1x16xf32>,
          %swap3A_1672 = vector.shape_cast %swap3A_1671 : vector<1x16xf32> to vector<16xf32>
          %swap3A_1673 = vector.shape_cast %mul3A_1668 : vector<16xf32> to vector<1x16xf32>
          tpu.vector_store %arg10[%swap3A_1669, %swap3A_1670], %swap3A_1673 {strides = array<i32>} : memref<256x128xf32, #tpu.memory_space<vmem>>, vector<1x16xf32>,
          %get3A_1674 = arith.index_cast %add3A_1618 : i32 to index
          %get3A_1675 = arith.constant 80 : index
          %get3A_1676 = tpu.vector_load %arg10[%get3A_1674, %get3A_1675] {strides = array<i32>} : memref<256x128xf32, #tpu.memory_space<vmem>>, vector<1x16xf32>,
          %get3A_1677 = vector.shape_cast %get3A_1676 : vector<1x16xf32> to vector<16xf32>
          %mul3A_1678 = vector.broadcast %squeeze3A_1612 : f32 to vector<16xf32>
          %mul3A_1679 = arith.mulf %get3A_1677, %mul3A_1678 : vector<16xf32>
          %swap3A_1680 = arith.index_cast %add3A_1618 : i32 to index
          %swap3A_1681 = arith.constant 80 : index
          %swap3A_1682 = tpu.vector_load %arg10[%swap3A_1680, %swap3A_1681] {strides = array<i32>} : memref<256x128xf32, #tpu.memory_space<vmem>>, vector<1x16xf32>,
          %swap3A_1683 = vector.shape_cast %swap3A_1682 : vector<1x16xf32> to vector<16xf32>
          %swap3A_1684 = vector.shape_cast %mul3A_1679 : vector<16xf32> to vector<1x16xf32>
          tpu.vector_store %arg10[%swap3A_1680, %swap3A_1681], %swap3A_1684 {strides = array<i32>} : memref<256x128xf32, #tpu.memory_space<vmem>>, vector<1x16xf32>,
          %get3A_1685 = arith.index_cast %add3A_1618 : i32 to index
          %get3A_1686 = arith.constant 96 : index
          %get3A_1687 = tpu.vector_load %arg10[%get3A_1685, %get3A_1686] {strides = array<i32>} : memref<256x128xf32, #tpu.memory_space<vmem>>, vector<1x16xf32>,
          %get3A_1688 = vector.shape_cast %get3A_1687 : vector<1x16xf32> to vector<16xf32>
          %mul3A_1689 = vector.broadcast %squeeze3A_1612 : f32 to vector<16xf32>
          %mul3A_1690 = arith.mulf %get3A_1688, %mul3A_1689 : vector<16xf32>
          %swap3A_1691 = arith.index_cast %add3A_1618 : i32 to index
          %swap3A_1692 = arith.constant 96 : index
          %swap3A_1693 = tpu.vector_load %arg10[%swap3A_1691, %swap3A_1692] {strides = array<i32>} : memref<256x128xf32, #tpu.memory_space<vmem>>, vector<1x16xf32>,
          %swap3A_1694 = vector.shape_cast %swap3A_1693 : vector<1x16xf32> to vector<16xf32>
          %swap3A_1695 = vector.shape_cast %mul3A_1690 : vector<16xf32> to vector<1x16xf32>
          tpu.vector_store %arg10[%swap3A_1691, %swap3A_1692], %swap3A_1695 {strides = array<i32>} : memref<256x128xf32, #tpu.memory_space<vmem>>, vector<1x16xf32>,
          %get3A_1696 = arith.index_cast %add3A_1618 : i32 to index
          %get3A_1697 = arith.constant 112 : index
          %get3A_1698 = tpu.vector_load %arg10[%get3A_1696, %get3A_1697] {strides = array<i32>} : memref<256x128xf32, #tpu.memory_space<vmem>>, vector<1x16xf32>,
          %get3A_1699 = vector.shape_cast %get3A_1698 : vector<1x16xf32> to vector<16xf32>
          %mul3A_1700 = vector.broadcast %squeeze3A_1612 : f32 to vector<16xf32>
          %mul3A_1701 = arith.mulf %get3A_1699, %mul3A_1700 : vector<16xf32>
          %swap3A_1702 = arith.index_cast %add3A_1618 : i32 to index
          %swap3A_1703 = arith.constant 112 : index
          %swap3A_1704 = tpu.vector_load %arg10[%swap3A_1702, %swap3A_1703] {strides = array<i32>} : memref<256x128xf32, #tpu.memory_space<vmem>>, vector<1x16xf32>,
          %swap3A_1705 = vector.shape_cast %swap3A_1704 : vector<1x16xf32> to vector<16xf32>
          %swap3A_1706 = vector.shape_cast %mul3A_1701 : vector<16xf32> to vector<1x16xf32>
          tpu.vector_store %arg10[%swap3A_1702, %swap3A_1703], %swap3A_1706 {strides = array<i32>} : memref<256x128xf32, #tpu.memory_space<vmem>>, vector<1x16xf32>,
        }
        %scan3A_113 = arith.constant 8 : i32
        %mul3A_114 = arith.constant 2 : i32
        %mul3A_115 = arith.muli %scan3A_58, %mul3A_114 : i32
        %add3A_116 = arith.constant 0 : i32
        %add3A_117 = arith.addi %mul3A_115, %add3A_116 : i32
        %dma_start3A_118 = arith.constant 0 : i32
        %dma_start3A_119 = arith.constant 0 : i32
        %dma_start3A_120 = arith.constant 0 : i32
        %dma_start3A_121 = tpu.memref_slice %arg10[%dma_start3A_119, %dma_start3A_120] : memref<256x128xf32, #tpu.memory_space<vmem>> -> memref<128x128xf32, #tpu.memory_space<vmem>>
        %dma_start3A_122 = arith.constant 0 : i32
        %dma_start3A_123 = tpu.memref_slice %arg8[%add3A_117, %dma_start3A_122] : memref<40x128xi32, #tpu.memory_space<vmem>> -> memref<1x128xi32, #tpu.memory_space<vmem>>
        %dma_start3A_124 = tpu.memref_squeeze %dma_start3A_123 : memref<1x128xi32, #tpu.memory_space<vmem>> -> memref<128xi32, #tpu.memory_space<vmem>>
        %dma_start3A_125 = arith.constant 0 : i32
        %dma_start3A_126 = arith.constant 0 : i32
        %dma_start3A_127 = tpu.memref_slice %arg11[%dma_start3A_125, %dma_start3A_126] : memref<10000x128xf32, #tpu.memory_space<vmem_shared>> -> memref<10000x128xf32, #tpu.memory_space<vmem_shared>>
        %dma_start3A_128 = tpu.memref_slice %arg13[%dma_start3A_118] : memref<2x!tpu.dma_semaphore, #tpu.memory_space<semaphore_mem>> -> memref<1x!tpu.dma_semaphore, #tpu.memory_space<semaphore_mem>>
        %dma_start3A_129 = tpu.memref_squeeze %dma_start3A_128 : memref<1x!tpu.dma_semaphore, #tpu.memory_space<semaphore_mem>> -> memref<!tpu.dma_semaphore, #tpu.memory_space<semaphore_mem>>
        tpu.enqueue_indirect_dma source(%dma_start3A_121 : memref<128x128xf32, #tpu.memory_space<vmem>>) target(%dma_start3A_127 : memref<10000x128xf32, #tpu.memory_space<vmem_shared>>) offsets(%dma_start3A_124 : memref<128xi32, #tpu.memory_space<vmem>>) semaphore(%dma_start3A_129 : memref<!tpu.dma_semaphore, #tpu.memory_space<semaphore_mem>>) {add = true}
        %dma_wait3A_130 = arith.constant 1 : i32
        %dma_wait3A_131 = arith.constant 128 : i32
        %dma_wait3A_132 = arith.constant 0 : i32
        %dma_wait3A_133 = tpu.memref_slice %arg10[%dma_wait3A_131, %dma_wait3A_132] : memref<256x128xf32, #tpu.memory_space<vmem>> -> memref<128x128xf32, #tpu.memory_space<vmem>>
        %dma_wait3A_134 = arith.constant 0 : i32
        %dma_wait3A_135 = tpu.memref_slice %arg7[%add3A_83, %dma_wait3A_134] : memref<40x128xi32, #tpu.memory_space<vmem>> -> memref<1x128xi32, #tpu.memory_space<vmem>>
        %dma_wait3A_136 = tpu.memref_squeeze %dma_wait3A_135 : memref<1x128xi32, #tpu.memory_space<vmem>> -> memref<128xi32, #tpu.memory_space<vmem>>
        %dma_wait3A_137 = arith.constant 0 : i32
        %dma_wait3A_138 = arith.constant 0 : i32
        %dma_wait3A_139 = tpu.memref_slice %arg2[%dma_wait3A_137, %dma_wait3A_138] : memref<10000x128xf32, #tpu.memory_space<hbm>> -> memref<10000x128xf32, #tpu.memory_space<hbm>>
        %dma_wait3A_140 = tpu.memref_slice %arg12[%dma_wait3A_130] : memref<2x!tpu.dma_semaphore, #tpu.memory_space<semaphore_mem>> -> memref<1x!tpu.dma_semaphore, #tpu.memory_space<semaphore_mem>>
        %dma_wait3A_141 = tpu.memref_squeeze %dma_wait3A_140 : memref<1x!tpu.dma_semaphore, #tpu.memory_space<semaphore_mem>> -> memref<!tpu.dma_semaphore, #tpu.memory_space<semaphore_mem>>
        tpu.wait_indirect_dma semaphore(%dma_wait3A_141 : memref<!tpu.dma_semaphore, #tpu.memory_space<semaphore_mem>>) src(%dma_wait3A_139 : memref<10000x128xf32, #tpu.memory_space<hbm>>) dst(%dma_wait3A_133 : memref<128x128xf32, #tpu.memory_space<vmem>>)
        %scan3A_142 = arith.constant 0 : i32
        %scan3A_143 = arith.constant 0 : i32
        %scan3A_144 = arith.constant 8 : i32
        %scan3A_145 = arith.addi %scan3A_143, %scan3A_144 : i32
        %scan3A_146 = arith.constant 1 : i32
        scf.for %scan3A_164 = %scan3A_143 to %scan3A_145 step %scan3A_146  : i32 {
          %mul3A_165 = arith.constant 2 : i32
          %mul3A_166 = arith.muli %scan3A_58, %mul3A_165 : i32
          %add3A_167 = arith.constant 1 : i32
          %add3A_168 = arith.addi %mul3A_166, %add3A_167 : i32
          %mul3A_169 = arith.constant 16 : i32
          %mul3A_170 = arith.muli %scan3A_164, %mul3A_169 : i32
          %get3A = arith.index_cast %add3A_168 : i32 to index
          %get3A_171 = arith.index_cast %mul3A_170 : i32 to index
          %get3A_172 = tpu.vector_load %arg9[%get3A, %get3A_171] {strides = array<i32>} : memref<40x128xf32, #tpu.memory_space<vmem>>, vector<1x16xf32>,
          %get3A_173 = vector.shape_cast %get3A_172 : vector<1x16xf32> to vector<16xf32>
          %slice3A = vector.extract_strided_slice %get3A_173 {offsets = [0], sizes = [1], strides = [1]} : vector<16xf32> to vector<1xf32>
          %squeeze3A = vector.extract %slice3A[0] : f32 from vector<1xf32>
          %mul3A_174 = arith.constant 16 : i32
          %mul3A_175 = arith.muli %scan3A_164, %mul3A_174 : i32
          %add3A_176 = arith.constant 128 : i32
          %add3A_177 = arith.addi %add3A_176, %mul3A_175 : i32
          %add3A_178 = arith.constant 0 : i32
          %add3A_179 = arith.addi %add3A_177, %add3A_178 : i32
          %get3A_180 = arith.index_cast %add3A_179 : i32 to index
          %get3A_181 = arith.constant 0 : index
          %get3A_182 = tpu.vector_load %arg10[%get3A_180, %get3A_181] {strides = array<i32>} : memref<256x128xf32, #tpu.memory_space<vmem>>, vector<1x16xf32>,
          %get3A_183 = vector.shape_cast %get3A_182 : vector<1x16xf32> to vector<16xf32>
          %mul3A_184 = vector.broadcast %squeeze3A : f32 to vector<16xf32>
          %mul3A_185 = arith.mulf %get3A_183, %mul3A_184 : vector<16xf32>
          %swap3A = arith.index_cast %add3A_179 : i32 to index
          %swap3A_186 = arith.constant 0 : index
          %swap3A_187 = tpu.vector_load %arg10[%swap3A, %swap3A_186] {strides = array<i32>} : memref<256x128xf32, #tpu.memory_space<vmem>>, vector<1x16xf32>,
          %swap3A_188 = vector.shape_cast %swap3A_187 : vector<1x16xf32> to vector<16xf32>
          %swap3A_189 = vector.shape_cast %mul3A_185 : vector<16xf32> to vector<1x16xf32>
          tpu.vector_store %arg10[%swap3A, %swap3A_186], %swap3A_189 {strides = array<i32>} : memref<256x128xf32, #tpu.memory_space<vmem>>, vector<1x16xf32>,
          %get3A_190 = arith.index_cast %add3A_179 : i32 to index
          %get3A_191 = arith.constant 16 : index
          %get3A_192 = tpu.vector_load %arg10[%get3A_190, %get3A_191] {strides = array<i32>} : memref<256x128xf32, #tpu.memory_space<vmem>>, vector<1x16xf32>,
          %get3A_193 = vector.shape_cast %get3A_192 : vector<1x16xf32> to vector<16xf32>
          %mul3A_194 = vector.broadcast %squeeze3A : f32 to vector<16xf32>
          %mul3A_195 = arith.mulf %get3A_193, %mul3A_194 : vector<16xf32>
          %swap3A_196 = arith.index_cast %add3A_179 : i32 to index
          %swap3A_197 = arith.constant 16 : index
          %swap3A_198 = tpu.vector_load %arg10[%swap3A_196, %swap3A_197] {strides = array<i32>} : memref<256x128xf32, #tpu.memory_space<vmem>>, vector<1x16xf32>,
          %swap3A_199 = vector.shape_cast %swap3A_198 : vector<1x16xf32> to vector<16xf32>
          %swap3A_200 = vector.shape_cast %mul3A_195 : vector<16xf32> to vector<1x16xf32>
          tpu.vector_store %arg10[%swap3A_196, %swap3A_197], %swap3A_200 {strides = array<i32>} : memref<256x128xf32, #tpu.memory_space<vmem>>, vector<1x16xf32>,
          %get3A_201 = arith.index_cast %add3A_179 : i32 to index
          %get3A_202 = arith.constant 32 : index
          %get3A_203 = tpu.vector_load %arg10[%get3A_201, %get3A_202] {strides = array<i32>} : memref<256x128xf32, #tpu.memory_space<vmem>>, vector<1x16xf32>,
          %get3A_204 = vector.shape_cast %get3A_203 : vector<1x16xf32> to vector<16xf32>
          %mul3A_205 = vector.broadcast %squeeze3A : f32 to vector<16xf32>
          %mul3A_206 = arith.mulf %get3A_204, %mul3A_205 : vector<16xf32>
          %swap3A_207 = arith.index_cast %add3A_179 : i32 to index
          %swap3A_208 = arith.constant 32 : index
          %swap3A_209 = tpu.vector_load %arg10[%swap3A_207, %swap3A_208] {strides = array<i32>} : memref<256x128xf32, #tpu.memory_space<vmem>>, vector<1x16xf32>,
          %swap3A_210 = vector.shape_cast %swap3A_209 : vector<1x16xf32> to vector<16xf32>
          %swap3A_211 = vector.shape_cast %mul3A_206 : vector<16xf32> to vector<1x16xf32>
          tpu.vector_store %arg10[%swap3A_207, %swap3A_208], %swap3A_211 {strides = array<i32>} : memref<256x128xf32, #tpu.memory_space<vmem>>, vector<1x16xf32>,
          %get3A_212 = arith.index_cast %add3A_179 : i32 to index
          %get3A_213 = arith.constant 48 : index
          %get3A_214 = tpu.vector_load %arg10[%get3A_212, %get3A_213] {strides = array<i32>} : memref<256x128xf32, #tpu.memory_space<vmem>>, vector<1x16xf32>,
          %get3A_215 = vector.shape_cast %get3A_214 : vector<1x16xf32> to vector<16xf32>
          %mul3A_216 = vector.broadcast %squeeze3A : f32 to vector<16xf32>
          %mul3A_217 = arith.mulf %get3A_215, %mul3A_216 : vector<16xf32>
          %swap3A_218 = arith.index_cast %add3A_179 : i32 to index
          %swap3A_219 = arith.constant 48 : index
          %swap3A_220 = tpu.vector_load %arg10[%swap3A_218, %swap3A_219] {strides = array<i32>} : memref<256x128xf32, #tpu.memory_space<vmem>>, vector<1x16xf32>,
          %swap3A_221 = vector.shape_cast %swap3A_220 : vector<1x16xf32> to vector<16xf32>
          %swap3A_222 = vector.shape_cast %mul3A_217 : vector<16xf32> to vector<1x16xf32>
          tpu.vector_store %arg10[%swap3A_218, %swap3A_219], %swap3A_222 {strides = array<i32>} : memref<256x128xf32, #tpu.memory_space<vmem>>, vector<1x16xf32>,
          %get3A_223 = arith.index_cast %add3A_179 : i32 to index
          %get3A_224 = arith.constant 64 : index
          %get3A_225 = tpu.vector_load %arg10[%get3A_223, %get3A_224] {strides = array<i32>} : memref<256x128xf32, #tpu.memory_space<vmem>>, vector<1x16xf32>,
          %get3A_226 = vector.shape_cast %get3A_225 : vector<1x16xf32> to vector<16xf32>
          %mul3A_227 = vector.broadcast %squeeze3A : f32 to vector<16xf32>
          %mul3A_228 = arith.mulf %get3A_226, %mul3A_227 : vector<16xf32>
          %swap3A_229 = arith.index_cast %add3A_179 : i32 to index
          %swap3A_230 = arith.constant 64 : index
          %swap3A_231 = tpu.vector_load %arg10[%swap3A_229, %swap3A_230] {strides = array<i32>} : memref<256x128xf32, #tpu.memory_space<vmem>>, vector<1x16xf32>,
          %swap3A_232 = vector.shape_cast %swap3A_231 : vector<1x16xf32> to vector<16xf32>
          %swap3A_233 = vector.shape_cast %mul3A_228 : vector<16xf32> to vector<1x16xf32>
          tpu.vector_store %arg10[%swap3A_229, %swap3A_230], %swap3A_233 {strides = array<i32>} : memref<256x128xf32, #tpu.memory_space<vmem>>, vector<1x16xf32>,
          %get3A_234 = arith.index_cast %add3A_179 : i32 to index
          %get3A_235 = arith.constant 80 : index
          %get3A_236 = tpu.vector_load %arg10[%get3A_234, %get3A_235] {strides = array<i32>} : memref<256x128xf32, #tpu.memory_space<vmem>>, vector<1x16xf32>,
          %get3A_237 = vector.shape_cast %get3A_236 : vector<1x16xf32> to vector<16xf32>
          %mul3A_238 = vector.broadcast %squeeze3A : f32 to vector<16xf32>
          %mul3A_239 = arith.mulf %get3A_237, %mul3A_238 : vector<16xf32>
          %swap3A_240 = arith.index_cast %add3A_179 : i32 to index
          %swap3A_241 = arith.constant 80 : index
          %swap3A_242 = tpu.vector_load %arg10[%swap3A_240, %swap3A_241] {strides = array<i32>} : memref<256x128xf32, #tpu.memory_space<vmem>>, vector<1x16xf32>,
          %swap3A_243 = vector.shape_cast %swap3A_242 : vector<1x16xf32> to vector<16xf32>
          %swap3A_244 = vector.shape_cast %mul3A_239 : vector<16xf32> to vector<1x16xf32>
          tpu.vector_store %arg10[%swap3A_240, %swap3A_241], %swap3A_244 {strides = array<i32>} : memref<256x128xf32, #tpu.memory_space<vmem>>, vector<1x16xf32>,
          %get3A_245 = arith.index_cast %add3A_179 : i32 to index
          %get3A_246 = arith.constant 96 : index
          %get3A_247 = tpu.vector_load %arg10[%get3A_245, %get3A_246] {strides = array<i32>} : memref<256x128xf32, #tpu.memory_space<vmem>>, vector<1x16xf32>,
          %get3A_248 = vector.shape_cast %get3A_247 : vector<1x16xf32> to vector<16xf32>
          %mul3A_249 = vector.broadcast %squeeze3A : f32 to vector<16xf32>
          %mul3A_250 = arith.mulf %get3A_248, %mul3A_249 : vector<16xf32>
          %swap3A_251 = arith.index_cast %add3A_179 : i32 to index
          %swap3A_252 = arith.constant 96 : index
          %swap3A_253 = tpu.vector_load %arg10[%swap3A_251, %swap3A_252] {strides = array<i32>} : memref<256x128xf32, #tpu.memory_space<vmem>>, vector<1x16xf32>,
          %swap3A_254 = vector.shape_cast %swap3A_253 : vector<1x16xf32> to vector<16xf32>
          %swap3A_255 = vector.shape_cast %mul3A_250 : vector<16xf32> to vector<1x16xf32>
          tpu.vector_store %arg10[%swap3A_251, %swap3A_252], %swap3A_255 {strides = array<i32>} : memref<256x128xf32, #tpu.memory_space<vmem>>, vector<1x16xf32>,
          %get3A_256 = arith.index_cast %add3A_179 : i32 to index
          %get3A_257 = arith.constant 112 : index
          %get3A_258 = tpu.vector_load %arg10[%get3A_256, %get3A_257] {strides = array<i32>} : memref<256x128xf32, #tpu.memory_space<vmem>>, vector<1x16xf32>,
          %get3A_259 = vector.shape_cast %get3A_258 : vector<1x16xf32> to vector<16xf32>
          %mul3A_260 = vector.broadcast %squeeze3A : f32 to vector<16xf32>
          %mul3A_261 = arith.mulf %get3A_259, %mul3A_260 : vector<16xf32>
          %swap3A_262 = arith.index_cast %add3A_179 : i32 to index
          %swap3A_263 = arith.constant 112 : index
          %swap3A_264 = tpu.vector_load %arg10[%swap3A_262, %swap3A_263] {strides = array<i32>} : memref<256x128xf32, #tpu.memory_space<vmem>>, vector<1x16xf32>,
          %swap3A_265 = vector.shape_cast %swap3A_264 : vector<1x16xf32> to vector<16xf32>
          %swap3A_266 = vector.shape_cast %mul3A_261 : vector<16xf32> to vector<1x16xf32>
          tpu.vector_store %arg10[%swap3A_262, %swap3A_263], %swap3A_266 {strides = array<i32>} : memref<256x128xf32, #tpu.memory_space<vmem>>, vector<1x16xf32>,
          %slice3A_267 = vector.extract_strided_slice %get3A_173 {offsets = [1], sizes = [1], strides = [1]} : vector<16xf32> to vector<1xf32>
          %squeeze3A_268 = vector.extract %slice3A_267[0] : f32 from vector<1xf32>
          %mul3A_269 = arith.constant 16 : i32
          %mul3A_270 = arith.muli %scan3A_164, %mul3A_269 : i32
          %add3A_271 = arith.constant 128 : i32
          %add3A_272 = arith.addi %add3A_271, %mul3A_270 : i32
          %add3A_273 = arith.constant 1 : i32
          %add3A_274 = arith.addi %add3A_272, %add3A_273 : i32
          %get3A_275 = arith.index_cast %add3A_274 : i32 to index
          %get3A_276 = arith.constant 0 : index
          %get3A_277 = tpu.vector_load %arg10[%get3A_275, %get3A_276] {strides = array<i32>} : memref<256x128xf32, #tpu.memory_space<vmem>>, vector<1x16xf32>,
          %get3A_278 = vector.shape_cast %get3A_277 : vector<1x16xf32> to vector<16xf32>
          %mul3A_279 = vector.broadcast %squeeze3A_268 : f32 to vector<16xf32>
          %mul3A_280 = arith.mulf %get3A_278, %mul3A_279 : vector<16xf32>
          %swap3A_281 = arith.index_cast %add3A_274 : i32 to index
          %swap3A_282 = arith.constant 0 : index
          %swap3A_283 = tpu.vector_load %arg10[%swap3A_281, %swap3A_282] {strides = array<i32>} : memref<256x128xf32, #tpu.memory_space<vmem>>, vector<1x16xf32>,
          %swap3A_284 = vector.shape_cast %swap3A_283 : vector<1x16xf32> to vector<16xf32>
          %swap3A_285 = vector.shape_cast %mul3A_280 : vector<16xf32> to vector<1x16xf32>
          tpu.vector_store %arg10[%swap3A_281, %swap3A_282], %swap3A_285 {strides = array<i32>} : memref<256x128xf32, #tpu.memory_space<vmem>>, vector<1x16xf32>,
          %get3A_286 = arith.index_cast %add3A_274 : i32 to index
          %get3A_287 = arith.constant 16 : index
          %get3A_288 = tpu.vector_load %arg10[%get3A_286, %get3A_287] {strides = array<i32>} : memref<256x128xf32, #tpu.memory_space<vmem>>, vector<1x16xf32>,
          %get3A_289 = vector.shape_cast %get3A_288 : vector<1x16xf32> to vector<16xf32>
          %mul3A_290 = vector.broadcast %squeeze3A_268 : f32 to vector<16xf32>
          %mul3A_291 = arith.mulf %get3A_289, %mul3A_290 : vector<16xf32>
          %swap3A_292 = arith.index_cast %add3A_274 : i32 to index
          %swap3A_293 = arith.constant 16 : index
          %swap3A_294 = tpu.vector_load %arg10[%swap3A_292, %swap3A_293] {strides = array<i32>} : memref<256x128xf32, #tpu.memory_space<vmem>>, vector<1x16xf32>,
          %swap3A_295 = vector.shape_cast %swap3A_294 : vector<1x16xf32> to vector<16xf32>
          %swap3A_296 = vector.shape_cast %mul3A_291 : vector<16xf32> to vector<1x16xf32>
          tpu.vector_store %arg10[%swap3A_292, %swap3A_293], %swap3A_296 {strides = array<i32>} : memref<256x128xf32, #tpu.memory_space<vmem>>, vector<1x16xf32>,
          %get3A_297 = arith.index_cast %add3A_274 : i32 to index
          %get3A_298 = arith.constant 32 : index
          %get3A_299 = tpu.vector_load %arg10[%get3A_297, %get3A_298] {strides = array<i32>} : memref<256x128xf32, #tpu.memory_space<vmem>>, vector<1x16xf32>,
          %get3A_300 = vector.shape_cast %get3A_299 : vector<1x16xf32> to vector<16xf32>
          %mul3A_301 = vector.broadcast %squeeze3A_268 : f32 to vector<16xf32>
          %mul3A_302 = arith.mulf %get3A_300, %mul3A_301 : vector<16xf32>
          %swap3A_303 = arith.index_cast %add3A_274 : i32 to index
          %swap3A_304 = arith.constant 32 : index
          %swap3A_305 = tpu.vector_load %arg10[%swap3A_303, %swap3A_304] {strides = array<i32>} : memref<256x128xf32, #tpu.memory_space<vmem>>, vector<1x16xf32>,
          %swap3A_306 = vector.shape_cast %swap3A_305 : vector<1x16xf32> to vector<16xf32>
          %swap3A_307 = vector.shape_cast %mul3A_302 : vector<16xf32> to vector<1x16xf32>
          tpu.vector_store %arg10[%swap3A_303, %swap3A_304], %swap3A_307 {strides = array<i32>} : memref<256x128xf32, #tpu.memory_space<vmem>>, vector<1x16xf32>,
          %get3A_308 = arith.index_cast %add3A_274 : i32 to index
          %get3A_309 = arith.constant 48 : index
          %get3A_310 = tpu.vector_load %arg10[%get3A_308, %get3A_309] {strides = array<i32>} : memref<256x128xf32, #tpu.memory_space<vmem>>, vector<1x16xf32>,
          %get3A_311 = vector.shape_cast %get3A_310 : vector<1x16xf32> to vector<16xf32>
          %mul3A_312 = vector.broadcast %squeeze3A_268 : f32 to vector<16xf32>
          %mul3A_313 = arith.mulf %get3A_311, %mul3A_312 : vector<16xf32>
          %swap3A_314 = arith.index_cast %add3A_274 : i32 to index
          %swap3A_315 = arith.constant 48 : index
          %swap3A_316 = tpu.vector_load %arg10[%swap3A_314, %swap3A_315] {strides = array<i32>} : memref<256x128xf32, #tpu.memory_space<vmem>>, vector<1x16xf32>,
          %swap3A_317 = vector.shape_cast %swap3A_316 : vector<1x16xf32> to vector<16xf32>
          %swap3A_318 = vector.shape_cast %mul3A_313 : vector<16xf32> to vector<1x16xf32>
          tpu.vector_store %arg10[%swap3A_314, %swap3A_315], %swap3A_318 {strides = array<i32>} : memref<256x128xf32, #tpu.memory_space<vmem>>, vector<1x16xf32>,
          %get3A_319 = arith.index_cast %add3A_274 : i32 to index
          %get3A_320 = arith.constant 64 : index
          %get3A_321 = tpu.vector_load %arg10[%get3A_319, %get3A_320] {strides = array<i32>} : memref<256x128xf32, #tpu.memory_space<vmem>>, vector<1x16xf32>,
          %get3A_322 = vector.shape_cast %get3A_321 : vector<1x16xf32> to vector<16xf32>
          %mul3A_323 = vector.broadcast %squeeze3A_268 : f32 to vector<16xf32>
          %mul3A_324 = arith.mulf %get3A_322, %mul3A_323 : vector<16xf32>
          %swap3A_325 = arith.index_cast %add3A_274 : i32 to index
          %swap3A_326 = arith.constant 64 : index
          %swap3A_327 = tpu.vector_load %arg10[%swap3A_325, %swap3A_326] {strides = array<i32>} : memref<256x128xf32, #tpu.memory_space<vmem>>, vector<1x16xf32>,
          %swap3A_328 = vector.shape_cast %swap3A_327 : vector<1x16xf32> to vector<16xf32>
          %swap3A_329 = vector.shape_cast %mul3A_324 : vector<16xf32> to vector<1x16xf32>
          tpu.vector_store %arg10[%swap3A_325, %swap3A_326], %swap3A_329 {strides = array<i32>} : memref<256x128xf32, #tpu.memory_space<vmem>>, vector<1x16xf32>,
          %get3A_330 = arith.index_cast %add3A_274 : i32 to index
          %get3A_331 = arith.constant 80 : index
          %get3A_332 = tpu.vector_load %arg10[%get3A_330, %get3A_331] {strides = array<i32>} : memref<256x128xf32, #tpu.memory_space<vmem>>, vector<1x16xf32>,
          %get3A_333 = vector.shape_cast %get3A_332 : vector<1x16xf32> to vector<16xf32>
          %mul3A_334 = vector.broadcast %squeeze3A_268 : f32 to vector<16xf32>
          %mul3A_335 = arith.mulf %get3A_333, %mul3A_334 : vector<16xf32>
          %swap3A_336 = arith.index_cast %add3A_274 : i32 to index
          %swap3A_337 = arith.constant 80 : index
          %swap3A_338 = tpu.vector_load %arg10[%swap3A_336, %swap3A_337] {strides = array<i32>} : memref<256x128xf32, #tpu.memory_space<vmem>>, vector<1x16xf32>,
          %swap3A_339 = vector.shape_cast %swap3A_338 : vector<1x16xf32> to vector<16xf32>
          %swap3A_340 = vector.shape_cast %mul3A_335 : vector<16xf32> to vector<1x16xf32>
          tpu.vector_store %arg10[%swap3A_336, %swap3A_337], %swap3A_340 {strides = array<i32>} : memref<256x128xf32, #tpu.memory_space<vmem>>, vector<1x16xf32>,
          %get3A_341 = arith.index_cast %add3A_274 : i32 to index
          %get3A_342 = arith.constant 96 : index
          %get3A_343 = tpu.vector_load %arg10[%get3A_341, %get3A_342] {strides = array<i32>} : memref<256x128xf32, #tpu.memory_space<vmem>>, vector<1x16xf32>,
          %get3A_344 = vector.shape_cast %get3A_343 : vector<1x16xf32> to vector<16xf32>
          %mul3A_345 = vector.broadcast %squeeze3A_268 : f32 to vector<16xf32>
          %mul3A_346 = arith.mulf %get3A_344, %mul3A_345 : vector<16xf32>
          %swap3A_347 = arith.index_cast %add3A_274 : i32 to index
          %swap3A_348 = arith.constant 96 : index
          %swap3A_349 = tpu.vector_load %arg10[%swap3A_347, %swap3A_348] {strides = array<i32>} : memref<256x128xf32, #tpu.memory_space<vmem>>, vector<1x16xf32>,
          %swap3A_350 = vector.shape_cast %swap3A_349 : vector<1x16xf32> to vector<16xf32>
          %swap3A_351 = vector.shape_cast %mul3A_346 : vector<16xf32> to vector<1x16xf32>
          tpu.vector_store %arg10[%swap3A_347, %swap3A_348], %swap3A_351 {strides = array<i32>} : memref<256x128xf32, #tpu.memory_space<vmem>>, vector<1x16xf32>,
          %get3A_352 = arith.index_cast %add3A_274 : i32 to index
          %get3A_353 = arith.constant 112 : index
          %get3A_354 = tpu.vector_load %arg10[%get3A_352, %get3A_353] {strides = array<i32>} : memref<256x128xf32, #tpu.memory_space<vmem>>, vector<1x16xf32>,
          %get3A_355 = vector.shape_cast %get3A_354 : vector<1x16xf32> to vector<16xf32>
          %mul3A_356 = vector.broadcast %squeeze3A_268 : f32 to vector<16xf32>
          %mul3A_357 = arith.mulf %get3A_355, %mul3A_356 : vector<16xf32>
          %swap3A_358 = arith.index_cast %add3A_274 : i32 to index
          %swap3A_359 = arith.constant 112 : index
          %swap3A_360 = tpu.vector_load %arg10[%swap3A_358, %swap3A_359] {strides = array<i32>} : memref<256x128xf32, #tpu.memory_space<vmem>>, vector<1x16xf32>,
          %swap3A_361 = vector.shape_cast %swap3A_360 : vector<1x16xf32> to vector<16xf32>
          %swap3A_362 = vector.shape_cast %mul3A_357 : vector<16xf32> to vector<1x16xf32>
          tpu.vector_store %arg10[%swap3A_358, %swap3A_359], %swap3A_362 {strides = array<i32>} : memref<256x128xf32, #tpu.memory_space<vmem>>, vector<1x16xf32>,
          %slice3A_363 = vector.extract_strided_slice %get3A_173 {offsets = [2], sizes = [1], strides = [1]} : vector<16xf32> to vector<1xf32>
          %squeeze3A_364 = vector.extract %slice3A_363[0] : f32 from vector<1xf32>
          %mul3A_365 = arith.constant 16 : i32
          %mul3A_366 = arith.muli %scan3A_164, %mul3A_365 : i32
          %add3A_367 = arith.constant 128 : i32
          %add3A_368 = arith.addi %add3A_367, %mul3A_366 : i32
          %add3A_369 = arith.constant 2 : i32
          %add3A_370 = arith.addi %add3A_368, %add3A_369 : i32
          %get3A_371 = arith.index_cast %add3A_370 : i32 to index
          %get3A_372 = arith.constant 0 : index
          %get3A_373 = tpu.vector_load %arg10[%get3A_371, %get3A_372] {strides = array<i32>} : memref<256x128xf32, #tpu.memory_space<vmem>>, vector<1x16xf32>,
          %get3A_374 = vector.shape_cast %get3A_373 : vector<1x16xf32> to vector<16xf32>
          %mul3A_375 = vector.broadcast %squeeze3A_364 : f32 to vector<16xf32>
          %mul3A_376 = arith.mulf %get3A_374, %mul3A_375 : vector<16xf32>
          %swap3A_377 = arith.index_cast %add3A_370 : i32 to index
          %swap3A_378 = arith.constant 0 : index
          %swap3A_379 = tpu.vector_load %arg10[%swap3A_377, %swap3A_378] {strides = array<i32>} : memref<256x128xf32, #tpu.memory_space<vmem>>, vector<1x16xf32>,
          %swap3A_380 = vector.shape_cast %swap3A_379 : vector<1x16xf32> to vector<16xf32>
          %swap3A_381 = vector.shape_cast %mul3A_376 : vector<16xf32> to vector<1x16xf32>
          tpu.vector_store %arg10[%swap3A_377, %swap3A_378], %swap3A_381 {strides = array<i32>} : memref<256x128xf32, #tpu.memory_space<vmem>>, vector<1x16xf32>,
          %get3A_382 = arith.index_cast %add3A_370 : i32 to index
          %get3A_383 = arith.constant 16 : index
          %get3A_384 = tpu.vector_load %arg10[%get3A_382, %get3A_383] {strides = array<i32>} : memref<256x128xf32, #tpu.memory_space<vmem>>, vector<1x16xf32>,
          %get3A_385 = vector.shape_cast %get3A_384 : vector<1x16xf32> to vector<16xf32>
          %mul3A_386 = vector.broadcast %squeeze3A_364 : f32 to vector<16xf32>
          %mul3A_387 = arith.mulf %get3A_385, %mul3A_386 : vector<16xf32>
          %swap3A_388 = arith.index_cast %add3A_370 : i32 to index
          %swap3A_389 = arith.constant 16 : index
          %swap3A_390 = tpu.vector_load %arg10[%swap3A_388, %swap3A_389] {strides = array<i32>} : memref<256x128xf32, #tpu.memory_space<vmem>>, vector<1x16xf32>,
          %swap3A_391 = vector.shape_cast %swap3A_390 : vector<1x16xf32> to vector<16xf32>
          %swap3A_392 = vector.shape_cast %mul3A_387 : vector<16xf32> to vector<1x16xf32>
          tpu.vector_store %arg10[%swap3A_388, %swap3A_389], %swap3A_392 {strides = array<i32>} : memref<256x128xf32, #tpu.memory_space<vmem>>, vector<1x16xf32>,
          %get3A_393 = arith.index_cast %add3A_370 : i32 to index
          %get3A_394 = arith.constant 32 : index
          %get3A_395 = tpu.vector_load %arg10[%get3A_393, %get3A_394] {strides = array<i32>} : memref<256x128xf32, #tpu.memory_space<vmem>>, vector<1x16xf32>,
          %get3A_396 = vector.shape_cast %get3A_395 : vector<1x16xf32> to vector<16xf32>
          %mul3A_397 = vector.broadcast %squeeze3A_364 : f32 to vector<16xf32>
          %mul3A_398 = arith.mulf %get3A_396, %mul3A_397 : vector<16xf32>
          %swap3A_399 = arith.index_cast %add3A_370 : i32 to index
          %swap3A_400 = arith.constant 32 : index
          %swap3A_401 = tpu.vector_load %arg10[%swap3A_399, %swap3A_400] {strides = array<i32>} : memref<256x128xf32, #tpu.memory_space<vmem>>, vector<1x16xf32>,
          %swap3A_402 = vector.shape_cast %swap3A_401 : vector<1x16xf32> to vector<16xf32>
          %swap3A_403 = vector.shape_cast %mul3A_398 : vector<16xf32> to vector<1x16xf32>
          tpu.vector_store %arg10[%swap3A_399, %swap3A_400], %swap3A_403 {strides = array<i32>} : memref<256x128xf32, #tpu.memory_space<vmem>>, vector<1x16xf32>,
          %get3A_404 = arith.index_cast %add3A_370 : i32 to index
          %get3A_405 = arith.constant 48 : index
          %get3A_406 = tpu.vector_load %arg10[%get3A_404, %get3A_405] {strides = array<i32>} : memref<256x128xf32, #tpu.memory_space<vmem>>, vector<1x16xf32>,
          %get3A_407 = vector.shape_cast %get3A_406 : vector<1x16xf32> to vector<16xf32>
          %mul3A_408 = vector.broadcast %squeeze3A_364 : f32 to vector<16xf32>
          %mul3A_409 = arith.mulf %get3A_407, %mul3A_408 : vector<16xf32>
          %swap3A_410 = arith.index_cast %add3A_370 : i32 to index
          %swap3A_411 = arith.constant 48 : index
          %swap3A_412 = tpu.vector_load %arg10[%swap3A_410, %swap3A_411] {strides = array<i32>} : memref<256x128xf32, #tpu.memory_space<vmem>>, vector<1x16xf32>,
          %swap3A_413 = vector.shape_cast %swap3A_412 : vector<1x16xf32> to vector<16xf32>
          %swap3A_414 = vector.shape_cast %mul3A_409 : vector<16xf32> to vector<1x16xf32>
          tpu.vector_store %arg10[%swap3A_410, %swap3A_411], %swap3A_414 {strides = array<i32>} : memref<256x128xf32, #tpu.memory_space<vmem>>, vector<1x16xf32>,
          %get3A_415 = arith.index_cast %add3A_370 : i32 to index
          %get3A_416 = arith.constant 64 : index
          %get3A_417 = tpu.vector_load %arg10[%get3A_415, %get3A_416] {strides = array<i32>} : memref<256x128xf32, #tpu.memory_space<vmem>>, vector<1x16xf32>,
          %get3A_418 = vector.shape_cast %get3A_417 : vector<1x16xf32> to vector<16xf32>
          %mul3A_419 = vector.broadcast %squeeze3A_364 : f32 to vector<16xf32>
          %mul3A_420 = arith.mulf %get3A_418, %mul3A_419 : vector<16xf32>
          %swap3A_421 = arith.index_cast %add3A_370 : i32 to index
          %swap3A_422 = arith.constant 64 : index
          %swap3A_423 = tpu.vector_load %arg10[%swap3A_421, %swap3A_422] {strides = array<i32>} : memref<256x128xf32, #tpu.memory_space<vmem>>, vector<1x16xf32>,
          %swap3A_424 = vector.shape_cast %swap3A_423 : vector<1x16xf32> to vector<16xf32>
          %swap3A_425 = vector.shape_cast %mul3A_420 : vector<16xf32> to vector<1x16xf32>
          tpu.vector_store %arg10[%swap3A_421, %swap3A_422], %swap3A_425 {strides = array<i32>} : memref<256x128xf32, #tpu.memory_space<vmem>>, vector<1x16xf32>,
          %get3A_426 = arith.index_cast %add3A_370 : i32 to index
          %get3A_427 = arith.constant 80 : index
          %get3A_428 = tpu.vector_load %arg10[%get3A_426, %get3A_427] {strides = array<i32>} : memref<256x128xf32, #tpu.memory_space<vmem>>, vector<1x16xf32>,
          %get3A_429 = vector.shape_cast %get3A_428 : vector<1x16xf32> to vector<16xf32>
          %mul3A_430 = vector.broadcast %squeeze3A_364 : f32 to vector<16xf32>
          %mul3A_431 = arith.mulf %get3A_429, %mul3A_430 : vector<16xf32>
          %swap3A_432 = arith.index_cast %add3A_370 : i32 to index
          %swap3A_433 = arith.constant 80 : index
          %swap3A_434 = tpu.vector_load %arg10[%swap3A_432, %swap3A_433] {strides = array<i32>} : memref<256x128xf32, #tpu.memory_space<vmem>>, vector<1x16xf32>,
          %swap3A_435 = vector.shape_cast %swap3A_434 : vector<1x16xf32> to vector<16xf32>
          %swap3A_436 = vector.shape_cast %mul3A_431 : vector<16xf32> to vector<1x16xf32>
          tpu.vector_store %arg10[%swap3A_432, %swap3A_433], %swap3A_436 {strides = array<i32>} : memref<256x128xf32, #tpu.memory_space<vmem>>, vector<1x16xf32>,
          %get3A_437 = arith.index_cast %add3A_370 : i32 to index
          %get3A_438 = arith.constant 96 : index
          %get3A_439 = tpu.vector_load %arg10[%get3A_437, %get3A_438] {strides = array<i32>} : memref<256x128xf32, #tpu.memory_space<vmem>>, vector<1x16xf32>,
          %get3A_440 = vector.shape_cast %get3A_439 : vector<1x16xf32> to vector<16xf32>
          %mul3A_441 = vector.broadcast %squeeze3A_364 : f32 to vector<16xf32>
          %mul3A_442 = arith.mulf %get3A_440, %mul3A_441 : vector<16xf32>
          %swap3A_443 = arith.index_cast %add3A_370 : i32 to index
          %swap3A_444 = arith.constant 96 : index
          %swap3A_445 = tpu.vector_load %arg10[%swap3A_443, %swap3A_444] {strides = array<i32>} : memref<256x128xf32, #tpu.memory_space<vmem>>, vector<1x16xf32>,
          %swap3A_446 = vector.shape_cast %swap3A_445 : vector<1x16xf32> to vector<16xf32>
          %swap3A_447 = vector.shape_cast %mul3A_442 : vector<16xf32> to vector<1x16xf32>
          tpu.vector_store %arg10[%swap3A_443, %swap3A_444], %swap3A_447 {strides = array<i32>} : memref<256x128xf32, #tpu.memory_space<vmem>>, vector<1x16xf32>,
          %get3A_448 = arith.index_cast %add3A_370 : i32 to index
          %get3A_449 = arith.constant 112 : index
          %get3A_450 = tpu.vector_load %arg10[%get3A_448, %get3A_449] {strides = array<i32>} : memref<256x128xf32, #tpu.memory_space<vmem>>, vector<1x16xf32>,
          %get3A_451 = vector.shape_cast %get3A_450 : vector<1x16xf32> to vector<16xf32>
          %mul3A_452 = vector.broadcast %squeeze3A_364 : f32 to vector<16xf32>
          %mul3A_453 = arith.mulf %get3A_451, %mul3A_452 : vector<16xf32>
          %swap3A_454 = arith.index_cast %add3A_370 : i32 to index
          %swap3A_455 = arith.constant 112 : index
          %swap3A_456 = tpu.vector_load %arg10[%swap3A_454, %swap3A_455] {strides = array<i32>} : memref<256x128xf32, #tpu.memory_space<vmem>>, vector<1x16xf32>,
          %swap3A_457 = vector.shape_cast %swap3A_456 : vector<1x16xf32> to vector<16xf32>
          %swap3A_458 = vector.shape_cast %mul3A_453 : vector<16xf32> to vector<1x16xf32>
          tpu.vector_store %arg10[%swap3A_454, %swap3A_455], %swap3A_458 {strides = array<i32>} : memref<256x128xf32, #tpu.memory_space<vmem>>, vector<1x16xf32>,
          %slice3A_459 = vector.extract_strided_slice %get3A_173 {offsets = [3], sizes = [1], strides = [1]} : vector<16xf32> to vector<1xf32>
          %squeeze3A_460 = vector.extract %slice3A_459[0] : f32 from vector<1xf32>
          %mul3A_461 = arith.constant 16 : i32
          %mul3A_462 = arith.muli %scan3A_164, %mul3A_461 : i32
          %add3A_463 = arith.constant 128 : i32
          %add3A_464 = arith.addi %add3A_463, %mul3A_462 : i32
          %add3A_465 = arith.constant 3 : i32
          %add3A_466 = arith.addi %add3A_464, %add3A_465 : i32
          %get3A_467 = arith.index_cast %add3A_466 : i32 to index
          %get3A_468 = arith.constant 0 : index
          %get3A_469 = tpu.vector_load %arg10[%get3A_467, %get3A_468] {strides = array<i32>} : memref<256x128xf32, #tpu.memory_space<vmem>>, vector<1x16xf32>,
          %get3A_470 = vector.shape_cast %get3A_469 : vector<1x16xf32> to vector<16xf32>
          %mul3A_471 = vector.broadcast %squeeze3A_460 : f32 to vector<16xf32>
          %mul3A_472 = arith.mulf %get3A_470, %mul3A_471 : vector<16xf32>
          %swap3A_473 = arith.index_cast %add3A_466 : i32 to index
          %swap3A_474 = arith.constant 0 : index
          %swap3A_475 = tpu.vector_load %arg10[%swap3A_473, %swap3A_474] {strides = array<i32>} : memref<256x128xf32, #tpu.memory_space<vmem>>, vector<1x16xf32>,
          %swap3A_476 = vector.shape_cast %swap3A_475 : vector<1x16xf32> to vector<16xf32>
          %swap3A_477 = vector.shape_cast %mul3A_472 : vector<16xf32> to vector<1x16xf32>
          tpu.vector_store %arg10[%swap3A_473, %swap3A_474], %swap3A_477 {strides = array<i32>} : memref<256x128xf32, #tpu.memory_space<vmem>>, vector<1x16xf32>,
          %get3A_478 = arith.index_cast %add3A_466 : i32 to index
          %get3A_479 = arith.constant 16 : index
          %get3A_480 = tpu.vector_load %arg10[%get3A_478, %get3A_479] {strides = array<i32>} : memref<256x128xf32, #tpu.memory_space<vmem>>, vector<1x16xf32>,
          %get3A_481 = vector.shape_cast %get3A_480 : vector<1x16xf32> to vector<16xf32>
          %mul3A_482 = vector.broadcast %squeeze3A_460 : f32 to vector<16xf32>
          %mul3A_483 = arith.mulf %get3A_481, %mul3A_482 : vector<16xf32>
          %swap3A_484 = arith.index_cast %add3A_466 : i32 to index
          %swap3A_485 = arith.constant 16 : index
          %swap3A_486 = tpu.vector_load %arg10[%swap3A_484, %swap3A_485] {strides = array<i32>} : memref<256x128xf32, #tpu.memory_space<vmem>>, vector<1x16xf32>,
          %swap3A_487 = vector.shape_cast %swap3A_486 : vector<1x16xf32> to vector<16xf32>
          %swap3A_488 = vector.shape_cast %mul3A_483 : vector<16xf32> to vector<1x16xf32>
          tpu.vector_store %arg10[%swap3A_484, %swap3A_485], %swap3A_488 {strides = array<i32>} : memref<256x128xf32, #tpu.memory_space<vmem>>, vector<1x16xf32>,
          %get3A_489 = arith.index_cast %add3A_466 : i32 to index
          %get3A_490 = arith.constant 32 : index
          %get3A_491 = tpu.vector_load %arg10[%get3A_489, %get3A_490] {strides = array<i32>} : memref<256x128xf32, #tpu.memory_space<vmem>>, vector<1x16xf32>,
          %get3A_492 = vector.shape_cast %get3A_491 : vector<1x16xf32> to vector<16xf32>
          %mul3A_493 = vector.broadcast %squeeze3A_460 : f32 to vector<16xf32>
          %mul3A_494 = arith.mulf %get3A_492, %mul3A_493 : vector<16xf32>
          %swap3A_495 = arith.index_cast %add3A_466 : i32 to index
          %swap3A_496 = arith.constant 32 : index
          %swap3A_497 = tpu.vector_load %arg10[%swap3A_495, %swap3A_496] {strides = array<i32>} : memref<256x128xf32, #tpu.memory_space<vmem>>, vector<1x16xf32>,
          %swap3A_498 = vector.shape_cast %swap3A_497 : vector<1x16xf32> to vector<16xf32>
          %swap3A_499 = vector.shape_cast %mul3A_494 : vector<16xf32> to vector<1x16xf32>
          tpu.vector_store %arg10[%swap3A_495, %swap3A_496], %swap3A_499 {strides = array<i32>} : memref<256x128xf32, #tpu.memory_space<vmem>>, vector<1x16xf32>,
          %get3A_500 = arith.index_cast %add3A_466 : i32 to index
          %get3A_501 = arith.constant 48 : index
          %get3A_502 = tpu.vector_load %arg10[%get3A_500, %get3A_501] {strides = array<i32>} : memref<256x128xf32, #tpu.memory_space<vmem>>, vector<1x16xf32>,
          %get3A_503 = vector.shape_cast %get3A_502 : vector<1x16xf32> to vector<16xf32>
          %mul3A_504 = vector.broadcast %squeeze3A_460 : f32 to vector<16xf32>
          %mul3A_505 = arith.mulf %get3A_503, %mul3A_504 : vector<16xf32>
          %swap3A_506 = arith.index_cast %add3A_466 : i32 to index
          %swap3A_507 = arith.constant 48 : index
          %swap3A_508 = tpu.vector_load %arg10[%swap3A_506, %swap3A_507] {strides = array<i32>} : memref<256x128xf32, #tpu.memory_space<vmem>>, vector<1x16xf32>,
          %swap3A_509 = vector.shape_cast %swap3A_508 : vector<1x16xf32> to vector<16xf32>
          %swap3A_510 = vector.shape_cast %mul3A_505 : vector<16xf32> to vector<1x16xf32>
          tpu.vector_store %arg10[%swap3A_506, %swap3A_507], %swap3A_510 {strides = array<i32>} : memref<256x128xf32, #tpu.memory_space<vmem>>, vector<1x16xf32>,
          %get3A_511 = arith.index_cast %add3A_466 : i32 to index
          %get3A_512 = arith.constant 64 : index
          %get3A_513 = tpu.vector_load %arg10[%get3A_511, %get3A_512] {strides = array<i32>} : memref<256x128xf32, #tpu.memory_space<vmem>>, vector<1x16xf32>,
          %get3A_514 = vector.shape_cast %get3A_513 : vector<1x16xf32> to vector<16xf32>
          %mul3A_515 = vector.broadcast %squeeze3A_460 : f32 to vector<16xf32>
          %mul3A_516 = arith.mulf %get3A_514, %mul3A_515 : vector<16xf32>
          %swap3A_517 = arith.index_cast %add3A_466 : i32 to index
          %swap3A_518 = arith.constant 64 : index
          %swap3A_519 = tpu.vector_load %arg10[%swap3A_517, %swap3A_518] {strides = array<i32>} : memref<256x128xf32, #tpu.memory_space<vmem>>, vector<1x16xf32>,
          %swap3A_520 = vector.shape_cast %swap3A_519 : vector<1x16xf32> to vector<16xf32>
          %swap3A_521 = vector.shape_cast %mul3A_516 : vector<16xf32> to vector<1x16xf32>
          tpu.vector_store %arg10[%swap3A_517, %swap3A_518], %swap3A_521 {strides = array<i32>} : memref<256x128xf32, #tpu.memory_space<vmem>>, vector<1x16xf32>,
          %get3A_522 = arith.index_cast %add3A_466 : i32 to index
          %get3A_523 = arith.constant 80 : index
          %get3A_524 = tpu.vector_load %arg10[%get3A_522, %get3A_523] {strides = array<i32>} : memref<256x128xf32, #tpu.memory_space<vmem>>, vector<1x16xf32>,
          %get3A_525 = vector.shape_cast %get3A_524 : vector<1x16xf32> to vector<16xf32>
          %mul3A_526 = vector.broadcast %squeeze3A_460 : f32 to vector<16xf32>
          %mul3A_527 = arith.mulf %get3A_525, %mul3A_526 : vector<16xf32>
          %swap3A_528 = arith.index_cast %add3A_466 : i32 to index
          %swap3A_529 = arith.constant 80 : index
          %swap3A_530 = tpu.vector_load %arg10[%swap3A_528, %swap3A_529] {strides = array<i32>} : memref<256x128xf32, #tpu.memory_space<vmem>>, vector<1x16xf32>,
          %swap3A_531 = vector.shape_cast %swap3A_530 : vector<1x16xf32> to vector<16xf32>
          %swap3A_532 = vector.shape_cast %mul3A_527 : vector<16xf32> to vector<1x16xf32>
          tpu.vector_store %arg10[%swap3A_528, %swap3A_529], %swap3A_532 {strides = array<i32>} : memref<256x128xf32, #tpu.memory_space<vmem>>, vector<1x16xf32>,
          %get3A_533 = arith.index_cast %add3A_466 : i32 to index
          %get3A_534 = arith.constant 96 : index
          %get3A_535 = tpu.vector_load %arg10[%get3A_533, %get3A_534] {strides = array<i32>} : memref<256x128xf32, #tpu.memory_space<vmem>>, vector<1x16xf32>,
          %get3A_536 = vector.shape_cast %get3A_535 : vector<1x16xf32> to vector<16xf32>
          %mul3A_537 = vector.broadcast %squeeze3A_460 : f32 to vector<16xf32>
          %mul3A_538 = arith.mulf %get3A_536, %mul3A_537 : vector<16xf32>
          %swap3A_539 = arith.index_cast %add3A_466 : i32 to index
          %swap3A_540 = arith.constant 96 : index
          %swap3A_541 = tpu.vector_load %arg10[%swap3A_539, %swap3A_540] {strides = array<i32>} : memref<256x128xf32, #tpu.memory_space<vmem>>, vector<1x16xf32>,
          %swap3A_542 = vector.shape_cast %swap3A_541 : vector<1x16xf32> to vector<16xf32>
          %swap3A_543 = vector.shape_cast %mul3A_538 : vector<16xf32> to vector<1x16xf32>
          tpu.vector_store %arg10[%swap3A_539, %swap3A_540], %swap3A_543 {strides = array<i32>} : memref<256x128xf32, #tpu.memory_space<vmem>>, vector<1x16xf32>,
          %get3A_544 = arith.index_cast %add3A_466 : i32 to index
          %get3A_545 = arith.constant 112 : index
          %get3A_546 = tpu.vector_load %arg10[%get3A_544, %get3A_545] {strides = array<i32>} : memref<256x128xf32, #tpu.memory_space<vmem>>, vector<1x16xf32>,
          %get3A_547 = vector.shape_cast %get3A_546 : vector<1x16xf32> to vector<16xf32>
          %mul3A_548 = vector.broadcast %squeeze3A_460 : f32 to vector<16xf32>
          %mul3A_549 = arith.mulf %get3A_547, %mul3A_548 : vector<16xf32>
          %swap3A_550 = arith.index_cast %add3A_466 : i32 to index
          %swap3A_551 = arith.constant 112 : index
          %swap3A_552 = tpu.vector_load %arg10[%swap3A_550, %swap3A_551] {strides = array<i32>} : memref<256x128xf32, #tpu.memory_space<vmem>>, vector<1x16xf32>,
          %swap3A_553 = vector.shape_cast %swap3A_552 : vector<1x16xf32> to vector<16xf32>
          %swap3A_554 = vector.shape_cast %mul3A_549 : vector<16xf32> to vector<1x16xf32>
          tpu.vector_store %arg10[%swap3A_550, %swap3A_551], %swap3A_554 {strides = array<i32>} : memref<256x128xf32, #tpu.memory_space<vmem>>, vector<1x16xf32>,
          %slice3A_555 = vector.extract_strided_slice %get3A_173 {offsets = [4], sizes = [1], strides = [1]} : vector<16xf32> to vector<1xf32>
          %squeeze3A_556 = vector.extract %slice3A_555[0] : f32 from vector<1xf32>
          %mul3A_557 = arith.constant 16 : i32
          %mul3A_558 = arith.muli %scan3A_164, %mul3A_557 : i32
          %add3A_559 = arith.constant 128 : i32
          %add3A_560 = arith.addi %add3A_559, %mul3A_558 : i32
          %add3A_561 = arith.constant 4 : i32
          %add3A_562 = arith.addi %add3A_560, %add3A_561 : i32
          %get3A_563 = arith.index_cast %add3A_562 : i32 to index
          %get3A_564 = arith.constant 0 : index
          %get3A_565 = tpu.vector_load %arg10[%get3A_563, %get3A_564] {strides = array<i32>} : memref<256x128xf32, #tpu.memory_space<vmem>>, vector<1x16xf32>,
          %get3A_566 = vector.shape_cast %get3A_565 : vector<1x16xf32> to vector<16xf32>
          %mul3A_567 = vector.broadcast %squeeze3A_556 : f32 to vector<16xf32>
          %mul3A_568 = arith.mulf %get3A_566, %mul3A_567 : vector<16xf32>
          %swap3A_569 = arith.index_cast %add3A_562 : i32 to index
          %swap3A_570 = arith.constant 0 : index
          %swap3A_571 = tpu.vector_load %arg10[%swap3A_569, %swap3A_570] {strides = array<i32>} : memref<256x128xf32, #tpu.memory_space<vmem>>, vector<1x16xf32>,
          %swap3A_572 = vector.shape_cast %swap3A_571 : vector<1x16xf32> to vector<16xf32>
          %swap3A_573 = vector.shape_cast %mul3A_568 : vector<16xf32> to vector<1x16xf32>
          tpu.vector_store %arg10[%swap3A_569, %swap3A_570], %swap3A_573 {strides = array<i32>} : memref<256x128xf32, #tpu.memory_space<vmem>>, vector<1x16xf32>,
          %get3A_574 = arith.index_cast %add3A_562 : i32 to index
          %get3A_575 = arith.constant 16 : index
          %get3A_576 = tpu.vector_load %arg10[%get3A_574, %get3A_575] {strides = array<i32>} : memref<256x128xf32, #tpu.memory_space<vmem>>, vector<1x16xf32>,
          %get3A_577 = vector.shape_cast %get3A_576 : vector<1x16xf32> to vector<16xf32>
          %mul3A_578 = vector.broadcast %squeeze3A_556 : f32 to vector<16xf32>
          %mul3A_579 = arith.mulf %get3A_577, %mul3A_578 : vector<16xf32>
          %swap3A_580 = arith.index_cast %add3A_562 : i32 to index
          %swap3A_581 = arith.constant 16 : index
          %swap3A_582 = tpu.vector_load %arg10[%swap3A_580, %swap3A_581] {strides = array<i32>} : memref<256x128xf32, #tpu.memory_space<vmem>>, vector<1x16xf32>,
          %swap3A_583 = vector.shape_cast %swap3A_582 : vector<1x16xf32> to vector<16xf32>
          %swap3A_584 = vector.shape_cast %mul3A_579 : vector<16xf32> to vector<1x16xf32>
          tpu.vector_store %arg10[%swap3A_580, %swap3A_581], %swap3A_584 {strides = array<i32>} : memref<256x128xf32, #tpu.memory_space<vmem>>, vector<1x16xf32>,
          %get3A_585 = arith.index_cast %add3A_562 : i32 to index
          %get3A_586 = arith.constant 32 : index
          %get3A_587 = tpu.vector_load %arg10[%get3A_585, %get3A_586] {strides = array<i32>} : memref<256x128xf32, #tpu.memory_space<vmem>>, vector<1x16xf32>,
          %get3A_588 = vector.shape_cast %get3A_587 : vector<1x16xf32> to vector<16xf32>
          %mul3A_589 = vector.broadcast %squeeze3A_556 : f32 to vector<16xf32>
          %mul3A_590 = arith.mulf %get3A_588, %mul3A_589 : vector<16xf32>
          %swap3A_591 = arith.index_cast %add3A_562 : i32 to index
          %swap3A_592 = arith.constant 32 : index
          %swap3A_593 = tpu.vector_load %arg10[%swap3A_591, %swap3A_592] {strides = array<i32>} : memref<256x128xf32, #tpu.memory_space<vmem>>, vector<1x16xf32>,
          %swap3A_594 = vector.shape_cast %swap3A_593 : vector<1x16xf32> to vector<16xf32>
          %swap3A_595 = vector.shape_cast %mul3A_590 : vector<16xf32> to vector<1x16xf32>
          tpu.vector_store %arg10[%swap3A_591, %swap3A_592], %swap3A_595 {strides = array<i32>} : memref<256x128xf32, #tpu.memory_space<vmem>>, vector<1x16xf32>,
          %get3A_596 = arith.index_cast %add3A_562 : i32 to index
          %get3A_597 = arith.constant 48 : index
          %get3A_598 = tpu.vector_load %arg10[%get3A_596, %get3A_597] {strides = array<i32>} : memref<256x128xf32, #tpu.memory_space<vmem>>, vector<1x16xf32>,
          %get3A_599 = vector.shape_cast %get3A_598 : vector<1x16xf32> to vector<16xf32>
          %mul3A_600 = vector.broadcast %squeeze3A_556 : f32 to vector<16xf32>
          %mul3A_601 = arith.mulf %get3A_599, %mul3A_600 : vector<16xf32>
          %swap3A_602 = arith.index_cast %add3A_562 : i32 to index
          %swap3A_603 = arith.constant 48 : index
          %swap3A_604 = tpu.vector_load %arg10[%swap3A_602, %swap3A_603] {strides = array<i32>} : memref<256x128xf32, #tpu.memory_space<vmem>>, vector<1x16xf32>,
          %swap3A_605 = vector.shape_cast %swap3A_604 : vector<1x16xf32> to vector<16xf32>
          %swap3A_606 = vector.shape_cast %mul3A_601 : vector<16xf32> to vector<1x16xf32>
          tpu.vector_store %arg10[%swap3A_602, %swap3A_603], %swap3A_606 {strides = array<i32>} : memref<256x128xf32, #tpu.memory_space<vmem>>, vector<1x16xf32>,
          %get3A_607 = arith.index_cast %add3A_562 : i32 to index
          %get3A_608 = arith.constant 64 : index
          %get3A_609 = tpu.vector_load %arg10[%get3A_607, %get3A_608] {strides = array<i32>} : memref<256x128xf32, #tpu.memory_space<vmem>>, vector<1x16xf32>,
          %get3A_610 = vector.shape_cast %get3A_609 : vector<1x16xf32> to vector<16xf32>
          %mul3A_611 = vector.broadcast %squeeze3A_556 : f32 to vector<16xf32>
          %mul3A_612 = arith.mulf %get3A_610, %mul3A_611 : vector<16xf32>
          %swap3A_613 = arith.index_cast %add3A_562 : i32 to index
          %swap3A_614 = arith.constant 64 : index
          %swap3A_615 = tpu.vector_load %arg10[%swap3A_613, %swap3A_614] {strides = array<i32>} : memref<256x128xf32, #tpu.memory_space<vmem>>, vector<1x16xf32>,
          %swap3A_616 = vector.shape_cast %swap3A_615 : vector<1x16xf32> to vector<16xf32>
          %swap3A_617 = vector.shape_cast %mul3A_612 : vector<16xf32> to vector<1x16xf32>
          tpu.vector_store %arg10[%swap3A_613, %swap3A_614], %swap3A_617 {strides = array<i32>} : memref<256x128xf32, #tpu.memory_space<vmem>>, vector<1x16xf32>,
          %get3A_618 = arith.index_cast %add3A_562 : i32 to index
          %get3A_619 = arith.constant 80 : index
          %get3A_620 = tpu.vector_load %arg10[%get3A_618, %get3A_619] {strides = array<i32>} : memref<256x128xf32, #tpu.memory_space<vmem>>, vector<1x16xf32>,
          %get3A_621 = vector.shape_cast %get3A_620 : vector<1x16xf32> to vector<16xf32>
          %mul3A_622 = vector.broadcast %squeeze3A_556 : f32 to vector<16xf32>
          %mul3A_623 = arith.mulf %get3A_621, %mul3A_622 : vector<16xf32>
          %swap3A_624 = arith.index_cast %add3A_562 : i32 to index
          %swap3A_625 = arith.constant 80 : index
          %swap3A_626 = tpu.vector_load %arg10[%swap3A_624, %swap3A_625] {strides = array<i32>} : memref<256x128xf32, #tpu.memory_space<vmem>>, vector<1x16xf32>,
          %swap3A_627 = vector.shape_cast %swap3A_626 : vector<1x16xf32> to vector<16xf32>
          %swap3A_628 = vector.shape_cast %mul3A_623 : vector<16xf32> to vector<1x16xf32>
          tpu.vector_store %arg10[%swap3A_624, %swap3A_625], %swap3A_628 {strides = array<i32>} : memref<256x128xf32, #tpu.memory_space<vmem>>, vector<1x16xf32>,
          %get3A_629 = arith.index_cast %add3A_562 : i32 to index
          %get3A_630 = arith.constant 96 : index
          %get3A_631 = tpu.vector_load %arg10[%get3A_629, %get3A_630] {strides = array<i32>} : memref<256x128xf32, #tpu.memory_space<vmem>>, vector<1x16xf32>,
          %get3A_632 = vector.shape_cast %get3A_631 : vector<1x16xf32> to vector<16xf32>
          %mul3A_633 = vector.broadcast %squeeze3A_556 : f32 to vector<16xf32>
          %mul3A_634 = arith.mulf %get3A_632, %mul3A_633 : vector<16xf32>
          %swap3A_635 = arith.index_cast %add3A_562 : i32 to index
          %swap3A_636 = arith.constant 96 : index
          %swap3A_637 = tpu.vector_load %arg10[%swap3A_635, %swap3A_636] {strides = array<i32>} : memref<256x128xf32, #tpu.memory_space<vmem>>, vector<1x16xf32>,
          %swap3A_638 = vector.shape_cast %swap3A_637 : vector<1x16xf32> to vector<16xf32>
          %swap3A_639 = vector.shape_cast %mul3A_634 : vector<16xf32> to vector<1x16xf32>
          tpu.vector_store %arg10[%swap3A_635, %swap3A_636], %swap3A_639 {strides = array<i32>} : memref<256x128xf32, #tpu.memory_space<vmem>>, vector<1x16xf32>,
          %get3A_640 = arith.index_cast %add3A_562 : i32 to index
          %get3A_641 = arith.constant 112 : index
          %get3A_642 = tpu.vector_load %arg10[%get3A_640, %get3A_641] {strides = array<i32>} : memref<256x128xf32, #tpu.memory_space<vmem>>, vector<1x16xf32>,
          %get3A_643 = vector.shape_cast %get3A_642 : vector<1x16xf32> to vector<16xf32>
          %mul3A_644 = vector.broadcast %squeeze3A_556 : f32 to vector<16xf32>
          %mul3A_645 = arith.mulf %get3A_643, %mul3A_644 : vector<16xf32>
          %swap3A_646 = arith.index_cast %add3A_562 : i32 to index
          %swap3A_647 = arith.constant 112 : index
          %swap3A_648 = tpu.vector_load %arg10[%swap3A_646, %swap3A_647] {strides = array<i32>} : memref<256x128xf32, #tpu.memory_space<vmem>>, vector<1x16xf32>,
          %swap3A_649 = vector.shape_cast %swap3A_648 : vector<1x16xf32> to vector<16xf32>
          %swap3A_650 = vector.shape_cast %mul3A_645 : vector<16xf32> to vector<1x16xf32>
          tpu.vector_store %arg10[%swap3A_646, %swap3A_647], %swap3A_650 {strides = array<i32>} : memref<256x128xf32, #tpu.memory_space<vmem>>, vector<1x16xf32>,
          %slice3A_651 = vector.extract_strided_slice %get3A_173 {offsets = [5], sizes = [1], strides = [1]} : vector<16xf32> to vector<1xf32>
          %squeeze3A_652 = vector.extract %slice3A_651[0] : f32 from vector<1xf32>
          %mul3A_653 = arith.constant 16 : i32
          %mul3A_654 = arith.muli %scan3A_164, %mul3A_653 : i32
          %add3A_655 = arith.constant 128 : i32
          %add3A_656 = arith.addi %add3A_655, %mul3A_654 : i32
          %add3A_657 = arith.constant 5 : i32
          %add3A_658 = arith.addi %add3A_656, %add3A_657 : i32
          %get3A_659 = arith.index_cast %add3A_658 : i32 to index
          %get3A_660 = arith.constant 0 : index
          %get3A_661 = tpu.vector_load %arg10[%get3A_659, %get3A_660] {strides = array<i32>} : memref<256x128xf32, #tpu.memory_space<vmem>>, vector<1x16xf32>,
          %get3A_662 = vector.shape_cast %get3A_661 : vector<1x16xf32> to vector<16xf32>
          %mul3A_663 = vector.broadcast %squeeze3A_652 : f32 to vector<16xf32>
          %mul3A_664 = arith.mulf %get3A_662, %mul3A_663 : vector<16xf32>
          %swap3A_665 = arith.index_cast %add3A_658 : i32 to index
          %swap3A_666 = arith.constant 0 : index
          %swap3A_667 = tpu.vector_load %arg10[%swap3A_665, %swap3A_666] {strides = array<i32>} : memref<256x128xf32, #tpu.memory_space<vmem>>, vector<1x16xf32>,
          %swap3A_668 = vector.shape_cast %swap3A_667 : vector<1x16xf32> to vector<16xf32>
          %swap3A_669 = vector.shape_cast %mul3A_664 : vector<16xf32> to vector<1x16xf32>
          tpu.vector_store %arg10[%swap3A_665, %swap3A_666], %swap3A_669 {strides = array<i32>} : memref<256x128xf32, #tpu.memory_space<vmem>>, vector<1x16xf32>,
          %get3A_670 = arith.index_cast %add3A_658 : i32 to index
          %get3A_671 = arith.constant 16 : index
          %get3A_672 = tpu.vector_load %arg10[%get3A_670, %get3A_671] {strides = array<i32>} : memref<256x128xf32, #tpu.memory_space<vmem>>, vector<1x16xf32>,
          %get3A_673 = vector.shape_cast %get3A_672 : vector<1x16xf32> to vector<16xf32>
          %mul3A_674 = vector.broadcast %squeeze3A_652 : f32 to vector<16xf32>
          %mul3A_675 = arith.mulf %get3A_673, %mul3A_674 : vector<16xf32>
          %swap3A_676 = arith.index_cast %add3A_658 : i32 to index
          %swap3A_677 = arith.constant 16 : index
          %swap3A_678 = tpu.vector_load %arg10[%swap3A_676, %swap3A_677] {strides = array<i32>} : memref<256x128xf32, #tpu.memory_space<vmem>>, vector<1x16xf32>,
          %swap3A_679 = vector.shape_cast %swap3A_678 : vector<1x16xf32> to vector<16xf32>
          %swap3A_680 = vector.shape_cast %mul3A_675 : vector<16xf32> to vector<1x16xf32>
          tpu.vector_store %arg10[%swap3A_676, %swap3A_677], %swap3A_680 {strides = array<i32>} : memref<256x128xf32, #tpu.memory_space<vmem>>, vector<1x16xf32>,
          %get3A_681 = arith.index_cast %add3A_658 : i32 to index
          %get3A_682 = arith.constant 32 : index
          %get3A_683 = tpu.vector_load %arg10[%get3A_681, %get3A_682] {strides = array<i32>} : memref<256x128xf32, #tpu.memory_space<vmem>>, vector<1x16xf32>,
          %get3A_684 = vector.shape_cast %get3A_683 : vector<1x16xf32> to vector<16xf32>
          %mul3A_685 = vector.broadcast %squeeze3A_652 : f32 to vector<16xf32>
          %mul3A_686 = arith.mulf %get3A_684, %mul3A_685 : vector<16xf32>
          %swap3A_687 = arith.index_cast %add3A_658 : i32 to index
          %swap3A_688 = arith.constant 32 : index
          %swap3A_689 = tpu.vector_load %arg10[%swap3A_687, %swap3A_688] {strides = array<i32>} : memref<256x128xf32, #tpu.memory_space<vmem>>, vector<1x16xf32>,
          %swap3A_690 = vector.shape_cast %swap3A_689 : vector<1x16xf32> to vector<16xf32>
          %swap3A_691 = vector.shape_cast %mul3A_686 : vector<16xf32> to vector<1x16xf32>
          tpu.vector_store %arg10[%swap3A_687, %swap3A_688], %swap3A_691 {strides = array<i32>} : memref<256x128xf32, #tpu.memory_space<vmem>>, vector<1x16xf32>,
          %get3A_692 = arith.index_cast %add3A_658 : i32 to index
          %get3A_693 = arith.constant 48 : index
          %get3A_694 = tpu.vector_load %arg10[%get3A_692, %get3A_693] {strides = array<i32>} : memref<256x128xf32, #tpu.memory_space<vmem>>, vector<1x16xf32>,
          %get3A_695 = vector.shape_cast %get3A_694 : vector<1x16xf32> to vector<16xf32>
          %mul3A_696 = vector.broadcast %squeeze3A_652 : f32 to vector<16xf32>
          %mul3A_697 = arith.mulf %get3A_695, %mul3A_696 : vector<16xf32>
          %swap3A_698 = arith.index_cast %add3A_658 : i32 to index
          %swap3A_699 = arith.constant 48 : index
          %swap3A_700 = tpu.vector_load %arg10[%swap3A_698, %swap3A_699] {strides = array<i32>} : memref<256x128xf32, #tpu.memory_space<vmem>>, vector<1x16xf32>,
          %swap3A_701 = vector.shape_cast %swap3A_700 : vector<1x16xf32> to vector<16xf32>
          %swap3A_702 = vector.shape_cast %mul3A_697 : vector<16xf32> to vector<1x16xf32>
          tpu.vector_store %arg10[%swap3A_698, %swap3A_699], %swap3A_702 {strides = array<i32>} : memref<256x128xf32, #tpu.memory_space<vmem>>, vector<1x16xf32>,
          %get3A_703 = arith.index_cast %add3A_658 : i32 to index
          %get3A_704 = arith.constant 64 : index
          %get3A_705 = tpu.vector_load %arg10[%get3A_703, %get3A_704] {strides = array<i32>} : memref<256x128xf32, #tpu.memory_space<vmem>>, vector<1x16xf32>,
          %get3A_706 = vector.shape_cast %get3A_705 : vector<1x16xf32> to vector<16xf32>
          %mul3A_707 = vector.broadcast %squeeze3A_652 : f32 to vector<16xf32>
          %mul3A_708 = arith.mulf %get3A_706, %mul3A_707 : vector<16xf32>
          %swap3A_709 = arith.index_cast %add3A_658 : i32 to index
          %swap3A_710 = arith.constant 64 : index
          %swap3A_711 = tpu.vector_load %arg10[%swap3A_709, %swap3A_710] {strides = array<i32>} : memref<256x128xf32, #tpu.memory_space<vmem>>, vector<1x16xf32>,
          %swap3A_712 = vector.shape_cast %swap3A_711 : vector<1x16xf32> to vector<16xf32>
          %swap3A_713 = vector.shape_cast %mul3A_708 : vector<16xf32> to vector<1x16xf32>
          tpu.vector_store %arg10[%swap3A_709, %swap3A_710], %swap3A_713 {strides = array<i32>} : memref<256x128xf32, #tpu.memory_space<vmem>>, vector<1x16xf32>,
          %get3A_714 = arith.index_cast %add3A_658 : i32 to index
          %get3A_715 = arith.constant 80 : index
          %get3A_716 = tpu.vector_load %arg10[%get3A_714, %get3A_715] {strides = array<i32>} : memref<256x128xf32, #tpu.memory_space<vmem>>, vector<1x16xf32>,
          %get3A_717 = vector.shape_cast %get3A_716 : vector<1x16xf32> to vector<16xf32>
          %mul3A_718 = vector.broadcast %squeeze3A_652 : f32 to vector<16xf32>
          %mul3A_719 = arith.mulf %get3A_717, %mul3A_718 : vector<16xf32>
          %swap3A_720 = arith.index_cast %add3A_658 : i32 to index
          %swap3A_721 = arith.constant 80 : index
          %swap3A_722 = tpu.vector_load %arg10[%swap3A_720, %swap3A_721] {strides = array<i32>} : memref<256x128xf32, #tpu.memory_space<vmem>>, vector<1x16xf32>,
          %swap3A_723 = vector.shape_cast %swap3A_722 : vector<1x16xf32> to vector<16xf32>
          %swap3A_724 = vector.shape_cast %mul3A_719 : vector<16xf32> to vector<1x16xf32>
          tpu.vector_store %arg10[%swap3A_720, %swap3A_721], %swap3A_724 {strides = array<i32>} : memref<256x128xf32, #tpu.memory_space<vmem>>, vector<1x16xf32>,
          %get3A_725 = arith.index_cast %add3A_658 : i32 to index
          %get3A_726 = arith.constant 96 : index
          %get3A_727 = tpu.vector_load %arg10[%get3A_725, %get3A_726] {strides = array<i32>} : memref<256x128xf32, #tpu.memory_space<vmem>>, vector<1x16xf32>,
          %get3A_728 = vector.shape_cast %get3A_727 : vector<1x16xf32> to vector<16xf32>
          %mul3A_729 = vector.broadcast %squeeze3A_652 : f32 to vector<16xf32>
          %mul3A_730 = arith.mulf %get3A_728, %mul3A_729 : vector<16xf32>
          %swap3A_731 = arith.index_cast %add3A_658 : i32 to index
          %swap3A_732 = arith.constant 96 : index
          %swap3A_733 = tpu.vector_load %arg10[%swap3A_731, %swap3A_732] {strides = array<i32>} : memref<256x128xf32, #tpu.memory_space<vmem>>, vector<1x16xf32>,
          %swap3A_734 = vector.shape_cast %swap3A_733 : vector<1x16xf32> to vector<16xf32>
          %swap3A_735 = vector.shape_cast %mul3A_730 : vector<16xf32> to vector<1x16xf32>
          tpu.vector_store %arg10[%swap3A_731, %swap3A_732], %swap3A_735 {strides = array<i32>} : memref<256x128xf32, #tpu.memory_space<vmem>>, vector<1x16xf32>,
          %get3A_736 = arith.index_cast %add3A_658 : i32 to index
          %get3A_737 = arith.constant 112 : index
          %get3A_738 = tpu.vector_load %arg10[%get3A_736, %get3A_737] {strides = array<i32>} : memref<256x128xf32, #tpu.memory_space<vmem>>, vector<1x16xf32>,
          %get3A_739 = vector.shape_cast %get3A_738 : vector<1x16xf32> to vector<16xf32>
          %mul3A_740 = vector.broadcast %squeeze3A_652 : f32 to vector<16xf32>
          %mul3A_741 = arith.mulf %get3A_739, %mul3A_740 : vector<16xf32>
          %swap3A_742 = arith.index_cast %add3A_658 : i32 to index
          %swap3A_743 = arith.constant 112 : index
          %swap3A_744 = tpu.vector_load %arg10[%swap3A_742, %swap3A_743] {strides = array<i32>} : memref<256x128xf32, #tpu.memory_space<vmem>>, vector<1x16xf32>,
          %swap3A_745 = vector.shape_cast %swap3A_744 : vector<1x16xf32> to vector<16xf32>
          %swap3A_746 = vector.shape_cast %mul3A_741 : vector<16xf32> to vector<1x16xf32>
          tpu.vector_store %arg10[%swap3A_742, %swap3A_743], %swap3A_746 {strides = array<i32>} : memref<256x128xf32, #tpu.memory_space<vmem>>, vector<1x16xf32>,
          %slice3A_747 = vector.extract_strided_slice %get3A_173 {offsets = [6], sizes = [1], strides = [1]} : vector<16xf32> to vector<1xf32>
          %squeeze3A_748 = vector.extract %slice3A_747[0] : f32 from vector<1xf32>
          %mul3A_749 = arith.constant 16 : i32
          %mul3A_750 = arith.muli %scan3A_164, %mul3A_749 : i32
          %add3A_751 = arith.constant 128 : i32
          %add3A_752 = arith.addi %add3A_751, %mul3A_750 : i32
          %add3A_753 = arith.constant 6 : i32
          %add3A_754 = arith.addi %add3A_752, %add3A_753 : i32
          %get3A_755 = arith.index_cast %add3A_754 : i32 to index
          %get3A_756 = arith.constant 0 : index
          %get3A_757 = tpu.vector_load %arg10[%get3A_755, %get3A_756] {strides = array<i32>} : memref<256x128xf32, #tpu.memory_space<vmem>>, vector<1x16xf32>,
          %get3A_758 = vector.shape_cast %get3A_757 : vector<1x16xf32> to vector<16xf32>
          %mul3A_759 = vector.broadcast %squeeze3A_748 : f32 to vector<16xf32>
          %mul3A_760 = arith.mulf %get3A_758, %mul3A_759 : vector<16xf32>
          %swap3A_761 = arith.index_cast %add3A_754 : i32 to index
          %swap3A_762 = arith.constant 0 : index
          %swap3A_763 = tpu.vector_load %arg10[%swap3A_761, %swap3A_762] {strides = array<i32>} : memref<256x128xf32, #tpu.memory_space<vmem>>, vector<1x16xf32>,
          %swap3A_764 = vector.shape_cast %swap3A_763 : vector<1x16xf32> to vector<16xf32>
          %swap3A_765 = vector.shape_cast %mul3A_760 : vector<16xf32> to vector<1x16xf32>
          tpu.vector_store %arg10[%swap3A_761, %swap3A_762], %swap3A_765 {strides = array<i32>} : memref<256x128xf32, #tpu.memory_space<vmem>>, vector<1x16xf32>,
          %get3A_766 = arith.index_cast %add3A_754 : i32 to index
          %get3A_767 = arith.constant 16 : index
          %get3A_768 = tpu.vector_load %arg10[%get3A_766, %get3A_767] {strides = array<i32>} : memref<256x128xf32, #tpu.memory_space<vmem>>, vector<1x16xf32>,
          %get3A_769 = vector.shape_cast %get3A_768 : vector<1x16xf32> to vector<16xf32>
          %mul3A_770 = vector.broadcast %squeeze3A_748 : f32 to vector<16xf32>
          %mul3A_771 = arith.mulf %get3A_769, %mul3A_770 : vector<16xf32>
          %swap3A_772 = arith.index_cast %add3A_754 : i32 to index
          %swap3A_773 = arith.constant 16 : index
          %swap3A_774 = tpu.vector_load %arg10[%swap3A_772, %swap3A_773] {strides = array<i32>} : memref<256x128xf32, #tpu.memory_space<vmem>>, vector<1x16xf32>,
          %swap3A_775 = vector.shape_cast %swap3A_774 : vector<1x16xf32> to vector<16xf32>
          %swap3A_776 = vector.shape_cast %mul3A_771 : vector<16xf32> to vector<1x16xf32>
          tpu.vector_store %arg10[%swap3A_772, %swap3A_773], %swap3A_776 {strides = array<i32>} : memref<256x128xf32, #tpu.memory_space<vmem>>, vector<1x16xf32>,
          %get3A_777 = arith.index_cast %add3A_754 : i32 to index
          %get3A_778 = arith.constant 32 : index
          %get3A_779 = tpu.vector_load %arg10[%get3A_777, %get3A_778] {strides = array<i32>} : memref<256x128xf32, #tpu.memory_space<vmem>>, vector<1x16xf32>,
          %get3A_780 = vector.shape_cast %get3A_779 : vector<1x16xf32> to vector<16xf32>
          %mul3A_781 = vector.broadcast %squeeze3A_748 : f32 to vector<16xf32>
          %mul3A_782 = arith.mulf %get3A_780, %mul3A_781 : vector<16xf32>
          %swap3A_783 = arith.index_cast %add3A_754 : i32 to index
          %swap3A_784 = arith.constant 32 : index
          %swap3A_785 = tpu.vector_load %arg10[%swap3A_783, %swap3A_784] {strides = array<i32>} : memref<256x128xf32, #tpu.memory_space<vmem>>, vector<1x16xf32>,
          %swap3A_786 = vector.shape_cast %swap3A_785 : vector<1x16xf32> to vector<16xf32>
          %swap3A_787 = vector.shape_cast %mul3A_782 : vector<16xf32> to vector<1x16xf32>
          tpu.vector_store %arg10[%swap3A_783, %swap3A_784], %swap3A_787 {strides = array<i32>} : memref<256x128xf32, #tpu.memory_space<vmem>>, vector<1x16xf32>,
          %get3A_788 = arith.index_cast %add3A_754 : i32 to index
          %get3A_789 = arith.constant 48 : index
          %get3A_790 = tpu.vector_load %arg10[%get3A_788, %get3A_789] {strides = array<i32>} : memref<256x128xf32, #tpu.memory_space<vmem>>, vector<1x16xf32>,
          %get3A_791 = vector.shape_cast %get3A_790 : vector<1x16xf32> to vector<16xf32>
          %mul3A_792 = vector.broadcast %squeeze3A_748 : f32 to vector<16xf32>
          %mul3A_793 = arith.mulf %get3A_791, %mul3A_792 : vector<16xf32>
          %swap3A_794 = arith.index_cast %add3A_754 : i32 to index
          %swap3A_795 = arith.constant 48 : index
          %swap3A_796 = tpu.vector_load %arg10[%swap3A_794, %swap3A_795] {strides = array<i32>} : memref<256x128xf32, #tpu.memory_space<vmem>>, vector<1x16xf32>,
          %swap3A_797 = vector.shape_cast %swap3A_796 : vector<1x16xf32> to vector<16xf32>
          %swap3A_798 = vector.shape_cast %mul3A_793 : vector<16xf32> to vector<1x16xf32>
          tpu.vector_store %arg10[%swap3A_794, %swap3A_795], %swap3A_798 {strides = array<i32>} : memref<256x128xf32, #tpu.memory_space<vmem>>, vector<1x16xf32>,
          %get3A_799 = arith.index_cast %add3A_754 : i32 to index
          %get3A_800 = arith.constant 64 : index
          %get3A_801 = tpu.vector_load %arg10[%get3A_799, %get3A_800] {strides = array<i32>} : memref<256x128xf32, #tpu.memory_space<vmem>>, vector<1x16xf32>,
          %get3A_802 = vector.shape_cast %get3A_801 : vector<1x16xf32> to vector<16xf32>
          %mul3A_803 = vector.broadcast %squeeze3A_748 : f32 to vector<16xf32>
          %mul3A_804 = arith.mulf %get3A_802, %mul3A_803 : vector<16xf32>
          %swap3A_805 = arith.index_cast %add3A_754 : i32 to index
          %swap3A_806 = arith.constant 64 : index
          %swap3A_807 = tpu.vector_load %arg10[%swap3A_805, %swap3A_806] {strides = array<i32>} : memref<256x128xf32, #tpu.memory_space<vmem>>, vector<1x16xf32>,
          %swap3A_808 = vector.shape_cast %swap3A_807 : vector<1x16xf32> to vector<16xf32>
          %swap3A_809 = vector.shape_cast %mul3A_804 : vector<16xf32> to vector<1x16xf32>
          tpu.vector_store %arg10[%swap3A_805, %swap3A_806], %swap3A_809 {strides = array<i32>} : memref<256x128xf32, #tpu.memory_space<vmem>>, vector<1x16xf32>,
          %get3A_810 = arith.index_cast %add3A_754 : i32 to index
          %get3A_811 = arith.constant 80 : index
          %get3A_812 = tpu.vector_load %arg10[%get3A_810, %get3A_811] {strides = array<i32>} : memref<256x128xf32, #tpu.memory_space<vmem>>, vector<1x16xf32>,
          %get3A_813 = vector.shape_cast %get3A_812 : vector<1x16xf32> to vector<16xf32>
          %mul3A_814 = vector.broadcast %squeeze3A_748 : f32 to vector<16xf32>
          %mul3A_815 = arith.mulf %get3A_813, %mul3A_814 : vector<16xf32>
          %swap3A_816 = arith.index_cast %add3A_754 : i32 to index
          %swap3A_817 = arith.constant 80 : index
          %swap3A_818 = tpu.vector_load %arg10[%swap3A_816, %swap3A_817] {strides = array<i32>} : memref<256x128xf32, #tpu.memory_space<vmem>>, vector<1x16xf32>,
          %swap3A_819 = vector.shape_cast %swap3A_818 : vector<1x16xf32> to vector<16xf32>
          %swap3A_820 = vector.shape_cast %mul3A_815 : vector<16xf32> to vector<1x16xf32>
          tpu.vector_store %arg10[%swap3A_816, %swap3A_817], %swap3A_820 {strides = array<i32>} : memref<256x128xf32, #tpu.memory_space<vmem>>, vector<1x16xf32>,
          %get3A_821 = arith.index_cast %add3A_754 : i32 to index
          %get3A_822 = arith.constant 96 : index
          %get3A_823 = tpu.vector_load %arg10[%get3A_821, %get3A_822] {strides = array<i32>} : memref<256x128xf32, #tpu.memory_space<vmem>>, vector<1x16xf32>,
          %get3A_824 = vector.shape_cast %get3A_823 : vector<1x16xf32> to vector<16xf32>
          %mul3A_825 = vector.broadcast %squeeze3A_748 : f32 to vector<16xf32>
          %mul3A_826 = arith.mulf %get3A_824, %mul3A_825 : vector<16xf32>
          %swap3A_827 = arith.index_cast %add3A_754 : i32 to index
          %swap3A_828 = arith.constant 96 : index
          %swap3A_829 = tpu.vector_load %arg10[%swap3A_827, %swap3A_828] {strides = array<i32>} : memref<256x128xf32, #tpu.memory_space<vmem>>, vector<1x16xf32>,
          %swap3A_830 = vector.shape_cast %swap3A_829 : vector<1x16xf32> to vector<16xf32>
          %swap3A_831 = vector.shape_cast %mul3A_826 : vector<16xf32> to vector<1x16xf32>
          tpu.vector_store %arg10[%swap3A_827, %swap3A_828], %swap3A_831 {strides = array<i32>} : memref<256x128xf32, #tpu.memory_space<vmem>>, vector<1x16xf32>,
          %get3A_832 = arith.index_cast %add3A_754 : i32 to index
          %get3A_833 = arith.constant 112 : index
          %get3A_834 = tpu.vector_load %arg10[%get3A_832, %get3A_833] {strides = array<i32>} : memref<256x128xf32, #tpu.memory_space<vmem>>, vector<1x16xf32>,
          %get3A_835 = vector.shape_cast %get3A_834 : vector<1x16xf32> to vector<16xf32>
          %mul3A_836 = vector.broadcast %squeeze3A_748 : f32 to vector<16xf32>
          %mul3A_837 = arith.mulf %get3A_835, %mul3A_836 : vector<16xf32>
          %swap3A_838 = arith.index_cast %add3A_754 : i32 to index
          %swap3A_839 = arith.constant 112 : index
          %swap3A_840 = tpu.vector_load %arg10[%swap3A_838, %swap3A_839] {strides = array<i32>} : memref<256x128xf32, #tpu.memory_space<vmem>>, vector<1x16xf32>,
          %swap3A_841 = vector.shape_cast %swap3A_840 : vector<1x16xf32> to vector<16xf32>
          %swap3A_842 = vector.shape_cast %mul3A_837 : vector<16xf32> to vector<1x16xf32>
          tpu.vector_store %arg10[%swap3A_838, %swap3A_839], %swap3A_842 {strides = array<i32>} : memref<256x128xf32, #tpu.memory_space<vmem>>, vector<1x16xf32>,
          %slice3A_843 = vector.extract_strided_slice %get3A_173 {offsets = [7], sizes = [1], strides = [1]} : vector<16xf32> to vector<1xf32>
          %squeeze3A_844 = vector.extract %slice3A_843[0] : f32 from vector<1xf32>
          %mul3A_845 = arith.constant 16 : i32
          %mul3A_846 = arith.muli %scan3A_164, %mul3A_845 : i32
          %add3A_847 = arith.constant 128 : i32
          %add3A_848 = arith.addi %add3A_847, %mul3A_846 : i32
          %add3A_849 = arith.constant 7 : i32
          %add3A_850 = arith.addi %add3A_848, %add3A_849 : i32
          %get3A_851 = arith.index_cast %add3A_850 : i32 to index
          %get3A_852 = arith.constant 0 : index
          %get3A_853 = tpu.vector_load %arg10[%get3A_851, %get3A_852] {strides = array<i32>} : memref<256x128xf32, #tpu.memory_space<vmem>>, vector<1x16xf32>,
          %get3A_854 = vector.shape_cast %get3A_853 : vector<1x16xf32> to vector<16xf32>
          %mul3A_855 = vector.broadcast %squeeze3A_844 : f32 to vector<16xf32>
          %mul3A_856 = arith.mulf %get3A_854, %mul3A_855 : vector<16xf32>
          %swap3A_857 = arith.index_cast %add3A_850 : i32 to index
          %swap3A_858 = arith.constant 0 : index
          %swap3A_859 = tpu.vector_load %arg10[%swap3A_857, %swap3A_858] {strides = array<i32>} : memref<256x128xf32, #tpu.memory_space<vmem>>, vector<1x16xf32>,
          %swap3A_860 = vector.shape_cast %swap3A_859 : vector<1x16xf32> to vector<16xf32>
          %swap3A_861 = vector.shape_cast %mul3A_856 : vector<16xf32> to vector<1x16xf32>
          tpu.vector_store %arg10[%swap3A_857, %swap3A_858], %swap3A_861 {strides = array<i32>} : memref<256x128xf32, #tpu.memory_space<vmem>>, vector<1x16xf32>,
          %get3A_862 = arith.index_cast %add3A_850 : i32 to index
          %get3A_863 = arith.constant 16 : index
          %get3A_864 = tpu.vector_load %arg10[%get3A_862, %get3A_863] {strides = array<i32>} : memref<256x128xf32, #tpu.memory_space<vmem>>, vector<1x16xf32>,
          %get3A_865 = vector.shape_cast %get3A_864 : vector<1x16xf32> to vector<16xf32>
          %mul3A_866 = vector.broadcast %squeeze3A_844 : f32 to vector<16xf32>
          %mul3A_867 = arith.mulf %get3A_865, %mul3A_866 : vector<16xf32>
          %swap3A_868 = arith.index_cast %add3A_850 : i32 to index
          %swap3A_869 = arith.constant 16 : index
          %swap3A_870 = tpu.vector_load %arg10[%swap3A_868, %swap3A_869] {strides = array<i32>} : memref<256x128xf32, #tpu.memory_space<vmem>>, vector<1x16xf32>,
          %swap3A_871 = vector.shape_cast %swap3A_870 : vector<1x16xf32> to vector<16xf32>
          %swap3A_872 = vector.shape_cast %mul3A_867 : vector<16xf32> to vector<1x16xf32>
          tpu.vector_store %arg10[%swap3A_868, %swap3A_869], %swap3A_872 {strides = array<i32>} : memref<256x128xf32, #tpu.memory_space<vmem>>, vector<1x16xf32>,
          %get3A_873 = arith.index_cast %add3A_850 : i32 to index
          %get3A_874 = arith.constant 32 : index
          %get3A_875 = tpu.vector_load %arg10[%get3A_873, %get3A_874] {strides = array<i32>} : memref<256x128xf32, #tpu.memory_space<vmem>>, vector<1x16xf32>,
          %get3A_876 = vector.shape_cast %get3A_875 : vector<1x16xf32> to vector<16xf32>
          %mul3A_877 = vector.broadcast %squeeze3A_844 : f32 to vector<16xf32>
          %mul3A_878 = arith.mulf %get3A_876, %mul3A_877 : vector<16xf32>
          %swap3A_879 = arith.index_cast %add3A_850 : i32 to index
          %swap3A_880 = arith.constant 32 : index
          %swap3A_881 = tpu.vector_load %arg10[%swap3A_879, %swap3A_880] {strides = array<i32>} : memref<256x128xf32, #tpu.memory_space<vmem>>, vector<1x16xf32>,
          %swap3A_882 = vector.shape_cast %swap3A_881 : vector<1x16xf32> to vector<16xf32>
          %swap3A_883 = vector.shape_cast %mul3A_878 : vector<16xf32> to vector<1x16xf32>
          tpu.vector_store %arg10[%swap3A_879, %swap3A_880], %swap3A_883 {strides = array<i32>} : memref<256x128xf32, #tpu.memory_space<vmem>>, vector<1x16xf32>,
          %get3A_884 = arith.index_cast %add3A_850 : i32 to index
          %get3A_885 = arith.constant 48 : index
          %get3A_886 = tpu.vector_load %arg10[%get3A_884, %get3A_885] {strides = array<i32>} : memref<256x128xf32, #tpu.memory_space<vmem>>, vector<1x16xf32>,
          %get3A_887 = vector.shape_cast %get3A_886 : vector<1x16xf32> to vector<16xf32>
          %mul3A_888 = vector.broadcast %squeeze3A_844 : f32 to vector<16xf32>
          %mul3A_889 = arith.mulf %get3A_887, %mul3A_888 : vector<16xf32>
          %swap3A_890 = arith.index_cast %add3A_850 : i32 to index
          %swap3A_891 = arith.constant 48 : index
          %swap3A_892 = tpu.vector_load %arg10[%swap3A_890, %swap3A_891] {strides = array<i32>} : memref<256x128xf32, #tpu.memory_space<vmem>>, vector<1x16xf32>,
          %swap3A_893 = vector.shape_cast %swap3A_892 : vector<1x16xf32> to vector<16xf32>
          %swap3A_894 = vector.shape_cast %mul3A_889 : vector<16xf32> to vector<1x16xf32>
          tpu.vector_store %arg10[%swap3A_890, %swap3A_891], %swap3A_894 {strides = array<i32>} : memref<256x128xf32, #tpu.memory_space<vmem>>, vector<1x16xf32>,
          %get3A_895 = arith.index_cast %add3A_850 : i32 to index
          %get3A_896 = arith.constant 64 : index
          %get3A_897 = tpu.vector_load %arg10[%get3A_895, %get3A_896] {strides = array<i32>} : memref<256x128xf32, #tpu.memory_space<vmem>>, vector<1x16xf32>,
          %get3A_898 = vector.shape_cast %get3A_897 : vector<1x16xf32> to vector<16xf32>
          %mul3A_899 = vector.broadcast %squeeze3A_844 : f32 to vector<16xf32>
          %mul3A_900 = arith.mulf %get3A_898, %mul3A_899 : vector<16xf32>
          %swap3A_901 = arith.index_cast %add3A_850 : i32 to index
          %swap3A_902 = arith.constant 64 : index
          %swap3A_903 = tpu.vector_load %arg10[%swap3A_901, %swap3A_902] {strides = array<i32>} : memref<256x128xf32, #tpu.memory_space<vmem>>, vector<1x16xf32>,
          %swap3A_904 = vector.shape_cast %swap3A_903 : vector<1x16xf32> to vector<16xf32>
          %swap3A_905 = vector.shape_cast %mul3A_900 : vector<16xf32> to vector<1x16xf32>
          tpu.vector_store %arg10[%swap3A_901, %swap3A_902], %swap3A_905 {strides = array<i32>} : memref<256x128xf32, #tpu.memory_space<vmem>>, vector<1x16xf32>,
          %get3A_906 = arith.index_cast %add3A_850 : i32 to index
          %get3A_907 = arith.constant 80 : index
          %get3A_908 = tpu.vector_load %arg10[%get3A_906, %get3A_907] {strides = array<i32>} : memref<256x128xf32, #tpu.memory_space<vmem>>, vector<1x16xf32>,
          %get3A_909 = vector.shape_cast %get3A_908 : vector<1x16xf32> to vector<16xf32>
          %mul3A_910 = vector.broadcast %squeeze3A_844 : f32 to vector<16xf32>
          %mul3A_911 = arith.mulf %get3A_909, %mul3A_910 : vector<16xf32>
          %swap3A_912 = arith.index_cast %add3A_850 : i32 to index
          %swap3A_913 = arith.constant 80 : index
          %swap3A_914 = tpu.vector_load %arg10[%swap3A_912, %swap3A_913] {strides = array<i32>} : memref<256x128xf32, #tpu.memory_space<vmem>>, vector<1x16xf32>,
          %swap3A_915 = vector.shape_cast %swap3A_914 : vector<1x16xf32> to vector<16xf32>
          %swap3A_916 = vector.shape_cast %mul3A_911 : vector<16xf32> to vector<1x16xf32>
          tpu.vector_store %arg10[%swap3A_912, %swap3A_913], %swap3A_916 {strides = array<i32>} : memref<256x128xf32, #tpu.memory_space<vmem>>, vector<1x16xf32>,
          %get3A_917 = arith.index_cast %add3A_850 : i32 to index
          %get3A_918 = arith.constant 96 : index
          %get3A_919 = tpu.vector_load %arg10[%get3A_917, %get3A_918] {strides = array<i32>} : memref<256x128xf32, #tpu.memory_space<vmem>>, vector<1x16xf32>,
          %get3A_920 = vector.shape_cast %get3A_919 : vector<1x16xf32> to vector<16xf32>
          %mul3A_921 = vector.broadcast %squeeze3A_844 : f32 to vector<16xf32>
          %mul3A_922 = arith.mulf %get3A_920, %mul3A_921 : vector<16xf32>
          %swap3A_923 = arith.index_cast %add3A_850 : i32 to index
          %swap3A_924 = arith.constant 96 : index
          %swap3A_925 = tpu.vector_load %arg10[%swap3A_923, %swap3A_924] {strides = array<i32>} : memref<256x128xf32, #tpu.memory_space<vmem>>, vector<1x16xf32>,
          %swap3A_926 = vector.shape_cast %swap3A_925 : vector<1x16xf32> to vector<16xf32>
          %swap3A_927 = vector.shape_cast %mul3A_922 : vector<16xf32> to vector<1x16xf32>
          tpu.vector_store %arg10[%swap3A_923, %swap3A_924], %swap3A_927 {strides = array<i32>} : memref<256x128xf32, #tpu.memory_space<vmem>>, vector<1x16xf32>,
          %get3A_928 = arith.index_cast %add3A_850 : i32 to index
          %get3A_929 = arith.constant 112 : index
          %get3A_930 = tpu.vector_load %arg10[%get3A_928, %get3A_929] {strides = array<i32>} : memref<256x128xf32, #tpu.memory_space<vmem>>, vector<1x16xf32>,
          %get3A_931 = vector.shape_cast %get3A_930 : vector<1x16xf32> to vector<16xf32>
          %mul3A_932 = vector.broadcast %squeeze3A_844 : f32 to vector<16xf32>
          %mul3A_933 = arith.mulf %get3A_931, %mul3A_932 : vector<16xf32>
          %swap3A_934 = arith.index_cast %add3A_850 : i32 to index
          %swap3A_935 = arith.constant 112 : index
          %swap3A_936 = tpu.vector_load %arg10[%swap3A_934, %swap3A_935] {strides = array<i32>} : memref<256x128xf32, #tpu.memory_space<vmem>>, vector<1x16xf32>,
          %swap3A_937 = vector.shape_cast %swap3A_936 : vector<1x16xf32> to vector<16xf32>
          %swap3A_938 = vector.shape_cast %mul3A_933 : vector<16xf32> to vector<1x16xf32>
          tpu.vector_store %arg10[%swap3A_934, %swap3A_935], %swap3A_938 {strides = array<i32>} : memref<256x128xf32, #tpu.memory_space<vmem>>, vector<1x16xf32>,
          %slice3A_939 = vector.extract_strided_slice %get3A_173 {offsets = [8], sizes = [1], strides = [1]} : vector<16xf32> to vector<1xf32>
          %squeeze3A_940 = vector.extract %slice3A_939[0] : f32 from vector<1xf32>
          %mul3A_941 = arith.constant 16 : i32
          %mul3A_942 = arith.muli %scan3A_164, %mul3A_941 : i32
          %add3A_943 = arith.constant 128 : i32
          %add3A_944 = arith.addi %add3A_943, %mul3A_942 : i32
          %add3A_945 = arith.constant 8 : i32
          %add3A_946 = arith.addi %add3A_944, %add3A_945 : i32
          %get3A_947 = arith.index_cast %add3A_946 : i32 to index
          %get3A_948 = arith.constant 0 : index
          %get3A_949 = tpu.vector_load %arg10[%get3A_947, %get3A_948] {strides = array<i32>} : memref<256x128xf32, #tpu.memory_space<vmem>>, vector<1x16xf32>,
          %get3A_950 = vector.shape_cast %get3A_949 : vector<1x16xf32> to vector<16xf32>
          %mul3A_951 = vector.broadcast %squeeze3A_940 : f32 to vector<16xf32>
          %mul3A_952 = arith.mulf %get3A_950, %mul3A_951 : vector<16xf32>
          %swap3A_953 = arith.index_cast %add3A_946 : i32 to index
          %swap3A_954 = arith.constant 0 : index
          %swap3A_955 = tpu.vector_load %arg10[%swap3A_953, %swap3A_954] {strides = array<i32>} : memref<256x128xf32, #tpu.memory_space<vmem>>, vector<1x16xf32>,
          %swap3A_956 = vector.shape_cast %swap3A_955 : vector<1x16xf32> to vector<16xf32>
          %swap3A_957 = vector.shape_cast %mul3A_952 : vector<16xf32> to vector<1x16xf32>
          tpu.vector_store %arg10[%swap3A_953, %swap3A_954], %swap3A_957 {strides = array<i32>} : memref<256x128xf32, #tpu.memory_space<vmem>>, vector<1x16xf32>,
          %get3A_958 = arith.index_cast %add3A_946 : i32 to index
          %get3A_959 = arith.constant 16 : index
          %get3A_960 = tpu.vector_load %arg10[%get3A_958, %get3A_959] {strides = array<i32>} : memref<256x128xf32, #tpu.memory_space<vmem>>, vector<1x16xf32>,
          %get3A_961 = vector.shape_cast %get3A_960 : vector<1x16xf32> to vector<16xf32>
          %mul3A_962 = vector.broadcast %squeeze3A_940 : f32 to vector<16xf32>
          %mul3A_963 = arith.mulf %get3A_961, %mul3A_962 : vector<16xf32>
          %swap3A_964 = arith.index_cast %add3A_946 : i32 to index
          %swap3A_965 = arith.constant 16 : index
          %swap3A_966 = tpu.vector_load %arg10[%swap3A_964, %swap3A_965] {strides = array<i32>} : memref<256x128xf32, #tpu.memory_space<vmem>>, vector<1x16xf32>,
          %swap3A_967 = vector.shape_cast %swap3A_966 : vector<1x16xf32> to vector<16xf32>
          %swap3A_968 = vector.shape_cast %mul3A_963 : vector<16xf32> to vector<1x16xf32>
          tpu.vector_store %arg10[%swap3A_964, %swap3A_965], %swap3A_968 {strides = array<i32>} : memref<256x128xf32, #tpu.memory_space<vmem>>, vector<1x16xf32>,
          %get3A_969 = arith.index_cast %add3A_946 : i32 to index
          %get3A_970 = arith.constant 32 : index
          %get3A_971 = tpu.vector_load %arg10[%get3A_969, %get3A_970] {strides = array<i32>} : memref<256x128xf32, #tpu.memory_space<vmem>>, vector<1x16xf32>,
          %get3A_972 = vector.shape_cast %get3A_971 : vector<1x16xf32> to vector<16xf32>
          %mul3A_973 = vector.broadcast %squeeze3A_940 : f32 to vector<16xf32>
          %mul3A_974 = arith.mulf %get3A_972, %mul3A_973 : vector<16xf32>
          %swap3A_975 = arith.index_cast %add3A_946 : i32 to index
          %swap3A_976 = arith.constant 32 : index
          %swap3A_977 = tpu.vector_load %arg10[%swap3A_975, %swap3A_976] {strides = array<i32>} : memref<256x128xf32, #tpu.memory_space<vmem>>, vector<1x16xf32>,
          %swap3A_978 = vector.shape_cast %swap3A_977 : vector<1x16xf32> to vector<16xf32>
          %swap3A_979 = vector.shape_cast %mul3A_974 : vector<16xf32> to vector<1x16xf32>
          tpu.vector_store %arg10[%swap3A_975, %swap3A_976], %swap3A_979 {strides = array<i32>} : memref<256x128xf32, #tpu.memory_space<vmem>>, vector<1x16xf32>,
          %get3A_980 = arith.index_cast %add3A_946 : i32 to index
          %get3A_981 = arith.constant 48 : index
          %get3A_982 = tpu.vector_load %arg10[%get3A_980, %get3A_981] {strides = array<i32>} : memref<256x128xf32, #tpu.memory_space<vmem>>, vector<1x16xf32>,
          %get3A_983 = vector.shape_cast %get3A_982 : vector<1x16xf32> to vector<16xf32>
          %mul3A_984 = vector.broadcast %squeeze3A_940 : f32 to vector<16xf32>
          %mul3A_985 = arith.mulf %get3A_983, %mul3A_984 : vector<16xf32>
          %swap3A_986 = arith.index_cast %add3A_946 : i32 to index
          %swap3A_987 = arith.constant 48 : index
          %swap3A_988 = tpu.vector_load %arg10[%swap3A_986, %swap3A_987] {strides = array<i32>} : memref<256x128xf32, #tpu.memory_space<vmem>>, vector<1x16xf32>,
          %swap3A_989 = vector.shape_cast %swap3A_988 : vector<1x16xf32> to vector<16xf32>
          %swap3A_990 = vector.shape_cast %mul3A_985 : vector<16xf32> to vector<1x16xf32>
          tpu.vector_store %arg10[%swap3A_986, %swap3A_987], %swap3A_990 {strides = array<i32>} : memref<256x128xf32, #tpu.memory_space<vmem>>, vector<1x16xf32>,
          %get3A_991 = arith.index_cast %add3A_946 : i32 to index
          %get3A_992 = arith.constant 64 : index
          %get3A_993 = tpu.vector_load %arg10[%get3A_991, %get3A_992] {strides = array<i32>} : memref<256x128xf32, #tpu.memory_space<vmem>>, vector<1x16xf32>,
          %get3A_994 = vector.shape_cast %get3A_993 : vector<1x16xf32> to vector<16xf32>
          %mul3A_995 = vector.broadcast %squeeze3A_940 : f32 to vector<16xf32>
          %mul3A_996 = arith.mulf %get3A_994, %mul3A_995 : vector<16xf32>
          %swap3A_997 = arith.index_cast %add3A_946 : i32 to index
          %swap3A_998 = arith.constant 64 : index
          %swap3A_999 = tpu.vector_load %arg10[%swap3A_997, %swap3A_998] {strides = array<i32>} : memref<256x128xf32, #tpu.memory_space<vmem>>, vector<1x16xf32>,
          %swap3A_1000 = vector.shape_cast %swap3A_999 : vector<1x16xf32> to vector<16xf32>
          %swap3A_1001 = vector.shape_cast %mul3A_996 : vector<16xf32> to vector<1x16xf32>
          tpu.vector_store %arg10[%swap3A_997, %swap3A_998], %swap3A_1001 {strides = array<i32>} : memref<256x128xf32, #tpu.memory_space<vmem>>, vector<1x16xf32>,
          %get3A_1002 = arith.index_cast %add3A_946 : i32 to index
          %get3A_1003 = arith.constant 80 : index
          %get3A_1004 = tpu.vector_load %arg10[%get3A_1002, %get3A_1003] {strides = array<i32>} : memref<256x128xf32, #tpu.memory_space<vmem>>, vector<1x16xf32>,
          %get3A_1005 = vector.shape_cast %get3A_1004 : vector<1x16xf32> to vector<16xf32>
          %mul3A_1006 = vector.broadcast %squeeze3A_940 : f32 to vector<16xf32>
          %mul3A_1007 = arith.mulf %get3A_1005, %mul3A_1006 : vector<16xf32>
          %swap3A_1008 = arith.index_cast %add3A_946 : i32 to index
          %swap3A_1009 = arith.constant 80 : index
          %swap3A_1010 = tpu.vector_load %arg10[%swap3A_1008, %swap3A_1009] {strides = array<i32>} : memref<256x128xf32, #tpu.memory_space<vmem>>, vector<1x16xf32>,
          %swap3A_1011 = vector.shape_cast %swap3A_1010 : vector<1x16xf32> to vector<16xf32>
          %swap3A_1012 = vector.shape_cast %mul3A_1007 : vector<16xf32> to vector<1x16xf32>
          tpu.vector_store %arg10[%swap3A_1008, %swap3A_1009], %swap3A_1012 {strides = array<i32>} : memref<256x128xf32, #tpu.memory_space<vmem>>, vector<1x16xf32>,
          %get3A_1013 = arith.index_cast %add3A_946 : i32 to index
          %get3A_1014 = arith.constant 96 : index
          %get3A_1015 = tpu.vector_load %arg10[%get3A_1013, %get3A_1014] {strides = array<i32>} : memref<256x128xf32, #tpu.memory_space<vmem>>, vector<1x16xf32>,
          %get3A_1016 = vector.shape_cast %get3A_1015 : vector<1x16xf32> to vector<16xf32>
          %mul3A_1017 = vector.broadcast %squeeze3A_940 : f32 to vector<16xf32>
          %mul3A_1018 = arith.mulf %get3A_1016, %mul3A_1017 : vector<16xf32>
          %swap3A_1019 = arith.index_cast %add3A_946 : i32 to index
          %swap3A_1020 = arith.constant 96 : index
          %swap3A_1021 = tpu.vector_load %arg10[%swap3A_1019, %swap3A_1020] {strides = array<i32>} : memref<256x128xf32, #tpu.memory_space<vmem>>, vector<1x16xf32>,
          %swap3A_1022 = vector.shape_cast %swap3A_1021 : vector<1x16xf32> to vector<16xf32>
          %swap3A_1023 = vector.shape_cast %mul3A_1018 : vector<16xf32> to vector<1x16xf32>
          tpu.vector_store %arg10[%swap3A_1019, %swap3A_1020], %swap3A_1023 {strides = array<i32>} : memref<256x128xf32, #tpu.memory_space<vmem>>, vector<1x16xf32>,
          %get3A_1024 = arith.index_cast %add3A_946 : i32 to index
          %get3A_1025 = arith.constant 112 : index
          %get3A_1026 = tpu.vector_load %arg10[%get3A_1024, %get3A_1025] {strides = array<i32>} : memref<256x128xf32, #tpu.memory_space<vmem>>, vector<1x16xf32>,
          %get3A_1027 = vector.shape_cast %get3A_1026 : vector<1x16xf32> to vector<16xf32>
          %mul3A_1028 = vector.broadcast %squeeze3A_940 : f32 to vector<16xf32>
          %mul3A_1029 = arith.mulf %get3A_1027, %mul3A_1028 : vector<16xf32>
          %swap3A_1030 = arith.index_cast %add3A_946 : i32 to index
          %swap3A_1031 = arith.constant 112 : index
          %swap3A_1032 = tpu.vector_load %arg10[%swap3A_1030, %swap3A_1031] {strides = array<i32>} : memref<256x128xf32, #tpu.memory_space<vmem>>, vector<1x16xf32>,
          %swap3A_1033 = vector.shape_cast %swap3A_1032 : vector<1x16xf32> to vector<16xf32>
          %swap3A_1034 = vector.shape_cast %mul3A_1029 : vector<16xf32> to vector<1x16xf32>
          tpu.vector_store %arg10[%swap3A_1030, %swap3A_1031], %swap3A_1034 {strides = array<i32>} : memref<256x128xf32, #tpu.memory_space<vmem>>, vector<1x16xf32>,
          %slice3A_1035 = vector.extract_strided_slice %get3A_173 {offsets = [9], sizes = [1], strides = [1]} : vector<16xf32> to vector<1xf32>
          %squeeze3A_1036 = vector.extract %slice3A_1035[0] : f32 from vector<1xf32>
          %mul3A_1037 = arith.constant 16 : i32
          %mul3A_1038 = arith.muli %scan3A_164, %mul3A_1037 : i32
          %add3A_1039 = arith.constant 128 : i32
          %add3A_1040 = arith.addi %add3A_1039, %mul3A_1038 : i32
          %add3A_1041 = arith.constant 9 : i32
          %add3A_1042 = arith.addi %add3A_1040, %add3A_1041 : i32
          %get3A_1043 = arith.index_cast %add3A_1042 : i32 to index
          %get3A_1044 = arith.constant 0 : index
          %get3A_1045 = tpu.vector_load %arg10[%get3A_1043, %get3A_1044] {strides = array<i32>} : memref<256x128xf32, #tpu.memory_space<vmem>>, vector<1x16xf32>,
          %get3A_1046 = vector.shape_cast %get3A_1045 : vector<1x16xf32> to vector<16xf32>
          %mul3A_1047 = vector.broadcast %squeeze3A_1036 : f32 to vector<16xf32>
          %mul3A_1048 = arith.mulf %get3A_1046, %mul3A_1047 : vector<16xf32>
          %swap3A_1049 = arith.index_cast %add3A_1042 : i32 to index
          %swap3A_1050 = arith.constant 0 : index
          %swap3A_1051 = tpu.vector_load %arg10[%swap3A_1049, %swap3A_1050] {strides = array<i32>} : memref<256x128xf32, #tpu.memory_space<vmem>>, vector<1x16xf32>,
          %swap3A_1052 = vector.shape_cast %swap3A_1051 : vector<1x16xf32> to vector<16xf32>
          %swap3A_1053 = vector.shape_cast %mul3A_1048 : vector<16xf32> to vector<1x16xf32>
          tpu.vector_store %arg10[%swap3A_1049, %swap3A_1050], %swap3A_1053 {strides = array<i32>} : memref<256x128xf32, #tpu.memory_space<vmem>>, vector<1x16xf32>,
          %get3A_1054 = arith.index_cast %add3A_1042 : i32 to index
          %get3A_1055 = arith.constant 16 : index
          %get3A_1056 = tpu.vector_load %arg10[%get3A_1054, %get3A_1055] {strides = array<i32>} : memref<256x128xf32, #tpu.memory_space<vmem>>, vector<1x16xf32>,
          %get3A_1057 = vector.shape_cast %get3A_1056 : vector<1x16xf32> to vector<16xf32>
          %mul3A_1058 = vector.broadcast %squeeze3A_1036 : f32 to vector<16xf32>
          %mul3A_1059 = arith.mulf %get3A_1057, %mul3A_1058 : vector<16xf32>
          %swap3A_1060 = arith.index_cast %add3A_1042 : i32 to index
          %swap3A_1061 = arith.constant 16 : index
          %swap3A_1062 = tpu.vector_load %arg10[%swap3A_1060, %swap3A_1061] {strides = array<i32>} : memref<256x128xf32, #tpu.memory_space<vmem>>, vector<1x16xf32>,
          %swap3A_1063 = vector.shape_cast %swap3A_1062 : vector<1x16xf32> to vector<16xf32>
          %swap3A_1064 = vector.shape_cast %mul3A_1059 : vector<16xf32> to vector<1x16xf32>
          tpu.vector_store %arg10[%swap3A_1060, %swap3A_1061], %swap3A_1064 {strides = array<i32>} : memref<256x128xf32, #tpu.memory_space<vmem>>, vector<1x16xf32>,
          %get3A_1065 = arith.index_cast %add3A_1042 : i32 to index
          %get3A_1066 = arith.constant 32 : index
          %get3A_1067 = tpu.vector_load %arg10[%get3A_1065, %get3A_1066] {strides = array<i32>} : memref<256x128xf32, #tpu.memory_space<vmem>>, vector<1x16xf32>,
          %get3A_1068 = vector.shape_cast %get3A_1067 : vector<1x16xf32> to vector<16xf32>
          %mul3A_1069 = vector.broadcast %squeeze3A_1036 : f32 to vector<16xf32>
          %mul3A_1070 = arith.mulf %get3A_1068, %mul3A_1069 : vector<16xf32>
          %swap3A_1071 = arith.index_cast %add3A_1042 : i32 to index
          %swap3A_1072 = arith.constant 32 : index
          %swap3A_1073 = tpu.vector_load %arg10[%swap3A_1071, %swap3A_1072] {strides = array<i32>} : memref<256x128xf32, #tpu.memory_space<vmem>>, vector<1x16xf32>,
          %swap3A_1074 = vector.shape_cast %swap3A_1073 : vector<1x16xf32> to vector<16xf32>
          %swap3A_1075 = vector.shape_cast %mul3A_1070 : vector<16xf32> to vector<1x16xf32>
          tpu.vector_store %arg10[%swap3A_1071, %swap3A_1072], %swap3A_1075 {strides = array<i32>} : memref<256x128xf32, #tpu.memory_space<vmem>>, vector<1x16xf32>,
          %get3A_1076 = arith.index_cast %add3A_1042 : i32 to index
          %get3A_1077 = arith.constant 48 : index
          %get3A_1078 = tpu.vector_load %arg10[%get3A_1076, %get3A_1077] {strides = array<i32>} : memref<256x128xf32, #tpu.memory_space<vmem>>, vector<1x16xf32>,
          %get3A_1079 = vector.shape_cast %get3A_1078 : vector<1x16xf32> to vector<16xf32>
          %mul3A_1080 = vector.broadcast %squeeze3A_1036 : f32 to vector<16xf32>
          %mul3A_1081 = arith.mulf %get3A_1079, %mul3A_1080 : vector<16xf32>
          %swap3A_1082 = arith.index_cast %add3A_1042 : i32 to index
          %swap3A_1083 = arith.constant 48 : index
          %swap3A_1084 = tpu.vector_load %arg10[%swap3A_1082, %swap3A_1083] {strides = array<i32>} : memref<256x128xf32, #tpu.memory_space<vmem>>, vector<1x16xf32>,
          %swap3A_1085 = vector.shape_cast %swap3A_1084 : vector<1x16xf32> to vector<16xf32>
          %swap3A_1086 = vector.shape_cast %mul3A_1081 : vector<16xf32> to vector<1x16xf32>
          tpu.vector_store %arg10[%swap3A_1082, %swap3A_1083], %swap3A_1086 {strides = array<i32>} : memref<256x128xf32, #tpu.memory_space<vmem>>, vector<1x16xf32>,
          %get3A_1087 = arith.index_cast %add3A_1042 : i32 to index
          %get3A_1088 = arith.constant 64 : index
          %get3A_1089 = tpu.vector_load %arg10[%get3A_1087, %get3A_1088] {strides = array<i32>} : memref<256x128xf32, #tpu.memory_space<vmem>>, vector<1x16xf32>,
          %get3A_1090 = vector.shape_cast %get3A_1089 : vector<1x16xf32> to vector<16xf32>
          %mul3A_1091 = vector.broadcast %squeeze3A_1036 : f32 to vector<16xf32>
          %mul3A_1092 = arith.mulf %get3A_1090, %mul3A_1091 : vector<16xf32>
          %swap3A_1093 = arith.index_cast %add3A_1042 : i32 to index
          %swap3A_1094 = arith.constant 64 : index
          %swap3A_1095 = tpu.vector_load %arg10[%swap3A_1093, %swap3A_1094] {strides = array<i32>} : memref<256x128xf32, #tpu.memory_space<vmem>>, vector<1x16xf32>,
          %swap3A_1096 = vector.shape_cast %swap3A_1095 : vector<1x16xf32> to vector<16xf32>
          %swap3A_1097 = vector.shape_cast %mul3A_1092 : vector<16xf32> to vector<1x16xf32>
          tpu.vector_store %arg10[%swap3A_1093, %swap3A_1094], %swap3A_1097 {strides = array<i32>} : memref<256x128xf32, #tpu.memory_space<vmem>>, vector<1x16xf32>,
          %get3A_1098 = arith.index_cast %add3A_1042 : i32 to index
          %get3A_1099 = arith.constant 80 : index
          %get3A_1100 = tpu.vector_load %arg10[%get3A_1098, %get3A_1099] {strides = array<i32>} : memref<256x128xf32, #tpu.memory_space<vmem>>, vector<1x16xf32>,
          %get3A_1101 = vector.shape_cast %get3A_1100 : vector<1x16xf32> to vector<16xf32>
          %mul3A_1102 = vector.broadcast %squeeze3A_1036 : f32 to vector<16xf32>
          %mul3A_1103 = arith.mulf %get3A_1101, %mul3A_1102 : vector<16xf32>
          %swap3A_1104 = arith.index_cast %add3A_1042 : i32 to index
          %swap3A_1105 = arith.constant 80 : index
          %swap3A_1106 = tpu.vector_load %arg10[%swap3A_1104, %swap3A_1105] {strides = array<i32>} : memref<256x128xf32, #tpu.memory_space<vmem>>, vector<1x16xf32>,
          %swap3A_1107 = vector.shape_cast %swap3A_1106 : vector<1x16xf32> to vector<16xf32>
          %swap3A_1108 = vector.shape_cast %mul3A_1103 : vector<16xf32> to vector<1x16xf32>
          tpu.vector_store %arg10[%swap3A_1104, %swap3A_1105], %swap3A_1108 {strides = array<i32>} : memref<256x128xf32, #tpu.memory_space<vmem>>, vector<1x16xf32>,
          %get3A_1109 = arith.index_cast %add3A_1042 : i32 to index
          %get3A_1110 = arith.constant 96 : index
          %get3A_1111 = tpu.vector_load %arg10[%get3A_1109, %get3A_1110] {strides = array<i32>} : memref<256x128xf32, #tpu.memory_space<vmem>>, vector<1x16xf32>,
          %get3A_1112 = vector.shape_cast %get3A_1111 : vector<1x16xf32> to vector<16xf32>
          %mul3A_1113 = vector.broadcast %squeeze3A_1036 : f32 to vector<16xf32>
          %mul3A_1114 = arith.mulf %get3A_1112, %mul3A_1113 : vector<16xf32>
          %swap3A_1115 = arith.index_cast %add3A_1042 : i32 to index
          %swap3A_1116 = arith.constant 96 : index
          %swap3A_1117 = tpu.vector_load %arg10[%swap3A_1115, %swap3A_1116] {strides = array<i32>} : memref<256x128xf32, #tpu.memory_space<vmem>>, vector<1x16xf32>,
          %swap3A_1118 = vector.shape_cast %swap3A_1117 : vector<1x16xf32> to vector<16xf32>
          %swap3A_1119 = vector.shape_cast %mul3A_1114 : vector<16xf32> to vector<1x16xf32>
          tpu.vector_store %arg10[%swap3A_1115, %swap3A_1116], %swap3A_1119 {strides = array<i32>} : memref<256x128xf32, #tpu.memory_space<vmem>>, vector<1x16xf32>,
          %get3A_1120 = arith.index_cast %add3A_1042 : i32 to index
          %get3A_1121 = arith.constant 112 : index
          %get3A_1122 = tpu.vector_load %arg10[%get3A_1120, %get3A_1121] {strides = array<i32>} : memref<256x128xf32, #tpu.memory_space<vmem>>, vector<1x16xf32>,
          %get3A_1123 = vector.shape_cast %get3A_1122 : vector<1x16xf32> to vector<16xf32>
          %mul3A_1124 = vector.broadcast %squeeze3A_1036 : f32 to vector<16xf32>
          %mul3A_1125 = arith.mulf %get3A_1123, %mul3A_1124 : vector<16xf32>
          %swap3A_1126 = arith.index_cast %add3A_1042 : i32 to index
          %swap3A_1127 = arith.constant 112 : index
          %swap3A_1128 = tpu.vector_load %arg10[%swap3A_1126, %swap3A_1127] {strides = array<i32>} : memref<256x128xf32, #tpu.memory_space<vmem>>, vector<1x16xf32>,
          %swap3A_1129 = vector.shape_cast %swap3A_1128 : vector<1x16xf32> to vector<16xf32>
          %swap3A_1130 = vector.shape_cast %mul3A_1125 : vector<16xf32> to vector<1x16xf32>
          tpu.vector_store %arg10[%swap3A_1126, %swap3A_1127], %swap3A_1130 {strides = array<i32>} : memref<256x128xf32, #tpu.memory_space<vmem>>, vector<1x16xf32>,
          %slice3A_1131 = vector.extract_strided_slice %get3A_173 {offsets = [10], sizes = [1], strides = [1]} : vector<16xf32> to vector<1xf32>
          %squeeze3A_1132 = vector.extract %slice3A_1131[0] : f32 from vector<1xf32>
          %mul3A_1133 = arith.constant 16 : i32
          %mul3A_1134 = arith.muli %scan3A_164, %mul3A_1133 : i32
          %add3A_1135 = arith.constant 128 : i32
          %add3A_1136 = arith.addi %add3A_1135, %mul3A_1134 : i32
          %add3A_1137 = arith.constant 10 : i32
          %add3A_1138 = arith.addi %add3A_1136, %add3A_1137 : i32
          %get3A_1139 = arith.index_cast %add3A_1138 : i32 to index
          %get3A_1140 = arith.constant 0 : index
          %get3A_1141 = tpu.vector_load %arg10[%get3A_1139, %get3A_1140] {strides = array<i32>} : memref<256x128xf32, #tpu.memory_space<vmem>>, vector<1x16xf32>,
          %get3A_1142 = vector.shape_cast %get3A_1141 : vector<1x16xf32> to vector<16xf32>
          %mul3A_1143 = vector.broadcast %squeeze3A_1132 : f32 to vector<16xf32>
          %mul3A_1144 = arith.mulf %get3A_1142, %mul3A_1143 : vector<16xf32>
          %swap3A_1145 = arith.index_cast %add3A_1138 : i32 to index
          %swap3A_1146 = arith.constant 0 : index
          %swap3A_1147 = tpu.vector_load %arg10[%swap3A_1145, %swap3A_1146] {strides = array<i32>} : memref<256x128xf32, #tpu.memory_space<vmem>>, vector<1x16xf32>,
          %swap3A_1148 = vector.shape_cast %swap3A_1147 : vector<1x16xf32> to vector<16xf32>
          %swap3A_1149 = vector.shape_cast %mul3A_1144 : vector<16xf32> to vector<1x16xf32>
          tpu.vector_store %arg10[%swap3A_1145, %swap3A_1146], %swap3A_1149 {strides = array<i32>} : memref<256x128xf32, #tpu.memory_space<vmem>>, vector<1x16xf32>,
          %get3A_1150 = arith.index_cast %add3A_1138 : i32 to index
          %get3A_1151 = arith.constant 16 : index
          %get3A_1152 = tpu.vector_load %arg10[%get3A_1150, %get3A_1151] {strides = array<i32>} : memref<256x128xf32, #tpu.memory_space<vmem>>, vector<1x16xf32>,
          %get3A_1153 = vector.shape_cast %get3A_1152 : vector<1x16xf32> to vector<16xf32>
          %mul3A_1154 = vector.broadcast %squeeze3A_1132 : f32 to vector<16xf32>
          %mul3A_1155 = arith.mulf %get3A_1153, %mul3A_1154 : vector<16xf32>
          %swap3A_1156 = arith.index_cast %add3A_1138 : i32 to index
          %swap3A_1157 = arith.constant 16 : index
          %swap3A_1158 = tpu.vector_load %arg10[%swap3A_1156, %swap3A_1157] {strides = array<i32>} : memref<256x128xf32, #tpu.memory_space<vmem>>, vector<1x16xf32>,
          %swap3A_1159 = vector.shape_cast %swap3A_1158 : vector<1x16xf32> to vector<16xf32>
          %swap3A_1160 = vector.shape_cast %mul3A_1155 : vector<16xf32> to vector<1x16xf32>
          tpu.vector_store %arg10[%swap3A_1156, %swap3A_1157], %swap3A_1160 {strides = array<i32>} : memref<256x128xf32, #tpu.memory_space<vmem>>, vector<1x16xf32>,
          %get3A_1161 = arith.index_cast %add3A_1138 : i32 to index
          %get3A_1162 = arith.constant 32 : index
          %get3A_1163 = tpu.vector_load %arg10[%get3A_1161, %get3A_1162] {strides = array<i32>} : memref<256x128xf32, #tpu.memory_space<vmem>>, vector<1x16xf32>,
          %get3A_1164 = vector.shape_cast %get3A_1163 : vector<1x16xf32> to vector<16xf32>
          %mul3A_1165 = vector.broadcast %squeeze3A_1132 : f32 to vector<16xf32>
          %mul3A_1166 = arith.mulf %get3A_1164, %mul3A_1165 : vector<16xf32>
          %swap3A_1167 = arith.index_cast %add3A_1138 : i32 to index
          %swap3A_1168 = arith.constant 32 : index
          %swap3A_1169 = tpu.vector_load %arg10[%swap3A_1167, %swap3A_1168] {strides = array<i32>} : memref<256x128xf32, #tpu.memory_space<vmem>>, vector<1x16xf32>,
          %swap3A_1170 = vector.shape_cast %swap3A_1169 : vector<1x16xf32> to vector<16xf32>
          %swap3A_1171 = vector.shape_cast %mul3A_1166 : vector<16xf32> to vector<1x16xf32>
          tpu.vector_store %arg10[%swap3A_1167, %swap3A_1168], %swap3A_1171 {strides = array<i32>} : memref<256x128xf32, #tpu.memory_space<vmem>>, vector<1x16xf32>,
          %get3A_1172 = arith.index_cast %add3A_1138 : i32 to index
          %get3A_1173 = arith.constant 48 : index
          %get3A_1174 = tpu.vector_load %arg10[%get3A_1172, %get3A_1173] {strides = array<i32>} : memref<256x128xf32, #tpu.memory_space<vmem>>, vector<1x16xf32>,
          %get3A_1175 = vector.shape_cast %get3A_1174 : vector<1x16xf32> to vector<16xf32>
          %mul3A_1176 = vector.broadcast %squeeze3A_1132 : f32 to vector<16xf32>
          %mul3A_1177 = arith.mulf %get3A_1175, %mul3A_1176 : vector<16xf32>
          %swap3A_1178 = arith.index_cast %add3A_1138 : i32 to index
          %swap3A_1179 = arith.constant 48 : index
          %swap3A_1180 = tpu.vector_load %arg10[%swap3A_1178, %swap3A_1179] {strides = array<i32>} : memref<256x128xf32, #tpu.memory_space<vmem>>, vector<1x16xf32>,
          %swap3A_1181 = vector.shape_cast %swap3A_1180 : vector<1x16xf32> to vector<16xf32>
          %swap3A_1182 = vector.shape_cast %mul3A_1177 : vector<16xf32> to vector<1x16xf32>
          tpu.vector_store %arg10[%swap3A_1178, %swap3A_1179], %swap3A_1182 {strides = array<i32>} : memref<256x128xf32, #tpu.memory_space<vmem>>, vector<1x16xf32>,
          %get3A_1183 = arith.index_cast %add3A_1138 : i32 to index
          %get3A_1184 = arith.constant 64 : index
          %get3A_1185 = tpu.vector_load %arg10[%get3A_1183, %get3A_1184] {strides = array<i32>} : memref<256x128xf32, #tpu.memory_space<vmem>>, vector<1x16xf32>,
          %get3A_1186 = vector.shape_cast %get3A_1185 : vector<1x16xf32> to vector<16xf32>
          %mul3A_1187 = vector.broadcast %squeeze3A_1132 : f32 to vector<16xf32>
          %mul3A_1188 = arith.mulf %get3A_1186, %mul3A_1187 : vector<16xf32>
          %swap3A_1189 = arith.index_cast %add3A_1138 : i32 to index
          %swap3A_1190 = arith.constant 64 : index
          %swap3A_1191 = tpu.vector_load %arg10[%swap3A_1189, %swap3A_1190] {strides = array<i32>} : memref<256x128xf32, #tpu.memory_space<vmem>>, vector<1x16xf32>,
          %swap3A_1192 = vector.shape_cast %swap3A_1191 : vector<1x16xf32> to vector<16xf32>
          %swap3A_1193 = vector.shape_cast %mul3A_1188 : vector<16xf32> to vector<1x16xf32>
          tpu.vector_store %arg10[%swap3A_1189, %swap3A_1190], %swap3A_1193 {strides = array<i32>} : memref<256x128xf32, #tpu.memory_space<vmem>>, vector<1x16xf32>,
          %get3A_1194 = arith.index_cast %add3A_1138 : i32 to index
          %get3A_1195 = arith.constant 80 : index
          %get3A_1196 = tpu.vector_load %arg10[%get3A_1194, %get3A_1195] {strides = array<i32>} : memref<256x128xf32, #tpu.memory_space<vmem>>, vector<1x16xf32>,
          %get3A_1197 = vector.shape_cast %get3A_1196 : vector<1x16xf32> to vector<16xf32>
          %mul3A_1198 = vector.broadcast %squeeze3A_1132 : f32 to vector<16xf32>
          %mul3A_1199 = arith.mulf %get3A_1197, %mul3A_1198 : vector<16xf32>
          %swap3A_1200 = arith.index_cast %add3A_1138 : i32 to index
          %swap3A_1201 = arith.constant 80 : index
          %swap3A_1202 = tpu.vector_load %arg10[%swap3A_1200, %swap3A_1201] {strides = array<i32>} : memref<256x128xf32, #tpu.memory_space<vmem>>, vector<1x16xf32>,
          %swap3A_1203 = vector.shape_cast %swap3A_1202 : vector<1x16xf32> to vector<16xf32>
          %swap3A_1204 = vector.shape_cast %mul3A_1199 : vector<16xf32> to vector<1x16xf32>
          tpu.vector_store %arg10[%swap3A_1200, %swap3A_1201], %swap3A_1204 {strides = array<i32>} : memref<256x128xf32, #tpu.memory_space<vmem>>, vector<1x16xf32>,
          %get3A_1205 = arith.index_cast %add3A_1138 : i32 to index
          %get3A_1206 = arith.constant 96 : index
          %get3A_1207 = tpu.vector_load %arg10[%get3A_1205, %get3A_1206] {strides = array<i32>} : memref<256x128xf32, #tpu.memory_space<vmem>>, vector<1x16xf32>,
          %get3A_1208 = vector.shape_cast %get3A_1207 : vector<1x16xf32> to vector<16xf32>
          %mul3A_1209 = vector.broadcast %squeeze3A_1132 : f32 to vector<16xf32>
          %mul3A_1210 = arith.mulf %get3A_1208, %mul3A_1209 : vector<16xf32>
          %swap3A_1211 = arith.index_cast %add3A_1138 : i32 to index
          %swap3A_1212 = arith.constant 96 : index
          %swap3A_1213 = tpu.vector_load %arg10[%swap3A_1211, %swap3A_1212] {strides = array<i32>} : memref<256x128xf32, #tpu.memory_space<vmem>>, vector<1x16xf32>,
          %swap3A_1214 = vector.shape_cast %swap3A_1213 : vector<1x16xf32> to vector<16xf32>
          %swap3A_1215 = vector.shape_cast %mul3A_1210 : vector<16xf32> to vector<1x16xf32>
          tpu.vector_store %arg10[%swap3A_1211, %swap3A_1212], %swap3A_1215 {strides = array<i32>} : memref<256x128xf32, #tpu.memory_space<vmem>>, vector<1x16xf32>,
          %get3A_1216 = arith.index_cast %add3A_1138 : i32 to index
          %get3A_1217 = arith.constant 112 : index
          %get3A_1218 = tpu.vector_load %arg10[%get3A_1216, %get3A_1217] {strides = array<i32>} : memref<256x128xf32, #tpu.memory_space<vmem>>, vector<1x16xf32>,
          %get3A_1219 = vector.shape_cast %get3A_1218 : vector<1x16xf32> to vector<16xf32>
          %mul3A_1220 = vector.broadcast %squeeze3A_1132 : f32 to vector<16xf32>
          %mul3A_1221 = arith.mulf %get3A_1219, %mul3A_1220 : vector<16xf32>
          %swap3A_1222 = arith.index_cast %add3A_1138 : i32 to index
          %swap3A_1223 = arith.constant 112 : index
          %swap3A_1224 = tpu.vector_load %arg10[%swap3A_1222, %swap3A_1223] {strides = array<i32>} : memref<256x128xf32, #tpu.memory_space<vmem>>, vector<1x16xf32>,
          %swap3A_1225 = vector.shape_cast %swap3A_1224 : vector<1x16xf32> to vector<16xf32>
          %swap3A_1226 = vector.shape_cast %mul3A_1221 : vector<16xf32> to vector<1x16xf32>
          tpu.vector_store %arg10[%swap3A_1222, %swap3A_1223], %swap3A_1226 {strides = array<i32>} : memref<256x128xf32, #tpu.memory_space<vmem>>, vector<1x16xf32>,
          %slice3A_1227 = vector.extract_strided_slice %get3A_173 {offsets = [11], sizes = [1], strides = [1]} : vector<16xf32> to vector<1xf32>
          %squeeze3A_1228 = vector.extract %slice3A_1227[0] : f32 from vector<1xf32>
          %mul3A_1229 = arith.constant 16 : i32
          %mul3A_1230 = arith.muli %scan3A_164, %mul3A_1229 : i32
          %add3A_1231 = arith.constant 128 : i32
          %add3A_1232 = arith.addi %add3A_1231, %mul3A_1230 : i32
          %add3A_1233 = arith.constant 11 : i32
          %add3A_1234 = arith.addi %add3A_1232, %add3A_1233 : i32
          %get3A_1235 = arith.index_cast %add3A_1234 : i32 to index
          %get3A_1236 = arith.constant 0 : index
          %get3A_1237 = tpu.vector_load %arg10[%get3A_1235, %get3A_1236] {strides = array<i32>} : memref<256x128xf32, #tpu.memory_space<vmem>>, vector<1x16xf32>,
          %get3A_1238 = vector.shape_cast %get3A_1237 : vector<1x16xf32> to vector<16xf32>
          %mul3A_1239 = vector.broadcast %squeeze3A_1228 : f32 to vector<16xf32>
          %mul3A_1240 = arith.mulf %get3A_1238, %mul3A_1239 : vector<16xf32>
          %swap3A_1241 = arith.index_cast %add3A_1234 : i32 to index
          %swap3A_1242 = arith.constant 0 : index
          %swap3A_1243 = tpu.vector_load %arg10[%swap3A_1241, %swap3A_1242] {strides = array<i32>} : memref<256x128xf32, #tpu.memory_space<vmem>>, vector<1x16xf32>,
          %swap3A_1244 = vector.shape_cast %swap3A_1243 : vector<1x16xf32> to vector<16xf32>
          %swap3A_1245 = vector.shape_cast %mul3A_1240 : vector<16xf32> to vector<1x16xf32>
          tpu.vector_store %arg10[%swap3A_1241, %swap3A_1242], %swap3A_1245 {strides = array<i32>} : memref<256x128xf32, #tpu.memory_space<vmem>>, vector<1x16xf32>,
          %get3A_1246 = arith.index_cast %add3A_1234 : i32 to index
          %get3A_1247 = arith.constant 16 : index
          %get3A_1248 = tpu.vector_load %arg10[%get3A_1246, %get3A_1247] {strides = array<i32>} : memref<256x128xf32, #tpu.memory_space<vmem>>, vector<1x16xf32>,
          %get3A_1249 = vector.shape_cast %get3A_1248 : vector<1x16xf32> to vector<16xf32>
          %mul3A_1250 = vector.broadcast %squeeze3A_1228 : f32 to vector<16xf32>
          %mul3A_1251 = arith.mulf %get3A_1249, %mul3A_1250 : vector<16xf32>
          %swap3A_1252 = arith.index_cast %add3A_1234 : i32 to index
          %swap3A_1253 = arith.constant 16 : index
          %swap3A_1254 = tpu.vector_load %arg10[%swap3A_1252, %swap3A_1253] {strides = array<i32>} : memref<256x128xf32, #tpu.memory_space<vmem>>, vector<1x16xf32>,
          %swap3A_1255 = vector.shape_cast %swap3A_1254 : vector<1x16xf32> to vector<16xf32>
          %swap3A_1256 = vector.shape_cast %mul3A_1251 : vector<16xf32> to vector<1x16xf32>
          tpu.vector_store %arg10[%swap3A_1252, %swap3A_1253], %swap3A_1256 {strides = array<i32>} : memref<256x128xf32, #tpu.memory_space<vmem>>, vector<1x16xf32>,
          %get3A_1257 = arith.index_cast %add3A_1234 : i32 to index
          %get3A_1258 = arith.constant 32 : index
          %get3A_1259 = tpu.vector_load %arg10[%get3A_1257, %get3A_1258] {strides = array<i32>} : memref<256x128xf32, #tpu.memory_space<vmem>>, vector<1x16xf32>,
          %get3A_1260 = vector.shape_cast %get3A_1259 : vector<1x16xf32> to vector<16xf32>
          %mul3A_1261 = vector.broadcast %squeeze3A_1228 : f32 to vector<16xf32>
          %mul3A_1262 = arith.mulf %get3A_1260, %mul3A_1261 : vector<16xf32>
          %swap3A_1263 = arith.index_cast %add3A_1234 : i32 to index
          %swap3A_1264 = arith.constant 32 : index
          %swap3A_1265 = tpu.vector_load %arg10[%swap3A_1263, %swap3A_1264] {strides = array<i32>} : memref<256x128xf32, #tpu.memory_space<vmem>>, vector<1x16xf32>,
          %swap3A_1266 = vector.shape_cast %swap3A_1265 : vector<1x16xf32> to vector<16xf32>
          %swap3A_1267 = vector.shape_cast %mul3A_1262 : vector<16xf32> to vector<1x16xf32>
          tpu.vector_store %arg10[%swap3A_1263, %swap3A_1264], %swap3A_1267 {strides = array<i32>} : memref<256x128xf32, #tpu.memory_space<vmem>>, vector<1x16xf32>,
          %get3A_1268 = arith.index_cast %add3A_1234 : i32 to index
          %get3A_1269 = arith.constant 48 : index
          %get3A_1270 = tpu.vector_load %arg10[%get3A_1268, %get3A_1269] {strides = array<i32>} : memref<256x128xf32, #tpu.memory_space<vmem>>, vector<1x16xf32>,
          %get3A_1271 = vector.shape_cast %get3A_1270 : vector<1x16xf32> to vector<16xf32>
          %mul3A_1272 = vector.broadcast %squeeze3A_1228 : f32 to vector<16xf32>
          %mul3A_1273 = arith.mulf %get3A_1271, %mul3A_1272 : vector<16xf32>
          %swap3A_1274 = arith.index_cast %add3A_1234 : i32 to index
          %swap3A_1275 = arith.constant 48 : index
          %swap3A_1276 = tpu.vector_load %arg10[%swap3A_1274, %swap3A_1275] {strides = array<i32>} : memref<256x128xf32, #tpu.memory_space<vmem>>, vector<1x16xf32>,
          %swap3A_1277 = vector.shape_cast %swap3A_1276 : vector<1x16xf32> to vector<16xf32>
          %swap3A_1278 = vector.shape_cast %mul3A_1273 : vector<16xf32> to vector<1x16xf32>
          tpu.vector_store %arg10[%swap3A_1274, %swap3A_1275], %swap3A_1278 {strides = array<i32>} : memref<256x128xf32, #tpu.memory_space<vmem>>, vector<1x16xf32>,
          %get3A_1279 = arith.index_cast %add3A_1234 : i32 to index
          %get3A_1280 = arith.constant 64 : index
          %get3A_1281 = tpu.vector_load %arg10[%get3A_1279, %get3A_1280] {strides = array<i32>} : memref<256x128xf32, #tpu.memory_space<vmem>>, vector<1x16xf32>,
          %get3A_1282 = vector.shape_cast %get3A_1281 : vector<1x16xf32> to vector<16xf32>
          %mul3A_1283 = vector.broadcast %squeeze3A_1228 : f32 to vector<16xf32>
          %mul3A_1284 = arith.mulf %get3A_1282, %mul3A_1283 : vector<16xf32>
          %swap3A_1285 = arith.index_cast %add3A_1234 : i32 to index
          %swap3A_1286 = arith.constant 64 : index
          %swap3A_1287 = tpu.vector_load %arg10[%swap3A_1285, %swap3A_1286] {strides = array<i32>} : memref<256x128xf32, #tpu.memory_space<vmem>>, vector<1x16xf32>,
          %swap3A_1288 = vector.shape_cast %swap3A_1287 : vector<1x16xf32> to vector<16xf32>
          %swap3A_1289 = vector.shape_cast %mul3A_1284 : vector<16xf32> to vector<1x16xf32>
          tpu.vector_store %arg10[%swap3A_1285, %swap3A_1286], %swap3A_1289 {strides = array<i32>} : memref<256x128xf32, #tpu.memory_space<vmem>>, vector<1x16xf32>,
          %get3A_1290 = arith.index_cast %add3A_1234 : i32 to index
          %get3A_1291 = arith.constant 80 : index
          %get3A_1292 = tpu.vector_load %arg10[%get3A_1290, %get3A_1291] {strides = array<i32>} : memref<256x128xf32, #tpu.memory_space<vmem>>, vector<1x16xf32>,
          %get3A_1293 = vector.shape_cast %get3A_1292 : vector<1x16xf32> to vector<16xf32>
          %mul3A_1294 = vector.broadcast %squeeze3A_1228 : f32 to vector<16xf32>
          %mul3A_1295 = arith.mulf %get3A_1293, %mul3A_1294 : vector<16xf32>
          %swap3A_1296 = arith.index_cast %add3A_1234 : i32 to index
          %swap3A_1297 = arith.constant 80 : index
          %swap3A_1298 = tpu.vector_load %arg10[%swap3A_1296, %swap3A_1297] {strides = array<i32>} : memref<256x128xf32, #tpu.memory_space<vmem>>, vector<1x16xf32>,
          %swap3A_1299 = vector.shape_cast %swap3A_1298 : vector<1x16xf32> to vector<16xf32>
          %swap3A_1300 = vector.shape_cast %mul3A_1295 : vector<16xf32> to vector<1x16xf32>
          tpu.vector_store %arg10[%swap3A_1296, %swap3A_1297], %swap3A_1300 {strides = array<i32>} : memref<256x128xf32, #tpu.memory_space<vmem>>, vector<1x16xf32>,
          %get3A_1301 = arith.index_cast %add3A_1234 : i32 to index
          %get3A_1302 = arith.constant 96 : index
          %get3A_1303 = tpu.vector_load %arg10[%get3A_1301, %get3A_1302] {strides = array<i32>} : memref<256x128xf32, #tpu.memory_space<vmem>>, vector<1x16xf32>,
          %get3A_1304 = vector.shape_cast %get3A_1303 : vector<1x16xf32> to vector<16xf32>
          %mul3A_1305 = vector.broadcast %squeeze3A_1228 : f32 to vector<16xf32>
          %mul3A_1306 = arith.mulf %get3A_1304, %mul3A_1305 : vector<16xf32>
          %swap3A_1307 = arith.index_cast %add3A_1234 : i32 to index
          %swap3A_1308 = arith.constant 96 : index
          %swap3A_1309 = tpu.vector_load %arg10[%swap3A_1307, %swap3A_1308] {strides = array<i32>} : memref<256x128xf32, #tpu.memory_space<vmem>>, vector<1x16xf32>,
          %swap3A_1310 = vector.shape_cast %swap3A_1309 : vector<1x16xf32> to vector<16xf32>
          %swap3A_1311 = vector.shape_cast %mul3A_1306 : vector<16xf32> to vector<1x16xf32>
          tpu.vector_store %arg10[%swap3A_1307, %swap3A_1308], %swap3A_1311 {strides = array<i32>} : memref<256x128xf32, #tpu.memory_space<vmem>>, vector<1x16xf32>,
          %get3A_1312 = arith.index_cast %add3A_1234 : i32 to index
          %get3A_1313 = arith.constant 112 : index
          %get3A_1314 = tpu.vector_load %arg10[%get3A_1312, %get3A_1313] {strides = array<i32>} : memref<256x128xf32, #tpu.memory_space<vmem>>, vector<1x16xf32>,
          %get3A_1315 = vector.shape_cast %get3A_1314 : vector<1x16xf32> to vector<16xf32>
          %mul3A_1316 = vector.broadcast %squeeze3A_1228 : f32 to vector<16xf32>
          %mul3A_1317 = arith.mulf %get3A_1315, %mul3A_1316 : vector<16xf32>
          %swap3A_1318 = arith.index_cast %add3A_1234 : i32 to index
          %swap3A_1319 = arith.constant 112 : index
          %swap3A_1320 = tpu.vector_load %arg10[%swap3A_1318, %swap3A_1319] {strides = array<i32>} : memref<256x128xf32, #tpu.memory_space<vmem>>, vector<1x16xf32>,
          %swap3A_1321 = vector.shape_cast %swap3A_1320 : vector<1x16xf32> to vector<16xf32>
          %swap3A_1322 = vector.shape_cast %mul3A_1317 : vector<16xf32> to vector<1x16xf32>
          tpu.vector_store %arg10[%swap3A_1318, %swap3A_1319], %swap3A_1322 {strides = array<i32>} : memref<256x128xf32, #tpu.memory_space<vmem>>, vector<1x16xf32>,
          %slice3A_1323 = vector.extract_strided_slice %get3A_173 {offsets = [12], sizes = [1], strides = [1]} : vector<16xf32> to vector<1xf32>
          %squeeze3A_1324 = vector.extract %slice3A_1323[0] : f32 from vector<1xf32>
          %mul3A_1325 = arith.constant 16 : i32
          %mul3A_1326 = arith.muli %scan3A_164, %mul3A_1325 : i32
          %add3A_1327 = arith.constant 128 : i32
          %add3A_1328 = arith.addi %add3A_1327, %mul3A_1326 : i32
          %add3A_1329 = arith.constant 12 : i32
          %add3A_1330 = arith.addi %add3A_1328, %add3A_1329 : i32
          %get3A_1331 = arith.index_cast %add3A_1330 : i32 to index
          %get3A_1332 = arith.constant 0 : index
          %get3A_1333 = tpu.vector_load %arg10[%get3A_1331, %get3A_1332] {strides = array<i32>} : memref<256x128xf32, #tpu.memory_space<vmem>>, vector<1x16xf32>,
          %get3A_1334 = vector.shape_cast %get3A_1333 : vector<1x16xf32> to vector<16xf32>
          %mul3A_1335 = vector.broadcast %squeeze3A_1324 : f32 to vector<16xf32>
          %mul3A_1336 = arith.mulf %get3A_1334, %mul3A_1335 : vector<16xf32>
          %swap3A_1337 = arith.index_cast %add3A_1330 : i32 to index
          %swap3A_1338 = arith.constant 0 : index
          %swap3A_1339 = tpu.vector_load %arg10[%swap3A_1337, %swap3A_1338] {strides = array<i32>} : memref<256x128xf32, #tpu.memory_space<vmem>>, vector<1x16xf32>,
          %swap3A_1340 = vector.shape_cast %swap3A_1339 : vector<1x16xf32> to vector<16xf32>
          %swap3A_1341 = vector.shape_cast %mul3A_1336 : vector<16xf32> to vector<1x16xf32>
          tpu.vector_store %arg10[%swap3A_1337, %swap3A_1338], %swap3A_1341 {strides = array<i32>} : memref<256x128xf32, #tpu.memory_space<vmem>>, vector<1x16xf32>,
          %get3A_1342 = arith.index_cast %add3A_1330 : i32 to index
          %get3A_1343 = arith.constant 16 : index
          %get3A_1344 = tpu.vector_load %arg10[%get3A_1342, %get3A_1343] {strides = array<i32>} : memref<256x128xf32, #tpu.memory_space<vmem>>, vector<1x16xf32>,
          %get3A_1345 = vector.shape_cast %get3A_1344 : vector<1x16xf32> to vector<16xf32>
          %mul3A_1346 = vector.broadcast %squeeze3A_1324 : f32 to vector<16xf32>
          %mul3A_1347 = arith.mulf %get3A_1345, %mul3A_1346 : vector<16xf32>
          %swap3A_1348 = arith.index_cast %add3A_1330 : i32 to index
          %swap3A_1349 = arith.constant 16 : index
          %swap3A_1350 = tpu.vector_load %arg10[%swap3A_1348, %swap3A_1349] {strides = array<i32>} : memref<256x128xf32, #tpu.memory_space<vmem>>, vector<1x16xf32>,
          %swap3A_1351 = vector.shape_cast %swap3A_1350 : vector<1x16xf32> to vector<16xf32>
          %swap3A_1352 = vector.shape_cast %mul3A_1347 : vector<16xf32> to vector<1x16xf32>
          tpu.vector_store %arg10[%swap3A_1348, %swap3A_1349], %swap3A_1352 {strides = array<i32>} : memref<256x128xf32, #tpu.memory_space<vmem>>, vector<1x16xf32>,
          %get3A_1353 = arith.index_cast %add3A_1330 : i32 to index
          %get3A_1354 = arith.constant 32 : index
          %get3A_1355 = tpu.vector_load %arg10[%get3A_1353, %get3A_1354] {strides = array<i32>} : memref<256x128xf32, #tpu.memory_space<vmem>>, vector<1x16xf32>,
          %get3A_1356 = vector.shape_cast %get3A_1355 : vector<1x16xf32> to vector<16xf32>
          %mul3A_1357 = vector.broadcast %squeeze3A_1324 : f32 to vector<16xf32>
          %mul3A_1358 = arith.mulf %get3A_1356, %mul3A_1357 : vector<16xf32>
          %swap3A_1359 = arith.index_cast %add3A_1330 : i32 to index
          %swap3A_1360 = arith.constant 32 : index
          %swap3A_1361 = tpu.vector_load %arg10[%swap3A_1359, %swap3A_1360] {strides = array<i32>} : memref<256x128xf32, #tpu.memory_space<vmem>>, vector<1x16xf32>,
          %swap3A_1362 = vector.shape_cast %swap3A_1361 : vector<1x16xf32> to vector<16xf32>
          %swap3A_1363 = vector.shape_cast %mul3A_1358 : vector<16xf32> to vector<1x16xf32>
          tpu.vector_store %arg10[%swap3A_1359, %swap3A_1360], %swap3A_1363 {strides = array<i32>} : memref<256x128xf32, #tpu.memory_space<vmem>>, vector<1x16xf32>,
          %get3A_1364 = arith.index_cast %add3A_1330 : i32 to index
          %get3A_1365 = arith.constant 48 : index
          %get3A_1366 = tpu.vector_load %arg10[%get3A_1364, %get3A_1365] {strides = array<i32>} : memref<256x128xf32, #tpu.memory_space<vmem>>, vector<1x16xf32>,
          %get3A_1367 = vector.shape_cast %get3A_1366 : vector<1x16xf32> to vector<16xf32>
          %mul3A_1368 = vector.broadcast %squeeze3A_1324 : f32 to vector<16xf32>
          %mul3A_1369 = arith.mulf %get3A_1367, %mul3A_1368 : vector<16xf32>
          %swap3A_1370 = arith.index_cast %add3A_1330 : i32 to index
          %swap3A_1371 = arith.constant 48 : index
          %swap3A_1372 = tpu.vector_load %arg10[%swap3A_1370, %swap3A_1371] {strides = array<i32>} : memref<256x128xf32, #tpu.memory_space<vmem>>, vector<1x16xf32>,
          %swap3A_1373 = vector.shape_cast %swap3A_1372 : vector<1x16xf32> to vector<16xf32>
          %swap3A_1374 = vector.shape_cast %mul3A_1369 : vector<16xf32> to vector<1x16xf32>
          tpu.vector_store %arg10[%swap3A_1370, %swap3A_1371], %swap3A_1374 {strides = array<i32>} : memref<256x128xf32, #tpu.memory_space<vmem>>, vector<1x16xf32>,
          %get3A_1375 = arith.index_cast %add3A_1330 : i32 to index
          %get3A_1376 = arith.constant 64 : index
          %get3A_1377 = tpu.vector_load %arg10[%get3A_1375, %get3A_1376] {strides = array<i32>} : memref<256x128xf32, #tpu.memory_space<vmem>>, vector<1x16xf32>,
          %get3A_1378 = vector.shape_cast %get3A_1377 : vector<1x16xf32> to vector<16xf32>
          %mul3A_1379 = vector.broadcast %squeeze3A_1324 : f32 to vector<16xf32>
          %mul3A_1380 = arith.mulf %get3A_1378, %mul3A_1379 : vector<16xf32>
          %swap3A_1381 = arith.index_cast %add3A_1330 : i32 to index
          %swap3A_1382 = arith.constant 64 : index
          %swap3A_1383 = tpu.vector_load %arg10[%swap3A_1381, %swap3A_1382] {strides = array<i32>} : memref<256x128xf32, #tpu.memory_space<vmem>>, vector<1x16xf32>,
          %swap3A_1384 = vector.shape_cast %swap3A_1383 : vector<1x16xf32> to vector<16xf32>
          %swap3A_1385 = vector.shape_cast %mul3A_1380 : vector<16xf32> to vector<1x16xf32>
          tpu.vector_store %arg10[%swap3A_1381, %swap3A_1382], %swap3A_1385 {strides = array<i32>} : memref<256x128xf32, #tpu.memory_space<vmem>>, vector<1x16xf32>,
          %get3A_1386 = arith.index_cast %add3A_1330 : i32 to index
          %get3A_1387 = arith.constant 80 : index
          %get3A_1388 = tpu.vector_load %arg10[%get3A_1386, %get3A_1387] {strides = array<i32>} : memref<256x128xf32, #tpu.memory_space<vmem>>, vector<1x16xf32>,
          %get3A_1389 = vector.shape_cast %get3A_1388 : vector<1x16xf32> to vector<16xf32>
          %mul3A_1390 = vector.broadcast %squeeze3A_1324 : f32 to vector<16xf32>
          %mul3A_1391 = arith.mulf %get3A_1389, %mul3A_1390 : vector<16xf32>
          %swap3A_1392 = arith.index_cast %add3A_1330 : i32 to index
          %swap3A_1393 = arith.constant 80 : index
          %swap3A_1394 = tpu.vector_load %arg10[%swap3A_1392, %swap3A_1393] {strides = array<i32>} : memref<256x128xf32, #tpu.memory_space<vmem>>, vector<1x16xf32>,
          %swap3A_1395 = vector.shape_cast %swap3A_1394 : vector<1x16xf32> to vector<16xf32>
          %swap3A_1396 = vector.shape_cast %mul3A_1391 : vector<16xf32> to vector<1x16xf32>
          tpu.vector_store %arg10[%swap3A_1392, %swap3A_1393], %swap3A_1396 {strides = array<i32>} : memref<256x128xf32, #tpu.memory_space<vmem>>, vector<1x16xf32>,
          %get3A_1397 = arith.index_cast %add3A_1330 : i32 to index
          %get3A_1398 = arith.constant 96 : index
          %get3A_1399 = tpu.vector_load %arg10[%get3A_1397, %get3A_1398] {strides = array<i32>} : memref<256x128xf32, #tpu.memory_space<vmem>>, vector<1x16xf32>,
          %get3A_1400 = vector.shape_cast %get3A_1399 : vector<1x16xf32> to vector<16xf32>
          %mul3A_1401 = vector.broadcast %squeeze3A_1324 : f32 to vector<16xf32>
          %mul3A_1402 = arith.mulf %get3A_1400, %mul3A_1401 : vector<16xf32>
          %swap3A_1403 = arith.index_cast %add3A_1330 : i32 to index
          %swap3A_1404 = arith.constant 96 : index
          %swap3A_1405 = tpu.vector_load %arg10[%swap3A_1403, %swap3A_1404] {strides = array<i32>} : memref<256x128xf32, #tpu.memory_space<vmem>>, vector<1x16xf32>,
          %swap3A_1406 = vector.shape_cast %swap3A_1405 : vector<1x16xf32> to vector<16xf32>
          %swap3A_1407 = vector.shape_cast %mul3A_1402 : vector<16xf32> to vector<1x16xf32>
          tpu.vector_store %arg10[%swap3A_1403, %swap3A_1404], %swap3A_1407 {strides = array<i32>} : memref<256x128xf32, #tpu.memory_space<vmem>>, vector<1x16xf32>,
          %get3A_1408 = arith.index_cast %add3A_1330 : i32 to index
          %get3A_1409 = arith.constant 112 : index
          %get3A_1410 = tpu.vector_load %arg10[%get3A_1408, %get3A_1409] {strides = array<i32>} : memref<256x128xf32, #tpu.memory_space<vmem>>, vector<1x16xf32>,
          %get3A_1411 = vector.shape_cast %get3A_1410 : vector<1x16xf32> to vector<16xf32>
          %mul3A_1412 = vector.broadcast %squeeze3A_1324 : f32 to vector<16xf32>
          %mul3A_1413 = arith.mulf %get3A_1411, %mul3A_1412 : vector<16xf32>
          %swap3A_1414 = arith.index_cast %add3A_1330 : i32 to index
          %swap3A_1415 = arith.constant 112 : index
          %swap3A_1416 = tpu.vector_load %arg10[%swap3A_1414, %swap3A_1415] {strides = array<i32>} : memref<256x128xf32, #tpu.memory_space<vmem>>, vector<1x16xf32>,
          %swap3A_1417 = vector.shape_cast %swap3A_1416 : vector<1x16xf32> to vector<16xf32>
          %swap3A_1418 = vector.shape_cast %mul3A_1413 : vector<16xf32> to vector<1x16xf32>
          tpu.vector_store %arg10[%swap3A_1414, %swap3A_1415], %swap3A_1418 {strides = array<i32>} : memref<256x128xf32, #tpu.memory_space<vmem>>, vector<1x16xf32>,
          %slice3A_1419 = vector.extract_strided_slice %get3A_173 {offsets = [13], sizes = [1], strides = [1]} : vector<16xf32> to vector<1xf32>
          %squeeze3A_1420 = vector.extract %slice3A_1419[0] : f32 from vector<1xf32>
          %mul3A_1421 = arith.constant 16 : i32
          %mul3A_1422 = arith.muli %scan3A_164, %mul3A_1421 : i32
          %add3A_1423 = arith.constant 128 : i32
          %add3A_1424 = arith.addi %add3A_1423, %mul3A_1422 : i32
          %add3A_1425 = arith.constant 13 : i32
          %add3A_1426 = arith.addi %add3A_1424, %add3A_1425 : i32
          %get3A_1427 = arith.index_cast %add3A_1426 : i32 to index
          %get3A_1428 = arith.constant 0 : index
          %get3A_1429 = tpu.vector_load %arg10[%get3A_1427, %get3A_1428] {strides = array<i32>} : memref<256x128xf32, #tpu.memory_space<vmem>>, vector<1x16xf32>,
          %get3A_1430 = vector.shape_cast %get3A_1429 : vector<1x16xf32> to vector<16xf32>
          %mul3A_1431 = vector.broadcast %squeeze3A_1420 : f32 to vector<16xf32>
          %mul3A_1432 = arith.mulf %get3A_1430, %mul3A_1431 : vector<16xf32>
          %swap3A_1433 = arith.index_cast %add3A_1426 : i32 to index
          %swap3A_1434 = arith.constant 0 : index
          %swap3A_1435 = tpu.vector_load %arg10[%swap3A_1433, %swap3A_1434] {strides = array<i32>} : memref<256x128xf32, #tpu.memory_space<vmem>>, vector<1x16xf32>,
          %swap3A_1436 = vector.shape_cast %swap3A_1435 : vector<1x16xf32> to vector<16xf32>
          %swap3A_1437 = vector.shape_cast %mul3A_1432 : vector<16xf32> to vector<1x16xf32>
          tpu.vector_store %arg10[%swap3A_1433, %swap3A_1434], %swap3A_1437 {strides = array<i32>} : memref<256x128xf32, #tpu.memory_space<vmem>>, vector<1x16xf32>,
          %get3A_1438 = arith.index_cast %add3A_1426 : i32 to index
          %get3A_1439 = arith.constant 16 : index
          %get3A_1440 = tpu.vector_load %arg10[%get3A_1438, %get3A_1439] {strides = array<i32>} : memref<256x128xf32, #tpu.memory_space<vmem>>, vector<1x16xf32>,
          %get3A_1441 = vector.shape_cast %get3A_1440 : vector<1x16xf32> to vector<16xf32>
          %mul3A_1442 = vector.broadcast %squeeze3A_1420 : f32 to vector<16xf32>
          %mul3A_1443 = arith.mulf %get3A_1441, %mul3A_1442 : vector<16xf32>
          %swap3A_1444 = arith.index_cast %add3A_1426 : i32 to index
          %swap3A_1445 = arith.constant 16 : index
          %swap3A_1446 = tpu.vector_load %arg10[%swap3A_1444, %swap3A_1445] {strides = array<i32>} : memref<256x128xf32, #tpu.memory_space<vmem>>, vector<1x16xf32>,
          %swap3A_1447 = vector.shape_cast %swap3A_1446 : vector<1x16xf32> to vector<16xf32>
          %swap3A_1448 = vector.shape_cast %mul3A_1443 : vector<16xf32> to vector<1x16xf32>
          tpu.vector_store %arg10[%swap3A_1444, %swap3A_1445], %swap3A_1448 {strides = array<i32>} : memref<256x128xf32, #tpu.memory_space<vmem>>, vector<1x16xf32>,
          %get3A_1449 = arith.index_cast %add3A_1426 : i32 to index
          %get3A_1450 = arith.constant 32 : index
          %get3A_1451 = tpu.vector_load %arg10[%get3A_1449, %get3A_1450] {strides = array<i32>} : memref<256x128xf32, #tpu.memory_space<vmem>>, vector<1x16xf32>,
          %get3A_1452 = vector.shape_cast %get3A_1451 : vector<1x16xf32> to vector<16xf32>
          %mul3A_1453 = vector.broadcast %squeeze3A_1420 : f32 to vector<16xf32>
          %mul3A_1454 = arith.mulf %get3A_1452, %mul3A_1453 : vector<16xf32>
          %swap3A_1455 = arith.index_cast %add3A_1426 : i32 to index
          %swap3A_1456 = arith.constant 32 : index
          %swap3A_1457 = tpu.vector_load %arg10[%swap3A_1455, %swap3A_1456] {strides = array<i32>} : memref<256x128xf32, #tpu.memory_space<vmem>>, vector<1x16xf32>,
          %swap3A_1458 = vector.shape_cast %swap3A_1457 : vector<1x16xf32> to vector<16xf32>
          %swap3A_1459 = vector.shape_cast %mul3A_1454 : vector<16xf32> to vector<1x16xf32>
          tpu.vector_store %arg10[%swap3A_1455, %swap3A_1456], %swap3A_1459 {strides = array<i32>} : memref<256x128xf32, #tpu.memory_space<vmem>>, vector<1x16xf32>,
          %get3A_1460 = arith.index_cast %add3A_1426 : i32 to index
          %get3A_1461 = arith.constant 48 : index
          %get3A_1462 = tpu.vector_load %arg10[%get3A_1460, %get3A_1461] {strides = array<i32>} : memref<256x128xf32, #tpu.memory_space<vmem>>, vector<1x16xf32>,
          %get3A_1463 = vector.shape_cast %get3A_1462 : vector<1x16xf32> to vector<16xf32>
          %mul3A_1464 = vector.broadcast %squeeze3A_1420 : f32 to vector<16xf32>
          %mul3A_1465 = arith.mulf %get3A_1463, %mul3A_1464 : vector<16xf32>
          %swap3A_1466 = arith.index_cast %add3A_1426 : i32 to index
          %swap3A_1467 = arith.constant 48 : index
          %swap3A_1468 = tpu.vector_load %arg10[%swap3A_1466, %swap3A_1467] {strides = array<i32>} : memref<256x128xf32, #tpu.memory_space<vmem>>, vector<1x16xf32>,
          %swap3A_1469 = vector.shape_cast %swap3A_1468 : vector<1x16xf32> to vector<16xf32>
          %swap3A_1470 = vector.shape_cast %mul3A_1465 : vector<16xf32> to vector<1x16xf32>
          tpu.vector_store %arg10[%swap3A_1466, %swap3A_1467], %swap3A_1470 {strides = array<i32>} : memref<256x128xf32, #tpu.memory_space<vmem>>, vector<1x16xf32>,
          %get3A_1471 = arith.index_cast %add3A_1426 : i32 to index
          %get3A_1472 = arith.constant 64 : index
          %get3A_1473 = tpu.vector_load %arg10[%get3A_1471, %get3A_1472] {strides = array<i32>} : memref<256x128xf32, #tpu.memory_space<vmem>>, vector<1x16xf32>,
          %get3A_1474 = vector.shape_cast %get3A_1473 : vector<1x16xf32> to vector<16xf32>
          %mul3A_1475 = vector.broadcast %squeeze3A_1420 : f32 to vector<16xf32>
          %mul3A_1476 = arith.mulf %get3A_1474, %mul3A_1475 : vector<16xf32>
          %swap3A_1477 = arith.index_cast %add3A_1426 : i32 to index
          %swap3A_1478 = arith.constant 64 : index
          %swap3A_1479 = tpu.vector_load %arg10[%swap3A_1477, %swap3A_1478] {strides = array<i32>} : memref<256x128xf32, #tpu.memory_space<vmem>>, vector<1x16xf32>,
          %swap3A_1480 = vector.shape_cast %swap3A_1479 : vector<1x16xf32> to vector<16xf32>
          %swap3A_1481 = vector.shape_cast %mul3A_1476 : vector<16xf32> to vector<1x16xf32>
          tpu.vector_store %arg10[%swap3A_1477, %swap3A_1478], %swap3A_1481 {strides = array<i32>} : memref<256x128xf32, #tpu.memory_space<vmem>>, vector<1x16xf32>,
          %get3A_1482 = arith.index_cast %add3A_1426 : i32 to index
          %get3A_1483 = arith.constant 80 : index
          %get3A_1484 = tpu.vector_load %arg10[%get3A_1482, %get3A_1483] {strides = array<i32>} : memref<256x128xf32, #tpu.memory_space<vmem>>, vector<1x16xf32>,
          %get3A_1485 = vector.shape_cast %get3A_1484 : vector<1x16xf32> to vector<16xf32>
          %mul3A_1486 = vector.broadcast %squeeze3A_1420 : f32 to vector<16xf32>
          %mul3A_1487 = arith.mulf %get3A_1485, %mul3A_1486 : vector<16xf32>
          %swap3A_1488 = arith.index_cast %add3A_1426 : i32 to index
          %swap3A_1489 = arith.constant 80 : index
          %swap3A_1490 = tpu.vector_load %arg10[%swap3A_1488, %swap3A_1489] {strides = array<i32>} : memref<256x128xf32, #tpu.memory_space<vmem>>, vector<1x16xf32>,
          %swap3A_1491 = vector.shape_cast %swap3A_1490 : vector<1x16xf32> to vector<16xf32>
          %swap3A_1492 = vector.shape_cast %mul3A_1487 : vector<16xf32> to vector<1x16xf32>
          tpu.vector_store %arg10[%swap3A_1488, %swap3A_1489], %swap3A_1492 {strides = array<i32>} : memref<256x128xf32, #tpu.memory_space<vmem>>, vector<1x16xf32>,
          %get3A_1493 = arith.index_cast %add3A_1426 : i32 to index
          %get3A_1494 = arith.constant 96 : index
          %get3A_1495 = tpu.vector_load %arg10[%get3A_1493, %get3A_1494] {strides = array<i32>} : memref<256x128xf32, #tpu.memory_space<vmem>>, vector<1x16xf32>,
          %get3A_1496 = vector.shape_cast %get3A_1495 : vector<1x16xf32> to vector<16xf32>
          %mul3A_1497 = vector.broadcast %squeeze3A_1420 : f32 to vector<16xf32>
          %mul3A_1498 = arith.mulf %get3A_1496, %mul3A_1497 : vector<16xf32>
          %swap3A_1499 = arith.index_cast %add3A_1426 : i32 to index
          %swap3A_1500 = arith.constant 96 : index
          %swap3A_1501 = tpu.vector_load %arg10[%swap3A_1499, %swap3A_1500] {strides = array<i32>} : memref<256x128xf32, #tpu.memory_space<vmem>>, vector<1x16xf32>,
          %swap3A_1502 = vector.shape_cast %swap3A_1501 : vector<1x16xf32> to vector<16xf32>
          %swap3A_1503 = vector.shape_cast %mul3A_1498 : vector<16xf32> to vector<1x16xf32>
          tpu.vector_store %arg10[%swap3A_1499, %swap3A_1500], %swap3A_1503 {strides = array<i32>} : memref<256x128xf32, #tpu.memory_space<vmem>>, vector<1x16xf32>,
          %get3A_1504 = arith.index_cast %add3A_1426 : i32 to index
          %get3A_1505 = arith.constant 112 : index
          %get3A_1506 = tpu.vector_load %arg10[%get3A_1504, %get3A_1505] {strides = array<i32>} : memref<256x128xf32, #tpu.memory_space<vmem>>, vector<1x16xf32>,
          %get3A_1507 = vector.shape_cast %get3A_1506 : vector<1x16xf32> to vector<16xf32>
          %mul3A_1508 = vector.broadcast %squeeze3A_1420 : f32 to vector<16xf32>
          %mul3A_1509 = arith.mulf %get3A_1507, %mul3A_1508 : vector<16xf32>
          %swap3A_1510 = arith.index_cast %add3A_1426 : i32 to index
          %swap3A_1511 = arith.constant 112 : index
          %swap3A_1512 = tpu.vector_load %arg10[%swap3A_1510, %swap3A_1511] {strides = array<i32>} : memref<256x128xf32, #tpu.memory_space<vmem>>, vector<1x16xf32>,
          %swap3A_1513 = vector.shape_cast %swap3A_1512 : vector<1x16xf32> to vector<16xf32>
          %swap3A_1514 = vector.shape_cast %mul3A_1509 : vector<16xf32> to vector<1x16xf32>
          tpu.vector_store %arg10[%swap3A_1510, %swap3A_1511], %swap3A_1514 {strides = array<i32>} : memref<256x128xf32, #tpu.memory_space<vmem>>, vector<1x16xf32>,
          %slice3A_1515 = vector.extract_strided_slice %get3A_173 {offsets = [14], sizes = [1], strides = [1]} : vector<16xf32> to vector<1xf32>
          %squeeze3A_1516 = vector.extract %slice3A_1515[0] : f32 from vector<1xf32>
          %mul3A_1517 = arith.constant 16 : i32
          %mul3A_1518 = arith.muli %scan3A_164, %mul3A_1517 : i32
          %add3A_1519 = arith.constant 128 : i32
          %add3A_1520 = arith.addi %add3A_1519, %mul3A_1518 : i32
          %add3A_1521 = arith.constant 14 : i32
          %add3A_1522 = arith.addi %add3A_1520, %add3A_1521 : i32
          %get3A_1523 = arith.index_cast %add3A_1522 : i32 to index
          %get3A_1524 = arith.constant 0 : index
          %get3A_1525 = tpu.vector_load %arg10[%get3A_1523, %get3A_1524] {strides = array<i32>} : memref<256x128xf32, #tpu.memory_space<vmem>>, vector<1x16xf32>,
          %get3A_1526 = vector.shape_cast %get3A_1525 : vector<1x16xf32> to vector<16xf32>
          %mul3A_1527 = vector.broadcast %squeeze3A_1516 : f32 to vector<16xf32>
          %mul3A_1528 = arith.mulf %get3A_1526, %mul3A_1527 : vector<16xf32>
          %swap3A_1529 = arith.index_cast %add3A_1522 : i32 to index
          %swap3A_1530 = arith.constant 0 : index
          %swap3A_1531 = tpu.vector_load %arg10[%swap3A_1529, %swap3A_1530] {strides = array<i32>} : memref<256x128xf32, #tpu.memory_space<vmem>>, vector<1x16xf32>,
          %swap3A_1532 = vector.shape_cast %swap3A_1531 : vector<1x16xf32> to vector<16xf32>
          %swap3A_1533 = vector.shape_cast %mul3A_1528 : vector<16xf32> to vector<1x16xf32>
          tpu.vector_store %arg10[%swap3A_1529, %swap3A_1530], %swap3A_1533 {strides = array<i32>} : memref<256x128xf32, #tpu.memory_space<vmem>>, vector<1x16xf32>,
          %get3A_1534 = arith.index_cast %add3A_1522 : i32 to index
          %get3A_1535 = arith.constant 16 : index
          %get3A_1536 = tpu.vector_load %arg10[%get3A_1534, %get3A_1535] {strides = array<i32>} : memref<256x128xf32, #tpu.memory_space<vmem>>, vector<1x16xf32>,
          %get3A_1537 = vector.shape_cast %get3A_1536 : vector<1x16xf32> to vector<16xf32>
          %mul3A_1538 = vector.broadcast %squeeze3A_1516 : f32 to vector<16xf32>
          %mul3A_1539 = arith.mulf %get3A_1537, %mul3A_1538 : vector<16xf32>
          %swap3A_1540 = arith.index_cast %add3A_1522 : i32 to index
          %swap3A_1541 = arith.constant 16 : index
          %swap3A_1542 = tpu.vector_load %arg10[%swap3A_1540, %swap3A_1541] {strides = array<i32>} : memref<256x128xf32, #tpu.memory_space<vmem>>, vector<1x16xf32>,
          %swap3A_1543 = vector.shape_cast %swap3A_1542 : vector<1x16xf32> to vector<16xf32>
          %swap3A_1544 = vector.shape_cast %mul3A_1539 : vector<16xf32> to vector<1x16xf32>
          tpu.vector_store %arg10[%swap3A_1540, %swap3A_1541], %swap3A_1544 {strides = array<i32>} : memref<256x128xf32, #tpu.memory_space<vmem>>, vector<1x16xf32>,
          %get3A_1545 = arith.index_cast %add3A_1522 : i32 to index
          %get3A_1546 = arith.constant 32 : index
          %get3A_1547 = tpu.vector_load %arg10[%get3A_1545, %get3A_1546] {strides = array<i32>} : memref<256x128xf32, #tpu.memory_space<vmem>>, vector<1x16xf32>,
          %get3A_1548 = vector.shape_cast %get3A_1547 : vector<1x16xf32> to vector<16xf32>
          %mul3A_1549 = vector.broadcast %squeeze3A_1516 : f32 to vector<16xf32>
          %mul3A_1550 = arith.mulf %get3A_1548, %mul3A_1549 : vector<16xf32>
          %swap3A_1551 = arith.index_cast %add3A_1522 : i32 to index
          %swap3A_1552 = arith.constant 32 : index
          %swap3A_1553 = tpu.vector_load %arg10[%swap3A_1551, %swap3A_1552] {strides = array<i32>} : memref<256x128xf32, #tpu.memory_space<vmem>>, vector<1x16xf32>,
          %swap3A_1554 = vector.shape_cast %swap3A_1553 : vector<1x16xf32> to vector<16xf32>
          %swap3A_1555 = vector.shape_cast %mul3A_1550 : vector<16xf32> to vector<1x16xf32>
          tpu.vector_store %arg10[%swap3A_1551, %swap3A_1552], %swap3A_1555 {strides = array<i32>} : memref<256x128xf32, #tpu.memory_space<vmem>>, vector<1x16xf32>,
          %get3A_1556 = arith.index_cast %add3A_1522 : i32 to index
          %get3A_1557 = arith.constant 48 : index
          %get3A_1558 = tpu.vector_load %arg10[%get3A_1556, %get3A_1557] {strides = array<i32>} : memref<256x128xf32, #tpu.memory_space<vmem>>, vector<1x16xf32>,
          %get3A_1559 = vector.shape_cast %get3A_1558 : vector<1x16xf32> to vector<16xf32>
          %mul3A_1560 = vector.broadcast %squeeze3A_1516 : f32 to vector<16xf32>
          %mul3A_1561 = arith.mulf %get3A_1559, %mul3A_1560 : vector<16xf32>
          %swap3A_1562 = arith.index_cast %add3A_1522 : i32 to index
          %swap3A_1563 = arith.constant 48 : index
          %swap3A_1564 = tpu.vector_load %arg10[%swap3A_1562, %swap3A_1563] {strides = array<i32>} : memref<256x128xf32, #tpu.memory_space<vmem>>, vector<1x16xf32>,
          %swap3A_1565 = vector.shape_cast %swap3A_1564 : vector<1x16xf32> to vector<16xf32>
          %swap3A_1566 = vector.shape_cast %mul3A_1561 : vector<16xf32> to vector<1x16xf32>
          tpu.vector_store %arg10[%swap3A_1562, %swap3A_1563], %swap3A_1566 {strides = array<i32>} : memref<256x128xf32, #tpu.memory_space<vmem>>, vector<1x16xf32>,
          %get3A_1567 = arith.index_cast %add3A_1522 : i32 to index
          %get3A_1568 = arith.constant 64 : index
          %get3A_1569 = tpu.vector_load %arg10[%get3A_1567, %get3A_1568] {strides = array<i32>} : memref<256x128xf32, #tpu.memory_space<vmem>>, vector<1x16xf32>,
          %get3A_1570 = vector.shape_cast %get3A_1569 : vector<1x16xf32> to vector<16xf32>
          %mul3A_1571 = vector.broadcast %squeeze3A_1516 : f32 to vector<16xf32>
          %mul3A_1572 = arith.mulf %get3A_1570, %mul3A_1571 : vector<16xf32>
          %swap3A_1573 = arith.index_cast %add3A_1522 : i32 to index
          %swap3A_1574 = arith.constant 64 : index
          %swap3A_1575 = tpu.vector_load %arg10[%swap3A_1573, %swap3A_1574] {strides = array<i32>} : memref<256x128xf32, #tpu.memory_space<vmem>>, vector<1x16xf32>,
          %swap3A_1576 = vector.shape_cast %swap3A_1575 : vector<1x16xf32> to vector<16xf32>
          %swap3A_1577 = vector.shape_cast %mul3A_1572 : vector<16xf32> to vector<1x16xf32>
          tpu.vector_store %arg10[%swap3A_1573, %swap3A_1574], %swap3A_1577 {strides = array<i32>} : memref<256x128xf32, #tpu.memory_space<vmem>>, vector<1x16xf32>,
          %get3A_1578 = arith.index_cast %add3A_1522 : i32 to index
          %get3A_1579 = arith.constant 80 : index
          %get3A_1580 = tpu.vector_load %arg10[%get3A_1578, %get3A_1579] {strides = array<i32>} : memref<256x128xf32, #tpu.memory_space<vmem>>, vector<1x16xf32>,
          %get3A_1581 = vector.shape_cast %get3A_1580 : vector<1x16xf32> to vector<16xf32>
          %mul3A_1582 = vector.broadcast %squeeze3A_1516 : f32 to vector<16xf32>
          %mul3A_1583 = arith.mulf %get3A_1581, %mul3A_1582 : vector<16xf32>
          %swap3A_1584 = arith.index_cast %add3A_1522 : i32 to index
          %swap3A_1585 = arith.constant 80 : index
          %swap3A_1586 = tpu.vector_load %arg10[%swap3A_1584, %swap3A_1585] {strides = array<i32>} : memref<256x128xf32, #tpu.memory_space<vmem>>, vector<1x16xf32>,
          %swap3A_1587 = vector.shape_cast %swap3A_1586 : vector<1x16xf32> to vector<16xf32>
          %swap3A_1588 = vector.shape_cast %mul3A_1583 : vector<16xf32> to vector<1x16xf32>
          tpu.vector_store %arg10[%swap3A_1584, %swap3A_1585], %swap3A_1588 {strides = array<i32>} : memref<256x128xf32, #tpu.memory_space<vmem>>, vector<1x16xf32>,
          %get3A_1589 = arith.index_cast %add3A_1522 : i32 to index
          %get3A_1590 = arith.constant 96 : index
          %get3A_1591 = tpu.vector_load %arg10[%get3A_1589, %get3A_1590] {strides = array<i32>} : memref<256x128xf32, #tpu.memory_space<vmem>>, vector<1x16xf32>,
          %get3A_1592 = vector.shape_cast %get3A_1591 : vector<1x16xf32> to vector<16xf32>
          %mul3A_1593 = vector.broadcast %squeeze3A_1516 : f32 to vector<16xf32>
          %mul3A_1594 = arith.mulf %get3A_1592, %mul3A_1593 : vector<16xf32>
          %swap3A_1595 = arith.index_cast %add3A_1522 : i32 to index
          %swap3A_1596 = arith.constant 96 : index
          %swap3A_1597 = tpu.vector_load %arg10[%swap3A_1595, %swap3A_1596] {strides = array<i32>} : memref<256x128xf32, #tpu.memory_space<vmem>>, vector<1x16xf32>,
          %swap3A_1598 = vector.shape_cast %swap3A_1597 : vector<1x16xf32> to vector<16xf32>
          %swap3A_1599 = vector.shape_cast %mul3A_1594 : vector<16xf32> to vector<1x16xf32>
          tpu.vector_store %arg10[%swap3A_1595, %swap3A_1596], %swap3A_1599 {strides = array<i32>} : memref<256x128xf32, #tpu.memory_space<vmem>>, vector<1x16xf32>,
          %get3A_1600 = arith.index_cast %add3A_1522 : i32 to index
          %get3A_1601 = arith.constant 112 : index
          %get3A_1602 = tpu.vector_load %arg10[%get3A_1600, %get3A_1601] {strides = array<i32>} : memref<256x128xf32, #tpu.memory_space<vmem>>, vector<1x16xf32>,
          %get3A_1603 = vector.shape_cast %get3A_1602 : vector<1x16xf32> to vector<16xf32>
          %mul3A_1604 = vector.broadcast %squeeze3A_1516 : f32 to vector<16xf32>
          %mul3A_1605 = arith.mulf %get3A_1603, %mul3A_1604 : vector<16xf32>
          %swap3A_1606 = arith.index_cast %add3A_1522 : i32 to index
          %swap3A_1607 = arith.constant 112 : index
          %swap3A_1608 = tpu.vector_load %arg10[%swap3A_1606, %swap3A_1607] {strides = array<i32>} : memref<256x128xf32, #tpu.memory_space<vmem>>, vector<1x16xf32>,
          %swap3A_1609 = vector.shape_cast %swap3A_1608 : vector<1x16xf32> to vector<16xf32>
          %swap3A_1610 = vector.shape_cast %mul3A_1605 : vector<16xf32> to vector<1x16xf32>
          tpu.vector_store %arg10[%swap3A_1606, %swap3A_1607], %swap3A_1610 {strides = array<i32>} : memref<256x128xf32, #tpu.memory_space<vmem>>, vector<1x16xf32>,
          %slice3A_1611 = vector.extract_strided_slice %get3A_173 {offsets = [15], sizes = [1], strides = [1]} : vector<16xf32> to vector<1xf32>
          %squeeze3A_1612 = vector.extract %slice3A_1611[0] : f32 from vector<1xf32>
          %mul3A_1613 = arith.constant 16 : i32
          %mul3A_1614 = arith.muli %scan3A_164, %mul3A_1613 : i32
          %add3A_1615 = arith.constant 128 : i32
          %add3A_1616 = arith.addi %add3A_1615, %mul3A_1614 : i32
          %add3A_1617 = arith.constant 15 : i32
          %add3A_1618 = arith.addi %add3A_1616, %add3A_1617 : i32
          %get3A_1619 = arith.index_cast %add3A_1618 : i32 to index
          %get3A_1620 = arith.constant 0 : index
          %get3A_1621 = tpu.vector_load %arg10[%get3A_1619, %get3A_1620] {strides = array<i32>} : memref<256x128xf32, #tpu.memory_space<vmem>>, vector<1x16xf32>,
          %get3A_1622 = vector.shape_cast %get3A_1621 : vector<1x16xf32> to vector<16xf32>
          %mul3A_1623 = vector.broadcast %squeeze3A_1612 : f32 to vector<16xf32>
          %mul3A_1624 = arith.mulf %get3A_1622, %mul3A_1623 : vector<16xf32>
          %swap3A_1625 = arith.index_cast %add3A_1618 : i32 to index
          %swap3A_1626 = arith.constant 0 : index
          %swap3A_1627 = tpu.vector_load %arg10[%swap3A_1625, %swap3A_1626] {strides = array<i32>} : memref<256x128xf32, #tpu.memory_space<vmem>>, vector<1x16xf32>,
          %swap3A_1628 = vector.shape_cast %swap3A_1627 : vector<1x16xf32> to vector<16xf32>
          %swap3A_1629 = vector.shape_cast %mul3A_1624 : vector<16xf32> to vector<1x16xf32>
          tpu.vector_store %arg10[%swap3A_1625, %swap3A_1626], %swap3A_1629 {strides = array<i32>} : memref<256x128xf32, #tpu.memory_space<vmem>>, vector<1x16xf32>,
          %get3A_1630 = arith.index_cast %add3A_1618 : i32 to index
          %get3A_1631 = arith.constant 16 : index
          %get3A_1632 = tpu.vector_load %arg10[%get3A_1630, %get3A_1631] {strides = array<i32>} : memref<256x128xf32, #tpu.memory_space<vmem>>, vector<1x16xf32>,
          %get3A_1633 = vector.shape_cast %get3A_1632 : vector<1x16xf32> to vector<16xf32>
          %mul3A_1634 = vector.broadcast %squeeze3A_1612 : f32 to vector<16xf32>
          %mul3A_1635 = arith.mulf %get3A_1633, %mul3A_1634 : vector<16xf32>
          %swap3A_1636 = arith.index_cast %add3A_1618 : i32 to index
          %swap3A_1637 = arith.constant 16 : index
          %swap3A_1638 = tpu.vector_load %arg10[%swap3A_1636, %swap3A_1637] {strides = array<i32>} : memref<256x128xf32, #tpu.memory_space<vmem>>, vector<1x16xf32>,
          %swap3A_1639 = vector.shape_cast %swap3A_1638 : vector<1x16xf32> to vector<16xf32>
          %swap3A_1640 = vector.shape_cast %mul3A_1635 : vector<16xf32> to vector<1x16xf32>
          tpu.vector_store %arg10[%swap3A_1636, %swap3A_1637], %swap3A_1640 {strides = array<i32>} : memref<256x128xf32, #tpu.memory_space<vmem>>, vector<1x16xf32>,
          %get3A_1641 = arith.index_cast %add3A_1618 : i32 to index
          %get3A_1642 = arith.constant 32 : index
          %get3A_1643 = tpu.vector_load %arg10[%get3A_1641, %get3A_1642] {strides = array<i32>} : memref<256x128xf32, #tpu.memory_space<vmem>>, vector<1x16xf32>,
          %get3A_1644 = vector.shape_cast %get3A_1643 : vector<1x16xf32> to vector<16xf32>
          %mul3A_1645 = vector.broadcast %squeeze3A_1612 : f32 to vector<16xf32>
          %mul3A_1646 = arith.mulf %get3A_1644, %mul3A_1645 : vector<16xf32>
          %swap3A_1647 = arith.index_cast %add3A_1618 : i32 to index
          %swap3A_1648 = arith.constant 32 : index
          %swap3A_1649 = tpu.vector_load %arg10[%swap3A_1647, %swap3A_1648] {strides = array<i32>} : memref<256x128xf32, #tpu.memory_space<vmem>>, vector<1x16xf32>,
          %swap3A_1650 = vector.shape_cast %swap3A_1649 : vector<1x16xf32> to vector<16xf32>
          %swap3A_1651 = vector.shape_cast %mul3A_1646 : vector<16xf32> to vector<1x16xf32>
          tpu.vector_store %arg10[%swap3A_1647, %swap3A_1648], %swap3A_1651 {strides = array<i32>} : memref<256x128xf32, #tpu.memory_space<vmem>>, vector<1x16xf32>,
          %get3A_1652 = arith.index_cast %add3A_1618 : i32 to index
          %get3A_1653 = arith.constant 48 : index
          %get3A_1654 = tpu.vector_load %arg10[%get3A_1652, %get3A_1653] {strides = array<i32>} : memref<256x128xf32, #tpu.memory_space<vmem>>, vector<1x16xf32>,
          %get3A_1655 = vector.shape_cast %get3A_1654 : vector<1x16xf32> to vector<16xf32>
          %mul3A_1656 = vector.broadcast %squeeze3A_1612 : f32 to vector<16xf32>
          %mul3A_1657 = arith.mulf %get3A_1655, %mul3A_1656 : vector<16xf32>
          %swap3A_1658 = arith.index_cast %add3A_1618 : i32 to index
          %swap3A_1659 = arith.constant 48 : index
          %swap3A_1660 = tpu.vector_load %arg10[%swap3A_1658, %swap3A_1659] {strides = array<i32>} : memref<256x128xf32, #tpu.memory_space<vmem>>, vector<1x16xf32>,
          %swap3A_1661 = vector.shape_cast %swap3A_1660 : vector<1x16xf32> to vector<16xf32>
          %swap3A_1662 = vector.shape_cast %mul3A_1657 : vector<16xf32> to vector<1x16xf32>
          tpu.vector_store %arg10[%swap3A_1658, %swap3A_1659], %swap3A_1662 {strides = array<i32>} : memref<256x128xf32, #tpu.memory_space<vmem>>, vector<1x16xf32>,
          %get3A_1663 = arith.index_cast %add3A_1618 : i32 to index
          %get3A_1664 = arith.constant 64 : index
          %get3A_1665 = tpu.vector_load %arg10[%get3A_1663, %get3A_1664] {strides = array<i32>} : memref<256x128xf32, #tpu.memory_space<vmem>>, vector<1x16xf32>,
          %get3A_1666 = vector.shape_cast %get3A_1665 : vector<1x16xf32> to vector<16xf32>
          %mul3A_1667 = vector.broadcast %squeeze3A_1612 : f32 to vector<16xf32>
          %mul3A_1668 = arith.mulf %get3A_1666, %mul3A_1667 : vector<16xf32>
          %swap3A_1669 = arith.index_cast %add3A_1618 : i32 to index
          %swap3A_1670 = arith.constant 64 : index
          %swap3A_1671 = tpu.vector_load %arg10[%swap3A_1669, %swap3A_1670] {strides = array<i32>} : memref<256x128xf32, #tpu.memory_space<vmem>>, vector<1x16xf32>,
          %swap3A_1672 = vector.shape_cast %swap3A_1671 : vector<1x16xf32> to vector<16xf32>
          %swap3A_1673 = vector.shape_cast %mul3A_1668 : vector<16xf32> to vector<1x16xf32>
          tpu.vector_store %arg10[%swap3A_1669, %swap3A_1670], %swap3A_1673 {strides = array<i32>} : memref<256x128xf32, #tpu.memory_space<vmem>>, vector<1x16xf32>,
          %get3A_1674 = arith.index_cast %add3A_1618 : i32 to index
          %get3A_1675 = arith.constant 80 : index
          %get3A_1676 = tpu.vector_load %arg10[%get3A_1674, %get3A_1675] {strides = array<i32>} : memref<256x128xf32, #tpu.memory_space<vmem>>, vector<1x16xf32>,
          %get3A_1677 = vector.shape_cast %get3A_1676 : vector<1x16xf32> to vector<16xf32>
          %mul3A_1678 = vector.broadcast %squeeze3A_1612 : f32 to vector<16xf32>
          %mul3A_1679 = arith.mulf %get3A_1677, %mul3A_1678 : vector<16xf32>
          %swap3A_1680 = arith.index_cast %add3A_1618 : i32 to index
          %swap3A_1681 = arith.constant 80 : index
          %swap3A_1682 = tpu.vector_load %arg10[%swap3A_1680, %swap3A_1681] {strides = array<i32>} : memref<256x128xf32, #tpu.memory_space<vmem>>, vector<1x16xf32>,
          %swap3A_1683 = vector.shape_cast %swap3A_1682 : vector<1x16xf32> to vector<16xf32>
          %swap3A_1684 = vector.shape_cast %mul3A_1679 : vector<16xf32> to vector<1x16xf32>
          tpu.vector_store %arg10[%swap3A_1680, %swap3A_1681], %swap3A_1684 {strides = array<i32>} : memref<256x128xf32, #tpu.memory_space<vmem>>, vector<1x16xf32>,
          %get3A_1685 = arith.index_cast %add3A_1618 : i32 to index
          %get3A_1686 = arith.constant 96 : index
          %get3A_1687 = tpu.vector_load %arg10[%get3A_1685, %get3A_1686] {strides = array<i32>} : memref<256x128xf32, #tpu.memory_space<vmem>>, vector<1x16xf32>,
          %get3A_1688 = vector.shape_cast %get3A_1687 : vector<1x16xf32> to vector<16xf32>
          %mul3A_1689 = vector.broadcast %squeeze3A_1612 : f32 to vector<16xf32>
          %mul3A_1690 = arith.mulf %get3A_1688, %mul3A_1689 : vector<16xf32>
          %swap3A_1691 = arith.index_cast %add3A_1618 : i32 to index
          %swap3A_1692 = arith.constant 96 : index
          %swap3A_1693 = tpu.vector_load %arg10[%swap3A_1691, %swap3A_1692] {strides = array<i32>} : memref<256x128xf32, #tpu.memory_space<vmem>>, vector<1x16xf32>,
          %swap3A_1694 = vector.shape_cast %swap3A_1693 : vector<1x16xf32> to vector<16xf32>
          %swap3A_1695 = vector.shape_cast %mul3A_1690 : vector<16xf32> to vector<1x16xf32>
          tpu.vector_store %arg10[%swap3A_1691, %swap3A_1692], %swap3A_1695 {strides = array<i32>} : memref<256x128xf32, #tpu.memory_space<vmem>>, vector<1x16xf32>,
          %get3A_1696 = arith.index_cast %add3A_1618 : i32 to index
          %get3A_1697 = arith.constant 112 : index
          %get3A_1698 = tpu.vector_load %arg10[%get3A_1696, %get3A_1697] {strides = array<i32>} : memref<256x128xf32, #tpu.memory_space<vmem>>, vector<1x16xf32>,
          %get3A_1699 = vector.shape_cast %get3A_1698 : vector<1x16xf32> to vector<16xf32>
          %mul3A_1700 = vector.broadcast %squeeze3A_1612 : f32 to vector<16xf32>
          %mul3A_1701 = arith.mulf %get3A_1699, %mul3A_1700 : vector<16xf32>
          %swap3A_1702 = arith.index_cast %add3A_1618 : i32 to index
          %swap3A_1703 = arith.constant 112 : index
          %swap3A_1704 = tpu.vector_load %arg10[%swap3A_1702, %swap3A_1703] {strides = array<i32>} : memref<256x128xf32, #tpu.memory_space<vmem>>, vector<1x16xf32>,
          %swap3A_1705 = vector.shape_cast %swap3A_1704 : vector<1x16xf32> to vector<16xf32>
          %swap3A_1706 = vector.shape_cast %mul3A_1701 : vector<16xf32> to vector<1x16xf32>
          tpu.vector_store %arg10[%swap3A_1702, %swap3A_1703], %swap3A_1706 {strides = array<i32>} : memref<256x128xf32, #tpu.memory_space<vmem>>, vector<1x16xf32>,
        }
        %scan3A_147 = arith.constant 8 : i32
        %mul3A_148 = arith.constant 2 : i32
        %mul3A_149 = arith.muli %scan3A_58, %mul3A_148 : i32
        %add3A_150 = arith.constant 1 : i32
        %add3A_151 = arith.addi %mul3A_149, %add3A_150 : i32
        %dma_start3A_152 = arith.constant 1 : i32
        %dma_start3A_153 = arith.constant 128 : i32
        %dma_start3A_154 = arith.constant 0 : i32
        %dma_start3A_155 = tpu.memref_slice %arg10[%dma_start3A_153, %dma_start3A_154] : memref<256x128xf32, #tpu.memory_space<vmem>> -> memref<128x128xf32, #tpu.memory_space<vmem>>
        %dma_start3A_156 = arith.constant 0 : i32
        %dma_start3A_157 = tpu.memref_slice %arg8[%add3A_151, %dma_start3A_156] : memref<40x128xi32, #tpu.memory_space<vmem>> -> memref<1x128xi32, #tpu.memory_space<vmem>>
        %dma_start3A_158 = tpu.memref_squeeze %dma_start3A_157 : memref<1x128xi32, #tpu.memory_space<vmem>> -> memref<128xi32, #tpu.memory_space<vmem>>
        %dma_start3A_159 = arith.constant 0 : i32
        %dma_start3A_160 = arith.constant 0 : i32
        %dma_start3A_161 = tpu.memref_slice %arg11[%dma_start3A_159, %dma_start3A_160] : memref<10000x128xf32, #tpu.memory_space<vmem_shared>> -> memref<10000x128xf32, #tpu.memory_space<vmem_shared>>
        %dma_start3A_162 = tpu.memref_slice %arg13[%dma_start3A_152] : memref<2x!tpu.dma_semaphore, #tpu.memory_space<semaphore_mem>> -> memref<1x!tpu.dma_semaphore, #tpu.memory_space<semaphore_mem>>
        %dma_start3A_163 = tpu.memref_squeeze %dma_start3A_162 : memref<1x!tpu.dma_semaphore, #tpu.memory_space<semaphore_mem>> -> memref<!tpu.dma_semaphore, #tpu.memory_space<semaphore_mem>>
        tpu.enqueue_indirect_dma source(%dma_start3A_155 : memref<128x128xf32, #tpu.memory_space<vmem>>) target(%dma_start3A_161 : memref<10000x128xf32, #tpu.memory_space<vmem_shared>>) offsets(%dma_start3A_158 : memref<128xi32, #tpu.memory_space<vmem>>) semaphore(%dma_start3A_163 : memref<!tpu.dma_semaphore, #tpu.memory_space<semaphore_mem>>) {add = true}
      }
      %scan3A_57 = arith.constant 20 : i32
    }
    %scan3A_13 = arith.constant 2 : i32
    %dma_wait3A = arith.constant 0 : i32
    %dma_wait3A_14 = arith.constant 0 : i32
    %dma_wait3A_15 = arith.constant 0 : i32
    %dma_wait3A_16 = arith.constant 0 : i32
    %dma_wait3A_17 = tpu.memref_slice %arg10[%dma_wait3A_15, %dma_wait3A_16] : memref<256x128xf32, #tpu.memory_space<vmem>> -> memref<128x128xf32, #tpu.memory_space<vmem>>
    %dma_wait3A_18 = arith.constant 0 : i32
    %dma_wait3A_19 = tpu.memref_slice %arg8[%dma_wait3A, %dma_wait3A_18] : memref<40x128xi32, #tpu.memory_space<vmem>> -> memref<1x128xi32, #tpu.memory_space<vmem>>
    %dma_wait3A_20 = tpu.memref_squeeze %dma_wait3A_19 : memref<1x128xi32, #tpu.memory_space<vmem>> -> memref<128xi32, #tpu.memory_space<vmem>>
    %dma_wait3A_21 = arith.constant 0 : i32
    %dma_wait3A_22 = arith.constant 0 : i32
    %dma_wait3A_23 = tpu.memref_slice %arg11[%dma_wait3A_21, %dma_wait3A_22] : memref<10000x128xf32, #tpu.memory_space<vmem_shared>> -> memref<10000x128xf32, #tpu.memory_space<vmem_shared>>
    %dma_wait3A_24 = tpu.memref_slice %arg13[%dma_wait3A_14] : memref<2x!tpu.dma_semaphore, #tpu.memory_space<semaphore_mem>> -> memref<1x!tpu.dma_semaphore, #tpu.memory_space<semaphore_mem>>
    %dma_wait3A_25 = tpu.memref_squeeze %dma_wait3A_24 : memref<1x!tpu.dma_semaphore, #tpu.memory_space<semaphore_mem>> -> memref<!tpu.dma_semaphore, #tpu.memory_space<semaphore_mem>>
    tpu.wait_indirect_dma semaphore(%dma_wait3A_25 : memref<!tpu.dma_semaphore, #tpu.memory_space<semaphore_mem>>) src(%dma_wait3A_17 : memref<128x128xf32, #tpu.memory_space<vmem>>) dst(%dma_wait3A_23 : memref<10000x128xf32, #tpu.memory_space<vmem_shared>>)
    %dma_wait3A_26 = arith.constant 0 : i32
    %dma_wait3A_27 = arith.constant 1 : i32
    %dma_wait3A_28 = arith.constant 128 : i32
    %dma_wait3A_29 = arith.constant 0 : i32
    %dma_wait3A_30 = tpu.memref_slice %arg10[%dma_wait3A_28, %dma_wait3A_29] : memref<256x128xf32, #tpu.memory_space<vmem>> -> memref<128x128xf32, #tpu.memory_space<vmem>>
    %dma_wait3A_31 = arith.constant 0 : i32
    %dma_wait3A_32 = tpu.memref_slice %arg8[%dma_wait3A_26, %dma_wait3A_31] : memref<40x128xi32, #tpu.memory_space<vmem>> -> memref<1x128xi32, #tpu.memory_space<vmem>>
    %dma_wait3A_33 = tpu.memref_squeeze %dma_wait3A_32 : memref<1x128xi32, #tpu.memory_space<vmem>> -> memref<128xi32, #tpu.memory_space<vmem>>
    %dma_wait3A_34 = arith.constant 0 : i32
    %dma_wait3A_35 = arith.constant 0 : i32
    %dma_wait3A_36 = tpu.memref_slice %arg11[%dma_wait3A_34, %dma_wait3A_35] : memref<10000x128xf32, #tpu.memory_space<vmem_shared>> -> memref<10000x128xf32, #tpu.memory_space<vmem_shared>>
    %dma_wait3A_37 = tpu.memref_slice %arg13[%dma_wait3A_27] : memref<2x!tpu.dma_semaphore, #tpu.memory_space<semaphore_mem>> -> memref<1x!tpu.dma_semaphore, #tpu.memory_space<semaphore_mem>>
    %dma_wait3A_38 = tpu.memref_squeeze %dma_wait3A_37 : memref<1x!tpu.dma_semaphore, #tpu.memory_space<semaphore_mem>> -> memref<!tpu.dma_semaphore, #tpu.memory_space<semaphore_mem>>
    tpu.wait_indirect_dma semaphore(%dma_wait3A_38 : memref<!tpu.dma_semaphore, #tpu.memory_space<semaphore_mem>>) src(%dma_wait3A_30 : memref<128x128xf32, #tpu.memory_space<vmem>>) dst(%dma_wait3A_36 : memref<10000x128xf32, #tpu.memory_space<vmem_shared>>)
    %barrier3A_39 = arith.constant 0 : index
    tpu.barrier barrier_id(%barrier3A_39)
    %lt3A_40 = arith.constant 10 : i32
    %lt3A_41 = arith.cmpi slt, %arg1, %lt3A_40 : i32
    %convert_element_type3A_42 = arith.extui %lt3A_41 : i1 to i32
    %cond3A_43 = arith.constant 0 : i32
    %cond3A_44 = arith.cmpi ne, %convert_element_type3A_42, %cond3A_43 : i32
    scf.if %cond3A_44 {
      %mul3A_45 = arith.constant 1000 : i32
      %mul3A_46 = arith.muli %arg1, %mul3A_45 : i32
      %mul3A_47 = arith.constant 1000 : i32
      %mul3A_48 = arith.muli %arg1, %mul3A_47 : i32
      "tpu.region"() ({
        %run_scoped3A = tpu.sem_alloc : memref<!tpu.dma_semaphore, #tpu.memory_space<semaphore_mem>>
        %dma_start3A = arith.constant 0 : i32
        %dma_start3A_49 = tpu.memref_slice %arg6[%arg0, %mul3A_48, %dma_start3A] : memref<2x10000x128xf32, #tpu.memory_space<hbm>> -> memref<1x1000x128xf32, #tpu.memory_space<hbm>>
        %dma_start3A_50 = tpu.memref_squeeze %dma_start3A_49 : memref<1x1000x128xf32, #tpu.memory_space<hbm>> -> memref<1000x128xf32, #tpu.memory_space<hbm>>
        %dma_start3A_51 = arith.constant 0 : i32
        %dma_start3A_52 = tpu.memref_slice %arg11[%mul3A_46, %dma_start3A_51] : memref<10000x128xf32, #tpu.memory_space<vmem_shared>> -> memref<1000x128xf32, #tpu.memory_space<vmem_shared>>
        tpu.enqueue_dma source(%dma_start3A_52 : memref<1000x128xf32, #tpu.memory_space<vmem_shared>>) target(%dma_start3A_50 : memref<1000x128xf32, #tpu.memory_space<hbm>>) target_semaphore(%run_scoped3A : memref<!tpu.dma_semaphore, #tpu.memory_space<semaphore_mem>>)
        %dma_wait3A_53 = arith.constant 0 : i32
        %dma_wait3A_54 = tpu.memref_slice %arg6[%arg0, %mul3A_48, %dma_wait3A_53] : memref<2x10000x128xf32, #tpu.memory_space<hbm>> -> memref<1x1000x128xf32, #tpu.memory_space<hbm>>
        %dma_wait3A_55 = tpu.memref_squeeze %dma_wait3A_54 : memref<1x1000x128xf32, #tpu.memory_space<hbm>> -> memref<1000x128xf32, #tpu.memory_space<hbm>>
        %dma_wait3A_56 = arith.constant 0 : i32
        %dma_wait3A_57 = tpu.memref_slice %arg11[%mul3A_46, %dma_wait3A_56] : memref<10000x128xf32, #tpu.memory_space<vmem_shared>> -> memref<1000x128xf32, #tpu.memory_space<vmem_shared>>
        tpu.wait_dma2 semaphore(%run_scoped3A : memref<!tpu.dma_semaphore, #tpu.memory_space<semaphore_mem>>) src(%dma_wait3A_57 : memref<1000x128xf32, #tpu.memory_space<vmem_shared>>) dst(%dma_wait3A_55 : memref<1000x128xf32, #tpu.memory_space<hbm>>)
        tpu.yield
      }) : () -> ()
    } else {
    }
    return
  }
}

module attributes {stable_mosaic.version = 14 : i64} {
  func.func @_combine_body(%arg0: i32, %arg1: memref<2x2000x128xf32, #tpu.memory_space<vmem>>, %arg2: memref<2000x128xf32, #tpu.memory_space<vmem>>) attributes {dimension_semantics = [#tpu.dimension_semantics<arbitrary>], iteration_bounds = array<i64: 5>, scalar_prefetch = 0 : i64, scratch_operands = 0 : i64, tpu.core_type = #tpu.core_type<tc>, window_params = [{transform_indices = @transform_0, window_bounds = array<i64: 2, 2000, 128>}, {transform_indices = @transform_1, window_bounds = array<i64: 2000, 128>}]} {
    %get3A = arith.constant 0 : index
    %get3A_0 = arith.constant 0 : index
    %get3A_1 = arith.constant 0 : index
    %get3A_2 = vector.load %arg1[%get3A, %get3A_0, %get3A_1] : memref<2x2000x128xf32, #tpu.memory_space<vmem>>, vector<1x2000x128xf32>
    %get3A_3 = vector.shape_cast %get3A_2 : vector<1x2000x128xf32> to vector<2000x128xf32>
    %get3A_4 = arith.constant 1 : index
    %get3A_5 = arith.constant 0 : index
    %get3A_6 = arith.constant 0 : index
    %get3A_7 = vector.load %arg1[%get3A_4, %get3A_5, %get3A_6] : memref<2x2000x128xf32, #tpu.memory_space<vmem>>, vector<1x2000x128xf32>
    %get3A_8 = vector.shape_cast %get3A_7 : vector<1x2000x128xf32> to vector<2000x128xf32>
    %add3A = arith.addf %get3A_3, %get3A_8 : vector<2000x128xf32>
    %swap3A = arith.constant 0 : index
    %swap3A_9 = arith.constant 0 : index
    %swap3A_10 = vector.load %arg2[%swap3A, %swap3A_9] : memref<2000x128xf32, #tpu.memory_space<vmem>>, vector<2000x128xf32>
    tpu.vector_store %arg2[%swap3A, %swap3A_9], %add3A {strides = array<i32>} : memref<2000x128xf32, #tpu.memory_space<vmem>>, vector<2000x128xf32>,
    return
  }
  func.func @transform_0(%arg0: i32) -> (i32, i32, i32) {
    %c0_i32 = arith.constant 0 : i32
    %c0_i32_0 = arith.constant 0 : i32
    %c0_i32_1 = arith.constant 0 : i32
    return %c0_i32, %arg0, %c0_i32_0 : i32, i32, i32
  }
  func.func @transform_1(%arg0: i32) -> (i32, i32) {
    %c0_i32 = arith.constant 0 : i32
    %c0_i32_0 = arith.constant 0 : i32
    return %arg0, %c0_i32 : i32, i32
  }
}

</mosaic_0001>

<sc_bundles>
// kernel: kernel.4.cloned.1.call-start
scs
__scs_entry_jumppad:
0x0: {  	(pc) =	sbr.rel $0x88, $3  }
0x1: {  	(tag) =	ssettag $0x0;
	lr =	simm.s32 $0x1  }
0x2: {  	[smem:$0x3F9E] =	sst lr;
	_ =	strace $0xD0000000  }
0x3: {  	_ = 	snop  }
0x4: {  	_ = 	snop  }
0x5: {  	_ = 	snop  }
0x6: {  	_ = 	snop  }
0x7: {  	_ = 	snop  }
__scs_overlays_trampoline_lowered:
0x8: {  	[smem:$0x3FAD] =	sst s0  }
0x9: {  	[smem:$0x3FAE] =	sst s1  }
0xa: {  	[smem:$0x3FAF] =	sst s2  }
0xb: {  	[smem:$0x3FB0] =	sst s3  }
0xc: {  	[smem:$0x3FB1] =	sst s4  }
0xd: {  	[smem:$0x3FB2] =	sst s5  }
0xe: {  	[smem:$0x3FB3] =	sst s6  }
0xf: {  	[smem:$0x3FB4] =	sst s7  }
0x10: {  	[smem:$0x3FB5] =	sst s8  }
0x11: {  	[smem:$0x3FB6] =	sst s9;
	s0 =	simm.s32 @!p0 $0x0  }
0x12: {  	s1 =	sld [smem:$0x3F9C];
	s0 =	simm.s32 @p0 $0x1  }
0x13: {  	[smem:$0x3FB7] =	sst s0;
	s0 =	simm.s32 @!p1 $0x0  }
0x14: {  	s2 =	sld [smem:$0x3F9B];
	s0 =	simm.s32 @p1 $0x1  }
0x15: {  	[smem:$0x3FB8] =	sst s0;
	s0 =	simm.s32 @!p2 $0x0  }
0x16: {  	s3 =	sld [smem:$0x3FDB];
	s0 =	simm.s32 @p2 $0x1  }
0x17: {  	s4 =	simm.s32 $0x1BF5;
	[smem:$0x3FBA] =	sst s0  }
0x18: {  	s0 =	sld [smem:$0x3F9D];
	_ =	swait.ge [sflag:s4], $0x0  }
0x19: {  	s7 =	sld [smem:$0x3F9E]  }
0x1a: {  	s8 =	sadd.s32 $0xFFFFE003, lr  }
0x1b: {  	s9 =	sadd.s32 $0xFFFFFEF7, lr;
	s5 =	simm.s32 $0xFFFFFFFF;
	p2 =	slt.u32 s8, $0xFFFFF086  }
0x1c: {  	p1 =	slt.u32 s9, $0xF7A;
	s5 =	simm.s32 @!p2 $0x0  }
0x1d: {  	s5 =	simm.s32 @p1 $0x1;
	p0 =	seq.s32 s7, s2  }
0x1e: {  	s7 =	smul.u32 @!p0 $0xF7A, s2;
	p2 =	seq.s32 @!p0 s5, $0x0  }
0x1f: {  	s9 =	smul.u32 $0xF7A, s1;
	s8 =	simm.s32 @!p0 $0x1BF5;
	p2 =	por !p2, p0  }
0x20: {  	[sflag:s8] =	ssyncset.s32 @!p0 $0xFFFFF086;
	s6 =	sadd.s32 @!p0 s3, s7;
	s7 =	simm.s32 @!p0 $0x108  }
0x21: {  	s3 =	sadd.s32 s3, s9;
	s6 =	sadd.s32 @!p0 $0x88, s6;
	s7 =	simm.s32 @p2 $0x1082  }
0x22: {  	[simem:s7], [sflag:s8] =	dma.local @!p0 [hbm:s6], $0xF7A  }
0x23: {  	s9 =	sor.u32 $0xD0000000, s2;
	s6 =	simm.s32 $0x108;
	_ =	swait.ge @!p0 [sflag:s8], $0x0  }
0x24: {  	s3 =	sadd.s32 $0x88, s3;
	s6 =	simm.s32 @!p1 $0x1082;
	[sflag:s4] =	ssyncset.s32 $0xFFFFF086  }
0x25: {  	[simem:s6], [sflag:s4] =	dma.local [hbm:s3], $0xF7A  }
0x26: {  	[smem:$0x3F9E] =	sst s1;
	(tag) =	ssettag s2;
	_ =	strace s9  }
0x27: {  	s1 =	sld [smem:$0x3FAE]  }
0x28: {  	s2 =	sld [smem:$0x3FAF]  }
0x29: {  	s4 =	sld [smem:$0x3FB1]  }
0x2a: {  	p0 =	seq.s32 s5, $0x0;
	s5 =	sld [smem:$0x3FB2]  }
0x2b: {  	s6 =	sld [smem:$0x3FB3]  }
0x2c: {  	s7 =	sld [smem:$0x3FB4]  }
0x2d: {  	s3 =	simm.s32 $0x108;
	s8 =	sld [smem:$0x3FB5]  }
0x2e: {  	s3 =	simm.s32 @!p0 $0x1082;
	s9 =	sld [smem:$0x3FB6]  }
0x2f: {  	lr =	sadd.s32 s0, s3;
	s0 =	sld [smem:$0x3FAD]  }
0x30: {  	s3 =	sld [smem:$0x3FB0]  }
0x31: {  	[smem:$0x3FB9] =	sst s10  }
0x32: {  	s10 =	sld [smem:$0x3FB7];
	_ =	sdelay $0x3  }
0x33: {  	p0 =	seq.s32 s10, $0x1;
	s10 =	sld [smem:$0x3FB9];
	_ =	sdelay $0x3  }
0x34: {  	[smem:$0x3FB9] =	sst s10  }
0x35: {  	s10 =	sld [smem:$0x3FB8];
	_ =	sdelay $0x3  }
0x36: {  	p1 =	seq.s32 s10, $0x1;
	s10 =	sld [smem:$0x3FB9];
	_ =	sdelay $0x3  }
0x37: {  	[smem:$0x3FB9] =	sst s10  }
0x38: {  	s10 =	sld [smem:$0x3FBA]  }
0x39: {  	_ = 	snop;
	(pc) =	sbr.ind lr, $3  }
0x3a: {  	_ = 	snop  }
0x3b: {  	_ = 	snop  }
0x3c: {  	p2 =	seq.s32 s10, $0x1;
	s10 =	sld [smem:$0x3FB9]  }
0x3d: {  	_ =	shalt  }
0x3e: {  	_ =	shalt  }
0x3f: {  	_ =	shalt  }
0x40: {  	_ =	shalt  }
0x41: {  	_ =	shalt  }
0x42: {  	_ =	shalt  }
0x43: {  	_ =	shalt  }
0x44: {  	_ =	shalt  }
0x45: {  	_ =	shalt  }
0x46: {  	_ =	shalt  }
0x47: {  	_ =	shalt  }
0x48: {  	_ =	shalt  }
0x49: {  	_ =	shalt  }
0x4a: {  	_ =	shalt  }
0x4b: {  	_ =	shalt  }
0x4c: {  	_ =	shalt  }
0x4d: {  	_ =	shalt  }
0x4e: {  	_ =	shalt  }
0x4f: {  	_ =	shalt  }
0x50: {  	_ =	shalt  }
0x51: {  	_ =	shalt  }
0x52: {  	_ =	shalt  }
0x53: {  	_ =	shalt  }
0x54: {  	_ =	shalt  }
0x55: {  	_ =	shalt  }
0x56: {  	_ =	shalt  }
0x57: {  	_ =	shalt  }
0x58: {  	_ =	shalt  }
0x59: {  	_ =	shalt  }
0x5a: {  	_ =	shalt  }
0x5b: {  	_ =	shalt  }
0x5c: {  	_ =	shalt  }
0x5d: {  	_ =	shalt  }
0x5e: {  	_ =	shalt  }
0x5f: {  	_ =	shalt  }
0x60: {  	_ =	shalt  }
0x61: {  	_ =	shalt  }
0x62: {  	_ =	shalt  }
0x63: {  	_ =	shalt  }
0x64: {  	_ =	shalt  }
0x65: {  	_ =	shalt  }
0x66: {  	_ =	shalt  }
0x67: {  	_ =	shalt  }
0x68: {  	_ =	shalt  }
0x69: {  	_ =	shalt  }
0x6a: {  	_ =	shalt  }
0x6b: {  	_ =	shalt  }
0x6c: {  	_ =	shalt  }
0x6d: {  	_ =	shalt  }
0x6e: {  	_ =	shalt  }
0x6f: {  	_ =	shalt  }
0x70: {  	_ =	shalt  }
0x71: {  	_ =	shalt  }
0x72: {  	_ =	shalt  }
0x73: {  	_ =	shalt  }
0x74: {  	_ =	shalt  }
0x75: {  	_ =	shalt  }
0x76: {  	_ =	shalt  }
0x77: {  	_ =	shalt  }
0x78: {  	_ =	shalt  }
0x79: {  	_ =	shalt  }
0x7a: {  	_ =	shalt  }
0x7b: {  	_ =	shalt  }
0x7c: {  	_ =	shalt  }
0x7d: {  	_ =	shalt  }
0x7e: {  	_ =	shalt  }
0x7f: {  	_ =	shalt  }
0x80: {  	_ =	shalt  }
0x81: {  	_ =	shalt  }
0x82: {  	_ =	shalt  }
0x83: {  	_ =	shalt  }
0x84: {  	_ =	shalt  }
0x85: {  	_ =	shalt  }
0x86: {  	_ =	shalt  }
0x87: {  	_ =	shalt  }
.Lfunc_end0:
.L_simem_size_0:
called_computation_lowered:
.L_overlay_start_0:
0x88: {  	s2 =	sld [smem:$0x3FD9]  }
0x89: {  	s3 =	sld [smem:$0x3FFE];
	_ =	sdelay $0x1  }
0x8a: {  	s1 =	srdreg.scid  }
0x8b: {  	s0 =	sand.u32 $0x1, s1  }
0x8c: {  	s17 =	sshll.u32 s0, $0xA;
	s2 =	sadd.s32 s3, s2  }
0x8d: {  	s2 =	sadd.s32 s2, s17  }
0x8e: {  	[smem:$0x3FC5] =	sst s2  }
0x8f: {  	_ = 	snop  }
0x90: {  	s2 =	sld [smem:$0x3FC9]  }
0x91: {  	s18 =	sld [smem:$0x3FD0];
	(tm) =	ssettm $0x1  }
0x92: {  	s4 =	sld [smem:$0x3FFB];
	_ =	sdelay $0x3  }
0x93: {  	_ =	strace s4  }
0x94: {  	s4 =	sld [smem:$0x3FFC];
	_ =	sdelay $0x3  }
0x95: {  	_ =	strace s4  }
0x96: {  	s4 =	sld [smem:$0x3FFD];
	_ =	sdelay $0x3  }
0x97: {  	_ =	strace s4  }
0x98: {  	_ =	strace $0x8FFFFFFF  }
0x99: {  	s19 =	sld [smem:$0x3FDB];
	_ =	sdelay $0x1  }
0x9a: {  	s5 =	simm.s32 $_scs_section_size  }
0x9b: {  	s6 =	simm.s32 $_size__tile_overlayer_lowered;
	s7 =	simm.s32 $_tile_overlayer_lowered  }
0x9c: {  	s22 =	simm.s32 $0x1BFF;
	s21 =	sshll.u32 s7, $0x1;
	s4 =	sadd.s32 s5, s19  }
0x9d: {  	s8 =	simm.s32 $0x0;
	s20 =	sshll.u32 s6, $0x1;
	s6 =	sadd.s32 s21, s4  }
0x9e: {  	[timem:s8], [sflag:s22] =	dma.local [hbm:s6], s20  }
0x9f: {  	_ =	swait.ge [sflag:s22], s20  }
0xa0: {  	s5 =	ssub.s32 $0x0, s20;
	[sflag:s22] =	ssyncset.done $0x0  }
0xa1: {  	[sflag:s22] =	ssyncadd.s32 s5;
	_ =	sdelay $0x1  }
0xa2: {  	s23 =	simm.s32 $0x1B8B  }
0xa3: {  	_ =	swait.ge [sflag:s23], $0x1  }
0xa4: {  	[sflag:s23] =	ssyncset.done $0x0  }
0xa5: {  	s25 =	simm.s32 $0x1B8E;
	s24 =	sld [smem:$0x3FFE];
	[sflag:s23] =	ssyncadd.s32 $0xFFFFFFFF  }
0xa6: {  	s26 =	simm.s32 $execute0_lowered;
	[smem:$0x3FD2] =	sst s25  }
0xa7: {  	s6 =	sshll.u32 s26, $0x1;
	_ =	strace $0x80000046;
	[dreg:$0x1] =	wrdreg $0xFFFFFFFF  }
0xa8: {  	s28 =	simm.s32 $_size_execute0_lowered;
	s4 =	sadd.s32 s4, s6;
	[dreg:$0x0] =	wrdreg $0x0  }
0xa9: {  	s6 =	sshll.u32 s28, $0x1;
	[dreg:$0x2] =	wrdreg s4  }
0xaa: {  	[dreg:$0x3] =	wrdreg s6  }
0xab: {  	[dreg:$0x4] =	wrdreg $0xC0  }
0xac: {  	_ =	task [dreg:s8], $0x5FFFF  }
0xad: {  	[dreg:$0x1] =	wrdreg $0xFFFFFFFF  }
0xae: {  	[dreg:$0x0] =	wrdreg $0x60  }
0xaf: {  	[dreg:$0x2] =	wrdreg s2  }
0xb0: {  	[dreg:$0x3] =	wrdreg s24  }
0xb1: {  	[dreg:$0x4] =	wrdreg s18  }
0xb2: {  	[dreg:$0x5] =	wrdreg $0xBC000  }
0xb3: {  	[dreg:$0x6] =	wrdreg $0x9  }
0xb4: {  	_ =	task.clear_ibuf [dreg:s8], $0x7FFFF;
	_ =	strace $0x90000046  }
0xb5: {  	s29 =	simm.s32 $0x9;
	_ =	strace $0x80000048  }
0xb6: {  	_ =	swait.ge [sflag:s29], $0x1  }
0xb7: {  	[sflag:s29] =	ssyncadd.s32 $0xFFFFFFFF  }
0xb8: {  	_ =	strace $0x90000048  }
0xb9: {  	_ =	sfence  }
0xba: {  	s30 =	sld [smem:$0x0];
	_ =	sdelay $0x2  }
0xbb: {  	s31 =	sshll.u32 s1, $0xD;
	s1 =	sshrl.u32 s1, $0x2  }
0xbc: {  	s3 =	sand.u32 $0x4000, s31;
	s1 =	sadd.s32 s1, s30  }
0xbd: {  	s0 =	sor.u32 s3, s0;
	s1 =	sshll.u32 s1, $0x11  }
0xbe: {  	s0 =	sor.u32 s1, s0  }
0xbf: {  	s0 =	sadd.s32 $0x8F2B, s0  }
0xc0: {  	[sflag:s0] =	ssyncadd.remote.s32 $0x1  }
0xc1: {  	_ =	sfence.sel $0xFFFF  }
0xc2: {  	[dreg:$0x0] =	wrdreg $0xFFFFFFFF;
	(pc) =	sbr.abs _section_cstart, $3  }
0xc3: {  	[dreg:$0x1] =	wrdreg $0xFFFFFFFF  }
0xc4: {  	_ =	task.clear_ibuf [dreg:s8], $0x2FFFF;
	_ =	strace $0x9FFFFFFF  }
0xc5: {  	(tm) =	ssettm $0x7FFFFFFF  }
tec
execute0_lowered:
.L_overlay_start_1:
0x0: {  	(tag) =	ssettag $0x1  }
0x1: {  	s1 =	rddreg [dreg:$0x0]  }
0x2: {  	s8 =	rddreg [dreg:$0x1]  }
0x3: {  	s2 =	rddreg [dreg:$0x2]  }
0x4: {  	s3 =	rddreg [dreg:$0x3];
	s4 =	srdreg.scid;
	s5 =	simm.s32 $0x0  }
0x5: {  	s15 =	simm.s32 $0x5;
	s16 =	simm.s32 $0x1400;
	s17 =	simm.s32 $0x2800  }
0x6: {  	s18 =	simm.s32 $0x80;
	s19 =	simm.s32 $0x3C00;
	s20 =	simm.s32 $0x7C00  }
0x7: {  	s21 =	simm.s32 $0x1;
	s22 =	simm.s32 $0x2;
	s9 =	sand.u32 $0x1, s4  }
0x8: {  	s23 =	simm.s32 $0x3;
	s4 =	stileid.u32;
	s7 =	smul.u32 $0x138800, s9  }
0x9: {  	s24 =	simm.s32 $0x4;
	[smem:$0x7FF] =	sst s5;
	s10 =	smul.u32 $0x1F400, s4  }
0xa: {  	s6 =	sadd.s32 $0xA200, s8;
	_ =	strace $0x80000047;
	s11 =	smul.u32 $0x7D000, s4  }
0xb: {  	s12 =	ssub.s32 $0x2, s9;
	s9 =	sshll.u32 s9, $0x4;
	p0 =	sgt.u32 s4, $0x9  }
0xc: {  	s29 =	sshrl.u32 s12, $0x1;
	s31 =	sor.u32 s4, s9;
	s10 =	sadd.s32 s10, s7  }
0xd: {  	s7 =	sadd.s32 $0x200, s8;
	s30 =	sshrl.u32 s11, $0x2;
	s10 =	sshrl.u32 s10, $0x3  }
0xe: {  	s14 =	ssub.s32 s12, s29;
	s13 =	sadd.s32 s10, s8;
	s8 =	sadd.s32 s30, s3  }
0xf: {  	s12 =	smul.u32 $0x2800, s31;
	s14 =	smax.u32 s14, $0x1;
	s9 =	sadd.s32 $0x8000, s8  }
0x10: {  	v0 =	vimm.f32 $0.0e+00;
	s10 =	sadd.s32 $0x10000, s8;
	s11 =	sadd.s32 $0x18000, s8;
	s13 =	sadd.s32 $0x14200, s13  }
.LBB2_1:
0x11: {  	s25 =	simm.s32 $0x0;
	s26 =	simm.s32 $0x200  }
.LBB2_2:
0x12: {  	p1 =	sne.s32 s26, $0x1FE00;
	[tilespmem:s25+$0x3C70] =	vst v0  }
0x13: {  	[tilespmem:s25+$0x3C00] =	vst v0  }
0x14: {  	[tilespmem:s25+$0x3C10] =	vst v0  }
.Ltmp0:
0x15: {  	[tilespmem:s25+$0x3C20] =	vst v0;
	(pc) =	sbr.rel @p1 .LBB2_2-.Ltmp0, $4  }
0x16: {  	[tilespmem:s25+$0x3C30] =	vst v0  }
0x17: {  	[tilespmem:s25+$0x3C40] =	vst v0  }
0x18: {  	[tilespmem:s25+$0x3C50] =	vst v0  }
0x19: {  	[tilespmem:s25+$0x3C60] =	vst v0;
	s25 =	sshra.s32 s26, $0x2;
	s26 =	sadd.s32 $0x200, s26  }
0x1a: {  	[tilespmem:s25+$0x3C70] =	vst v0  }
0x1b: {  	[tilespmem:s25+$0x3C00] =	vst v0  }
0x1c: {  	[tilespmem:s25+$0x3C10] =	vst v0  }
0x1d: {  	[tilespmem:s25+$0x3C20] =	vst v0  }
0x1e: {  	[tilespmem:s25+$0x3C30] =	vst v0  }
0x1f: {  	[tilespmem:s25+$0x3C40] =	vst v0  }
0x20: {  	[tilespmem:s25+$0x3C50] =	vst v0  }
0x21: {  	[tilespmem:s25+$0x3C60] =	vst v0;
	s25 =	simm.s32 @!p0 $0x3C00;
	s26 =	simm.s32 @!p0 $0x5  }
0x22: {  	[spmem:s8] =	stream.linear.scatter @!p0 [tilespmem:s25], [sflag:$0x5], $0x8000, $0x38;
	[tilespmem:$0x1F480] =	vst v63  }
0x23: {  	_ =	swait.ge @!p0 [sflag:s26], $0x8000  }
0x24: {  	[sflag:s26] =	ssyncset.done @!p0 $0x0  }
0x25: {  	[sflag:s26] =	ssyncadd.s32 @!p0 $0xFFFF8000  }
0x26: {  	[spmem:s9] =	stream.linear.scatter @!p0 [tilespmem:s25], [sflag:$0x5], $0x8000, $0x38;
	[tilespmem:$0x1F480] =	vst v63  }
0x27: {  	_ =	swait.ge @!p0 [sflag:s26], $0x8000  }
0x28: {  	[sflag:s26] =	ssyncset.done @!p0 $0x0  }
0x29: {  	[sflag:s26] =	ssyncadd.s32 @!p0 $0xFFFF8000  }
0x2a: {  	[spmem:s10] =	stream.linear.scatter @!p0 [tilespmem:s25], [sflag:$0x5], $0x8000, $0x38;
	[tilespmem:$0x1F480] =	vst v63  }
0x2b: {  	_ =	swait.ge @!p0 [sflag:s26], $0x8000  }
0x2c: {  	[sflag:s26] =	ssyncset.done @!p0 $0x0  }
0x2d: {  	[sflag:s26] =	ssyncadd.s32 @!p0 $0xFFFF8000  }
0x2e: {  	[spmem:s11] =	stream.linear.scatter @!p0 [tilespmem:s25], [sflag:$0x5], $0x7400, $0x38;
	[tilespmem:$0x1F480] =	vst v63  }
0x2f: {  	_ =	swait.ge @!p0 [sflag:s26], $0x7400  }
0x30: {  	[sflag:s26] =	ssyncset.done @!p0 $0x0  }
0x31: {  	p3 =	por $0x1, $0x1;
	p2 =	por $0x0, $0x0;
	[sflag:s26] =	ssyncadd.s32 @!p0 $0xFFFF8C00  }
0x32: {  	s25 =	simm.s32 $0x0;
	s26 =	simm.s32 $0x0;
	[bflag:$0x0] =	sbarrier.arrive $0xFFFF  }
.LBB2_4:
0x33: {  	s26 =	sadd.s32 s12, s26  }
0x34: {  	s26 =	sshrl.u32 s26, $0x3  }
0x35: {  	s28 =	sadd.s32 s2, s26  }
0x36: {  	[tilespmem:s25], [sflag:$0x5] =	stream.linear.gather [hbm4b:s28+s25], $0x1400, $0x38;
	[tilespmem:$0x1F480] =	vst v63  }
0x37: {  	_ =	swait.ge [sflag:s15], $0x1400  }
0x38: {  	[sflag:s15] =	ssyncset.done $0x0  }
0x39: {  	s31 =	sadd.s32 s6, s26;
	[sflag:s15] =	ssyncadd.s32 $0xFFFFEC00  }
0x3a: {  	[tilespmem:s16], [sflag:$0x5] =	stream.linear.gather [hbm4b:s31+s25], $0x1400, $0x38;
	[tilespmem:$0x1F480] =	vst v63  }
0x3b: {  	_ =	swait.ge [sflag:s15], $0x1400  }
0x3c: {  	[sflag:s15] =	ssyncset.done $0x0  }
0x3d: {  	s26 =	sadd.s32 s7, s26;
	[sflag:s15] =	ssyncadd.s32 $0xFFFFEC00  }
0x3e: {  	[tilespmem:s17], [sflag:$0x5] =	stream.linear.gather [hbm4b:s26+s25], $0x1400, $0x38;
	[tilespmem:$0x1F480] =	vst v63  }
0x3f: {  	_ =	swait.ge [sflag:s15], $0x1400  }
0x40: {  	p1 =	por p3, p3;
	[sflag:s15] =	ssyncset.done $0x0  }
0x41: {  	p2 =	por !p2, !p2;
	s26 =	simm.s32 $0x0;
	[sflag:s15] =	ssyncadd.s32 $0xFFFFEC00  }
.LBB2_5:
0x42: {  	p3 =	seq.s32 s26, $0x0  }
0x43: {  	p3 =	por !p2, !p3  }
0x44: {  	p3 =	por !p3, !p3  }
0x45: {  	s28 =	simm.s32 @!p3 $0x3  }
0x46: {  	_ =	swait.ge @!p3 [sflag:s28], $0x4000  }
0x47: {  	[sflag:s28] =	ssyncset.done @!p3 $0x0  }
0x48: {  	[sflag:s28] =	ssyncadd.s32 @!p3 $0xFFFFC000;
	s28 =	simm.s32 @!p3 $0x4  }
0x49: {  	_ =	swait.ge @!p3 [sflag:s28], $0x4000  }
0x4a: {  	s29 =	sshll.u32 s26, $0x8;
	[sflag:s28] =	ssyncset.done @!p3 $0x0  }
0x4b: {  	s30 =	sadd.s32 $0x2800, s29;
	[sflag:s28] =	ssyncadd.s32 @!p3 $0xFFFFC000  }
0x4c: {  	[tilespmem:s19], [sflag:$0x1] =	stream.indirect.gather [hbm4b:s1+s18], $0x80, s29, s18, $0xb8;
	[tilespmem:$0x1F480] =	vst v63  }
0x4d: {  	v1 =	vmov s30;
	s28 =	sor.u32 $0x80, s29  }
0x4e: {  	[tilespmem:s20], [sflag:$0x2] =	stream.indirect.gather [hbm4b:s1+s18], $0x80, s28, s18, $0xb8;
	[tilespmem:$0x1F480] =	vst v63  }
0x4f: {  	_ =	swait.ge [sflag:s21], $0x4000  }
0x50: {  	s30 =	simm.s32 $0x0;
	[sflag:s21] =	ssyncset.done $0x0  }
0x51: {  	s31 =	simm.s32 $0x0;
	s30 =	sand.u32 $0x3FFFFFF0, s30;
	[sflag:s21] =	ssyncadd.s32 $0xFFFFC000  }
0x52: {  	v2 =	vld.idx.msk [tilespmem:v1+s30+$0x0 ss:$0x1], $0xffff;
	s30 =	sand.u32 $0x3FFFF800, s31  }
0x53: {  	v8 =	vld [tilespmem:s30+$0x3CC0]  }
0x54: {  	v4 =	vld [tilespmem:s30+$0x3C20]  }
0x55: {  	v5 =	vld [tilespmem:s30+$0x3C30]  }
0x56: {  	v11 =	vld [tilespmem:s30+$0x3C60]  }
0x57: {  	v12 =	vld [tilespmem:s30+$0x3C70];
	v3 =	vbroadcast v2, $0x0  }
0x58: {  	v13 =	vld [tilespmem:s30+$0x3C80]  }
0x59: {  	v14 =	vld [tilespmem:s30+$0x3C90];
	v4 =	vmul.f32 v4, v3  }
0x5a: {  	v15 =	vld [tilespmem:s30+$0x3CA0];
	v5 =	vmul.f32 v5, v3  }
0x5b: {  	v10 =	vld [tilespmem:s30+$0x3CB0];
	v21 =	vbroadcast v2, $0x1;
	v20 =	vmul.f32 v11, v3;
	[tilespmem:s30+$0x3C20] =	vst v4  }
0x5c: {  	v9 =	vld [tilespmem:s30+$0x3CD0];
	v12 =	vmul.f32 v12, v3;
	[tilespmem:s30+$0x3C30] =	vst v5  }
0x5d: {  	v7 =	vld [tilespmem:s30+$0x4170];
	v13 =	vmul.f32 v13, v21;
	[tilespmem:s30+$0x3C60] =	vst v20  }
0x5e: {  	v23 =	vld [tilespmem:s30+$0x3CF0];
	v14 =	vmul.f32 v14, v21;
	[tilespmem:s30+$0x3C70] =	vst v12  }
0x5f: {  	v24 =	vld [tilespmem:s30+$0x3D00];
	v15 =	vmul.f32 v15, v21;
	[tilespmem:s30+$0x3C80] =	vst v13  }
0x60: {  	v25 =	vld [tilespmem:s30+$0x3D10];
	v10 =	vmul.f32 v10, v21;
	[tilespmem:s30+$0x3C90] =	vst v14  }
0x61: {  	v22 =	vld [tilespmem:s30+$0x3CE0];
	v8 =	vmul.f32 v8, v21;
	[tilespmem:s30+$0x3CA0] =	vst v15  }
0x62: {  	v26 =	vld [tilespmem:s30+$0x3D20];
	v16 =	vbroadcast v2, $0x2;
	v9 =	vmul.f32 v9, v21;
	[tilespmem:s30+$0x3CB0] =	vst v10  }
0x63: {  	v27 =	vld [tilespmem:s30+$0x3D30];
	v11 =	vmul.f32 v23, v21;
	[tilespmem:s30+$0x3CC0] =	vst v8  }
0x64: {  	v28 =	vld [tilespmem:s30+$0x3D40];
	v6 =	vbroadcast v2, $0xA;
	v30 =	vmul.f32 v24, v16;
	[tilespmem:s30+$0x3CD0] =	vst v9  }
0x65: {  	v29 =	vld [tilespmem:s30+$0x3D50];
	v32 =	vmul.f32 v25, v16;
	[tilespmem:s30+$0x3CF0] =	vst v11  }
0x66: {  	v31 =	vld [tilespmem:s30+$0x3D60];
	v4 =	vmul.f32 v7, v6;
	[tilespmem:s30+$0x3D00] =	vst v30  }
0x67: {  	v33 =	vld [tilespmem:s30+$0x3D70];
	v12 =	vmul.f32 v22, v21;
	[tilespmem:s30+$0x3D10] =	vst v32  }
0x68: {  	v34 =	vld [tilespmem:s30+$0x3D80];
	v10 =	vmul.f32 v26, v16;
	[tilespmem:s30+$0x4170] =	vst v4  }
0x69: {  	v35 =	vld [tilespmem:s30+$0x3D90];
	v8 =	vmul.f32 v27, v16;
	[tilespmem:s30+$0x3CE0] =	vst v12  }
0x6a: {  	v36 =	vld [tilespmem:s30+$0x3DA0];
	v9 =	vmul.f32 v28, v16;
	[tilespmem:s30+$0x3D20] =	vst v10  }
0x6b: {  	v37 =	vld [tilespmem:s30+$0x3DB0];
	v39 =	vbroadcast v2, $0x3;
	v11 =	vmul.f32 v31, v16;
	[tilespmem:s30+$0x3D30] =	vst v8  }
0x6c: {  	v38 =	vld [tilespmem:s30+$0x3DC0];
	v13 =	vmul.f32 v33, v16;
	[tilespmem:s30+$0x3D40] =	vst v9  }
0x6d: {  	v40 =	vld [tilespmem:s30+$0x3DD0];
	v14 =	vmul.f32 v34, v39;
	[tilespmem:s30+$0x3D60] =	vst v11  }
0x6e: {  	v41 =	vld [tilespmem:s30+$0x3DE0];
	v12 =	vmul.f32 v29, v16;
	[tilespmem:s30+$0x3D70] =	vst v13  }
0x6f: {  	v42 =	vld [tilespmem:s30+$0x3DF0];
	v10 =	vmul.f32 v35, v39;
	[tilespmem:s30+$0x3D80] =	vst v14  }
0x70: {  	v43 =	vld [tilespmem:s30+$0x3E00];
	v8 =	vmul.f32 v36, v39;
	[tilespmem:s30+$0x3D50] =	vst v12  }
0x71: {  	v44 =	vld [tilespmem:s30+$0x3E10];
	v9 =	vmul.f32 v37, v39;
	[tilespmem:s30+$0x3D90] =	vst v10  }
0x72: {  	v45 =	vld [tilespmem:s30+$0x3E20];
	v11 =	vmul.f32 v40, v39;
	[tilespmem:s30+$0x3DA0] =	vst v8  }
0x73: {  	v46 =	vld [tilespmem:s30+$0x3E30];
	v13 =	vmul.f32 v41, v39;
	[tilespmem:s30+$0x3DB0] =	vst v9  }
0x74: {  	v47 =	vld [tilespmem:s30+$0x3E40];
	v48 =	vbroadcast v2, $0x4;
	v14 =	vmul.f32 v42, v39;
	[tilespmem:s30+$0x3DD0] =	vst v11  }
0x75: {  	v49 =	vld [tilespmem:s30+$0x3E50];
	v12 =	vmul.f32 v38, v39;
	[tilespmem:s30+$0x3DE0] =	vst v13  }
0x76: {  	v50 =	vld [tilespmem:s30+$0x3E60];
	v10 =	vmul.f32 v43, v48;
	[tilespmem:s30+$0x3DF0] =	vst v14  }
0x77: {  	v51 =	vld [tilespmem:s30+$0x3E70];
	v8 =	vmul.f32 v44, v48;
	[tilespmem:s30+$0x3DC0] =	vst v12  }
0x78: {  	v52 =	vld [tilespmem:s30+$0x3E80];
	v9 =	vmul.f32 v45, v48;
	[tilespmem:s30+$0x3E00] =	vst v10  }
0x79: {  	v53 =	vld [tilespmem:s30+$0x3E90];
	v11 =	vmul.f32 v47, v48;
	[tilespmem:s30+$0x3E10] =	vst v8  }
0x7a: {  	v54 =	vld [tilespmem:s30+$0x3EA0];
	v13 =	vmul.f32 v49, v48;
	[tilespmem:s30+$0x3E20] =	vst v9  }
0x7b: {  	v55 =	vld [tilespmem:s30+$0x3EB0];
	v14 =	vmul.f32 v50, v48;
	[tilespmem:s30+$0x3E40] =	vst v11  }
0x7c: {  	v56 =	vld [tilespmem:s30+$0x3EC0];
	v57 =	vbroadcast v2, $0x5;
	v12 =	vmul.f32 v46, v48;
	[tilespmem:s30+$0x3E50] =	vst v13  }
0x7d: {  	v58 =	vld [tilespmem:s30+$0x3ED0];
	v10 =	vmul.f32 v51, v48;
	[tilespmem:s30+$0x3E60] =	vst v14  }
0x7e: {  	v59 =	vld [tilespmem:s30+$0x3EE0];
	v8 =	vmul.f32 v52, v57;
	[tilespmem:s30+$0x3E30] =	vst v12  }
0x7f: {  	v60 =	vld [tilespmem:s30+$0x3EF0];
	v9 =	vmul.f32 v53, v57;
	[tilespmem:s30+$0x3E70] =	vst v10  }
0x80: {  	v61 =	vld [tilespmem:s30+$0x3F00];
	v11 =	vmul.f32 v55, v57;
	[tilespmem:s30+$0x3E80] =	vst v8  }
0x81: {  	v62 =	vld [tilespmem:s30+$0x3F10];
	v13 =	vmul.f32 v56, v57;
	[tilespmem:s30+$0x3E90] =	vst v9  }
0x82: {  	v63 =	vld [tilespmem:s30+$0x3F20];
	v14 =	vmul.f32 v58, v57;
	[tilespmem:s30+$0x3EB0] =	vst v11  }
0x83: {  	v20 =	vld [tilespmem:s30+$0x3F30];
	v12 =	vmul.f32 v54, v57;
	[tilespmem:s30+$0x3EC0] =	vst v13  }
0x84: {  	v21 =	vld [tilespmem:s30+$0x3F40];
	v22 =	vbroadcast v2, $0x6;
	v10 =	vmul.f32 v59, v57;
	[tilespmem:s30+$0x3ED0] =	vst v14  }
0x85: {  	v23 =	vld [tilespmem:s30+$0x3F50];
	v8 =	vmul.f32 v60, v57;
	[tilespmem:s30+$0x3EA0] =	vst v12  }
0x86: {  	v24 =	vld [tilespmem:s30+$0x3F60];
	v9 =	vmul.f32 v61, v22;
	[tilespmem:s30+$0x3EE0] =	vst v10  }
0x87: {  	v25 =	vld [tilespmem:s30+$0x3F70];
	v11 =	vmul.f32 v63, v22;
	[tilespmem:s30+$0x3EF0] =	vst v8  }
0x88: {  	v5 =	vld [tilespmem:s30+$0x4180];
	v13 =	vmul.f32 v20, v22;
	[tilespmem:s30+$0x3F00] =	vst v9  }
0x89: {  	v27 =	vld [tilespmem:s30+$0x3F90];
	v14 =	vmul.f32 v21, v22;
	[tilespmem:s30+$0x3F20] =	vst v11  }
0x8a: {  	v28 =	vld [tilespmem:s30+$0x3FA0];
	v12 =	vmul.f32 v62, v22;
	[tilespmem:s30+$0x3F30] =	vst v13  }
0x8b: {  	v29 =	vld [tilespmem:s30+$0x3FB0];
	v10 =	vmul.f32 v23, v22;
	[tilespmem:s30+$0x3F40] =	vst v14  }
0x8c: {  	v31 =	vbroadcast v2, $0x7;
	v53 =	vld [tilespmem:s30+$0x4100];
	v8 =	vmul.f32 v24, v22;
	[tilespmem:s30+$0x3F10] =	vst v12  }
0x8d: {  	v58 =	vld [tilespmem:s30+$0x4150];
	v9 =	vmul.f32 v25, v22;
	[tilespmem:s30+$0x3F50] =	vst v10  }
0x8e: {  	v26 =	vld [tilespmem:s30+$0x3F80];
	v11 =	vmul.f32 v27, v31;
	[tilespmem:s30+$0x3F60] =	vst v8  }
0x8f: {  	v30 =	vld [tilespmem:s30+$0x3FC0];
	v13 =	vmul.f32 v28, v31;
	[tilespmem:s30+$0x3F70] =	vst v9  }
0x90: {  	v32 =	vld [tilespmem:s30+$0x3FD0];
	v14 =	vmul.f32 v29, v31;
	[tilespmem:s30+$0x3F90] =	vst v11  }
0x91: {  	v33 =	vld [tilespmem:s30+$0x3FE0];
	v59 =	vmul.f32 v53, v6;
	[tilespmem:s30+$0x3FA0] =	vst v13  }
0x92: {  	v35 =	vld [tilespmem:s30+$0x4000];
	v21 =	vmul.f32 v58, v6;
	[tilespmem:s30+$0x3FB0] =	vst v14  }
0x93: {  	v36 =	vld [tilespmem:s30+$0x4010];
	v12 =	vmul.f32 v26, v31;
	[tilespmem:s30+$0x4100] =	vst v59  }
0x94: {  	v37 =	vld [tilespmem:s30+$0x4020];
	v10 =	vmul.f32 v30, v31;
	[tilespmem:s30+$0x4150] =	vst v21  }
0x95: {  	v7 =	vld [tilespmem:s30+$0x4190];
	v40 =	vbroadcast v2, $0x8;
	v8 =	vmul.f32 v32, v31;
	[tilespmem:s30+$0x3F80] =	vst v12  }
0x96: {  	v34 =	vld [tilespmem:s30+$0x3FF0];
	v9 =	vmul.f32 v33, v31;
	[tilespmem:s30+$0x3FC0] =	vst v10  }
0x97: {  	v57 =	vld [tilespmem:s30+$0x4140];
	v11 =	vmul.f32 v35, v40;
	[tilespmem:s30+$0x3FD0] =	vst v8  }
0x98: {  	v61 =	vld [tilespmem:s30+$0x3C00];
	v24 =	vbroadcast v2, $0xB;
	v13 =	vmul.f32 v36, v40;
	[tilespmem:s30+$0x3FE0] =	vst v9  }
0x99: {  	v4 =	vld [tilespmem:s30+$0x43D0];
	v14 =	vmul.f32 v37, v40;
	[tilespmem:s30+$0x4000] =	vst v11  }
0x9a: {  	v38 =	vld [tilespmem:s30+$0x4030];
	v5 =	vmul.f32 v5, v24;
	[tilespmem:s30+$0x4010] =	vst v13  }
0x9b: {  	v39 =	vld [tilespmem:s30+$0x4040];
	v7 =	vmul.f32 v7, v24;
	[tilespmem:s30+$0x4020] =	vst v14  }
0x9c: {  	v41 =	vld [tilespmem:s30+$0x4050];
	v19 =	vmul.f32 v57, v6;
	[tilespmem:s30+$0x4180] =	vst v5  }
0x9d: {  	v43 =	vld [tilespmem:s30+$0x4070];
	v25 =	vmul.f32 v3, v61;
	[tilespmem:s30+$0x4190] =	vst v7  }
0x9e: {  	v44 =	vld [tilespmem:s30+$0x4080];
	v12 =	vmul.f32 v34, v31;
	[tilespmem:s30+$0x4140] =	vst v19  }
0x9f: {  	v45 =	vld [tilespmem:s30+$0x4090];
	v10 =	vmul.f32 v38, v40;
	[tilespmem:s30+$0x3C00] =	vst v25  }
0xa0: {  	v27 =	vld [tilespmem:s30+$0x41D0];
	v8 =	vmul.f32 v39, v40;
	[tilespmem:s30+$0x3FF0] =	vst v12  }
0xa1: {  	v49 =	vbroadcast v2, $0x9;
	v29 =	vld [tilespmem:s30+$0x41F0];
	v9 =	vmul.f32 v41, v40;
	[tilespmem:s30+$0x4030] =	vst v10  }
0xa2: {  	v42 =	vld [tilespmem:s30+$0x4060];
	v11 =	vmul.f32 v43, v40;
	[tilespmem:s30+$0x4040] =	vst v8  }
0xa3: {  	v46 =	vld [tilespmem:s30+$0x40A0];
	v13 =	vmul.f32 v44, v49;
	[tilespmem:s30+$0x4050] =	vst v9  }
0xa4: {  	v47 =	vld [tilespmem:s30+$0x40B0];
	v14 =	vmul.f32 v45, v49;
	[tilespmem:s30+$0x4070] =	vst v11  }
0xa5: {  	v48 =	vld [tilespmem:s30+$0x40C0];
	v32 =	vmul.f32 v27, v24;
	[tilespmem:s30+$0x4080] =	vst v13  }
0xa6: {  	v51 =	vld [tilespmem:s30+$0x40E0];
	v7 =	vmul.f32 v29, v24;
	[tilespmem:s30+$0x4090] =	vst v14  }
0xa7: {  	v52 =	vld [tilespmem:s30+$0x40F0];
	v12 =	vmul.f32 v42, v40;
	[tilespmem:s30+$0x41D0] =	vst v32  }
0xa8: {  	v10 =	vmul.f32 v46, v49;
	[tilespmem:s30+$0x41F0] =	vst v7  }
0xa9: {  	v28 =	vld [tilespmem:s30+$0x41E0];
	v8 =	vmul.f32 v47, v49;
	[tilespmem:s30+$0x4060] =	vst v12  }
0xaa: {  	v30 =	vld [tilespmem:s30+$0x4200];
	v9 =	vmul.f32 v48, v49;
	[tilespmem:s30+$0x40A0] =	vst v10  }
0xab: {  	v50 =	vld [tilespmem:s30+$0x40D0];
	v5 =	vbroadcast v2, $0xF;
	v11 =	vmul.f32 v51, v49;
	[tilespmem:s30+$0x40B0] =	vst v8  }
0xac: {  	v54 =	vld [tilespmem:s30+$0x4110];
	v13 =	vmul.f32 v52, v49;
	[tilespmem:s30+$0x40C0] =	vst v9  }
0xad: {  	v55 =	vld [tilespmem:s30+$0x4120];
	v35 =	vbroadcast v2, $0xC;
	v4 =	vmul.f32 v4, v5;
	[tilespmem:s30+$0x40E0] =	vst v11  }
0xae: {  	v56 =	vld [tilespmem:s30+$0x4130];
	v40 =	vmul.f32 v28, v24;
	[tilespmem:s30+$0x40F0] =	vst v13  }
0xaf: {  	v60 =	vld [tilespmem:s30+$0x4160];
	v16 =	vmul.f32 v30, v35;
	[tilespmem:s30+$0x43D0] =	vst v4  }
0xb0: {  	v62 =	vld [tilespmem:s30+$0x3C10];
	v12 =	vmul.f32 v50, v49;
	[tilespmem:s30+$0x41E0] =	vst v40  }
0xb1: {  	v63 =	vld [tilespmem:s30+$0x3C40];
	v10 =	vmul.f32 v54, v6;
	[tilespmem:s30+$0x4200] =	vst v16  }
0xb2: {  	v20 =	vld [tilespmem:s30+$0x3C50];
	v8 =	vmul.f32 v55, v6;
	[tilespmem:s30+$0x40D0] =	vst v12  }
0xb3: {  	v33 =	vld [tilespmem:s30+$0x4230];
	v9 =	vmul.f32 v56, v6;
	[tilespmem:s30+$0x4110] =	vst v10  }
0xb4: {  	v61 =	vld [tilespmem:s30+$0x43F0];
	v6 =	vmul.f32 v60, v6;
	[tilespmem:s30+$0x4120] =	vst v8  }
0xb5: {  	v38 =	vld [tilespmem:s30+$0x4270];
	v13 =	vmul.f32 v62, v3;
	[tilespmem:s30+$0x4130] =	vst v9  }
0xb6: {  	v22 =	vld [tilespmem:s30+$0x41A0];
	v4 =	vmul.f32 v63, v3;
	[tilespmem:s30+$0x4160] =	vst v6  }
0xb7: {  	v23 =	vld [tilespmem:s30+$0x41B0];
	v3 =	vmul.f32 v20, v3;
	[tilespmem:s30+$0x3C10] =	vst v13  }
0xb8: {  	v26 =	vld [tilespmem:s30+$0x41C0];
	v62 =	vmul.f32 v33, v35;
	[tilespmem:s30+$0x3C40] =	vst v4  }
0xb9: {  	v31 =	vld [tilespmem:s30+$0x4210];
	v63 =	vmul.f32 v61, v5;
	[tilespmem:s30+$0x3C50] =	vst v3  }
0xba: {  	v34 =	vld [tilespmem:s30+$0x4240];
	v16 =	vmul.f32 v38, v35;
	[tilespmem:s30+$0x4230] =	vst v62  }
0xbb: {  	v41 =	vld [tilespmem:s30+$0x42A0];
	v8 =	vmul.f32 v22, v24;
	[tilespmem:s30+$0x43F0] =	vst v63  }
0xbc: {  	v46 =	vld [tilespmem:s30+$0x42E0];
	v9 =	vmul.f32 v23, v24;
	[tilespmem:s30+$0x4270] =	vst v16  }
0xbd: {  	v6 =	vmul.f32 v26, v24;
	v3 =	vld [tilespmem:s30+$0x4290];
	[tilespmem:s30+$0x41A0] =	vst v8  }
0xbe: {  	v36 =	vld [tilespmem:s30+$0x4250];
	v44 =	vbroadcast v2, $0xD;
	v10 =	vmul.f32 v31, v35;
	[tilespmem:s30+$0x41B0] =	vst v9  }
0xbf: {  	v37 =	vld [tilespmem:s30+$0x4260];
	v13 =	vmul.f32 v34, v35;
	[tilespmem:s30+$0x41C0] =	vst v6  }
0xc0: {  	v39 =	vld [tilespmem:s30+$0x4280];
	v12 =	vmul.f32 v41, v44;
	[tilespmem:s30+$0x4210] =	vst v10  }
0xc1: {  	v42 =	vld [tilespmem:s30+$0x42B0];
	v51 =	vmul.f32 v46, v44;
	[tilespmem:s30+$0x4240] =	vst v13  }
0xc2: {  	v48 =	vld [tilespmem:s30+$0x4310];
	[tilespmem:s30+$0x42A0] =	vst v12;
	v3 =	vmul.f32 v3, v44  }
0xc3: {  	v49 =	vld [tilespmem:s30+$0x4320];
	v9 =	vmul.f32 v36, v35;
	[tilespmem:s30+$0x42E0] =	vst v51  }
0xc4: {  	v6 =	vmul.f32 v37, v35;
	[tilespmem:s30+$0x4290] =	vst v3;
	v3 =	vld [tilespmem:s30+$0x4300]  }
0xc5: {  	v2 =	vbroadcast v2, $0xE;
	v50 =	vld [tilespmem:s30+$0x4330];
	v10 =	vmul.f32 v39, v44;
	[tilespmem:s30+$0x4250] =	vst v9  }
0xc6: {  	v45 =	vld [tilespmem:s30+$0x42D0];
	v13 =	vmul.f32 v42, v44;
	[tilespmem:s30+$0x4260] =	vst v6  }
0xc7: {  	v47 =	vld [tilespmem:s30+$0x42F0];
	v12 =	vmul.f32 v48, v2;
	[tilespmem:s30+$0x4280] =	vst v10  }
0xc8: {  	v43 =	vld [tilespmem:s30+$0x42C0];
	v11 =	vmul.f32 v49, v2;
	[tilespmem:s30+$0x42B0] =	vst v13  }
0xc9: {  	v55 =	vld [tilespmem:s30+$0x4380];
	[tilespmem:s30+$0x4310] =	vst v12;
	v3 =	vmul.f32 v3, v2  }
0xca: {  	v57 =	vld [tilespmem:s30+$0x43A0];
	v7 =	vmul.f32 v50, v2;
	[tilespmem:s30+$0x4320] =	vst v11  }
0xcb: {  	v6 =	vmul.f32 v45, v44;
	[tilespmem:s30+$0x4300] =	vst v3;
	v3 =	vld [tilespmem:s30+$0x4370]  }
0xcc: {  	v52 =	vld [tilespmem:s30+$0x4340];
	v10 =	vmul.f32 v47, v44;
	[tilespmem:s30+$0x4330] =	vst v7  }
0xcd: {  	v56 =	vld [tilespmem:s30+$0x4390];
	v9 =	vmul.f32 v43, v44;
	[tilespmem:s30+$0x42D0] =	vst v6  }
0xce: {  	v54 =	vld [tilespmem:s30+$0x4360];
	v12 =	vmul.f32 v55, v5;
	[tilespmem:s30+$0x42F0] =	vst v10  }
0xcf: {  	v58 =	vld [tilespmem:s30+$0x43B0];
	v7 =	vmul.f32 v57, v5;
	[tilespmem:s30+$0x42C0] =	vst v9  }
0xd0: {  	v53 =	vld [tilespmem:s30+$0x4350];
	[tilespmem:s30+$0x4380] =	vst v12;
	v3 =	vmul.f32 v3, v2  }
0xd1: {  	v59 =	vld [tilespmem:s30+$0x43C0];
	v6 =	vmul.f32 v52, v2;
	[tilespmem:s30+$0x43A0] =	vst v7  }
0xd2: {  	v60 =	vld [tilespmem:s30+$0x43E0];
	[tilespmem:s30+$0x4370] =	vst v3;
	v3 =	vmul.f32 v56, v5  }
0xd3: {  	v10 =	vmul.f32 v54, v2;
	[tilespmem:s30+$0x4340] =	vst v6  }
0xd4: {  	v4 =	vld [tilespmem:s30+$0x4220];
	[tilespmem:s30+$0x4390] =	vst v3;
	v3 =	vmul.f32 v58, v5  }
0xd5: {  	[tilespmem:s30+$0x4360] =	vst v10;
	v2 =	vmul.f32 v53, v2  }
0xd6: {  	[tilespmem:s30+$0x43B0] =	vst v3;
	v3 =	vmul.f32 v59, v5  }
0xd7: {  	[tilespmem:s30+$0x4350] =	vst v2;
	v5 =	vmul.f32 v60, v5  }
0xd8: {  	[tilespmem:s30+$0x43C0] =	vst v3  }
0xd9: {  	s31 =	simm.s32 $0x1;
	v3 =	vmul.f32 v4, v35;
	[tilespmem:s30+$0x43E0] =	vst v5  }
.LBB2_6:
0xda: {  	s0 =	sshll.u32 s31, $0x4  }
0xdb: {  	p3 =	sne.s32 s31, $0x7;
	[tilespmem:s30+$0x4220] =	vst v3;
	s30 =	smov.u32 s31;
	s31 =	sadd.s32 $0x1, s31  }
0xdc: {  	s0 =	sand.u32 $0x3FFFFFF0, s0  }
0xdd: {  	v2 =	vld.idx.msk [tilespmem:v1+s0+$0x0 ss:$0x1], $0xffff  }
0xde: {  	s0 =	sshll.u32 s30, $0xB  }
0xdf: {  	s30 =	sand.u32 $0x3FFFF800, s0  }
0xe0: {  	v9 =	vld [tilespmem:s30+$0x3CC0]  }
0xe1: {  	v10 =	vld [tilespmem:s30+$0x3CD0]  }
0xe2: {  	v11 =	vld [tilespmem:s30+$0x3CB0]  }
0xe3: {  	v3 =	vbroadcast v2, $0x0;
	v8 =	vbroadcast v2, $0x4;
	v4 =	vld [tilespmem:s30+$0x3C20]  }
0xe4: {  	v6 =	vld [tilespmem:s30+$0x3C30]  }
0xe5: {  	v7 =	vld [tilespmem:s30+$0x4170]  }
0xe6: {  	v12 =	vld [tilespmem:s30+$0x3C60]  }
0xe7: {  	v13 =	vld [tilespmem:s30+$0x3C70]  }
0xe8: {  	v5 =	vbroadcast v2, $0xA;
	v4 =	vmul.f32 v4, v3;
	v14 =	vld [tilespmem:s30+$0x3C80]  }
0xe9: {  	v6 =	vmul.f32 v6, v3;
	v15 =	vld [tilespmem:s30+$0x3C90]  }
0xea: {  	[tilespmem:s30+$0x3C20] =	vst v4;
	v16 =	vld [tilespmem:s30+$0x3CA0];
	v4 =	vmul.f32 v7, v5  }
0xeb: {  	[tilespmem:s30+$0x3C30] =	vst v6;
	v7 =	vmul.f32 v12, v3;
	v12 =	vbroadcast v2, $0x1;
	v6 =	vld [tilespmem:s30+$0x4180]  }
0xec: {  	v13 =	vmul.f32 v13, v3;
	[tilespmem:s30+$0x4170] =	vst v4;
	v4 =	vld [tilespmem:s30+$0x43D0]  }
0xed: {  	[tilespmem:s30+$0x3C60] =	vst v7;
	v14 =	vmul.f32 v14, v12;
	v7 =	vld [tilespmem:s30+$0x4190]  }
0xee: {  	[tilespmem:s30+$0x3C70] =	vst v13;
	v13 =	vmul.f32 v15, v12;
	v15 =	vld [tilespmem:s30+$0x3CE0]  }
0xef: {  	[tilespmem:s30+$0x3C80] =	vst v14;
	v14 =	vmul.f32 v16, v12;
	v16 =	vld [tilespmem:s30+$0x3CF0]  }
0xf0: {  	v11 =	vmul.f32 v11, v12;
	[tilespmem:s30+$0x3C90] =	vst v13;
	v13 =	vld [tilespmem:s30+$0x3D00]  }
0xf1: {  	v9 =	vmul.f32 v9, v12;
	[tilespmem:s30+$0x3CA0] =	vst v14;
	v14 =	vld [tilespmem:s30+$0x3D10]  }
0xf2: {  	v10 =	vmul.f32 v10, v12;
	[tilespmem:s30+$0x3CB0] =	vst v11;
	v11 =	vld [tilespmem:s30+$0x3D20]  }
0xf3: {  	[tilespmem:s30+$0x3CC0] =	vst v9;
	v9 =	vmul.f32 v15, v12;
	v15 =	vbroadcast v2, $0x2;
	v17 =	vld [tilespmem:s30+$0x3D30]  }
0xf4: {  	[tilespmem:s30+$0x3CD0] =	vst v10;
	v10 =	vmul.f32 v16, v12;
	v12 =	vld [tilespmem:s30+$0x3D40]  }
0xf5: {  	[tilespmem:s30+$0x3CE0] =	vst v9;
	v9 =	vmul.f32 v13, v15;
	v13 =	vld [tilespmem:s30+$0x3D50]  }
0xf6: {  	[tilespmem:s30+$0x3CF0] =	vst v10;
	v10 =	vmul.f32 v14, v15;
	v14 =	vld [tilespmem:s30+$0x3D60]  }
0xf7: {  	[tilespmem:s30+$0x3D00] =	vst v9;
	v9 =	vmul.f32 v11, v15;
	v11 =	vld [tilespmem:s30+$0x3D70]  }
0xf8: {  	[tilespmem:s30+$0x3D10] =	vst v10;
	v10 =	vmul.f32 v17, v15;
	v16 =	vld [tilespmem:s30+$0x3D80]  }
0xf9: {  	[tilespmem:s30+$0x3D20] =	vst v9;
	v9 =	vmul.f32 v12, v15;
	v12 =	vld [tilespmem:s30+$0x3D90]  }
0xfa: {  	[tilespmem:s30+$0x3D30] =	vst v10;
	v10 =	vmul.f32 v13, v15;
	v13 =	vld [tilespmem:s30+$0x3DA0]  }
0xfb: {  	[tilespmem:s30+$0x3D40] =	vst v9;
	v9 =	vmul.f32 v14, v15;
	v14 =	vbroadcast v2, $0x3;
	v17 =	vld [tilespmem:s30+$0x3DB0]  }
0xfc: {  	[tilespmem:s30+$0x3D50] =	vst v10;
	v10 =	vmul.f32 v11, v15;
	v11 =	vld [tilespmem:s30+$0x3DC0]  }
0xfd: {  	[tilespmem:s30+$0x3D60] =	vst v9;
	v9 =	vmul.f32 v16, v14;
	v15 =	vld [tilespmem:s30+$0x3DD0]  }
0xfe: {  	[tilespmem:s30+$0x3D70] =	vst v10;
	v10 =	vmul.f32 v12, v14;
	v12 =	vld [tilespmem:s30+$0x3DE0]  }
0xff: {  	[tilespmem:s30+$0x3D80] =	vst v9;
	v9 =	vmul.f32 v13, v14;
	v13 =	vld [tilespmem:s30+$0x3DF0]  }
0x100: {  	[tilespmem:s30+$0x3D90] =	vst v10;
	v10 =	vmul.f32 v17, v14;
	v16 =	vld [tilespmem:s30+$0x3E00]  }
0x101: {  	[tilespmem:s30+$0x3DA0] =	vst v9;
	v9 =	vmul.f32 v11, v14;
	v11 =	vld [tilespmem:s30+$0x3E10]  }
0x102: {  	[tilespmem:s30+$0x3DB0] =	vst v10;
	v10 =	vmul.f32 v15, v14;
	v15 =	vld [tilespmem:s30+$0x3E20]  }
0x103: {  	[tilespmem:s30+$0x3DC0] =	vst v9;
	v9 =	vmul.f32 v12, v14;
	v12 =	vld [tilespmem:s30+$0x3E30]  }
0x104: {  	[tilespmem:s30+$0x3DD0] =	vst v10;
	v10 =	vmul.f32 v13, v14;
	v13 =	vld [tilespmem:s30+$0x3E40]  }
0x105: {  	[tilespmem:s30+$0x3DE0] =	vst v9;
	v9 =	vmul.f32 v16, v8;
	v14 =	vld [tilespmem:s30+$0x3E50]  }
0x106: {  	[tilespmem:s30+$0x3DF0] =	vst v10;
	v10 =	vmul.f32 v11, v8;
	v11 =	vld [tilespmem:s30+$0x3E60]  }
0x107: {  	[tilespmem:s30+$0x3E00] =	vst v9;
	v9 =	vmul.f32 v15, v8;
	v15 =	vld [tilespmem:s30+$0x3E70]  }
0x108: {  	[tilespmem:s30+$0x3E10] =	vst v10;
	v10 =	vmul.f32 v12, v8;
	v12 =	vld [tilespmem:s30+$0x3E80]  }
0x109: {  	[tilespmem:s30+$0x3E20] =	vst v9;
	v9 =	vmul.f32 v13, v8;
	v13 =	vld [tilespmem:s30+$0x3E90]  }
0x10a: {  	[tilespmem:s30+$0x3E30] =	vst v10;
	v10 =	vmul.f32 v14, v8;
	v14 =	vld [tilespmem:s30+$0x3EA0]  }
0x10b: {  	[tilespmem:s30+$0x3E40] =	vst v9;
	v9 =	vmul.f32 v11, v8;
	v11 =	vbroadcast v2, $0x5;
	v16 =	vld [tilespmem:s30+$0x3EB0]  }
0x10c: {  	[tilespmem:s30+$0x3E50] =	vst v10;
	v8 =	vmul.f32 v15, v8;
	v10 =	vld [tilespmem:s30+$0x3EC0]  }
0x10d: {  	[tilespmem:s30+$0x3E60] =	vst v9;
	v9 =	vmul.f32 v12, v11;
	v12 =	vld [tilespmem:s30+$0x3ED0]  }
0x10e: {  	[tilespmem:s30+$0x3E70] =	vst v8;
	v8 =	vmul.f32 v13, v11;
	v13 =	vld [tilespmem:s30+$0x3EE0]  }
0x10f: {  	[tilespmem:s30+$0x3E80] =	vst v9;
	v9 =	vmul.f32 v14, v11;
	v14 =	vld [tilespmem:s30+$0x3EF0]  }
0x110: {  	[tilespmem:s30+$0x3E90] =	vst v8;
	v8 =	vmul.f32 v16, v11;
	v15 =	vld [tilespmem:s30+$0x3F00]  }
0x111: {  	[tilespmem:s30+$0x3EA0] =	vst v9;
	v9 =	vmul.f32 v10, v11;
	v10 =	vld [tilespmem:s30+$0x3F10]  }
0x112: {  	[tilespmem:s30+$0x3EB0] =	vst v8;
	v8 =	vmul.f32 v12, v11;
	v12 =	vld [tilespmem:s30+$0x3F20]  }
0x113: {  	[tilespmem:s30+$0x3EC0] =	vst v9;
	v9 =	vmul.f32 v13, v11;
	v13 =	vbroadcast v2, $0x6;
	v16 =	vld [tilespmem:s30+$0x3F30]  }
0x114: {  	[tilespmem:s30+$0x3ED0] =	vst v8;
	v8 =	vmul.f32 v14, v11;
	v11 =	vld [tilespmem:s30+$0x3F40]  }
0x115: {  	[tilespmem:s30+$0x3EE0] =	vst v9;
	v9 =	vmul.f32 v15, v13;
	v14 =	vld [tilespmem:s30+$0x3F50]  }
0x116: {  	[tilespmem:s30+$0x3EF0] =	vst v8;
	v8 =	vmul.f32 v10, v13;
	v10 =	vld [tilespmem:s30+$0x3F60]  }
0x117: {  	[tilespmem:s30+$0x3F00] =	vst v9;
	v9 =	vmul.f32 v12, v13;
	v12 =	vld [tilespmem:s30+$0x3F70]  }
0x118: {  	[tilespmem:s30+$0x3F10] =	vst v8;
	v8 =	vmul.f32 v16, v13;
	v15 =	vld [tilespmem:s30+$0x3F80]  }
0x119: {  	[tilespmem:s30+$0x3F20] =	vst v9;
	v9 =	vmul.f32 v11, v13;
	v11 =	vld [tilespmem:s30+$0x3F90]  }
0x11a: {  	[tilespmem:s30+$0x3F30] =	vst v8;
	v8 =	vmul.f32 v14, v13;
	v14 =	vld [tilespmem:s30+$0x3FA0]  }
0x11b: {  	[tilespmem:s30+$0x3F40] =	vst v9;
	v9 =	vmul.f32 v10, v13;
	v10 =	vbroadcast v2, $0x7;
	v16 =	vld [tilespmem:s30+$0x3FB0]  }
0x11c: {  	[tilespmem:s30+$0x3F50] =	vst v8;
	v8 =	vmul.f32 v12, v13;
	v12 =	vld [tilespmem:s30+$0x3FC0]  }
0x11d: {  	[tilespmem:s30+$0x3F60] =	vst v9;
	v9 =	vmul.f32 v15, v10;
	v13 =	vld [tilespmem:s30+$0x3FD0]  }
0x11e: {  	[tilespmem:s30+$0x3F70] =	vst v8;
	v8 =	vmul.f32 v11, v10;
	v11 =	vld [tilespmem:s30+$0x3FE0]  }
0x11f: {  	[tilespmem:s30+$0x3F80] =	vst v9;
	v9 =	vmul.f32 v14, v10;
	v14 =	vld [tilespmem:s30+$0x3FF0]  }
0x120: {  	[tilespmem:s30+$0x3F90] =	vst v8;
	v8 =	vmul.f32 v16, v10;
	v15 =	vld [tilespmem:s30+$0x4000]  }
0x121: {  	[tilespmem:s30+$0x3FA0] =	vst v9;
	v9 =	vmul.f32 v12, v10;
	v12 =	vld [tilespmem:s30+$0x4010]  }
0x122: {  	[tilespmem:s30+$0x3FB0] =	vst v8;
	v8 =	vmul.f32 v13, v10;
	v13 =	vld [tilespmem:s30+$0x4020]  }
0x123: {  	[tilespmem:s30+$0x3FC0] =	vst v9;
	v9 =	vmul.f32 v11, v10;
	v11 =	vbroadcast v2, $0x8;
	v16 =	vld [tilespmem:s30+$0x4030]  }
0x124: {  	[tilespmem:s30+$0x3FD0] =	vst v8;
	v8 =	vmul.f32 v14, v10;
	v10 =	vld [tilespmem:s30+$0x4040]  }
0x125: {  	[tilespmem:s30+$0x3FE0] =	vst v9;
	v9 =	vmul.f32 v15, v11;
	v14 =	vld [tilespmem:s30+$0x4050]  }
0x126: {  	[tilespmem:s30+$0x3FF0] =	vst v8;
	v8 =	vmul.f32 v12, v11;
	v12 =	vld [tilespmem:s30+$0x4060]  }
0x127: {  	[tilespmem:s30+$0x4000] =	vst v9;
	v9 =	vmul.f32 v13, v11;
	v13 =	vld [tilespmem:s30+$0x4070]  }
0x128: {  	[tilespmem:s30+$0x4010] =	vst v8;
	v8 =	vmul.f32 v16, v11;
	v15 =	vld [tilespmem:s30+$0x4080]  }
0x129: {  	[tilespmem:s30+$0x4020] =	vst v9;
	v9 =	vmul.f32 v10, v11;
	v10 =	vld [tilespmem:s30+$0x4090]  }
0x12a: {  	[tilespmem:s30+$0x4030] =	vst v8;
	v8 =	vmul.f32 v14, v11;
	v14 =	vld [tilespmem:s30+$0x40A0]  }
0x12b: {  	[tilespmem:s30+$0x4040] =	vst v9;
	v9 =	vmul.f32 v12, v11;
	v12 =	vbroadcast v2, $0x9;
	v16 =	vld [tilespmem:s30+$0x40B0]  }
0x12c: {  	[tilespmem:s30+$0x4050] =	vst v8;
	v8 =	vmul.f32 v13, v11;
	v11 =	vld [tilespmem:s30+$0x40C0]  }
0x12d: {  	[tilespmem:s30+$0x4060] =	vst v9;
	v9 =	vmul.f32 v15, v12;
	v13 =	vld [tilespmem:s30+$0x40D0]  }
0x12e: {  	[tilespmem:s30+$0x4070] =	vst v8;
	v8 =	vmul.f32 v10, v12;
	v10 =	vld [tilespmem:s30+$0x40E0]  }
0x12f: {  	[tilespmem:s30+$0x4080] =	vst v9;
	v9 =	vmul.f32 v14, v12;
	v14 =	vld [tilespmem:s30+$0x40F0]  }
0x130: {  	[tilespmem:s30+$0x4090] =	vst v8;
	v8 =	vmul.f32 v16, v12;
	v15 =	vld [tilespmem:s30+$0x4100]  }
0x131: {  	[tilespmem:s30+$0x40A0] =	vst v9;
	v9 =	vmul.f32 v11, v12;
	v11 =	vld [tilespmem:s30+$0x4110]  }
0x132: {  	[tilespmem:s30+$0x40B0] =	vst v8;
	v8 =	vmul.f32 v13, v12;
	v13 =	vld [tilespmem:s30+$0x4120]  }
0x133: {  	[tilespmem:s30+$0x40C0] =	vst v9;
	v9 =	vmul.f32 v10, v12;
	v10 =	vld [tilespmem:s30+$0x4130]  }
0x134: {  	[tilespmem:s30+$0x40D0] =	vst v8;
	v8 =	vmul.f32 v14, v12;
	v12 =	vld [tilespmem:s30+$0x4140]  }
0x135: {  	[tilespmem:s30+$0x40E0] =	vst v9;
	v9 =	vmul.f32 v15, v5;
	v14 =	vld [tilespmem:s30+$0x4150]  }
0x136: {  	[tilespmem:s30+$0x40F0] =	vst v8;
	v8 =	vmul.f32 v11, v5;
	v11 =	vld [tilespmem:s30+$0x4160]  }
0x137: {  	v15 =	vld [tilespmem:s30+$0x3C00];
	[tilespmem:s30+$0x4100] =	vst v9;
	v9 =	vmul.f32 v13, v5  }
0x138: {  	v13 =	vld [tilespmem:s30+$0x3C10];
	[tilespmem:s30+$0x4110] =	vst v8;
	v8 =	vmul.f32 v10, v5  }
0x139: {  	v10 =	vld [tilespmem:s30+$0x3C40];
	[tilespmem:s30+$0x4120] =	vst v9;
	v9 =	vmul.f32 v12, v5  }
0x13a: {  	v12 =	vld [tilespmem:s30+$0x3C50];
	[tilespmem:s30+$0x4130] =	vst v8;
	v8 =	vmul.f32 v14, v5  }
0x13b: {  	[tilespmem:s30+$0x4140] =	vst v9;
	v9 =	vmul.f32 v11, v5;
	v11 =	vbroadcast v2, $0xB;
	v14 =	vld [tilespmem:s30+$0x41A0]  }
0x13c: {  	v5 =	vbroadcast v2, $0xF;
	v15 =	vmul.f32 v3, v15;
	[tilespmem:s30+$0x4150] =	vst v8;
	v8 =	vld [tilespmem:s30+$0x41B0]  }
0x13d: {  	v13 =	vmul.f32 v13, v3;
	[tilespmem:s30+$0x4160] =	vst v9;
	v6 =	vmul.f32 v6, v11;
	v9 =	vld [tilespmem:s30+$0x41C0]  }
0x13e: {  	v7 =	vmul.f32 v7, v11;
	[tilespmem:s30+$0x3C00] =	vst v15;
	v10 =	vmul.f32 v10, v3;
	v15 =	vld [tilespmem:s30+$0x41D0]  }
0x13f: {  	v4 =	vmul.f32 v4, v5;
	v12 =	vmul.f32 v12, v3;
	[tilespmem:s30+$0x4180] =	vst v6;
	v3 =	vld [tilespmem:s30+$0x41E0]  }
0x140: {  	[tilespmem:s30+$0x4190] =	vst v7;
	v6 =	vmul.f32 v14, v11;
	v7 =	vld [tilespmem:s30+$0x41F0]  }
0x141: {  	v8 =	vmul.f32 v8, v11;
	v14 =	vld [tilespmem:s30+$0x4200];
	[tilespmem:s30+$0x43D0] =	vst v4  }
0x142: {  	[tilespmem:s30+$0x3C10] =	vst v13;
	v4 =	vmul.f32 v9, v11;
	v9 =	vld [tilespmem:s30+$0x4210]  }
0x143: {  	[tilespmem:s30+$0x3C40] =	vst v10;
	v10 =	vmul.f32 v15, v11;
	v13 =	vld [tilespmem:s30+$0x4220]  }
0x144: {  	v15 =	vbroadcast v2, $0xC;
	[tilespmem:s30+$0x41A0] =	vst v6;
	v6 =	vmul.f32 v3, v11;
	v16 =	vld [tilespmem:s30+$0x4230]  }
0x145: {  	[tilespmem:s30+$0x41D0] =	vst v10;
	v7 =	vmul.f32 v7, v11;
	v10 =	vld [tilespmem:s30+$0x4240]  }
0x146: {  	[tilespmem:s30+$0x41B0] =	vst v8;
	v3 =	vmul.f32 v14, v15;
	v8 =	vld [tilespmem:s30+$0x4250]  }
0x147: {  	[tilespmem:s30+$0x41C0] =	vst v4;
	v4 =	vmul.f32 v9, v15;
	v9 =	vld [tilespmem:s30+$0x4260]  }
0x148: {  	[tilespmem:s30+$0x4200] =	vst v3;
	v3 =	vmul.f32 v13, v15;
	v11 =	vld [tilespmem:s30+$0x4270]  }
0x149: {  	[tilespmem:s30+$0x4210] =	vst v4;
	v4 =	vld [tilespmem:s30+$0x4280]  }
0x14a: {  	[tilespmem:s30+$0x3C50] =	vst v12;
	v10 =	vmul.f32 v10, v15;
	v12 =	vld [tilespmem:s30+$0x4290]  }
0x14b: {  	[tilespmem:s30+$0x41E0] =	vst v6;
	v6 =	vmul.f32 v8, v15;
	v8 =	vld [tilespmem:s30+$0x42A0]  }
0x14c: {  	[tilespmem:s30+$0x4240] =	vst v10;
	v9 =	vmul.f32 v9, v15;
	v10 =	vbroadcast v2, $0xD;
	v13 =	vld [tilespmem:s30+$0x42B0]  }
0x14d: {  	[tilespmem:s30+$0x4250] =	vst v6;
	v6 =	vmul.f32 v11, v15;
	v11 =	vld [tilespmem:s30+$0x42C0]  }
0x14e: {  	[tilespmem:s30+$0x4260] =	vst v9;
	v4 =	vmul.f32 v4, v10;
	v9 =	vld [tilespmem:s30+$0x42D0]  }
0x14f: {  	[tilespmem:s30+$0x4270] =	vst v6;
	v6 =	vmul.f32 v12, v10;
	v12 =	vld [tilespmem:s30+$0x42E0]  }
0x150: {  	[tilespmem:s30+$0x4280] =	vst v4;
	v4 =	vmul.f32 v8, v10;
	v8 =	vld [tilespmem:s30+$0x42F0]  }
0x151: {  	[tilespmem:s30+$0x4290] =	vst v6;
	v6 =	vmul.f32 v13, v10;
	v13 =	vld [tilespmem:s30+$0x4300]  }
0x152: {  	[tilespmem:s30+$0x42A0] =	vst v4;
	v4 =	vmul.f32 v11, v10;
	v11 =	vld [tilespmem:s30+$0x4310]  }
0x153: {  	[tilespmem:s30+$0x42B0] =	vst v6;
	v6 =	vmul.f32 v9, v10;
	v9 =	vld [tilespmem:s30+$0x4320]  }
0x154: {  	v2 =	vbroadcast v2, $0xE;
	[tilespmem:s30+$0x41F0] =	vst v7;
	v7 =	vmul.f32 v12, v10;
	v12 =	vld [tilespmem:s30+$0x4330]  }
0x155: {  	[tilespmem:s30+$0x42D0] =	vst v6;
	v6 =	vmul.f32 v8, v10;
	v8 =	vld [tilespmem:s30+$0x4340]  }
0x156: {  	[tilespmem:s30+$0x42E0] =	vst v7;
	v7 =	vmul.f32 v13, v2;
	v10 =	vld [tilespmem:s30+$0x4350]  }
0x157: {  	[tilespmem:s30+$0x42F0] =	vst v6;
	v6 =	vmul.f32 v11, v2;
	v11 =	vld [tilespmem:s30+$0x4360]  }
0x158: {  	[tilespmem:s30+$0x4300] =	vst v7;
	v7 =	vmul.f32 v9, v2;
	v9 =	vld [tilespmem:s30+$0x4370]  }
0x159: {  	[tilespmem:s30+$0x4310] =	vst v6;
	v6 =	vmul.f32 v12, v2;
	v12 =	vld [tilespmem:s30+$0x4380]  }
0x15a: {  	[tilespmem:s30+$0x4320] =	vst v7;
	v7 =	vmul.f32 v8, v2;
	v8 =	vld [tilespmem:s30+$0x4390]  }
0x15b: {  	[tilespmem:s30+$0x4330] =	vst v6;
	v6 =	vmul.f32 v10, v2;
	v10 =	vld [tilespmem:s30+$0x43A0]  }
0x15c: {  	[tilespmem:s30+$0x4340] =	vst v7;
	v7 =	vmul.f32 v11, v2;
	v11 =	vld [tilespmem:s30+$0x43B0]  }
0x15d: {  	[tilespmem:s30+$0x42C0] =	vst v4;
	v2 =	vmul.f32 v9, v2;
	v4 =	vld [tilespmem:s30+$0x43C0]  }
0x15e: {  	[tilespmem:s30+$0x4360] =	vst v7;
	v7 =	vmul.f32 v12, v5;
	v9 =	vld [tilespmem:s30+$0x43E0]  }
0x15f: {  	[tilespmem:s30+$0x4370] =	vst v2;
	v2 =	vmul.f32 v8, v5;
	v8 =	vld [tilespmem:s30+$0x43F0]  }
0x160: {  	[tilespmem:s30+$0x4380] =	vst v7;
	v7 =	vmul.f32 v10, v5  }
0x161: {  	[tilespmem:s30+$0x4390] =	vst v2;
	v2 =	vmul.f32 v11, v5  }
0x162: {  	v10 =	vmul.f32 v16, v15;
	[tilespmem:s30+$0x43A0] =	vst v7  }
0x163: {  	[tilespmem:s30+$0x43B0] =	vst v2;
	v2 =	vmul.f32 v4, v5  }
.Ltmp1:
0x164: {  	[tilespmem:s30+$0x4230] =	vst v10;
	v4 =	vmul.f32 v8, v5;
	(pc) =	sbr.rel @p3 .LBB2_6-.Ltmp1, $4  }
0x165: {  	[tilespmem:s30+$0x43C0] =	vst v2  }
0x166: {  	v2 =	vmul.f32 v9, v5;
	[tilespmem:s30+$0x43F0] =	vst v4  }
0x167: {  	[tilespmem:s30+$0x4350] =	vst v6  }
0x168: {  	[tilespmem:s30+$0x43E0] =	vst v2  }
0x169: {  	s0 =	sadd.s32 $0x2800, s28  }
0x16a: {  	[tilespmem:s30+$0x4220] =	vst v3;
	s29 =	sadd.s32 $0x1400, s29;
	v1 =	vmov s0  }
0x16b: {  	[spmem:s3] =	stream.indirect.scatter.add.f32 [tilespmem:s19], [sflag:$0x3], $0x80, s29, s18, $0xb8;
	[tilespmem:$0x1F480] =	vst v63  }
0x16c: {  	_ =	swait.ge [sflag:s22], $0x4000  }
0x16d: {  	s31 =	simm.s32 $0x0;
	[sflag:s22] =	ssyncset.done $0x0  }
0x16e: {  	s0 =	sand.u32 $0x3FFFFFF0, s31;
	s29 =	simm.s32 $0x0;
	[sflag:s22] =	ssyncadd.s32 $0xFFFFC000  }
0x16f: {  	s29 =	sand.u32 $0x3FFFF800, s29;
	v2 =	vld.idx.msk [tilespmem:v1+s0+$0x0 ss:$0x1], $0xffff  }
0x170: {  	v8 =	vld [tilespmem:s29+$0x7CC0]  }
0x171: {  	v4 =	vld [tilespmem:s29+$0x7C20]  }
0x172: {  	v5 =	vld [tilespmem:s29+$0x7C30]  }
0x173: {  	v11 =	vld [tilespmem:s29+$0x7C60]  }
0x174: {  	v12 =	vld [tilespmem:s29+$0x7C70];
	v3 =	vbroadcast v2, $0x0  }
0x175: {  	v13 =	vld [tilespmem:s29+$0x7C80]  }
0x176: {  	v14 =	vld [tilespmem:s29+$0x7C90];
	v4 =	vmul.f32 v4, v3  }
0x177: {  	v15 =	vld [tilespmem:s29+$0x7CA0];
	v5 =	vmul.f32 v5, v3  }
0x178: {  	v10 =	vld [tilespmem:s29+$0x7CB0];
	v21 =	vbroadcast v2, $0x1;
	v20 =	vmul.f32 v11, v3;
	[tilespmem:s29+$0x7C20] =	vst v4  }
0x179: {  	v9 =	vld [tilespmem:s29+$0x7CD0];
	v12 =	vmul.f32 v12, v3;
	[tilespmem:s29+$0x7C30] =	vst v5  }
0x17a: {  	v7 =	vld [tilespmem:s29+$0x8170];
	v13 =	vmul.f32 v13, v21;
	[tilespmem:s29+$0x7C60] =	vst v20  }
0x17b: {  	v23 =	vld [tilespmem:s29+$0x7CF0];
	v14 =	vmul.f32 v14, v21;
	[tilespmem:s29+$0x7C70] =	vst v12  }
0x17c: {  	v24 =	vld [tilespmem:s29+$0x7D00];
	v15 =	vmul.f32 v15, v21;
	[tilespmem:s29+$0x7C80] =	vst v13  }
0x17d: {  	v25 =	vld [tilespmem:s29+$0x7D10];
	v10 =	vmul.f32 v10, v21;
	[tilespmem:s29+$0x7C90] =	vst v14  }
0x17e: {  	v22 =	vld [tilespmem:s29+$0x7CE0];
	v8 =	vmul.f32 v8, v21;
	[tilespmem:s29+$0x7CA0] =	vst v15  }
0x17f: {  	v26 =	vld [tilespmem:s29+$0x7D20];
	v16 =	vbroadcast v2, $0x2;
	v9 =	vmul.f32 v9, v21;
	[tilespmem:s29+$0x7CB0] =	vst v10  }
0x180: {  	v27 =	vld [tilespmem:s29+$0x7D30];
	v11 =	vmul.f32 v23, v21;
	[tilespmem:s29+$0x7CC0] =	vst v8  }
0x181: {  	v28 =	vld [tilespmem:s29+$0x7D40];
	v6 =	vbroadcast v2, $0xA;
	v30 =	vmul.f32 v24, v16;
	[tilespmem:s29+$0x7CD0] =	vst v9  }
0x182: {  	v29 =	vld [tilespmem:s29+$0x7D50];
	v32 =	vmul.f32 v25, v16;
	[tilespmem:s29+$0x7CF0] =	vst v11  }
0x183: {  	v31 =	vld [tilespmem:s29+$0x7D60];
	v4 =	vmul.f32 v7, v6;
	[tilespmem:s29+$0x7D00] =	vst v30  }
0x184: {  	v33 =	vld [tilespmem:s29+$0x7D70];
	v12 =	vmul.f32 v22, v21;
	[tilespmem:s29+$0x7D10] =	vst v32  }
0x185: {  	v34 =	vld [tilespmem:s29+$0x7D80];
	v10 =	vmul.f32 v26, v16;
	[tilespmem:s29+$0x8170] =	vst v4  }
0x186: {  	v35 =	vld [tilespmem:s29+$0x7D90];
	v8 =	vmul.f32 v27, v16;
	[tilespmem:s29+$0x7CE0] =	vst v12  }
0x187: {  	v36 =	vld [tilespmem:s29+$0x7DA0];
	v9 =	vmul.f32 v28, v16;
	[tilespmem:s29+$0x7D20] =	vst v10  }
0x188: {  	v37 =	vld [tilespmem:s29+$0x7DB0];
	v39 =	vbroadcast v2, $0x3;
	v11 =	vmul.f32 v31, v16;
	[tilespmem:s29+$0x7D30] =	vst v8  }
0x189: {  	v38 =	vld [tilespmem:s29+$0x7DC0];
	v13 =	vmul.f32 v33, v16;
	[tilespmem:s29+$0x7D40] =	vst v9  }
0x18a: {  	v40 =	vld [tilespmem:s29+$0x7DD0];
	v14 =	vmul.f32 v34, v39;
	[tilespmem:s29+$0x7D60] =	vst v11  }
0x18b: {  	v41 =	vld [tilespmem:s29+$0x7DE0];
	v12 =	vmul.f32 v29, v16;
	[tilespmem:s29+$0x7D70] =	vst v13  }
0x18c: {  	v42 =	vld [tilespmem:s29+$0x7DF0];
	v10 =	vmul.f32 v35, v39;
	[tilespmem:s29+$0x7D80] =	vst v14  }
0x18d: {  	v43 =	vld [tilespmem:s29+$0x7E00];
	v8 =	vmul.f32 v36, v39;
	[tilespmem:s29+$0x7D50] =	vst v12  }
0x18e: {  	v44 =	vld [tilespmem:s29+$0x7E10];
	v9 =	vmul.f32 v37, v39;
	[tilespmem:s29+$0x7D90] =	vst v10  }
0x18f: {  	v45 =	vld [tilespmem:s29+$0x7E20];
	v11 =	vmul.f32 v40, v39;
	[tilespmem:s29+$0x7DA0] =	vst v8  }
0x190: {  	v46 =	vld [tilespmem:s29+$0x7E30];
	v13 =	vmul.f32 v41, v39;
	[tilespmem:s29+$0x7DB0] =	vst v9  }
0x191: {  	v47 =	vld [tilespmem:s29+$0x7E40];
	v48 =	vbroadcast v2, $0x4;
	v14 =	vmul.f32 v42, v39;
	[tilespmem:s29+$0x7DD0] =	vst v11  }
0x192: {  	v49 =	vld [tilespmem:s29+$0x7E50];
	v12 =	vmul.f32 v38, v39;
	[tilespmem:s29+$0x7DE0] =	vst v13  }
0x193: {  	v50 =	vld [tilespmem:s29+$0x7E60];
	v10 =	vmul.f32 v43, v48;
	[tilespmem:s29+$0x7DF0] =	vst v14  }
0x194: {  	v51 =	vld [tilespmem:s29+$0x7E70];
	v8 =	vmul.f32 v44, v48;
	[tilespmem:s29+$0x7DC0] =	vst v12  }
0x195: {  	v52 =	vld [tilespmem:s29+$0x7E80];
	v9 =	vmul.f32 v45, v48;
	[tilespmem:s29+$0x7E00] =	vst v10  }
0x196: {  	v53 =	vld [tilespmem:s29+$0x7E90];
	v11 =	vmul.f32 v47, v48;
	[tilespmem:s29+$0x7E10] =	vst v8  }
0x197: {  	v54 =	vld [tilespmem:s29+$0x7EA0];
	v13 =	vmul.f32 v49, v48;
	[tilespmem:s29+$0x7E20] =	vst v9  }
0x198: {  	v55 =	vld [tilespmem:s29+$0x7EB0];
	v14 =	vmul.f32 v50, v48;
	[tilespmem:s29+$0x7E40] =	vst v11  }
0x199: {  	v56 =	vld [tilespmem:s29+$0x7EC0];
	v57 =	vbroadcast v2, $0x5;
	v12 =	vmul.f32 v46, v48;
	[tilespmem:s29+$0x7E50] =	vst v13  }
0x19a: {  	v58 =	vld [tilespmem:s29+$0x7ED0];
	v10 =	vmul.f32 v51, v48;
	[tilespmem:s29+$0x7E60] =	vst v14  }
0x19b: {  	v59 =	vld [tilespmem:s29+$0x7EE0];
	v8 =	vmul.f32 v52, v57;
	[tilespmem:s29+$0x7E30] =	vst v12  }
0x19c: {  	v60 =	vld [tilespmem:s29+$0x7EF0];
	v9 =	vmul.f32 v53, v57;
	[tilespmem:s29+$0x7E70] =	vst v10  }
0x19d: {  	v61 =	vld [tilespmem:s29+$0x7F00];
	v11 =	vmul.f32 v55, v57;
	[tilespmem:s29+$0x7E80] =	vst v8  }
0x19e: {  	v62 =	vld [tilespmem:s29+$0x7F10];
	v13 =	vmul.f32 v56, v57;
	[tilespmem:s29+$0x7E90] =	vst v9  }
0x19f: {  	v63 =	vld [tilespmem:s29+$0x7F20];
	v14 =	vmul.f32 v58, v57;
	[tilespmem:s29+$0x7EB0] =	vst v11  }
0x1a0: {  	v20 =	vld [tilespmem:s29+$0x7F30];
	v12 =	vmul.f32 v54, v57;
	[tilespmem:s29+$0x7EC0] =	vst v13  }
0x1a1: {  	v21 =	vld [tilespmem:s29+$0x7F40];
	v22 =	vbroadcast v2, $0x6;
	v10 =	vmul.f32 v59, v57;
	[tilespmem:s29+$0x7ED0] =	vst v14  }
0x1a2: {  	v23 =	vld [tilespmem:s29+$0x7F50];
	v8 =	vmul.f32 v60, v57;
	[tilespmem:s29+$0x7EA0] =	vst v12  }
0x1a3: {  	v24 =	vld [tilespmem:s29+$0x7F60];
	v9 =	vmul.f32 v61, v22;
	[tilespmem:s29+$0x7EE0] =	vst v10  }
0x1a4: {  	v25 =	vld [tilespmem:s29+$0x7F70];
	v11 =	vmul.f32 v63, v22;
	[tilespmem:s29+$0x7EF0] =	vst v8  }
0x1a5: {  	v5 =	vld [tilespmem:s29+$0x8180];
	v13 =	vmul.f32 v20, v22;
	[tilespmem:s29+$0x7F00] =	vst v9  }
0x1a6: {  	v27 =	vld [tilespmem:s29+$0x7F90];
	v14 =	vmul.f32 v21, v22;
	[tilespmem:s29+$0x7F20] =	vst v11  }
0x1a7: {  	v28 =	vld [tilespmem:s29+$0x7FA0];
	v12 =	vmul.f32 v62, v22;
	[tilespmem:s29+$0x7F30] =	vst v13  }
0x1a8: {  	v29 =	vld [tilespmem:s29+$0x7FB0];
	v10 =	vmul.f32 v23, v22;
	[tilespmem:s29+$0x7F40] =	vst v14  }
0x1a9: {  	v31 =	vbroadcast v2, $0x7;
	v53 =	vld [tilespmem:s29+$0x8100];
	v8 =	vmul.f32 v24, v22;
	[tilespmem:s29+$0x7F10] =	vst v12  }
0x1aa: {  	v58 =	vld [tilespmem:s29+$0x8150];
	v9 =	vmul.f32 v25, v22;
	[tilespmem:s29+$0x7F50] =	vst v10  }
0x1ab: {  	v26 =	vld [tilespmem:s29+$0x7F80];
	v11 =	vmul.f32 v27, v31;
	[tilespmem:s29+$0x7F60] =	vst v8  }
0x1ac: {  	v30 =	vld [tilespmem:s29+$0x7FC0];
	v13 =	vmul.f32 v28, v31;
	[tilespmem:s29+$0x7F70] =	vst v9  }
0x1ad: {  	v32 =	vld [tilespmem:s29+$0x7FD0];
	v14 =	vmul.f32 v29, v31;
	[tilespmem:s29+$0x7F90] =	vst v11  }
0x1ae: {  	v33 =	vld [tilespmem:s29+$0x7FE0];
	v59 =	vmul.f32 v53, v6;
	[tilespmem:s29+$0x7FA0] =	vst v13  }
0x1af: {  	v35 =	vld [tilespmem:s29+$0x8000];
	v21 =	vmul.f32 v58, v6;
	[tilespmem:s29+$0x7FB0] =	vst v14  }
0x1b0: {  	v36 =	vld [tilespmem:s29+$0x8010];
	v12 =	vmul.f32 v26, v31;
	[tilespmem:s29+$0x8100] =	vst v59  }
0x1b1: {  	v37 =	vld [tilespmem:s29+$0x8020];
	v10 =	vmul.f32 v30, v31;
	[tilespmem:s29+$0x8150] =	vst v21  }
0x1b2: {  	v7 =	vld [tilespmem:s29+$0x8190];
	v40 =	vbroadcast v2, $0x8;
	v8 =	vmul.f32 v32, v31;
	[tilespmem:s29+$0x7F80] =	vst v12  }
0x1b3: {  	v34 =	vld [tilespmem:s29+$0x7FF0];
	v9 =	vmul.f32 v33, v31;
	[tilespmem:s29+$0x7FC0] =	vst v10  }
0x1b4: {  	v57 =	vld [tilespmem:s29+$0x8140];
	v11 =	vmul.f32 v35, v40;
	[tilespmem:s29+$0x7FD0] =	vst v8  }
0x1b5: {  	v61 =	vld [tilespmem:s29+$0x7C00];
	v24 =	vbroadcast v2, $0xB;
	v13 =	vmul.f32 v36, v40;
	[tilespmem:s29+$0x7FE0] =	vst v9  }
0x1b6: {  	v4 =	vld [tilespmem:s29+$0x83D0];
	v14 =	vmul.f32 v37, v40;
	[tilespmem:s29+$0x8000] =	vst v11  }
0x1b7: {  	v38 =	vld [tilespmem:s29+$0x8030];
	v5 =	vmul.f32 v5, v24;
	[tilespmem:s29+$0x8010] =	vst v13  }
0x1b8: {  	v39 =	vld [tilespmem:s29+$0x8040];
	v7 =	vmul.f32 v7, v24;
	[tilespmem:s29+$0x8020] =	vst v14  }
0x1b9: {  	v41 =	vld [tilespmem:s29+$0x8050];
	v19 =	vmul.f32 v57, v6;
	[tilespmem:s29+$0x8180] =	vst v5  }
0x1ba: {  	v43 =	vld [tilespmem:s29+$0x8070];
	v25 =	vmul.f32 v3, v61;
	[tilespmem:s29+$0x8190] =	vst v7  }
0x1bb: {  	v44 =	vld [tilespmem:s29+$0x8080];
	v12 =	vmul.f32 v34, v31;
	[tilespmem:s29+$0x8140] =	vst v19  }
0x1bc: {  	v45 =	vld [tilespmem:s29+$0x8090];
	v10 =	vmul.f32 v38, v40;
	[tilespmem:s29+$0x7C00] =	vst v25  }
0x1bd: {  	v27 =	vld [tilespmem:s29+$0x81D0];
	v8 =	vmul.f32 v39, v40;
	[tilespmem:s29+$0x7FF0] =	vst v12  }
0x1be: {  	v49 =	vbroadcast v2, $0x9;
	v29 =	vld [tilespmem:s29+$0x81F0];
	v9 =	vmul.f32 v41, v40;
	[tilespmem:s29+$0x8030] =	vst v10  }
0x1bf: {  	v42 =	vld [tilespmem:s29+$0x8060];
	v11 =	vmul.f32 v43, v40;
	[tilespmem:s29+$0x8040] =	vst v8  }
0x1c0: {  	v46 =	vld [tilespmem:s29+$0x80A0];
	v13 =	vmul.f32 v44, v49;
	[tilespmem:s29+$0x8050] =	vst v9  }
0x1c1: {  	v47 =	vld [tilespmem:s29+$0x80B0];
	v14 =	vmul.f32 v45, v49;
	[tilespmem:s29+$0x8070] =	vst v11  }
0x1c2: {  	v48 =	vld [tilespmem:s29+$0x80C0];
	v32 =	vmul.f32 v27, v24;
	[tilespmem:s29+$0x8080] =	vst v13  }
0x1c3: {  	v51 =	vld [tilespmem:s29+$0x80E0];
	v7 =	vmul.f32 v29, v24;
	[tilespmem:s29+$0x8090] =	vst v14  }
0x1c4: {  	v52 =	vld [tilespmem:s29+$0x80F0];
	v12 =	vmul.f32 v42, v40;
	[tilespmem:s29+$0x81D0] =	vst v32  }
0x1c5: {  	v10 =	vmul.f32 v46, v49;
	[tilespmem:s29+$0x81F0] =	vst v7  }
0x1c6: {  	v28 =	vld [tilespmem:s29+$0x81E0];
	v8 =	vmul.f32 v47, v49;
	[tilespmem:s29+$0x8060] =	vst v12  }
0x1c7: {  	v30 =	vld [tilespmem:s29+$0x8200];
	v9 =	vmul.f32 v48, v49;
	[tilespmem:s29+$0x80A0] =	vst v10  }
0x1c8: {  	v50 =	vld [tilespmem:s29+$0x80D0];
	v5 =	vbroadcast v2, $0xF;
	v11 =	vmul.f32 v51, v49;
	[tilespmem:s29+$0x80B0] =	vst v8  }
0x1c9: {  	v54 =	vld [tilespmem:s29+$0x8110];
	v13 =	vmul.f32 v52, v49;
	[tilespmem:s29+$0x80C0] =	vst v9  }
0x1ca: {  	v55 =	vld [tilespmem:s29+$0x8120];
	v35 =	vbroadcast v2, $0xC;
	v4 =	vmul.f32 v4, v5;
	[tilespmem:s29+$0x80E0] =	vst v11  }
0x1cb: {  	v56 =	vld [tilespmem:s29+$0x8130];
	v40 =	vmul.f32 v28, v24;
	[tilespmem:s29+$0x80F0] =	vst v13  }
0x1cc: {  	v60 =	vld [tilespmem:s29+$0x8160];
	v16 =	vmul.f32 v30, v35;
	[tilespmem:s29+$0x83D0] =	vst v4  }
0x1cd: {  	v62 =	vld [tilespmem:s29+$0x7C10];
	v12 =	vmul.f32 v50, v49;
	[tilespmem:s29+$0x81E0] =	vst v40  }
0x1ce: {  	v63 =	vld [tilespmem:s29+$0x7C40];
	v10 =	vmul.f32 v54, v6;
	[tilespmem:s29+$0x8200] =	vst v16  }
0x1cf: {  	v20 =	vld [tilespmem:s29+$0x7C50];
	v8 =	vmul.f32 v55, v6;
	[tilespmem:s29+$0x80D0] =	vst v12  }
0x1d0: {  	v33 =	vld [tilespmem:s29+$0x8230];
	v9 =	vmul.f32 v56, v6;
	[tilespmem:s29+$0x8110] =	vst v10  }
0x1d1: {  	v61 =	vld [tilespmem:s29+$0x83F0];
	v6 =	vmul.f32 v60, v6;
	[tilespmem:s29+$0x8120] =	vst v8  }
0x1d2: {  	v38 =	vld [tilespmem:s29+$0x8270];
	v13 =	vmul.f32 v62, v3;
	[tilespmem:s29+$0x8130] =	vst v9  }
0x1d3: {  	v22 =	vld [tilespmem:s29+$0x81A0];
	v4 =	vmul.f32 v63, v3;
	[tilespmem:s29+$0x8160] =	vst v6  }
0x1d4: {  	v23 =	vld [tilespmem:s29+$0x81B0];
	v3 =	vmul.f32 v20, v3;
	[tilespmem:s29+$0x7C10] =	vst v13  }
0x1d5: {  	v26 =	vld [tilespmem:s29+$0x81C0];
	v62 =	vmul.f32 v33, v35;
	[tilespmem:s29+$0x7C40] =	vst v4  }
0x1d6: {  	v31 =	vld [tilespmem:s29+$0x8210];
	v63 =	vmul.f32 v61, v5;
	[tilespmem:s29+$0x7C50] =	vst v3  }
0x1d7: {  	v34 =	vld [tilespmem:s29+$0x8240];
	v16 =	vmul.f32 v38, v35;
	[tilespmem:s29+$0x8230] =	vst v62  }
0x1d8: {  	v41 =	vld [tilespmem:s29+$0x82A0];
	v8 =	vmul.f32 v22, v24;
	[tilespmem:s29+$0x83F0] =	vst v63  }
0x1d9: {  	v46 =	vld [tilespmem:s29+$0x82E0];
	v9 =	vmul.f32 v23, v24;
	[tilespmem:s29+$0x8270] =	vst v16  }
0x1da: {  	v6 =	vmul.f32 v26, v24;
	v3 =	vld [tilespmem:s29+$0x8290];
	[tilespmem:s29+$0x81A0] =	vst v8  }
0x1db: {  	v36 =	vld [tilespmem:s29+$0x8250];
	v44 =	vbroadcast v2, $0xD;
	v10 =	vmul.f32 v31, v35;
	[tilespmem:s29+$0x81B0] =	vst v9  }
0x1dc: {  	v37 =	vld [tilespmem:s29+$0x8260];
	v13 =	vmul.f32 v34, v35;
	[tilespmem:s29+$0x81C0] =	vst v6  }
0x1dd: {  	v39 =	vld [tilespmem:s29+$0x8280];
	v12 =	vmul.f32 v41, v44;
	[tilespmem:s29+$0x8210] =	vst v10  }
0x1de: {  	v42 =	vld [tilespmem:s29+$0x82B0];
	v51 =	vmul.f32 v46, v44;
	[tilespmem:s29+$0x8240] =	vst v13  }
0x1df: {  	v48 =	vld [tilespmem:s29+$0x8310];
	[tilespmem:s29+$0x82A0] =	vst v12;
	v3 =	vmul.f32 v3, v44  }
0x1e0: {  	v49 =	vld [tilespmem:s29+$0x8320];
	v9 =	vmul.f32 v36, v35;
	[tilespmem:s29+$0x82E0] =	vst v51  }
0x1e1: {  	v6 =	vmul.f32 v37, v35;
	[tilespmem:s29+$0x8290] =	vst v3;
	v3 =	vld [tilespmem:s29+$0x8300]  }
0x1e2: {  	v2 =	vbroadcast v2, $0xE;
	v50 =	vld [tilespmem:s29+$0x8330];
	v10 =	vmul.f32 v39, v44;
	[tilespmem:s29+$0x8250] =	vst v9  }
0x1e3: {  	v45 =	vld [tilespmem:s29+$0x82D0];
	v13 =	vmul.f32 v42, v44;
	[tilespmem:s29+$0x8260] =	vst v6  }
0x1e4: {  	v47 =	vld [tilespmem:s29+$0x82F0];
	v12 =	vmul.f32 v48, v2;
	[tilespmem:s29+$0x8280] =	vst v10  }
0x1e5: {  	v43 =	vld [tilespmem:s29+$0x82C0];
	v11 =	vmul.f32 v49, v2;
	[tilespmem:s29+$0x82B0] =	vst v13  }
0x1e6: {  	v55 =	vld [tilespmem:s29+$0x8380];
	[tilespmem:s29+$0x8310] =	vst v12;
	v3 =	vmul.f32 v3, v2  }
0x1e7: {  	v57 =	vld [tilespmem:s29+$0x83A0];
	v7 =	vmul.f32 v50, v2;
	[tilespmem:s29+$0x8320] =	vst v11  }
0x1e8: {  	v6 =	vmul.f32 v45, v44;
	[tilespmem:s29+$0x8300] =	vst v3;
	v3 =	vld [tilespmem:s29+$0x8370]  }
0x1e9: {  	v52 =	vld [tilespmem:s29+$0x8340];
	v10 =	vmul.f32 v47, v44;
	[tilespmem:s29+$0x8330] =	vst v7  }
0x1ea: {  	v56 =	vld [tilespmem:s29+$0x8390];
	v9 =	vmul.f32 v43, v44;
	[tilespmem:s29+$0x82D0] =	vst v6  }
0x1eb: {  	v54 =	vld [tilespmem:s29+$0x8360];
	v12 =	vmul.f32 v55, v5;
	[tilespmem:s29+$0x82F0] =	vst v10  }
0x1ec: {  	v58 =	vld [tilespmem:s29+$0x83B0];
	v7 =	vmul.f32 v57, v5;
	[tilespmem:s29+$0x82C0] =	vst v9  }
0x1ed: {  	v53 =	vld [tilespmem:s29+$0x8350];
	[tilespmem:s29+$0x8380] =	vst v12;
	v3 =	vmul.f32 v3, v2  }
0x1ee: {  	v59 =	vld [tilespmem:s29+$0x83C0];
	v6 =	vmul.f32 v52, v2;
	[tilespmem:s29+$0x83A0] =	vst v7  }
0x1ef: {  	v60 =	vld [tilespmem:s29+$0x83E0];
	[tilespmem:s29+$0x8370] =	vst v3;
	v3 =	vmul.f32 v56, v5  }
0x1f0: {  	v10 =	vmul.f32 v54, v2;
	[tilespmem:s29+$0x8340] =	vst v6  }
0x1f1: {  	v4 =	vld [tilespmem:s29+$0x8220];
	[tilespmem:s29+$0x8390] =	vst v3;
	v3 =	vmul.f32 v58, v5  }
0x1f2: {  	[tilespmem:s29+$0x8360] =	vst v10;
	v2 =	vmul.f32 v53, v2  }
0x1f3: {  	[tilespmem:s29+$0x83B0] =	vst v3;
	v3 =	vmul.f32 v59, v5  }
0x1f4: {  	[tilespmem:s29+$0x8350] =	vst v2;
	v5 =	vmul.f32 v60, v5  }
0x1f5: {  	[tilespmem:s29+$0x83C0] =	vst v3  }
0x1f6: {  	s30 =	simm.s32 $0x1;
	v3 =	vmul.f32 v4, v35;
	[tilespmem:s29+$0x83E0] =	vst v5  }
.LBB2_8:
0x1f7: {  	s0 =	sshll.u32 s30, $0x4  }
0x1f8: {  	p3 =	sne.s32 s30, $0x7;
	[tilespmem:s29+$0x8220] =	vst v3;
	s29 =	smov.u32 s30;
	s30 =	sadd.s32 $0x1, s30  }
0x1f9: {  	s0 =	sand.u32 $0x3FFFFFF0, s0  }
0x1fa: {  	v2 =	vld.idx.msk [tilespmem:v1+s0+$0x0 ss:$0x1], $0xffff  }
0x1fb: {  	s0 =	sshll.u32 s29, $0xB  }
0x1fc: {  	s29 =	sand.u32 $0x3FFFF800, s0  }
0x1fd: {  	v9 =	vld [tilespmem:s29+$0x7CC0]  }
0x1fe: {  	v10 =	vld [tilespmem:s29+$0x7CD0]  }
0x1ff: {  	v11 =	vld [tilespmem:s29+$0x7CB0]  }
0x200: {  	v3 =	vbroadcast v2, $0x0;
	v8 =	vbroadcast v2, $0x4;
	v4 =	vld [tilespmem:s29+$0x7C20]  }
0x201: {  	v6 =	vld [tilespmem:s29+$0x7C30]  }
0x202: {  	v7 =	vld [tilespmem:s29+$0x8170]  }
0x203: {  	v12 =	vld [tilespmem:s29+$0x7C60]  }
0x204: {  	v13 =	vld [tilespmem:s29+$0x7C70]  }
0x205: {  	v5 =	vbroadcast v2, $0xA;
	v4 =	vmul.f32 v4, v3;
	v14 =	vld [tilespmem:s29+$0x7C80]  }
0x206: {  	v6 =	vmul.f32 v6, v3;
	v15 =	vld [tilespmem:s29+$0x7C90]  }
0x207: {  	[tilespmem:s29+$0x7C20] =	vst v4;
	v16 =	vld [tilespmem:s29+$0x7CA0];
	v4 =	vmul.f32 v7, v5  }
0x208: {  	[tilespmem:s29+$0x7C30] =	vst v6;
	v7 =	vmul.f32 v12, v3;
	v12 =	vbroadcast v2, $0x1;
	v6 =	vld [tilespmem:s29+$0x8180]  }
0x209: {  	v13 =	vmul.f32 v13, v3;
	[tilespmem:s29+$0x8170] =	vst v4;
	v4 =	vld [tilespmem:s29+$0x83D0]  }
0x20a: {  	[tilespmem:s29+$0x7C60] =	vst v7;
	v14 =	vmul.f32 v14, v12;
	v7 =	vld [tilespmem:s29+$0x8190]  }
0x20b: {  	[tilespmem:s29+$0x7C70] =	vst v13;
	v13 =	vmul.f32 v15, v12;
	v15 =	vld [tilespmem:s29+$0x7CE0]  }
0x20c: {  	[tilespmem:s29+$0x7C80] =	vst v14;
	v14 =	vmul.f32 v16, v12;
	v16 =	vld [tilespmem:s29+$0x7CF0]  }
0x20d: {  	v11 =	vmul.f32 v11, v12;
	[tilespmem:s29+$0x7C90] =	vst v13;
	v13 =	vld [tilespmem:s29+$0x7D00]  }
0x20e: {  	v9 =	vmul.f32 v9, v12;
	[tilespmem:s29+$0x7CA0] =	vst v14;
	v14 =	vld [tilespmem:s29+$0x7D10]  }
0x20f: {  	v10 =	vmul.f32 v10, v12;
	[tilespmem:s29+$0x7CB0] =	vst v11;
	v11 =	vld [tilespmem:s29+$0x7D20]  }
0x210: {  	[tilespmem:s29+$0x7CC0] =	vst v9;
	v9 =	vmul.f32 v15, v12;
	v15 =	vbroadcast v2, $0x2;
	v17 =	vld [tilespmem:s29+$0x7D30]  }
0x211: {  	[tilespmem:s29+$0x7CD0] =	vst v10;
	v10 =	vmul.f32 v16, v12;
	v12 =	vld [tilespmem:s29+$0x7D40]  }
0x212: {  	[tilespmem:s29+$0x7CE0] =	vst v9;
	v9 =	vmul.f32 v13, v15;
	v13 =	vld [tilespmem:s29+$0x7D50]  }
0x213: {  	[tilespmem:s29+$0x7CF0] =	vst v10;
	v10 =	vmul.f32 v14, v15;
	v14 =	vld [tilespmem:s29+$0x7D60]  }
0x214: {  	[tilespmem:s29+$0x7D00] =	vst v9;
	v9 =	vmul.f32 v11, v15;
	v11 =	vld [tilespmem:s29+$0x7D70]  }
0x215: {  	[tilespmem:s29+$0x7D10] =	vst v10;
	v10 =	vmul.f32 v17, v15;
	v16 =	vld [tilespmem:s29+$0x7D80]  }
0x216: {  	[tilespmem:s29+$0x7D20] =	vst v9;
	v9 =	vmul.f32 v12, v15;
	v12 =	vld [tilespmem:s29+$0x7D90]  }
0x217: {  	[tilespmem:s29+$0x7D30] =	vst v10;
	v10 =	vmul.f32 v13, v15;
	v13 =	vld [tilespmem:s29+$0x7DA0]  }
0x218: {  	[tilespmem:s29+$0x7D40] =	vst v9;
	v9 =	vmul.f32 v14, v15;
	v14 =	vbroadcast v2, $0x3;
	v17 =	vld [tilespmem:s29+$0x7DB0]  }
0x219: {  	[tilespmem:s29+$0x7D50] =	vst v10;
	v10 =	vmul.f32 v11, v15;
	v11 =	vld [tilespmem:s29+$0x7DC0]  }
0x21a: {  	[tilespmem:s29+$0x7D60] =	vst v9;
	v9 =	vmul.f32 v16, v14;
	v15 =	vld [tilespmem:s29+$0x7DD0]  }
0x21b: {  	[tilespmem:s29+$0x7D70] =	vst v10;
	v10 =	vmul.f32 v12, v14;
	v12 =	vld [tilespmem:s29+$0x7DE0]  }
0x21c: {  	[tilespmem:s29+$0x7D80] =	vst v9;
	v9 =	vmul.f32 v13, v14;
	v13 =	vld [tilespmem:s29+$0x7DF0]  }
0x21d: {  	[tilespmem:s29+$0x7D90] =	vst v10;
	v10 =	vmul.f32 v17, v14;
	v16 =	vld [tilespmem:s29+$0x7E00]  }
0x21e: {  	[tilespmem:s29+$0x7DA0] =	vst v9;
	v9 =	vmul.f32 v11, v14;
	v11 =	vld [tilespmem:s29+$0x7E10]  }
0x21f: {  	[tilespmem:s29+$0x7DB0] =	vst v10;
	v10 =	vmul.f32 v15, v14;
	v15 =	vld [tilespmem:s29+$0x7E20]  }
0x220: {  	[tilespmem:s29+$0x7DC0] =	vst v9;
	v9 =	vmul.f32 v12, v14;
	v12 =	vld [tilespmem:s29+$0x7E30]  }
0x221: {  	[tilespmem:s29+$0x7DD0] =	vst v10;
	v10 =	vmul.f32 v13, v14;
	v13 =	vld [tilespmem:s29+$0x7E40]  }
0x222: {  	[tilespmem:s29+$0x7DE0] =	vst v9;
	v9 =	vmul.f32 v16, v8;
	v14 =	vld [tilespmem:s29+$0x7E50]  }
0x223: {  	[tilespmem:s29+$0x7DF0] =	vst v10;
	v10 =	vmul.f32 v11, v8;
	v11 =	vld [tilespmem:s29+$0x7E60]  }
0x224: {  	[tilespmem:s29+$0x7E00] =	vst v9;
	v9 =	vmul.f32 v15, v8;
	v15 =	vld [tilespmem:s29+$0x7E70]  }
0x225: {  	[tilespmem:s29+$0x7E10] =	vst v10;
	v10 =	vmul.f32 v12, v8;
	v12 =	vld [tilespmem:s29+$0x7E80]  }
0x226: {  	[tilespmem:s29+$0x7E20] =	vst v9;
	v9 =	vmul.f32 v13, v8;
	v13 =	vld [tilespmem:s29+$0x7E90]  }
0x227: {  	[tilespmem:s29+$0x7E30] =	vst v10;
	v10 =	vmul.f32 v14, v8;
	v14 =	vld [tilespmem:s29+$0x7EA0]  }
0x228: {  	[tilespmem:s29+$0x7E40] =	vst v9;
	v9 =	vmul.f32 v11, v8;
	v11 =	vbroadcast v2, $0x5;
	v16 =	vld [tilespmem:s29+$0x7EB0]  }
0x229: {  	[tilespmem:s29+$0x7E50] =	vst v10;
	v8 =	vmul.f32 v15, v8;
	v10 =	vld [tilespmem:s29+$0x7EC0]  }
0x22a: {  	[tilespmem:s29+$0x7E60] =	vst v9;
	v9 =	vmul.f32 v12, v11;
	v12 =	vld [tilespmem:s29+$0x7ED0]  }
0x22b: {  	[tilespmem:s29+$0x7E70] =	vst v8;
	v8 =	vmul.f32 v13, v11;
	v13 =	vld [tilespmem:s29+$0x7EE0]  }
0x22c: {  	[tilespmem:s29+$0x7E80] =	vst v9;
	v9 =	vmul.f32 v14, v11;
	v14 =	vld [tilespmem:s29+$0x7EF0]  }
0x22d: {  	[tilespmem:s29+$0x7E90] =	vst v8;
	v8 =	vmul.f32 v16, v11;
	v15 =	vld [tilespmem:s29+$0x7F00]  }
0x22e: {  	[tilespmem:s29+$0x7EA0] =	vst v9;
	v9 =	vmul.f32 v10, v11;
	v10 =	vld [tilespmem:s29+$0x7F10]  }
0x22f: {  	[tilespmem:s29+$0x7EB0] =	vst v8;
	v8 =	vmul.f32 v12, v11;
	v12 =	vld [tilespmem:s29+$0x7F20]  }
0x230: {  	[tilespmem:s29+$0x7EC0] =	vst v9;
	v9 =	vmul.f32 v13, v11;
	v13 =	vbroadcast v2, $0x6;
	v16 =	vld [tilespmem:s29+$0x7F30]  }
0x231: {  	[tilespmem:s29+$0x7ED0] =	vst v8;
	v8 =	vmul.f32 v14, v11;
	v11 =	vld [tilespmem:s29+$0x7F40]  }
0x232: {  	[tilespmem:s29+$0x7EE0] =	vst v9;
	v9 =	vmul.f32 v15, v13;
	v14 =	vld [tilespmem:s29+$0x7F50]  }
0x233: {  	[tilespmem:s29+$0x7EF0] =	vst v8;
	v8 =	vmul.f32 v10, v13;
	v10 =	vld [tilespmem:s29+$0x7F60]  }
0x234: {  	[tilespmem:s29+$0x7F00] =	vst v9;
	v9 =	vmul.f32 v12, v13;
	v12 =	vld [tilespmem:s29+$0x7F70]  }
0x235: {  	[tilespmem:s29+$0x7F10] =	vst v8;
	v8 =	vmul.f32 v16, v13;
	v15 =	vld [tilespmem:s29+$0x7F80]  }
0x236: {  	[tilespmem:s29+$0x7F20] =	vst v9;
	v9 =	vmul.f32 v11, v13;
	v11 =	vld [tilespmem:s29+$0x7F90]  }
0x237: {  	[tilespmem:s29+$0x7F30] =	vst v8;
	v8 =	vmul.f32 v14, v13;
	v14 =	vld [tilespmem:s29+$0x7FA0]  }
0x238: {  	[tilespmem:s29+$0x7F40] =	vst v9;
	v9 =	vmul.f32 v10, v13;
	v10 =	vbroadcast v2, $0x7;
	v16 =	vld [tilespmem:s29+$0x7FB0]  }
0x239: {  	[tilespmem:s29+$0x7F50] =	vst v8;
	v8 =	vmul.f32 v12, v13;
	v12 =	vld [tilespmem:s29+$0x7FC0]  }
0x23a: {  	[tilespmem:s29+$0x7F60] =	vst v9;
	v9 =	vmul.f32 v15, v10;
	v13 =	vld [tilespmem:s29+$0x7FD0]  }
0x23b: {  	[tilespmem:s29+$0x7F70] =	vst v8;
	v8 =	vmul.f32 v11, v10;
	v11 =	vld [tilespmem:s29+$0x7FE0]  }
0x23c: {  	[tilespmem:s29+$0x7F80] =	vst v9;
	v9 =	vmul.f32 v14, v10;
	v14 =	vld [tilespmem:s29+$0x7FF0]  }
0x23d: {  	[tilespmem:s29+$0x7F90] =	vst v8;
	v8 =	vmul.f32 v16, v10;
	v15 =	vld [tilespmem:s29+$0x8000]  }
0x23e: {  	[tilespmem:s29+$0x7FA0] =	vst v9;
	v9 =	vmul.f32 v12, v10;
	v12 =	vld [tilespmem:s29+$0x8010]  }
0x23f: {  	[tilespmem:s29+$0x7FB0] =	vst v8;
	v8 =	vmul.f32 v13, v10;
	v13 =	vld [tilespmem:s29+$0x8020]  }
0x240: {  	[tilespmem:s29+$0x7FC0] =	vst v9;
	v9 =	vmul.f32 v11, v10;
	v11 =	vbroadcast v2, $0x8;
	v16 =	vld [tilespmem:s29+$0x8030]  }
0x241: {  	[tilespmem:s29+$0x7FD0] =	vst v8;
	v8 =	vmul.f32 v14, v10;
	v10 =	vld [tilespmem:s29+$0x8040]  }
0x242: {  	[tilespmem:s29+$0x7FE0] =	vst v9;
	v9 =	vmul.f32 v15, v11;
	v14 =	vld [tilespmem:s29+$0x8050]  }
0x243: {  	[tilespmem:s29+$0x7FF0] =	vst v8;
	v8 =	vmul.f32 v12, v11;
	v12 =	vld [tilespmem:s29+$0x8060]  }
0x244: {  	[tilespmem:s29+$0x8000] =	vst v9;
	v9 =	vmul.f32 v13, v11;
	v13 =	vld [tilespmem:s29+$0x8070]  }
0x245: {  	[tilespmem:s29+$0x8010] =	vst v8;
	v8 =	vmul.f32 v16, v11;
	v15 =	vld [tilespmem:s29+$0x8080]  }
0x246: {  	[tilespmem:s29+$0x8020] =	vst v9;
	v9 =	vmul.f32 v10, v11;
	v10 =	vld [tilespmem:s29+$0x8090]  }
0x247: {  	[tilespmem:s29+$0x8030] =	vst v8;
	v8 =	vmul.f32 v14, v11;
	v14 =	vld [tilespmem:s29+$0x80A0]  }
0x248: {  	[tilespmem:s29+$0x8040] =	vst v9;
	v9 =	vmul.f32 v12, v11;
	v12 =	vbroadcast v2, $0x9;
	v16 =	vld [tilespmem:s29+$0x80B0]  }
0x249: {  	[tilespmem:s29+$0x8050] =	vst v8;
	v8 =	vmul.f32 v13, v11;
	v11 =	vld [tilespmem:s29+$0x80C0]  }
0x24a: {  	[tilespmem:s29+$0x8060] =	vst v9;
	v9 =	vmul.f32 v15, v12;
	v13 =	vld [tilespmem:s29+$0x80D0]  }
0x24b: {  	[tilespmem:s29+$0x8070] =	vst v8;
	v8 =	vmul.f32 v10, v12;
	v10 =	vld [tilespmem:s29+$0x80E0]  }
0x24c: {  	[tilespmem:s29+$0x8080] =	vst v9;
	v9 =	vmul.f32 v14, v12;
	v14 =	vld [tilespmem:s29+$0x80F0]  }
0x24d: {  	[tilespmem:s29+$0x8090] =	vst v8;
	v8 =	vmul.f32 v16, v12;
	v15 =	vld [tilespmem:s29+$0x8100]  }
0x24e: {  	[tilespmem:s29+$0x80A0] =	vst v9;
	v9 =	vmul.f32 v11, v12;
	v11 =	vld [tilespmem:s29+$0x8110]  }
0x24f: {  	[tilespmem:s29+$0x80B0] =	vst v8;
	v8 =	vmul.f32 v13, v12;
	v13 =	vld [tilespmem:s29+$0x8120]  }
0x250: {  	[tilespmem:s29+$0x80C0] =	vst v9;
	v9 =	vmul.f32 v10, v12;
	v10 =	vld [tilespmem:s29+$0x8130]  }
0x251: {  	[tilespmem:s29+$0x80D0] =	vst v8;
	v8 =	vmul.f32 v14, v12;
	v12 =	vld [tilespmem:s29+$0x8140]  }
0x252: {  	[tilespmem:s29+$0x80E0] =	vst v9;
	v9 =	vmul.f32 v15, v5;
	v14 =	vld [tilespmem:s29+$0x8150]  }
0x253: {  	[tilespmem:s29+$0x80F0] =	vst v8;
	v8 =	vmul.f32 v11, v5;
	v11 =	vld [tilespmem:s29+$0x8160]  }
0x254: {  	v15 =	vld [tilespmem:s29+$0x7C00];
	[tilespmem:s29+$0x8100] =	vst v9;
	v9 =	vmul.f32 v13, v5  }
0x255: {  	v13 =	vld [tilespmem:s29+$0x7C10];
	[tilespmem:s29+$0x8110] =	vst v8;
	v8 =	vmul.f32 v10, v5  }
0x256: {  	v10 =	vld [tilespmem:s29+$0x7C40];
	[tilespmem:s29+$0x8120] =	vst v9;
	v9 =	vmul.f32 v12, v5  }
0x257: {  	v12 =	vld [tilespmem:s29+$0x7C50];
	[tilespmem:s29+$0x8130] =	vst v8;
	v8 =	vmul.f32 v14, v5  }
0x258: {  	[tilespmem:s29+$0x8140] =	vst v9;
	v9 =	vmul.f32 v11, v5;
	v11 =	vbroadcast v2, $0xB;
	v14 =	vld [tilespmem:s29+$0x81A0]  }
0x259: {  	v5 =	vbroadcast v2, $0xF;
	v15 =	vmul.f32 v3, v15;
	[tilespmem:s29+$0x8150] =	vst v8;
	v8 =	vld [tilespmem:s29+$0x81B0]  }
0x25a: {  	v13 =	vmul.f32 v13, v3;
	[tilespmem:s29+$0x8160] =	vst v9;
	v6 =	vmul.f32 v6, v11;
	v9 =	vld [tilespmem:s29+$0x81C0]  }
0x25b: {  	v7 =	vmul.f32 v7, v11;
	[tilespmem:s29+$0x7C00] =	vst v15;
	v10 =	vmul.f32 v10, v3;
	v15 =	vld [tilespmem:s29+$0x81D0]  }
0x25c: {  	v4 =	vmul.f32 v4, v5;
	v12 =	vmul.f32 v12, v3;
	[tilespmem:s29+$0x8180] =	vst v6;
	v3 =	vld [tilespmem:s29+$0x81E0]  }
0x25d: {  	[tilespmem:s29+$0x8190] =	vst v7;
	v6 =	vmul.f32 v14, v11;
	v7 =	vld [tilespmem:s29+$0x81F0]  }
0x25e: {  	v8 =	vmul.f32 v8, v11;
	v14 =	vld [tilespmem:s29+$0x8200];
	[tilespmem:s29+$0x83D0] =	vst v4  }
0x25f: {  	[tilespmem:s29+$0x7C10] =	vst v13;
	v4 =	vmul.f32 v9, v11;
	v9 =	vld [tilespmem:s29+$0x8210]  }
0x260: {  	[tilespmem:s29+$0x7C40] =	vst v10;
	v10 =	vmul.f32 v15, v11;
	v13 =	vld [tilespmem:s29+$0x8220]  }
0x261: {  	v15 =	vbroadcast v2, $0xC;
	[tilespmem:s29+$0x81A0] =	vst v6;
	v6 =	vmul.f32 v3, v11;
	v16 =	vld [tilespmem:s29+$0x8230]  }
0x262: {  	[tilespmem:s29+$0x81D0] =	vst v10;
	v7 =	vmul.f32 v7, v11;
	v10 =	vld [tilespmem:s29+$0x8240]  }
0x263: {  	[tilespmem:s29+$0x81B0] =	vst v8;
	v3 =	vmul.f32 v14, v15;
	v8 =	vld [tilespmem:s29+$0x8250]  }
0x264: {  	[tilespmem:s29+$0x81C0] =	vst v4;
	v4 =	vmul.f32 v9, v15;
	v9 =	vld [tilespmem:s29+$0x8260]  }
0x265: {  	[tilespmem:s29+$0x8200] =	vst v3;
	v3 =	vmul.f32 v13, v15;
	v11 =	vld [tilespmem:s29+$0x8270]  }
0x266: {  	[tilespmem:s29+$0x8210] =	vst v4;
	v4 =	vld [tilespmem:s29+$0x8280]  }
0x267: {  	[tilespmem:s29+$0x7C50] =	vst v12;
	v10 =	vmul.f32 v10, v15;
	v12 =	vld [tilespmem:s29+$0x8290]  }
0x268: {  	[tilespmem:s29+$0x81E0] =	vst v6;
	v6 =	vmul.f32 v8, v15;
	v8 =	vld [tilespmem:s29+$0x82A0]  }
0x269: {  	[tilespmem:s29+$0x8240] =	vst v10;
	v9 =	vmul.f32 v9, v15;
	v10 =	vbroadcast v2, $0xD;
	v13 =	vld [tilespmem:s29+$0x82B0]  }
0x26a: {  	[tilespmem:s29+$0x8250] =	vst v6;
	v6 =	vmul.f32 v11, v15;
	v11 =	vld [tilespmem:s29+$0x82C0]  }
0x26b: {  	[tilespmem:s29+$0x8260] =	vst v9;
	v4 =	vmul.f32 v4, v10;
	v9 =	vld [tilespmem:s29+$0x82D0]  }
0x26c: {  	[tilespmem:s29+$0x8270] =	vst v6;
	v6 =	vmul.f32 v12, v10;
	v12 =	vld [tilespmem:s29+$0x82E0]  }
0x26d: {  	[tilespmem:s29+$0x8280] =	vst v4;
	v4 =	vmul.f32 v8, v10;
	v8 =	vld [tilespmem:s29+$0x82F0]  }
0x26e: {  	[tilespmem:s29+$0x8290] =	vst v6;
	v6 =	vmul.f32 v13, v10;
	v13 =	vld [tilespmem:s29+$0x8300]  }
0x26f: {  	[tilespmem:s29+$0x82A0] =	vst v4;
	v4 =	vmul.f32 v11, v10;
	v11 =	vld [tilespmem:s29+$0x8310]  }
0x270: {  	[tilespmem:s29+$0x82B0] =	vst v6;
	v6 =	vmul.f32 v9, v10;
	v9 =	vld [tilespmem:s29+$0x8320]  }
0x271: {  	v2 =	vbroadcast v2, $0xE;
	[tilespmem:s29+$0x81F0] =	vst v7;
	v7 =	vmul.f32 v12, v10;
	v12 =	vld [tilespmem:s29+$0x8330]  }
0x272: {  	[tilespmem:s29+$0x82D0] =	vst v6;
	v6 =	vmul.f32 v8, v10;
	v8 =	vld [tilespmem:s29+$0x8340]  }
0x273: {  	[tilespmem:s29+$0x82E0] =	vst v7;
	v7 =	vmul.f32 v13, v2;
	v10 =	vld [tilespmem:s29+$0x8350]  }
0x274: {  	[tilespmem:s29+$0x82F0] =	vst v6;
	v6 =	vmul.f32 v11, v2;
	v11 =	vld [tilespmem:s29+$0x8360]  }
0x275: {  	[tilespmem:s29+$0x8300] =	vst v7;
	v7 =	vmul.f32 v9, v2;
	v9 =	vld [tilespmem:s29+$0x8370]  }
0x276: {  	[tilespmem:s29+$0x8310] =	vst v6;
	v6 =	vmul.f32 v12, v2;
	v12 =	vld [tilespmem:s29+$0x8380]  }
0x277: {  	[tilespmem:s29+$0x8320] =	vst v7;
	v7 =	vmul.f32 v8, v2;
	v8 =	vld [tilespmem:s29+$0x8390]  }
0x278: {  	[tilespmem:s29+$0x8330] =	vst v6;
	v6 =	vmul.f32 v10, v2;
	v10 =	vld [tilespmem:s29+$0x83A0]  }
0x279: {  	[tilespmem:s29+$0x8340] =	vst v7;
	v7 =	vmul.f32 v11, v2;
	v11 =	vld [tilespmem:s29+$0x83B0]  }
0x27a: {  	[tilespmem:s29+$0x82C0] =	vst v4;
	v2 =	vmul.f32 v9, v2;
	v4 =	vld [tilespmem:s29+$0x83C0]  }
0x27b: {  	[tilespmem:s29+$0x8360] =	vst v7;
	v7 =	vmul.f32 v12, v5;
	v9 =	vld [tilespmem:s29+$0x83E0]  }
0x27c: {  	[tilespmem:s29+$0x8370] =	vst v2;
	v2 =	vmul.f32 v8, v5;
	v8 =	vld [tilespmem:s29+$0x83F0]  }
0x27d: {  	[tilespmem:s29+$0x8380] =	vst v7;
	v7 =	vmul.f32 v10, v5  }
0x27e: {  	[tilespmem:s29+$0x8390] =	vst v2;
	v2 =	vmul.f32 v11, v5  }
0x27f: {  	v10 =	vmul.f32 v16, v15;
	[tilespmem:s29+$0x83A0] =	vst v7  }
0x280: {  	[tilespmem:s29+$0x83B0] =	vst v2;
	v2 =	vmul.f32 v4, v5  }
.Ltmp2:
0x281: {  	[tilespmem:s29+$0x8230] =	vst v10;
	v4 =	vmul.f32 v8, v5;
	(pc) =	sbr.rel @p3 .LBB2_8-.Ltmp2, $4  }
0x282: {  	[tilespmem:s29+$0x83C0] =	vst v2  }
0x283: {  	v2 =	vmul.f32 v9, v5;
	[tilespmem:s29+$0x83F0] =	vst v4  }
0x284: {  	[tilespmem:s29+$0x8350] =	vst v6  }
0x285: {  	[tilespmem:s29+$0x83E0] =	vst v2  }
0x286: {  	s26 =	sadd.s32 $0x1, s26  }
0x287: {  	p3 =	sne.s32 s26, $0x14  }
.Ltmp3:
0x288: {  	_ = 	snop;
	(pc) =	sbr.rel @p3 .LBB2_5-.Ltmp3, $3  }
0x289: {  	_ =	sdelay $0x1  }
0x28a: {  	[tilespmem:s29+$0x8220] =	vst v3;
	s0 =	sadd.s32 $0x1400, s28  }
0x28b: {  	[spmem:s3] =	stream.indirect.scatter.add.f32 [tilespmem:s20], [sflag:$0x4], $0x80, s0, s18, $0xb8;
	[tilespmem:$0x1F480] =	vst v63  }
.Ltmp4:
0x28c: {  	(pc) =	sbr.rel @p1 .LBB2_4-.Ltmp4, $2  }
0x28d: {  	_ =	sdelay $0x2  }
0x28e: {  	s26 =	simm.s32 $0x1400;
	p3 =	por $0x0, $0x0;
	p2 =	por $0x1, $0x1  }
0x28f: {  	_ =	swait.ge [sflag:s23], $0x4000  }
0x290: {  	[sflag:s23] =	ssyncset.done $0x0  }
0x291: {  	[sflag:s23] =	ssyncadd.s32 $0xFFFFC000  }
0x292: {  	_ =	swait.ge [sflag:s24], $0x4000  }
0x293: {  	s0 =	sshll.u32 @!p0 s4, $0x6;
	[sflag:s24] =	ssyncset.done $0x0  }
0x294: {  	s25 =	sshrl.u32 @!p0 s8, $0x3;
	s5 =	sadd.s32 $0x1, s5;
	[sflag:s24] =	ssyncadd.s32 $0xFFFFC000  }
0x295: {  	s0 =	sor.u32 @!p0 $0x1C05, s0;
	p1 =	sne.s32 s5, s14;
	[bflag:$0x0] =	sbarrier.arrive $0xFFFF  }
0x296: {  	[hbm:s13], [sflag:s0] =	dma.local @!p0 [spmem:s25], $0x3E80  }
.Ltmp5:
0x297: {  	_ = 	snop;
	(pc) =	sbr.rel @p1 .LBB2_1-.Ltmp5, $4  }
0x298: {  	s0 =	simm.s32 @!p0 $0x5  }
0x299: {  	_ =	swait.ge @!p0 [sflag:s0], $0x3E80  }
0x29a: {  	[sflag:s0] =	ssyncset.done @!p0 $0x0  }
0x29b: {  	[sflag:s0] =	ssyncadd.s32 @!p0 $0xFFFFC180  }
0x29c: {  	_ =	sfence.sel $0x180000  }
0x29d: {  	[bflag:$0x0] =	sbarrier.arrive $0xFFFF  }
0x29e: {  	_ =	strace $0x90000047  }
0x29f: {  	[bflag:$0x2] =	sbarrier.arrive $0xFFFF  }
0x2a0: {  	p0 =	sne.s32 s4, $0x0;
	s0 =	rddreg [dreg:$0x4]  }
0x2a1: {  	s0 =	sadd.s32 @!p0 $0x100000, s0  }
0x2a2: {  	[sflag:s0] =	ssyncadd.tile.s32 @!p0 $0x1;
	_ =	shalt  }
.Lfunc_end2:
_tile_overlayer_lowered:
.L_overlay_start_2:
0x2a3: {  	(tag) =	ssettag $0x2  }
0x2a4: {  	s0 =	rddreg [dreg:$0x0];
	s2 =	stileid.u32  }
0x2a5: {  	s1 =	rddreg [dreg:$0x1];
	p0 =	sne.s32 s2, $0x0  }
0x2a6: {  	s3 =	rddreg [dreg:$0x2];
	[bflag:$0x3] =	sbarrier.arrive $0xFFFF;
	s2 =	simm.s32 @!p0 $0x1C05  }
0x2a7: {  	[timem:s3], [sflag:s2] =	dma.local @!p0 [hbm:s0], s1  }
0x2a8: {  	s0 =	simm.s32 @!p0 $0x5  }
0x2a9: {  	_ =	swait.ge @!p0 [sflag:s0], s1  }
0x2aa: {  	s1 =	ssub.s32 @!p0 $0x0, s1;
	[sflag:s0] =	ssyncset.done @!p0 $0x0  }
0x2ab: {  	[sflag:s0] =	ssyncadd.s32 @!p0 s1  }
0x2ac: {  	[bflag:$0x3] =	sbarrier.arrive $0xFFFF  }
0x2ad: {  	_ =	shalt  }

</sc_bundles>
